<compile_context>
chip_gen: v7x
topology: tpu7x:2x2x1
jax: 0.10.2.dev20260603
libtpu: 0.0.44.dev20260713+nightly
codegen_flags: <defaults>
</compile_context>

<pallas_src>
import functools

import jax
import jax.numpy as jnp
from jax import lax
from jax.experimental import pallas as pl
from jax.experimental.pallas import tpu as pltpu
from jax.experimental.pallas import tpu_sc as plsc

N_RBF = 20
R_CUT = 5.0


def _mlp_body(s_ref, w1_ref, b1_ref, w2_ref, b2_ref, o_ref):
    h = jnp.dot(s_ref[...], w1_ref[...], preferred_element_type=jnp.float32)
    h = h + b1_ref[...]
    h = h * jax.nn.sigmoid(h)
    o = jnp.dot(h, w2_ref[...], preferred_element_type=jnp.float32)
    o_ref[...] = o + b2_ref[...]


def _node_mlp(s, W1, b1, W2, b2, bn):
    n, emb = s.shape
    out3 = W2.shape[1]
    grid = n // bn
    return pl.pallas_call(
        _mlp_body,
        grid=(grid,),
        in_specs=[
            pl.BlockSpec((bn, emb), lambda i: (i, 0)),
            pl.BlockSpec((emb, emb), lambda i: (0, 0)),
            pl.BlockSpec((1, emb), lambda i: (0, 0)),
            pl.BlockSpec((emb, out3), lambda i: (0, 0)),
            pl.BlockSpec((1, out3), lambda i: (0, 0)),
        ],
        out_specs=pl.BlockSpec((bn, out3), lambda i: (i, 0)),
        out_shape=jax.ShapeDtypeStruct((n, out3), jnp.float32),
    )(s, W1, b1.reshape(1, emb), W2, b2.reshape(1, out3))



def _make_gather(E, D, n_workers, ch):
    ew = E // n_workers
    nch = ew // ch
    nbuf = 3
    mesh = plsc.VectorSubcoreMesh(core_axis_name="c", subcore_axis_name="s")

    @functools.partial(
        pl.kernel,
        mesh=mesh,
        out_type=[
            jax.ShapeDtypeStruct((E, D), jnp.float32),
            jax.ShapeDtypeStruct((E, D), jnp.float32),
        ],
        scratch_types=[
            pltpu.VMEM((nbuf, ch), jnp.int32),
        ] + [pltpu.VMEM((ch, D), jnp.float32)] * (2 * nbuf)
          + [pltpu.SemaphoreType.DMA] * (2 * nbuf),
    )
    def gather_k(sp_hbm, v2_hbm, src_hbm, g_hbm, vg_hbm,
                 idx_v, *bufsems):
        wid = lax.axis_index("s") * 2 + lax.axis_index("c")
        base = wid * ew
        gbufs = bufsems[0:nbuf]
        vbufs = bufsems[nbuf:2 * nbuf]
        gsems = bufsems[2 * nbuf:3 * nbuf]
        vsems = bufsems[3 * nbuf:4 * nbuf]

        def start(j, b):
            pltpu.sync_copy(src_hbm.at[pl.ds(base + j * ch, ch)],
                            idx_v.at[b])
            pltpu.async_copy(sp_hbm.at[idx_v.at[b]], gbufs[b], gsems[b])
            pltpu.async_copy(v2_hbm.at[idx_v.at[b]], vbufs[b], vsems[b])

        def finish(j, b):
            pltpu.make_async_copy(sp_hbm.at[idx_v.at[b]], gbufs[b],
                                  gsems[b]).wait()
            pltpu.make_async_copy(v2_hbm.at[idx_v.at[b]], vbufs[b],
                                  vsems[b]).wait()
            e0 = base + j * ch
            pltpu.sync_copy(gbufs[b], g_hbm.at[pl.ds(e0, ch)])
            pltpu.sync_copy(vbufs[b], vg_hbm.at[pl.ds(e0, ch)])

        for b in range(nbuf - 1):
            start(b, b)

        def body(jj, carry):
            for b in range(nbuf):
                j = jj * nbuf + b
                nxt = j + nbuf - 1

                @pl.when(nxt < nch)
                def _():
                    start(nxt, (b + nbuf - 1) % nbuf)

                @pl.when(j < nch)
                def _():
                    finish(j, b)
            return carry

        lax.fori_loop(0, (nch + nbuf - 1) // nbuf, body, 0)

    return gather_k



def _fast_sin(x):
    m = x * (1.0 / jnp.pi)
    k = jnp.floor(m + 0.5)
    y = (m - k) * jnp.pi
    y2 = y * y
    p = jnp.float32(-2.5052108e-08)
    p = p * y2 + 2.7557319e-06
    p = p * y2 - 1.9841270e-04
    p = p * y2 + 8.3333333e-03
    p = p * y2 - 1.6666667e-01
    s = y + y * (y2 * p)
    odd = k - 2.0 * jnp.floor(k * 0.5)
    return s * (1.0 - 2.0 * odd)


def _edge_body(r_ref, rnt_ref, nc_ref, g_ref, vg_ref, wra_ref, o_ref):
    be = r_ref.shape[0]
    emb = o_ref.shape[2]
    rr = r_ref[...].reshape(1, be)
    sins = _fast_sin(nc_ref[...] * rr)
    cosx = _fast_sin(jnp.pi / 2 + (jnp.pi / R_CUT) * rr)
    f_cut = jnp.where(rr <= R_CUT, 0.5 * (cosx + 1.0), 0.0)
    rbf_t = sins / rr
    rbf_pass = lax.dot_general(
        rbf_t, wra_ref[:N_RBF], (((0,), (0,)), ((), ())),
        preferred_element_type=jnp.float32) + wra_ref[N_RBF:]
    pass_out = rbf_pass * jnp.transpose(f_cut) * g_ref[...]
    coef = pass_out[:, 0:emb]
    ds = pass_out[:, emb:2 * emb]
    rep = pass_out[:, 2 * emb:3 * emb]
    o_ref[0] = ds
    vg = vg_ref[...]
    for d in range(3):
        rn_d = rnt_ref[d, :].reshape(be, 1)
        o_ref[d + 1] = vg[:, d * emb:(d + 1) * emb] * coef + rn_d * rep


def _edge_math(r_flat, rn_t, g, vg, Wr, br, be):
    E = r_flat.shape[0]
    emb = Wr.shape[1] // 3
    grid = E // be
    nc = (jnp.arange(1, N_RBF + 1, dtype=jnp.float32)
          * (jnp.pi / R_CUT)).reshape(N_RBF, 1)
    wr_aug = jnp.concatenate([Wr, br.reshape(1, 3 * emb)], axis=0)
    return pl.pallas_call(
        _edge_body,
        grid=(grid,),
        in_specs=[
            pl.BlockSpec((be,), lambda i: (i,)),
            pl.BlockSpec((3, be), lambda i: (0, i)),
            pl.BlockSpec((N_RBF, 1), lambda i: (0, 0)),
            pl.BlockSpec((be, 3 * emb), lambda i: (i, 0)),
            pl.BlockSpec((be, 3 * emb), lambda i: (i, 0)),
            pl.BlockSpec((N_RBF + 1, 3 * emb), lambda i: (0, 0)),
        ],
        out_specs=pl.BlockSpec((4, be, emb), lambda i: (0, i, 0)),
        out_shape=jax.ShapeDtypeStruct((4, E, emb), jnp.float32),
    )(r_flat, rn_t, nc, g, vg, wr_aug)



def _make_scatter(E, N, emb, n_workers, ch):
    ew = E // n_workers
    nch = ew // ch
    n_sub = 16
    zch = 80
    n_rowch = N // zch
    rounds = (n_rowch + n_sub - 1) // n_sub
    mesh = plsc.VectorSubcoreMesh(core_axis_name="c", subcore_axis_name="s")

    @functools.partial(
        pl.kernel,
        mesh=mesh,
        out_type=jax.ShapeDtypeStruct((2, 4, N, emb), jnp.float32),
        scratch_types=[
            pltpu.VMEM((nch, ch), jnp.int32),
            pltpu.VMEM((ch, emb), jnp.float32),
            pltpu.VMEM((ch, emb), jnp.float32),
            pltpu.VMEM((zch, emb), jnp.float32),
            pltpu.SemaphoreType.DMA,
            pltpu.SemaphoreType.DMA,
            pltpu.VMEM_SHARED((N, emb), jnp.float32),
        ],
    )
    def scatter_k(d4_hbm, dst3_hbm, part_hbm,
                  idxmat, db0, db1, obuf, sd0, sd1, accum):
        cid = lax.axis_index("c")
        sid = lax.axis_index("s")
        wid = sid * 2 + cid
        base = wid * ew
        dbufs = (db0, db1)
        dsems = (sd0, sd1)

        pltpu.sync_copy(dst3_hbm.at[wid], idxmat)

        zero = jnp.zeros((16,), jnp.float32)

        for p in range(4):
            def zrow(i, carry):
                for q in range(emb // 16):
                    obuf[i, pl.ds(q * 16, 16)] = zero
                return carry
            lax.fori_loop(0, zch, zrow, 0)

            for q in range(rounds):
                rc = sid + q * n_sub

                @pl.when(rc < n_rowch)
                def _zero():
                    pltpu.sync_copy(obuf, accum.at[pl.ds(rc * zch, zch)])
            plsc.subcore_barrier()

            def start(j, b):
                pltpu.async_copy(d4_hbm.at[p, pl.ds(base + j * ch, ch)],
                                 dbufs[b], dsems[b])

            def drain(j, b):
                pltpu.make_async_copy(
                    d4_hbm.at[p, pl.ds(base + j * ch, ch)],
                    dbufs[b], dsems[b]).wait()
                pltpu.sync_copy(dbufs[b], accum.at[idxmat.at[j]],
                                add=True)

            start(0, 0)

            def body(jj, carry):
                for b in range(2):
                    j = jj * 2 + b
                    nxt = j + 1

                    @pl.when(nxt < nch)
                    def _():
                        start(nxt, (b + 1) % 2)

                    @pl.when(j < nch)
                    def _():
                        drain(j, b)
                return carry
            lax.fori_loop(0, (nch + 1) // 2, body, 0)
            plsc.subcore_barrier()

            for q in range(rounds):
                rc = sid + q * n_sub

                @pl.when(rc < n_rowch)
                def _dump():
                    r0 = rc * zch
                    pltpu.sync_copy(accum.at[pl.ds(r0, zch)], obuf)
                    pltpu.sync_copy(obuf,
                                    part_hbm.at[cid, p, pl.ds(r0, zch)])
            plsc.subcore_barrier()

    return scatter_k



def _combine_body(s_ref, v2_ref, part_ref, so_ref, vo_ref):
    so_ref[...] = s_ref[...] + part_ref[0, 0] + part_ref[1, 0]
    dv = [part_ref[0, 1 + d] + part_ref[1, 1 + d] for d in range(3)]
    vo_ref[...] = v2_ref[...] + jnp.concatenate(dv, axis=1)


def _combine(s, v2, part, bn):
    n, emb = s.shape
    grid = n // bn
    return pl.pallas_call(
        _combine_body,
        grid=(grid,),
        in_specs=[
            pl.BlockSpec((bn, emb), lambda i: (i, 0)),
            pl.BlockSpec((bn, 3 * emb), lambda i: (i, 0)),
            pl.BlockSpec((2, 4, bn, emb), lambda i: (0, 0, i, 0)),
        ],
        out_specs=[
            pl.BlockSpec((bn, emb), lambda i: (i, 0)),
            pl.BlockSpec((bn, 3 * emb), lambda i: (i, 0)),
        ],
        out_shape=[
            jax.ShapeDtypeStruct((n, emb), jnp.float32),
            jax.ShapeDtypeStruct((n, 3 * emb), jnp.float32),
        ],
    )(s, v2, part)



N_WORKERS = 32
GATHER_CH = 40
SCATTER_CH = 80


def kernel(s, v, edges, r_ij, r_ij_normalized, W1, b1, W2, b2, Wr, br):
    n, emb = s.shape
    E = edges.shape[0]

    edges = edges.astype(jnp.int32)
    src = edges[:, 1]
    dst3 = edges[:, 0].reshape(N_WORKERS, (E // N_WORKERS) // SCATTER_CH,
                               SCATTER_CH)
    v2 = v.reshape(n, 3 * emb)
    r_flat = r_ij.reshape(E)
    rn_t = r_ij_normalized.T

    s_pass = _node_mlp(s, W1, b1, W2, b2, bn=400)
    g, vg = _make_gather(E, 3 * emb, N_WORKERS, GATHER_CH)(s_pass, v2, src)
    d4 = _edge_math(r_flat, rn_t, g, vg, Wr, br, be=512)
    part = _make_scatter(E, n, emb, N_WORKERS, SCATTER_CH)(d4, dst3)
    s_out, v2_out = _combine(s, v2, part, bn=400)
    return (s_out, v2_out.reshape(n, 3, emb))

# --- scband reference (transcript-rebuilt; emitter-appended) ---
"""Pipeline reference for scband-message-block-20289425506992 (READ-ONLY COPY).

The authoritative reference and input builder live on the scoring server;
editing this copy changes nothing except your own understanding.
"""

import jax, jax.numpy as jnp
import numpy as np

N_NODES = 10000
N_EDGES = 320000
EMB = 128
N_RBF = 20
R_CUT = 5.0

def setup_inputs(seed: int = 0) -> dict:
    key = jax.random.key(seed)
    ks = jax.random.split(key, 12)
    s = jax.random.normal(ks[0], (N_NODES, EMB), dtype=jnp.float32)
    v = jax.random.normal(ks[1], (N_NODES, 3, EMB), dtype=jnp.float32)
    edges = jax.random.randint(ks[2], (N_EDGES, 2), 0, N_NODES, dtype=jnp.int64)
    r_ij = jax.random.uniform(ks[3], (N_EDGES, 1), dtype=jnp.float32)
    r_ij_normalized = jax.random.normal(ks[4], (N_EDGES, 3), dtype=jnp.float32)
    # parameters (Linear weights stored as [in, out])
    W1 = jax.random.normal(ks[5], (EMB, EMB), dtype=jnp.float32) * (1.0 / np.sqrt(EMB))
    b1 = jnp.zeros((EMB,), dtype=jnp.float32)
    W2 = jax.random.normal(ks[6], (EMB, 3 * EMB), dtype=jnp.float32) * (1.0 / np.sqrt(EMB))
    b2 = jnp.zeros((3 * EMB,), dtype=jnp.float32)
    Wr = jax.random.normal(ks[7], (N_RBF, 3 * EMB), dtype=jnp.float32) * (1.0 / np.sqrt(N_RBF))
    br = jnp.zeros((3 * EMB,), dtype=jnp.float32)
    return {"s": s, "v": v, "edges": edges, "r_ij": r_ij, "r_ij_normalized": r_ij_normalized,
            "W1": W1, "b1": b1, "W2": W2, "b2": b2, "Wr": Wr, "br": br}

def _rbf(r, r_cut, output_size=N_RBF):
    n = jnp.arange(1, output_size + 1, dtype=r.dtype)
    return jnp.sin(n * jnp.pi / r_cut * r) / r

def _fcut(r, r_cut):
    return jnp.where(r <= r_cut, 0.5 * (jnp.cos(jnp.pi * r / r_cut) + 1.0), jnp.array(0.0, dtype=r.dtype))

def reference(s, v, edges, r_ij, r_ij_normalized, W1, b1, W2, b2, Wr, br):
    rbf = _rbf(r_ij, R_CUT)                      # [E, n_rbf]
    rbf_pass = rbf @ Wr + br                     # [E, 3*EMB]
    f_cut = _fcut(r_ij, R_CUT)                   # [E, 1]
    rbf_fcut = rbf_pass * f_cut                  # [E, 3*EMB]
    h = s @ W1 + b1
    h = jax.nn.silu(h)
    s_pass = h @ W2 + b2                         # [N, 3*EMB]
    src = edges[:, 1]
    dst = edges[:, 0]
    pass_out = rbf_fcut * jnp.take(s_pass, src, axis=0)   # [E, 3*EMB]
    delta_v, delta_s, delta_rep = jnp.split(pass_out, 3, axis=-1)
    delta_v = jnp.take(v, src, axis=0) * delta_v[:, None, :]          # [E, 3, EMB]
    delta_direction = r_ij_normalized[:, :, None] * delta_rep[:, None, :]
    delta_v = delta_v + delta_direction
    s_out = s + jnp.zeros_like(s).at[dst].add(delta_s)
    v_out = v + jnp.zeros_like(v).at[dst].add(delta_v)
    return (s_out, v_out)

if __name__ == "__main__":
    import jax
    _d = setup_inputs()
    print(jax.jit(kernel)(*tuple(_d.values())))

</pallas_src>

<mosaic_0001>
#map = affine_map<(d0, d1) -> (0, 0, 0)>
#map1 = affine_map<(d0, d1) -> (0, 0, 0, 0)>
module attributes {stable_mosaic.version = 14 : i64} {
  func.func @scatter_k(%arg0: i32, %arg1: i32, %arg2: memref<4x320000x128xf32, #tpu.memory_space<hbm>>, %arg3: memref<32x125x80xi32, #tpu.memory_space<hbm>>, %arg4: memref<2x4x10000x128xf32, #tpu.memory_space<hbm>>, %arg5: memref<125x80xi32, #tpu.memory_space<vmem>>, %arg6: memref<80x128xf32, #tpu.memory_space<vmem>>, %arg7: memref<80x128xf32, #tpu.memory_space<vmem>>, %arg8: memref<80x128xf32, #tpu.memory_space<vmem>>, %arg9: memref<!tpu.dma_semaphore, #tpu.memory_space<semaphore_mem>>, %arg10: memref<!tpu.dma_semaphore, #tpu.memory_space<semaphore_mem>>, %arg11: memref<10000x128xf32, #tpu.memory_space<vmem_shared>>) attributes {dimension_semantics = [#tpu.dimension_semantics<core_parallel>, #tpu.dimension_semantics<subcore_parallel>], iteration_bounds = array<i64: 2, 16>, scalar_prefetch = 0 : i64, scratch_operands = 7 : i64, tpu.core_type = #tpu.core_type<sc_vector_subcore>, window_params = [{transform_indices = #map}, {transform_indices = #map}, {transform_indices = #map1}]} {
    %mul3A = arith.constant 2 : i32
    %mul3A_0 = arith.muli %arg1, %mul3A : i32
    %add3A = arith.addi %mul3A_0, %arg0 : i32
    %mul3A_1 = arith.constant 10000 : i32
    %mul3A_2 = arith.muli %add3A, %mul3A_1 : i32
    "tpu.region"() ({
      %run_scoped3A = tpu.sem_alloc : memref<!tpu.dma_semaphore, #tpu.memory_space<semaphore_mem>>
      %dma_start3A_542 = arith.constant 0 : i32
      %dma_start3A_543 = arith.constant 0 : i32
      %dma_start3A_544 = tpu.memref_slice %arg3[%add3A, %dma_start3A_542, %dma_start3A_543] : memref<32x125x80xi32, #tpu.memory_space<hbm>> -> memref<1x125x80xi32, #tpu.memory_space<hbm>>
      %dma_start3A_545 = tpu.memref_squeeze %dma_start3A_544 : memref<1x125x80xi32, #tpu.memory_space<hbm>> -> memref<125x80xi32, #tpu.memory_space<hbm>>
      %dma_start3A_546 = arith.constant 0 : i32
      %dma_start3A_547 = arith.constant 0 : i32
      %dma_start3A_548 = tpu.memref_slice %arg3[%add3A, %dma_start3A_546, %dma_start3A_547] : memref<32x125x80xi32, #tpu.memory_space<hbm>> -> memref<1x125x80xi32, #tpu.memory_space<hbm>>
      %dma_start3A_549 = tpu.memref_squeeze %dma_start3A_548 : memref<1x125x80xi32, #tpu.memory_space<hbm>> -> memref<125x80xi32, #tpu.memory_space<hbm>>
      tpu.enqueue_dma source(%dma_start3A_549 : memref<125x80xi32, #tpu.memory_space<hbm>>) target(%arg5 : memref<125x80xi32, #tpu.memory_space<vmem>>) target_semaphore(%run_scoped3A : memref<!tpu.dma_semaphore, #tpu.memory_space<semaphore_mem>>)
      %dma_wait3A = arith.constant 0 : i32
      %dma_wait3A_550 = arith.constant 0 : i32
      %dma_wait3A_551 = tpu.memref_slice %arg3[%add3A, %dma_wait3A, %dma_wait3A_550] : memref<32x125x80xi32, #tpu.memory_space<hbm>> -> memref<1x125x80xi32, #tpu.memory_space<hbm>>
      %dma_wait3A_552 = tpu.memref_squeeze %dma_wait3A_551 : memref<1x125x80xi32, #tpu.memory_space<hbm>> -> memref<125x80xi32, #tpu.memory_space<hbm>>
      %dma_wait3A_553 = arith.constant 0 : i32
      %dma_wait3A_554 = arith.constant 0 : i32
      %dma_wait3A_555 = tpu.memref_slice %arg3[%add3A, %dma_wait3A_553, %dma_wait3A_554] : memref<32x125x80xi32, #tpu.memory_space<hbm>> -> memref<1x125x80xi32, #tpu.memory_space<hbm>>
      %dma_wait3A_556 = tpu.memref_squeeze %dma_wait3A_555 : memref<1x125x80xi32, #tpu.memory_space<hbm>> -> memref<125x80xi32, #tpu.memory_space<hbm>>
      tpu.wait_dma2 semaphore(%run_scoped3A : memref<!tpu.dma_semaphore, #tpu.memory_space<semaphore_mem>>) src(%dma_wait3A_556 : memref<125x80xi32, #tpu.memory_space<hbm>>) dst(%arg5 : memref<125x80xi32, #tpu.memory_space<vmem>>)
      tpu.yield
    }) : () -> ()
    %broadcast_in_dim3A = arith.constant 0.000000e+00 : f32
    %broadcast_in_dim3A_3 = vector.broadcast %broadcast_in_dim3A : f32 to vector<16xf32>
    %scan3A = arith.constant 0 : i32
    %scan3A_4 = arith.constant 0 : i32
    %scan3A_5 = arith.constant 80 : i32
    %scan3A_6 = arith.addi %scan3A_4, %scan3A_5 : i32
    %scan3A_7 = arith.constant 1 : i32
    scf.for %scan3A_542 = %scan3A_4 to %scan3A_6 step %scan3A_7  : i32 {
      %swap3A = arith.index_cast %scan3A_542 : i32 to index
      %swap3A_543 = arith.constant 0 : index
      %swap3A_544 = tpu.vector_load %arg8[%swap3A, %swap3A_543] {strides = array<i32>} : memref<80x128xf32, #tpu.memory_space<vmem>>, vector<1x16xf32>,
      %swap3A_545 = vector.shape_cast %swap3A_544 : vector<1x16xf32> to vector<16xf32>
      %swap3A_546 = vector.shape_cast %broadcast_in_dim3A_3 : vector<16xf32> to vector<1x16xf32>
      tpu.vector_store %arg8[%swap3A, %swap3A_543], %swap3A_546 {strides = array<i32>} : memref<80x128xf32, #tpu.memory_space<vmem>>, vector<1x16xf32>,
      %swap3A_547 = arith.index_cast %scan3A_542 : i32 to index
      %swap3A_548 = arith.constant 16 : index
      %swap3A_549 = tpu.vector_load %arg8[%swap3A_547, %swap3A_548] {strides = array<i32>} : memref<80x128xf32, #tpu.memory_space<vmem>>, vector<1x16xf32>,
      %swap3A_550 = vector.shape_cast %swap3A_549 : vector<1x16xf32> to vector<16xf32>
      %swap3A_551 = vector.shape_cast %broadcast_in_dim3A_3 : vector<16xf32> to vector<1x16xf32>
      tpu.vector_store %arg8[%swap3A_547, %swap3A_548], %swap3A_551 {strides = array<i32>} : memref<80x128xf32, #tpu.memory_space<vmem>>, vector<1x16xf32>,
      %swap3A_552 = arith.index_cast %scan3A_542 : i32 to index
      %swap3A_553 = arith.constant 32 : index
      %swap3A_554 = tpu.vector_load %arg8[%swap3A_552, %swap3A_553] {strides = array<i32>} : memref<80x128xf32, #tpu.memory_space<vmem>>, vector<1x16xf32>,
      %swap3A_555 = vector.shape_cast %swap3A_554 : vector<1x16xf32> to vector<16xf32>
      %swap3A_556 = vector.shape_cast %broadcast_in_dim3A_3 : vector<16xf32> to vector<1x16xf32>
      tpu.vector_store %arg8[%swap3A_552, %swap3A_553], %swap3A_556 {strides = array<i32>} : memref<80x128xf32, #tpu.memory_space<vmem>>, vector<1x16xf32>,
      %swap3A_557 = arith.index_cast %scan3A_542 : i32 to index
      %swap3A_558 = arith.constant 48 : index
      %swap3A_559 = tpu.vector_load %arg8[%swap3A_557, %swap3A_558] {strides = array<i32>} : memref<80x128xf32, #tpu.memory_space<vmem>>, vector<1x16xf32>,
      %swap3A_560 = vector.shape_cast %swap3A_559 : vector<1x16xf32> to vector<16xf32>
      %swap3A_561 = vector.shape_cast %broadcast_in_dim3A_3 : vector<16xf32> to vector<1x16xf32>
      tpu.vector_store %arg8[%swap3A_557, %swap3A_558], %swap3A_561 {strides = array<i32>} : memref<80x128xf32, #tpu.memory_space<vmem>>, vector<1x16xf32>,
      %swap3A_562 = arith.index_cast %scan3A_542 : i32 to index
      %swap3A_563 = arith.constant 64 : index
      %swap3A_564 = tpu.vector_load %arg8[%swap3A_562, %swap3A_563] {strides = array<i32>} : memref<80x128xf32, #tpu.memory_space<vmem>>, vector<1x16xf32>,
      %swap3A_565 = vector.shape_cast %swap3A_564 : vector<1x16xf32> to vector<16xf32>
      %swap3A_566 = vector.shape_cast %broadcast_in_dim3A_3 : vector<16xf32> to vector<1x16xf32>
      tpu.vector_store %arg8[%swap3A_562, %swap3A_563], %swap3A_566 {strides = array<i32>} : memref<80x128xf32, #tpu.memory_space<vmem>>, vector<1x16xf32>,
      %swap3A_567 = arith.index_cast %scan3A_542 : i32 to index
      %swap3A_568 = arith.constant 80 : index
      %swap3A_569 = tpu.vector_load %arg8[%swap3A_567, %swap3A_568] {strides = array<i32>} : memref<80x128xf32, #tpu.memory_space<vmem>>, vector<1x16xf32>,
      %swap3A_570 = vector.shape_cast %swap3A_569 : vector<1x16xf32> to vector<16xf32>
      %swap3A_571 = vector.shape_cast %broadcast_in_dim3A_3 : vector<16xf32> to vector<1x16xf32>
      tpu.vector_store %arg8[%swap3A_567, %swap3A_568], %swap3A_571 {strides = array<i32>} : memref<80x128xf32, #tpu.memory_space<vmem>>, vector<1x16xf32>,
      %swap3A_572 = arith.index_cast %scan3A_542 : i32 to index
      %swap3A_573 = arith.constant 96 : index
      %swap3A_574 = tpu.vector_load %arg8[%swap3A_572, %swap3A_573] {strides = array<i32>} : memref<80x128xf32, #tpu.memory_space<vmem>>, vector<1x16xf32>,
      %swap3A_575 = vector.shape_cast %swap3A_574 : vector<1x16xf32> to vector<16xf32>
      %swap3A_576 = vector.shape_cast %broadcast_in_dim3A_3 : vector<16xf32> to vector<1x16xf32>
      tpu.vector_store %arg8[%swap3A_572, %swap3A_573], %swap3A_576 {strides = array<i32>} : memref<80x128xf32, #tpu.memory_space<vmem>>, vector<1x16xf32>,
      %swap3A_577 = arith.index_cast %scan3A_542 : i32 to index
      %swap3A_578 = arith.constant 112 : index
      %swap3A_579 = tpu.vector_load %arg8[%swap3A_577, %swap3A_578] {strides = array<i32>} : memref<80x128xf32, #tpu.memory_space<vmem>>, vector<1x16xf32>,
      %swap3A_580 = vector.shape_cast %swap3A_579 : vector<1x16xf32> to vector<16xf32>
      %swap3A_581 = vector.shape_cast %broadcast_in_dim3A_3 : vector<16xf32> to vector<1x16xf32>
      tpu.vector_store %arg8[%swap3A_577, %swap3A_578], %swap3A_581 {strides = array<i32>} : memref<80x128xf32, #tpu.memory_space<vmem>>, vector<1x16xf32>,
    }
    %scan3A_8 = arith.constant 80 : i32
    %add3A_9 = arith.constant 0 : i32
    %add3A_10 = arith.addi %arg1, %add3A_9 : i32
    %lt3A = arith.constant 125 : i32
    %lt3A_11 = arith.cmpi slt, %add3A_10, %lt3A : i32
    %convert_element_type3A = arith.extui %lt3A_11 : i1 to i32
    %cond3A = arith.constant 0 : i32
    %cond3A_12 = arith.cmpi ne, %convert_element_type3A, %cond3A : i32
    scf.if %cond3A_12 {
      %mul3A_542 = arith.constant 80 : i32
      %mul3A_543 = arith.muli %add3A_10, %mul3A_542 : i32
      "tpu.region"() ({
        %run_scoped3A = tpu.sem_alloc : memref<!tpu.dma_semaphore, #tpu.memory_space<semaphore_mem>>
        %dma_start3A_544 = arith.constant 0 : i32
        %dma_start3A_545 = tpu.memref_slice %arg11[%mul3A_543, %dma_start3A_544] : memref<10000x128xf32, #tpu.memory_space<vmem_shared>> -> memref<80x128xf32, #tpu.memory_space<vmem_shared>>
        %dma_start3A_546 = arith.constant 0 : i32
        %dma_start3A_547 = tpu.memref_slice %arg11[%mul3A_543, %dma_start3A_546] : memref<10000x128xf32, #tpu.memory_space<vmem_shared>> -> memref<80x128xf32, #tpu.memory_space<vmem_shared>>
        tpu.enqueue_dma source(%arg8 : memref<80x128xf32, #tpu.memory_space<vmem>>) target(%dma_start3A_547 : memref<80x128xf32, #tpu.memory_space<vmem_shared>>) target_semaphore(%run_scoped3A : memref<!tpu.dma_semaphore, #tpu.memory_space<semaphore_mem>>)
        %dma_wait3A = arith.constant 0 : i32
        %dma_wait3A_548 = tpu.memref_slice %arg11[%mul3A_543, %dma_wait3A] : memref<10000x128xf32, #tpu.memory_space<vmem_shared>> -> memref<80x128xf32, #tpu.memory_space<vmem_shared>>
        %dma_wait3A_549 = arith.constant 0 : i32
        %dma_wait3A_550 = tpu.memref_slice %arg11[%mul3A_543, %dma_wait3A_549] : memref<10000x128xf32, #tpu.memory_space<vmem_shared>> -> memref<80x128xf32, #tpu.memory_space<vmem_shared>>
        tpu.wait_dma2 semaphore(%run_scoped3A : memref<!tpu.dma_semaphore, #tpu.memory_space<semaphore_mem>>) src(%arg8 : memref<80x128xf32, #tpu.memory_space<vmem>>) dst(%dma_wait3A_550 : memref<80x128xf32, #tpu.memory_space<vmem_shared>>)
        tpu.yield
      }) : () -> ()
    } else {
    }
    %add3A_13 = arith.constant 16 : i32
    %add3A_14 = arith.addi %arg1, %add3A_13 : i32
    %lt3A_15 = arith.constant 125 : i32
    %lt3A_16 = arith.cmpi slt, %add3A_14, %lt3A_15 : i32
    %convert_element_type3A_17 = arith.extui %lt3A_16 : i1 to i32
    %cond3A_18 = arith.constant 0 : i32
    %cond3A_19 = arith.cmpi ne, %convert_element_type3A_17, %cond3A_18 : i32
    scf.if %cond3A_19 {
      %mul3A_542 = arith.constant 80 : i32
      %mul3A_543 = arith.muli %add3A_14, %mul3A_542 : i32
      "tpu.region"() ({
        %run_scoped3A = tpu.sem_alloc : memref<!tpu.dma_semaphore, #tpu.memory_space<semaphore_mem>>
        %dma_start3A_544 = arith.constant 0 : i32
        %dma_start3A_545 = tpu.memref_slice %arg11[%mul3A_543, %dma_start3A_544] : memref<10000x128xf32, #tpu.memory_space<vmem_shared>> -> memref<80x128xf32, #tpu.memory_space<vmem_shared>>
        %dma_start3A_546 = arith.constant 0 : i32
        %dma_start3A_547 = tpu.memref_slice %arg11[%mul3A_543, %dma_start3A_546] : memref<10000x128xf32, #tpu.memory_space<vmem_shared>> -> memref<80x128xf32, #tpu.memory_space<vmem_shared>>
        tpu.enqueue_dma source(%arg8 : memref<80x128xf32, #tpu.memory_space<vmem>>) target(%dma_start3A_547 : memref<80x128xf32, #tpu.memory_space<vmem_shared>>) target_semaphore(%run_scoped3A : memref<!tpu.dma_semaphore, #tpu.memory_space<semaphore_mem>>)
        %dma_wait3A = arith.constant 0 : i32
        %dma_wait3A_548 = tpu.memref_slice %arg11[%mul3A_543, %dma_wait3A] : memref<10000x128xf32, #tpu.memory_space<vmem_shared>> -> memref<80x128xf32, #tpu.memory_space<vmem_shared>>
        %dma_wait3A_549 = arith.constant 0 : i32
        %dma_wait3A_550 = tpu.memref_slice %arg11[%mul3A_543, %dma_wait3A_549] : memref<10000x128xf32, #tpu.memory_space<vmem_shared>> -> memref<80x128xf32, #tpu.memory_space<vmem_shared>>
        tpu.wait_dma2 semaphore(%run_scoped3A : memref<!tpu.dma_semaphore, #tpu.memory_space<semaphore_mem>>) src(%arg8 : memref<80x128xf32, #tpu.memory_space<vmem>>) dst(%dma_wait3A_550 : memref<80x128xf32, #tpu.memory_space<vmem_shared>>)
        tpu.yield
      }) : () -> ()
    } else {
    }
    %add3A_20 = arith.constant 32 : i32
    %add3A_21 = arith.addi %arg1, %add3A_20 : i32
    %lt3A_22 = arith.constant 125 : i32
    %lt3A_23 = arith.cmpi slt, %add3A_21, %lt3A_22 : i32
    %convert_element_type3A_24 = arith.extui %lt3A_23 : i1 to i32
    %cond3A_25 = arith.constant 0 : i32
    %cond3A_26 = arith.cmpi ne, %convert_element_type3A_24, %cond3A_25 : i32
    scf.if %cond3A_26 {
      %mul3A_542 = arith.constant 80 : i32
      %mul3A_543 = arith.muli %add3A_21, %mul3A_542 : i32
      "tpu.region"() ({
        %run_scoped3A = tpu.sem_alloc : memref<!tpu.dma_semaphore, #tpu.memory_space<semaphore_mem>>
        %dma_start3A_544 = arith.constant 0 : i32
        %dma_start3A_545 = tpu.memref_slice %arg11[%mul3A_543, %dma_start3A_544] : memref<10000x128xf32, #tpu.memory_space<vmem_shared>> -> memref<80x128xf32, #tpu.memory_space<vmem_shared>>
        %dma_start3A_546 = arith.constant 0 : i32
        %dma_start3A_547 = tpu.memref_slice %arg11[%mul3A_543, %dma_start3A_546] : memref<10000x128xf32, #tpu.memory_space<vmem_shared>> -> memref<80x128xf32, #tpu.memory_space<vmem_shared>>
        tpu.enqueue_dma source(%arg8 : memref<80x128xf32, #tpu.memory_space<vmem>>) target(%dma_start3A_547 : memref<80x128xf32, #tpu.memory_space<vmem_shared>>) target_semaphore(%run_scoped3A : memref<!tpu.dma_semaphore, #tpu.memory_space<semaphore_mem>>)
        %dma_wait3A = arith.constant 0 : i32
        %dma_wait3A_548 = tpu.memref_slice %arg11[%mul3A_543, %dma_wait3A] : memref<10000x128xf32, #tpu.memory_space<vmem_shared>> -> memref<80x128xf32, #tpu.memory_space<vmem_shared>>
        %dma_wait3A_549 = arith.constant 0 : i32
        %dma_wait3A_550 = tpu.memref_slice %arg11[%mul3A_543, %dma_wait3A_549] : memref<10000x128xf32, #tpu.memory_space<vmem_shared>> -> memref<80x128xf32, #tpu.memory_space<vmem_shared>>
        tpu.wait_dma2 semaphore(%run_scoped3A : memref<!tpu.dma_semaphore, #tpu.memory_space<semaphore_mem>>) src(%arg8 : memref<80x128xf32, #tpu.memory_space<vmem>>) dst(%dma_wait3A_550 : memref<80x128xf32, #tpu.memory_space<vmem_shared>>)
        tpu.yield
      }) : () -> ()
    } else {
    }
    %add3A_27 = arith.constant 48 : i32
    %add3A_28 = arith.addi %arg1, %add3A_27 : i32
    %lt3A_29 = arith.constant 125 : i32
    %lt3A_30 = arith.cmpi slt, %add3A_28, %lt3A_29 : i32
    %convert_element_type3A_31 = arith.extui %lt3A_30 : i1 to i32
    %cond3A_32 = arith.constant 0 : i32
    %cond3A_33 = arith.cmpi ne, %convert_element_type3A_31, %cond3A_32 : i32
    scf.if %cond3A_33 {
      %mul3A_542 = arith.constant 80 : i32
      %mul3A_543 = arith.muli %add3A_28, %mul3A_542 : i32
      "tpu.region"() ({
        %run_scoped3A = tpu.sem_alloc : memref<!tpu.dma_semaphore, #tpu.memory_space<semaphore_mem>>
        %dma_start3A_544 = arith.constant 0 : i32
        %dma_start3A_545 = tpu.memref_slice %arg11[%mul3A_543, %dma_start3A_544] : memref<10000x128xf32, #tpu.memory_space<vmem_shared>> -> memref<80x128xf32, #tpu.memory_space<vmem_shared>>
        %dma_start3A_546 = arith.constant 0 : i32
        %dma_start3A_547 = tpu.memref_slice %arg11[%mul3A_543, %dma_start3A_546] : memref<10000x128xf32, #tpu.memory_space<vmem_shared>> -> memref<80x128xf32, #tpu.memory_space<vmem_shared>>
        tpu.enqueue_dma source(%arg8 : memref<80x128xf32, #tpu.memory_space<vmem>>) target(%dma_start3A_547 : memref<80x128xf32, #tpu.memory_space<vmem_shared>>) target_semaphore(%run_scoped3A : memref<!tpu.dma_semaphore, #tpu.memory_space<semaphore_mem>>)
        %dma_wait3A = arith.constant 0 : i32
        %dma_wait3A_548 = tpu.memref_slice %arg11[%mul3A_543, %dma_wait3A] : memref<10000x128xf32, #tpu.memory_space<vmem_shared>> -> memref<80x128xf32, #tpu.memory_space<vmem_shared>>
        %dma_wait3A_549 = arith.constant 0 : i32
        %dma_wait3A_550 = tpu.memref_slice %arg11[%mul3A_543, %dma_wait3A_549] : memref<10000x128xf32, #tpu.memory_space<vmem_shared>> -> memref<80x128xf32, #tpu.memory_space<vmem_shared>>
        tpu.wait_dma2 semaphore(%run_scoped3A : memref<!tpu.dma_semaphore, #tpu.memory_space<semaphore_mem>>) src(%arg8 : memref<80x128xf32, #tpu.memory_space<vmem>>) dst(%dma_wait3A_550 : memref<80x128xf32, #tpu.memory_space<vmem_shared>>)
        tpu.yield
      }) : () -> ()
    } else {
    }
    %add3A_34 = arith.constant 64 : i32
    %add3A_35 = arith.addi %arg1, %add3A_34 : i32
    %lt3A_36 = arith.constant 125 : i32
    %lt3A_37 = arith.cmpi slt, %add3A_35, %lt3A_36 : i32
    %convert_element_type3A_38 = arith.extui %lt3A_37 : i1 to i32
    %cond3A_39 = arith.constant 0 : i32
    %cond3A_40 = arith.cmpi ne, %convert_element_type3A_38, %cond3A_39 : i32
    scf.if %cond3A_40 {
      %mul3A_542 = arith.constant 80 : i32
      %mul3A_543 = arith.muli %add3A_35, %mul3A_542 : i32
      "tpu.region"() ({
        %run_scoped3A = tpu.sem_alloc : memref<!tpu.dma_semaphore, #tpu.memory_space<semaphore_mem>>
        %dma_start3A_544 = arith.constant 0 : i32
        %dma_start3A_545 = tpu.memref_slice %arg11[%mul3A_543, %dma_start3A_544] : memref<10000x128xf32, #tpu.memory_space<vmem_shared>> -> memref<80x128xf32, #tpu.memory_space<vmem_shared>>
        %dma_start3A_546 = arith.constant 0 : i32
        %dma_start3A_547 = tpu.memref_slice %arg11[%mul3A_543, %dma_start3A_546] : memref<10000x128xf32, #tpu.memory_space<vmem_shared>> -> memref<80x128xf32, #tpu.memory_space<vmem_shared>>
        tpu.enqueue_dma source(%arg8 : memref<80x128xf32, #tpu.memory_space<vmem>>) target(%dma_start3A_547 : memref<80x128xf32, #tpu.memory_space<vmem_shared>>) target_semaphore(%run_scoped3A : memref<!tpu.dma_semaphore, #tpu.memory_space<semaphore_mem>>)
        %dma_wait3A = arith.constant 0 : i32
        %dma_wait3A_548 = tpu.memref_slice %arg11[%mul3A_543, %dma_wait3A] : memref<10000x128xf32, #tpu.memory_space<vmem_shared>> -> memref<80x128xf32, #tpu.memory_space<vmem_shared>>
        %dma_wait3A_549 = arith.constant 0 : i32
        %dma_wait3A_550 = tpu.memref_slice %arg11[%mul3A_543, %dma_wait3A_549] : memref<10000x128xf32, #tpu.memory_space<vmem_shared>> -> memref<80x128xf32, #tpu.memory_space<vmem_shared>>
        tpu.wait_dma2 semaphore(%run_scoped3A : memref<!tpu.dma_semaphore, #tpu.memory_space<semaphore_mem>>) src(%arg8 : memref<80x128xf32, #tpu.memory_space<vmem>>) dst(%dma_wait3A_550 : memref<80x128xf32, #tpu.memory_space<vmem_shared>>)
        tpu.yield
      }) : () -> ()
    } else {
    }
    %add3A_41 = arith.constant 80 : i32
    %add3A_42 = arith.addi %arg1, %add3A_41 : i32
    %lt3A_43 = arith.constant 125 : i32
    %lt3A_44 = arith.cmpi slt, %add3A_42, %lt3A_43 : i32
    %convert_element_type3A_45 = arith.extui %lt3A_44 : i1 to i32
    %cond3A_46 = arith.constant 0 : i32
    %cond3A_47 = arith.cmpi ne, %convert_element_type3A_45, %cond3A_46 : i32
    scf.if %cond3A_47 {
      %mul3A_542 = arith.constant 80 : i32
      %mul3A_543 = arith.muli %add3A_42, %mul3A_542 : i32
      "tpu.region"() ({
        %run_scoped3A = tpu.sem_alloc : memref<!tpu.dma_semaphore, #tpu.memory_space<semaphore_mem>>
        %dma_start3A_544 = arith.constant 0 : i32
        %dma_start3A_545 = tpu.memref_slice %arg11[%mul3A_543, %dma_start3A_544] : memref<10000x128xf32, #tpu.memory_space<vmem_shared>> -> memref<80x128xf32, #tpu.memory_space<vmem_shared>>
        %dma_start3A_546 = arith.constant 0 : i32
        %dma_start3A_547 = tpu.memref_slice %arg11[%mul3A_543, %dma_start3A_546] : memref<10000x128xf32, #tpu.memory_space<vmem_shared>> -> memref<80x128xf32, #tpu.memory_space<vmem_shared>>
        tpu.enqueue_dma source(%arg8 : memref<80x128xf32, #tpu.memory_space<vmem>>) target(%dma_start3A_547 : memref<80x128xf32, #tpu.memory_space<vmem_shared>>) target_semaphore(%run_scoped3A : memref<!tpu.dma_semaphore, #tpu.memory_space<semaphore_mem>>)
        %dma_wait3A = arith.constant 0 : i32
        %dma_wait3A_548 = tpu.memref_slice %arg11[%mul3A_543, %dma_wait3A] : memref<10000x128xf32, #tpu.memory_space<vmem_shared>> -> memref<80x128xf32, #tpu.memory_space<vmem_shared>>
        %dma_wait3A_549 = arith.constant 0 : i32
        %dma_wait3A_550 = tpu.memref_slice %arg11[%mul3A_543, %dma_wait3A_549] : memref<10000x128xf32, #tpu.memory_space<vmem_shared>> -> memref<80x128xf32, #tpu.memory_space<vmem_shared>>
        tpu.wait_dma2 semaphore(%run_scoped3A : memref<!tpu.dma_semaphore, #tpu.memory_space<semaphore_mem>>) src(%arg8 : memref<80x128xf32, #tpu.memory_space<vmem>>) dst(%dma_wait3A_550 : memref<80x128xf32, #tpu.memory_space<vmem_shared>>)
        tpu.yield
      }) : () -> ()
    } else {
    }
    %add3A_48 = arith.constant 96 : i32
    %add3A_49 = arith.addi %arg1, %add3A_48 : i32
    %lt3A_50 = arith.constant 125 : i32
    %lt3A_51 = arith.cmpi slt, %add3A_49, %lt3A_50 : i32
    %convert_element_type3A_52 = arith.extui %lt3A_51 : i1 to i32
    %cond3A_53 = arith.constant 0 : i32
    %cond3A_54 = arith.cmpi ne, %convert_element_type3A_52, %cond3A_53 : i32
    scf.if %cond3A_54 {
      %mul3A_542 = arith.constant 80 : i32
      %mul3A_543 = arith.muli %add3A_49, %mul3A_542 : i32
      "tpu.region"() ({
        %run_scoped3A = tpu.sem_alloc : memref<!tpu.dma_semaphore, #tpu.memory_space<semaphore_mem>>
        %dma_start3A_544 = arith.constant 0 : i32
        %dma_start3A_545 = tpu.memref_slice %arg11[%mul3A_543, %dma_start3A_544] : memref<10000x128xf32, #tpu.memory_space<vmem_shared>> -> memref<80x128xf32, #tpu.memory_space<vmem_shared>>
        %dma_start3A_546 = arith.constant 0 : i32
        %dma_start3A_547 = tpu.memref_slice %arg11[%mul3A_543, %dma_start3A_546] : memref<10000x128xf32, #tpu.memory_space<vmem_shared>> -> memref<80x128xf32, #tpu.memory_space<vmem_shared>>
        tpu.enqueue_dma source(%arg8 : memref<80x128xf32, #tpu.memory_space<vmem>>) target(%dma_start3A_547 : memref<80x128xf32, #tpu.memory_space<vmem_shared>>) target_semaphore(%run_scoped3A : memref<!tpu.dma_semaphore, #tpu.memory_space<semaphore_mem>>)
        %dma_wait3A = arith.constant 0 : i32
        %dma_wait3A_548 = tpu.memref_slice %arg11[%mul3A_543, %dma_wait3A] : memref<10000x128xf32, #tpu.memory_space<vmem_shared>> -> memref<80x128xf32, #tpu.memory_space<vmem_shared>>
        %dma_wait3A_549 = arith.constant 0 : i32
        %dma_wait3A_550 = tpu.memref_slice %arg11[%mul3A_543, %dma_wait3A_549] : memref<10000x128xf32, #tpu.memory_space<vmem_shared>> -> memref<80x128xf32, #tpu.memory_space<vmem_shared>>
        tpu.wait_dma2 semaphore(%run_scoped3A : memref<!tpu.dma_semaphore, #tpu.memory_space<semaphore_mem>>) src(%arg8 : memref<80x128xf32, #tpu.memory_space<vmem>>) dst(%dma_wait3A_550 : memref<80x128xf32, #tpu.memory_space<vmem_shared>>)
        tpu.yield
      }) : () -> ()
    } else {
    }
    %add3A_55 = arith.constant 112 : i32
    %add3A_56 = arith.addi %arg1, %add3A_55 : i32
    %lt3A_57 = arith.constant 125 : i32
    %lt3A_58 = arith.cmpi slt, %add3A_56, %lt3A_57 : i32
    %convert_element_type3A_59 = arith.extui %lt3A_58 : i1 to i32
    %cond3A_60 = arith.constant 0 : i32
    %cond3A_61 = arith.cmpi ne, %convert_element_type3A_59, %cond3A_60 : i32
    scf.if %cond3A_61 {
      %mul3A_542 = arith.constant 80 : i32
      %mul3A_543 = arith.muli %add3A_56, %mul3A_542 : i32
      "tpu.region"() ({
        %run_scoped3A = tpu.sem_alloc : memref<!tpu.dma_semaphore, #tpu.memory_space<semaphore_mem>>
        %dma_start3A_544 = arith.constant 0 : i32
        %dma_start3A_545 = tpu.memref_slice %arg11[%mul3A_543, %dma_start3A_544] : memref<10000x128xf32, #tpu.memory_space<vmem_shared>> -> memref<80x128xf32, #tpu.memory_space<vmem_shared>>
        %dma_start3A_546 = arith.constant 0 : i32
        %dma_start3A_547 = tpu.memref_slice %arg11[%mul3A_543, %dma_start3A_546] : memref<10000x128xf32, #tpu.memory_space<vmem_shared>> -> memref<80x128xf32, #tpu.memory_space<vmem_shared>>
        tpu.enqueue_dma source(%arg8 : memref<80x128xf32, #tpu.memory_space<vmem>>) target(%dma_start3A_547 : memref<80x128xf32, #tpu.memory_space<vmem_shared>>) target_semaphore(%run_scoped3A : memref<!tpu.dma_semaphore, #tpu.memory_space<semaphore_mem>>)
        %dma_wait3A = arith.constant 0 : i32
        %dma_wait3A_548 = tpu.memref_slice %arg11[%mul3A_543, %dma_wait3A] : memref<10000x128xf32, #tpu.memory_space<vmem_shared>> -> memref<80x128xf32, #tpu.memory_space<vmem_shared>>
        %dma_wait3A_549 = arith.constant 0 : i32
        %dma_wait3A_550 = tpu.memref_slice %arg11[%mul3A_543, %dma_wait3A_549] : memref<10000x128xf32, #tpu.memory_space<vmem_shared>> -> memref<80x128xf32, #tpu.memory_space<vmem_shared>>
        tpu.wait_dma2 semaphore(%run_scoped3A : memref<!tpu.dma_semaphore, #tpu.memory_space<semaphore_mem>>) src(%arg8 : memref<80x128xf32, #tpu.memory_space<vmem>>) dst(%dma_wait3A_550 : memref<80x128xf32, #tpu.memory_space<vmem_shared>>)
        tpu.yield
      }) : () -> ()
    } else {
    }
    %barrier3A = arith.constant 0 : index
    tpu.barrier barrier_id(%barrier3A)
    %add3A_62 = arith.constant 0 : i32
    %add3A_63 = arith.addi %mul3A_2, %add3A_62 : i32
    %dma_start3A = arith.constant 0 : i32
    %dma_start3A_64 = arith.constant 0 : i32
    %dma_start3A_65 = tpu.memref_slice %arg2[%dma_start3A, %add3A_63, %dma_start3A_64] : memref<4x320000x128xf32, #tpu.memory_space<hbm>> -> memref<1x80x128xf32, #tpu.memory_space<hbm>>
    %dma_start3A_66 = tpu.memref_squeeze %dma_start3A_65 : memref<1x80x128xf32, #tpu.memory_space<hbm>> -> memref<80x128xf32, #tpu.memory_space<hbm>>
    %dma_start3A_67 = arith.constant 0 : i32
    %dma_start3A_68 = tpu.memref_slice %arg2[%dma_start3A, %add3A_63, %dma_start3A_67] : memref<4x320000x128xf32, #tpu.memory_space<hbm>> -> memref<1x80x128xf32, #tpu.memory_space<hbm>>
    %dma_start3A_69 = tpu.memref_squeeze %dma_start3A_68 : memref<1x80x128xf32, #tpu.memory_space<hbm>> -> memref<80x128xf32, #tpu.memory_space<hbm>>
    tpu.enqueue_dma source(%dma_start3A_69 : memref<80x128xf32, #tpu.memory_space<hbm>>) target(%arg6 : memref<80x128xf32, #tpu.memory_space<vmem>>) target_semaphore(%arg9 : memref<!tpu.dma_semaphore, #tpu.memory_space<semaphore_mem>>)
    %scan3A_70 = arith.constant 0 : i32
    %scan3A_71 = arith.constant 0 : i32
    %scan3A_72 = arith.constant 63 : i32
    %scan3A_73 = arith.addi %scan3A_71, %scan3A_72 : i32
    %scan3A_74 = arith.constant 1 : i32
    scf.for %scan3A_542 = %scan3A_71 to %scan3A_73 step %scan3A_74  : i32 {
      %mul3A_543 = arith.constant 2 : i32
      %mul3A_544 = arith.muli %scan3A_542, %mul3A_543 : i32
      %add3A_545 = arith.constant 0 : i32
      %add3A_546 = arith.addi %mul3A_544, %add3A_545 : i32
      %add3A_547 = arith.constant 1 : i32
      %add3A_548 = arith.addi %add3A_546, %add3A_547 : i32
      %lt3A_549 = arith.constant 125 : i32
      %lt3A_550 = arith.cmpi slt, %add3A_548, %lt3A_549 : i32
      %convert_element_type3A_551 = arith.extui %lt3A_550 : i1 to i32
      %cond3A_552 = arith.constant 0 : i32
      %cond3A_553 = arith.cmpi ne, %convert_element_type3A_551, %cond3A_552 : i32
      scf.if %cond3A_553 {
        %mul3A_575 = arith.constant 80 : i32
        %mul3A_576 = arith.muli %add3A_548, %mul3A_575 : i32
        %add3A_577 = arith.addi %mul3A_2, %mul3A_576 : i32
        %dma_start3A_578 = arith.constant 0 : i32
        %dma_start3A_579 = arith.constant 0 : i32
        %dma_start3A_580 = tpu.memref_slice %arg2[%dma_start3A_578, %add3A_577, %dma_start3A_579] : memref<4x320000x128xf32, #tpu.memory_space<hbm>> -> memref<1x80x128xf32, #tpu.memory_space<hbm>>
        %dma_start3A_581 = tpu.memref_squeeze %dma_start3A_580 : memref<1x80x128xf32, #tpu.memory_space<hbm>> -> memref<80x128xf32, #tpu.memory_space<hbm>>
        %dma_start3A_582 = arith.constant 0 : i32
        %dma_start3A_583 = tpu.memref_slice %arg2[%dma_start3A_578, %add3A_577, %dma_start3A_582] : memref<4x320000x128xf32, #tpu.memory_space<hbm>> -> memref<1x80x128xf32, #tpu.memory_space<hbm>>
        %dma_start3A_584 = tpu.memref_squeeze %dma_start3A_583 : memref<1x80x128xf32, #tpu.memory_space<hbm>> -> memref<80x128xf32, #tpu.memory_space<hbm>>
        tpu.enqueue_dma source(%dma_start3A_584 : memref<80x128xf32, #tpu.memory_space<hbm>>) target(%arg7 : memref<80x128xf32, #tpu.memory_space<vmem>>) target_semaphore(%arg10 : memref<!tpu.dma_semaphore, #tpu.memory_space<semaphore_mem>>)
      } else {
      }
      %lt3A_554 = arith.constant 125 : i32
      %lt3A_555 = arith.cmpi slt, %add3A_546, %lt3A_554 : i32
      %convert_element_type3A_556 = arith.extui %lt3A_555 : i1 to i32
      %cond3A_557 = arith.constant 0 : i32
      %cond3A_558 = arith.cmpi ne, %convert_element_type3A_556, %cond3A_557 : i32
      scf.if %cond3A_558 {
        %mul3A_575 = arith.constant 80 : i32
        %mul3A_576 = arith.muli %add3A_546, %mul3A_575 : i32
        %add3A_577 = arith.addi %mul3A_2, %mul3A_576 : i32
        %dma_wait3A = arith.constant 0 : i32
        %dma_wait3A_578 = arith.constant 0 : i32
        %dma_wait3A_579 = tpu.memref_slice %arg2[%dma_wait3A, %add3A_577, %dma_wait3A_578] : memref<4x320000x128xf32, #tpu.memory_space<hbm>> -> memref<1x80x128xf32, #tpu.memory_space<hbm>>
        %dma_wait3A_580 = tpu.memref_squeeze %dma_wait3A_579 : memref<1x80x128xf32, #tpu.memory_space<hbm>> -> memref<80x128xf32, #tpu.memory_space<hbm>>
        %dma_wait3A_581 = arith.constant 0 : i32
        %dma_wait3A_582 = tpu.memref_slice %arg2[%dma_wait3A, %add3A_577, %dma_wait3A_581] : memref<4x320000x128xf32, #tpu.memory_space<hbm>> -> memref<1x80x128xf32, #tpu.memory_space<hbm>>
        %dma_wait3A_583 = tpu.memref_squeeze %dma_wait3A_582 : memref<1x80x128xf32, #tpu.memory_space<hbm>> -> memref<80x128xf32, #tpu.memory_space<hbm>>
        tpu.wait_dma2 semaphore(%arg9 : memref<!tpu.dma_semaphore, #tpu.memory_space<semaphore_mem>>) src(%dma_wait3A_583 : memref<80x128xf32, #tpu.memory_space<hbm>>) dst(%arg6 : memref<80x128xf32, #tpu.memory_space<vmem>>)
        "tpu.region"() ({
          %run_scoped3A = tpu.sem_alloc : memref<!tpu.dma_semaphore, #tpu.memory_space<semaphore_mem>>
          %dma_start3A_584 = arith.constant 0 : i32
          %dma_start3A_585 = tpu.memref_slice %arg5[%add3A_546, %dma_start3A_584] : memref<125x80xi32, #tpu.memory_space<vmem>> -> memref<1x80xi32, #tpu.memory_space<vmem>>
          %dma_start3A_586 = tpu.memref_squeeze %dma_start3A_585 : memref<1x80xi32, #tpu.memory_space<vmem>> -> memref<80xi32, #tpu.memory_space<vmem>>
          %dma_start3A_587 = arith.constant 0 : i32
          %dma_start3A_588 = arith.constant 0 : i32
          %dma_start3A_589 = tpu.memref_slice %arg11[%dma_start3A_587, %dma_start3A_588] : memref<10000x128xf32, #tpu.memory_space<vmem_shared>> -> memref<10000x128xf32, #tpu.memory_space<vmem_shared>>
          tpu.enqueue_indirect_dma source(%arg6 : memref<80x128xf32, #tpu.memory_space<vmem>>) target(%dma_start3A_589 : memref<10000x128xf32, #tpu.memory_space<vmem_shared>>) offsets(%dma_start3A_586 : memref<80xi32, #tpu.memory_space<vmem>>) semaphore(%run_scoped3A : memref<!tpu.dma_semaphore, #tpu.memory_space<semaphore_mem>>) {add = true}
          %dma_wait3A_590 = arith.constant 0 : i32
          %dma_wait3A_591 = tpu.memref_slice %arg5[%add3A_546, %dma_wait3A_590] : memref<125x80xi32, #tpu.memory_space<vmem>> -> memref<1x80xi32, #tpu.memory_space<vmem>>
          %dma_wait3A_592 = tpu.memref_squeeze %dma_wait3A_591 : memref<1x80xi32, #tpu.memory_space<vmem>> -> memref<80xi32, #tpu.memory_space<vmem>>
          %dma_wait3A_593 = arith.constant 0 : i32
          %dma_wait3A_594 = arith.constant 0 : i32
          %dma_wait3A_595 = tpu.memref_slice %arg11[%dma_wait3A_593, %dma_wait3A_594] : memref<10000x128xf32, #tpu.memory_space<vmem_shared>> -> memref<10000x128xf32, #tpu.memory_space<vmem_shared>>
          tpu.wait_indirect_dma semaphore(%run_scoped3A : memref<!tpu.dma_semaphore, #tpu.memory_space<semaphore_mem>>) src(%arg6 : memref<80x128xf32, #tpu.memory_space<vmem>>) dst(%dma_wait3A_595 : memref<10000x128xf32, #tpu.memory_space<vmem_shared>>)
          tpu.yield
        }) : () -> ()
      } else {
      }
      %mul3A_559 = arith.constant 2 : i32
      %mul3A_560 = arith.muli %scan3A_542, %mul3A_559 : i32
      %add3A_561 = arith.constant 1 : i32
      %add3A_562 = arith.addi %mul3A_560, %add3A_561 : i32
      %add3A_563 = arith.constant 1 : i32
      %add3A_564 = arith.addi %add3A_562, %add3A_563 : i32
      %lt3A_565 = arith.constant 125 : i32
      %lt3A_566 = arith.cmpi slt, %add3A_564, %lt3A_565 : i32
      %convert_element_type3A_567 = arith.extui %lt3A_566 : i1 to i32
      %cond3A_568 = arith.constant 0 : i32
      %cond3A_569 = arith.cmpi ne, %convert_element_type3A_567, %cond3A_568 : i32
      scf.if %cond3A_569 {
        %mul3A_575 = arith.constant 80 : i32
        %mul3A_576 = arith.muli %add3A_564, %mul3A_575 : i32
        %add3A_577 = arith.addi %mul3A_2, %mul3A_576 : i32
        %dma_start3A_578 = arith.constant 0 : i32
        %dma_start3A_579 = arith.constant 0 : i32
        %dma_start3A_580 = tpu.memref_slice %arg2[%dma_start3A_578, %add3A_577, %dma_start3A_579] : memref<4x320000x128xf32, #tpu.memory_space<hbm>> -> memref<1x80x128xf32, #tpu.memory_space<hbm>>
        %dma_start3A_581 = tpu.memref_squeeze %dma_start3A_580 : memref<1x80x128xf32, #tpu.memory_space<hbm>> -> memref<80x128xf32, #tpu.memory_space<hbm>>
        %dma_start3A_582 = arith.constant 0 : i32
        %dma_start3A_583 = tpu.memref_slice %arg2[%dma_start3A_578, %add3A_577, %dma_start3A_582] : memref<4x320000x128xf32, #tpu.memory_space<hbm>> -> memref<1x80x128xf32, #tpu.memory_space<hbm>>
        %dma_start3A_584 = tpu.memref_squeeze %dma_start3A_583 : memref<1x80x128xf32, #tpu.memory_space<hbm>> -> memref<80x128xf32, #tpu.memory_space<hbm>>
        tpu.enqueue_dma source(%dma_start3A_584 : memref<80x128xf32, #tpu.memory_space<hbm>>) target(%arg6 : memref<80x128xf32, #tpu.memory_space<vmem>>) target_semaphore(%arg9 : memref<!tpu.dma_semaphore, #tpu.memory_space<semaphore_mem>>)
      } else {
      }
      %lt3A_570 = arith.constant 125 : i32
      %lt3A_571 = arith.cmpi slt, %add3A_562, %lt3A_570 : i32
      %convert_element_type3A_572 = arith.extui %lt3A_571 : i1 to i32
      %cond3A_573 = arith.constant 0 : i32
      %cond3A_574 = arith.cmpi ne, %convert_element_type3A_572, %cond3A_573 : i32
      scf.if %cond3A_574 {
        %mul3A_575 = arith.constant 80 : i32
        %mul3A_576 = arith.muli %add3A_562, %mul3A_575 : i32
        %add3A_577 = arith.addi %mul3A_2, %mul3A_576 : i32
        %dma_wait3A = arith.constant 0 : i32
        %dma_wait3A_578 = arith.constant 0 : i32
        %dma_wait3A_579 = tpu.memref_slice %arg2[%dma_wait3A, %add3A_577, %dma_wait3A_578] : memref<4x320000x128xf32, #tpu.memory_space<hbm>> -> memref<1x80x128xf32, #tpu.memory_space<hbm>>
        %dma_wait3A_580 = tpu.memref_squeeze %dma_wait3A_579 : memref<1x80x128xf32, #tpu.memory_space<hbm>> -> memref<80x128xf32, #tpu.memory_space<hbm>>
        %dma_wait3A_581 = arith.constant 0 : i32
        %dma_wait3A_582 = tpu.memref_slice %arg2[%dma_wait3A, %add3A_577, %dma_wait3A_581] : memref<4x320000x128xf32, #tpu.memory_space<hbm>> -> memref<1x80x128xf32, #tpu.memory_space<hbm>>
        %dma_wait3A_583 = tpu.memref_squeeze %dma_wait3A_582 : memref<1x80x128xf32, #tpu.memory_space<hbm>> -> memref<80x128xf32, #tpu.memory_space<hbm>>
        tpu.wait_dma2 semaphore(%arg10 : memref<!tpu.dma_semaphore, #tpu.memory_space<semaphore_mem>>) src(%dma_wait3A_583 : memref<80x128xf32, #tpu.memory_space<hbm>>) dst(%arg7 : memref<80x128xf32, #tpu.memory_space<vmem>>)
        "tpu.region"() ({
          %run_scoped3A = tpu.sem_alloc : memref<!tpu.dma_semaphore, #tpu.memory_space<semaphore_mem>>
          %dma_start3A_584 = arith.constant 0 : i32
          %dma_start3A_585 = tpu.memref_slice %arg5[%add3A_562, %dma_start3A_584] : memref<125x80xi32, #tpu.memory_space<vmem>> -> memref<1x80xi32, #tpu.memory_space<vmem>>
          %dma_start3A_586 = tpu.memref_squeeze %dma_start3A_585 : memref<1x80xi32, #tpu.memory_space<vmem>> -> memref<80xi32, #tpu.memory_space<vmem>>
          %dma_start3A_587 = arith.constant 0 : i32
          %dma_start3A_588 = arith.constant 0 : i32
          %dma_start3A_589 = tpu.memref_slice %arg11[%dma_start3A_587, %dma_start3A_588] : memref<10000x128xf32, #tpu.memory_space<vmem_shared>> -> memref<10000x128xf32, #tpu.memory_space<vmem_shared>>
          tpu.enqueue_indirect_dma source(%arg7 : memref<80x128xf32, #tpu.memory_space<vmem>>) target(%dma_start3A_589 : memref<10000x128xf32, #tpu.memory_space<vmem_shared>>) offsets(%dma_start3A_586 : memref<80xi32, #tpu.memory_space<vmem>>) semaphore(%run_scoped3A : memref<!tpu.dma_semaphore, #tpu.memory_space<semaphore_mem>>) {add = true}
          %dma_wait3A_590 = arith.constant 0 : i32
          %dma_wait3A_591 = tpu.memref_slice %arg5[%add3A_562, %dma_wait3A_590] : memref<125x80xi32, #tpu.memory_space<vmem>> -> memref<1x80xi32, #tpu.memory_space<vmem>>
          %dma_wait3A_592 = tpu.memref_squeeze %dma_wait3A_591 : memref<1x80xi32, #tpu.memory_space<vmem>> -> memref<80xi32, #tpu.memory_space<vmem>>
          %dma_wait3A_593 = arith.constant 0 : i32
          %dma_wait3A_594 = arith.constant 0 : i32
          %dma_wait3A_595 = tpu.memref_slice %arg11[%dma_wait3A_593, %dma_wait3A_594] : memref<10000x128xf32, #tpu.memory_space<vmem_shared>> -> memref<10000x128xf32, #tpu.memory_space<vmem_shared>>
          tpu.wait_indirect_dma semaphore(%run_scoped3A : memref<!tpu.dma_semaphore, #tpu.memory_space<semaphore_mem>>) src(%arg7 : memref<80x128xf32, #tpu.memory_space<vmem>>) dst(%dma_wait3A_595 : memref<10000x128xf32, #tpu.memory_space<vmem_shared>>)
          tpu.yield
        }) : () -> ()
      } else {
      }
    }
    %scan3A_75 = arith.constant 63 : i32
    %barrier3A_76 = arith.constant 0 : index
    tpu.barrier barrier_id(%barrier3A_76)
    %add3A_77 = arith.constant 0 : i32
    %add3A_78 = arith.addi %arg1, %add3A_77 : i32
    %lt3A_79 = arith.constant 125 : i32
    %lt3A_80 = arith.cmpi slt, %add3A_78, %lt3A_79 : i32
    %convert_element_type3A_81 = arith.extui %lt3A_80 : i1 to i32
    %cond3A_82 = arith.constant 0 : i32
    %cond3A_83 = arith.cmpi ne, %convert_element_type3A_81, %cond3A_82 : i32
    scf.if %cond3A_83 {
      %mul3A_542 = arith.constant 80 : i32
      %mul3A_543 = arith.muli %add3A_78, %mul3A_542 : i32
      "tpu.region"() ({
        %run_scoped3A_544 = tpu.sem_alloc : memref<!tpu.dma_semaphore, #tpu.memory_space<semaphore_mem>>
        %dma_start3A_545 = arith.constant 0 : i32
        %dma_start3A_546 = tpu.memref_slice %arg11[%mul3A_543, %dma_start3A_545] : memref<10000x128xf32, #tpu.memory_space<vmem_shared>> -> memref<80x128xf32, #tpu.memory_space<vmem_shared>>
        %dma_start3A_547 = arith.constant 0 : i32
        %dma_start3A_548 = tpu.memref_slice %arg11[%mul3A_543, %dma_start3A_547] : memref<10000x128xf32, #tpu.memory_space<vmem_shared>> -> memref<80x128xf32, #tpu.memory_space<vmem_shared>>
        tpu.enqueue_dma source(%dma_start3A_548 : memref<80x128xf32, #tpu.memory_space<vmem_shared>>) target(%arg8 : memref<80x128xf32, #tpu.memory_space<vmem>>) target_semaphore(%run_scoped3A_544 : memref<!tpu.dma_semaphore, #tpu.memory_space<semaphore_mem>>)
        %dma_wait3A = arith.constant 0 : i32
        %dma_wait3A_549 = tpu.memref_slice %arg11[%mul3A_543, %dma_wait3A] : memref<10000x128xf32, #tpu.memory_space<vmem_shared>> -> memref<80x128xf32, #tpu.memory_space<vmem_shared>>
        %dma_wait3A_550 = arith.constant 0 : i32
        %dma_wait3A_551 = tpu.memref_slice %arg11[%mul3A_543, %dma_wait3A_550] : memref<10000x128xf32, #tpu.memory_space<vmem_shared>> -> memref<80x128xf32, #tpu.memory_space<vmem_shared>>
        tpu.wait_dma2 semaphore(%run_scoped3A_544 : memref<!tpu.dma_semaphore, #tpu.memory_space<semaphore_mem>>) src(%dma_wait3A_551 : memref<80x128xf32, #tpu.memory_space<vmem_shared>>) dst(%arg8 : memref<80x128xf32, #tpu.memory_space<vmem>>)
        tpu.yield
      }) : () -> ()
      %run_scoped3A = arith.constant 0 : i32
      "tpu.region"() ({
        %run_scoped3A_544 = tpu.sem_alloc : memref<!tpu.dma_semaphore, #tpu.memory_space<semaphore_mem>>
        %dma_start3A_545 = arith.constant 0 : i32
        %dma_start3A_546 = tpu.memref_slice %arg4[%arg0, %run_scoped3A, %mul3A_543, %dma_start3A_545] : memref<2x4x10000x128xf32, #tpu.memory_space<hbm>> -> memref<1x1x80x128xf32, #tpu.memory_space<hbm>>
        %dma_start3A_547 = tpu.memref_squeeze %dma_start3A_546 : memref<1x1x80x128xf32, #tpu.memory_space<hbm>> -> memref<80x128xf32, #tpu.memory_space<hbm>>
        %dma_start3A_548 = arith.constant 0 : i32
        %dma_start3A_549 = tpu.memref_slice %arg4[%arg0, %run_scoped3A, %mul3A_543, %dma_start3A_548] : memref<2x4x10000x128xf32, #tpu.memory_space<hbm>> -> memref<1x1x80x128xf32, #tpu.memory_space<hbm>>
        %dma_start3A_550 = tpu.memref_squeeze %dma_start3A_549 : memref<1x1x80x128xf32, #tpu.memory_space<hbm>> -> memref<80x128xf32, #tpu.memory_space<hbm>>
        tpu.enqueue_dma source(%arg8 : memref<80x128xf32, #tpu.memory_space<vmem>>) target(%dma_start3A_550 : memref<80x128xf32, #tpu.memory_space<hbm>>) target_semaphore(%run_scoped3A_544 : memref<!tpu.dma_semaphore, #tpu.memory_space<semaphore_mem>>)
        %dma_wait3A = arith.constant 0 : i32
        %dma_wait3A_551 = tpu.memref_slice %arg4[%arg0, %run_scoped3A, %mul3A_543, %dma_wait3A] : memref<2x4x10000x128xf32, #tpu.memory_space<hbm>> -> memref<1x1x80x128xf32, #tpu.memory_space<hbm>>
        %dma_wait3A_552 = tpu.memref_squeeze %dma_wait3A_551 : memref<1x1x80x128xf32, #tpu.memory_space<hbm>> -> memref<80x128xf32, #tpu.memory_space<hbm>>
        %dma_wait3A_553 = arith.constant 0 : i32
        %dma_wait3A_554 = tpu.memref_slice %arg4[%arg0, %run_scoped3A, %mul3A_543, %dma_wait3A_553] : memref<2x4x10000x128xf32, #tpu.memory_space<hbm>> -> memref<1x1x80x128xf32, #tpu.memory_space<hbm>>
        %dma_wait3A_555 = tpu.memref_squeeze %dma_wait3A_554 : memref<1x1x80x128xf32, #tpu.memory_space<hbm>> -> memref<80x128xf32, #tpu.memory_space<hbm>>
        tpu.wait_dma2 semaphore(%run_scoped3A_544 : memref<!tpu.dma_semaphore, #tpu.memory_space<semaphore_mem>>) src(%arg8 : memref<80x128xf32, #tpu.memory_space<vmem>>) dst(%dma_wait3A_555 : memref<80x128xf32, #tpu.memory_space<hbm>>)
        tpu.yield
      }) : () -> ()
    } else {
    }
    %add3A_84 = arith.constant 16 : i32
    %add3A_85 = arith.addi %arg1, %add3A_84 : i32
    %lt3A_86 = arith.constant 125 : i32
    %lt3A_87 = arith.cmpi slt, %add3A_85, %lt3A_86 : i32
    %convert_element_type3A_88 = arith.extui %lt3A_87 : i1 to i32
    %cond3A_89 = arith.constant 0 : i32
    %cond3A_90 = arith.cmpi ne, %convert_element_type3A_88, %cond3A_89 : i32
    scf.if %cond3A_90 {
      %mul3A_542 = arith.constant 80 : i32
      %mul3A_543 = arith.muli %add3A_85, %mul3A_542 : i32
      "tpu.region"() ({
        %run_scoped3A_544 = tpu.sem_alloc : memref<!tpu.dma_semaphore, #tpu.memory_space<semaphore_mem>>
        %dma_start3A_545 = arith.constant 0 : i32
        %dma_start3A_546 = tpu.memref_slice %arg11[%mul3A_543, %dma_start3A_545] : memref<10000x128xf32, #tpu.memory_space<vmem_shared>> -> memref<80x128xf32, #tpu.memory_space<vmem_shared>>
        %dma_start3A_547 = arith.constant 0 : i32
        %dma_start3A_548 = tpu.memref_slice %arg11[%mul3A_543, %dma_start3A_547] : memref<10000x128xf32, #tpu.memory_space<vmem_shared>> -> memref<80x128xf32, #tpu.memory_space<vmem_shared>>
        tpu.enqueue_dma source(%dma_start3A_548 : memref<80x128xf32, #tpu.memory_space<vmem_shared>>) target(%arg8 : memref<80x128xf32, #tpu.memory_space<vmem>>) target_semaphore(%run_scoped3A_544 : memref<!tpu.dma_semaphore, #tpu.memory_space<semaphore_mem>>)
        %dma_wait3A = arith.constant 0 : i32
        %dma_wait3A_549 = tpu.memref_slice %arg11[%mul3A_543, %dma_wait3A] : memref<10000x128xf32, #tpu.memory_space<vmem_shared>> -> memref<80x128xf32, #tpu.memory_space<vmem_shared>>
        %dma_wait3A_550 = arith.constant 0 : i32
        %dma_wait3A_551 = tpu.memref_slice %arg11[%mul3A_543, %dma_wait3A_550] : memref<10000x128xf32, #tpu.memory_space<vmem_shared>> -> memref<80x128xf32, #tpu.memory_space<vmem_shared>>
        tpu.wait_dma2 semaphore(%run_scoped3A_544 : memref<!tpu.dma_semaphore, #tpu.memory_space<semaphore_mem>>) src(%dma_wait3A_551 : memref<80x128xf32, #tpu.memory_space<vmem_shared>>) dst(%arg8 : memref<80x128xf32, #tpu.memory_space<vmem>>)
        tpu.yield
      }) : () -> ()
      %run_scoped3A = arith.constant 0 : i32
      "tpu.region"() ({
        %run_scoped3A_544 = tpu.sem_alloc : memref<!tpu.dma_semaphore, #tpu.memory_space<semaphore_mem>>
        %dma_start3A_545 = arith.constant 0 : i32
        %dma_start3A_546 = tpu.memref_slice %arg4[%arg0, %run_scoped3A, %mul3A_543, %dma_start3A_545] : memref<2x4x10000x128xf32, #tpu.memory_space<hbm>> -> memref<1x1x80x128xf32, #tpu.memory_space<hbm>>
        %dma_start3A_547 = tpu.memref_squeeze %dma_start3A_546 : memref<1x1x80x128xf32, #tpu.memory_space<hbm>> -> memref<80x128xf32, #tpu.memory_space<hbm>>
        %dma_start3A_548 = arith.constant 0 : i32
        %dma_start3A_549 = tpu.memref_slice %arg4[%arg0, %run_scoped3A, %mul3A_543, %dma_start3A_548] : memref<2x4x10000x128xf32, #tpu.memory_space<hbm>> -> memref<1x1x80x128xf32, #tpu.memory_space<hbm>>
        %dma_start3A_550 = tpu.memref_squeeze %dma_start3A_549 : memref<1x1x80x128xf32, #tpu.memory_space<hbm>> -> memref<80x128xf32, #tpu.memory_space<hbm>>
        tpu.enqueue_dma source(%arg8 : memref<80x128xf32, #tpu.memory_space<vmem>>) target(%dma_start3A_550 : memref<80x128xf32, #tpu.memory_space<hbm>>) target_semaphore(%run_scoped3A_544 : memref<!tpu.dma_semaphore, #tpu.memory_space<semaphore_mem>>)
        %dma_wait3A = arith.constant 0 : i32
        %dma_wait3A_551 = tpu.memref_slice %arg4[%arg0, %run_scoped3A, %mul3A_543, %dma_wait3A] : memref<2x4x10000x128xf32, #tpu.memory_space<hbm>> -> memref<1x1x80x128xf32, #tpu.memory_space<hbm>>
        %dma_wait3A_552 = tpu.memref_squeeze %dma_wait3A_551 : memref<1x1x80x128xf32, #tpu.memory_space<hbm>> -> memref<80x128xf32, #tpu.memory_space<hbm>>
        %dma_wait3A_553 = arith.constant 0 : i32
        %dma_wait3A_554 = tpu.memref_slice %arg4[%arg0, %run_scoped3A, %mul3A_543, %dma_wait3A_553] : memref<2x4x10000x128xf32, #tpu.memory_space<hbm>> -> memref<1x1x80x128xf32, #tpu.memory_space<hbm>>
        %dma_wait3A_555 = tpu.memref_squeeze %dma_wait3A_554 : memref<1x1x80x128xf32, #tpu.memory_space<hbm>> -> memref<80x128xf32, #tpu.memory_space<hbm>>
        tpu.wait_dma2 semaphore(%run_scoped3A_544 : memref<!tpu.dma_semaphore, #tpu.memory_space<semaphore_mem>>) src(%arg8 : memref<80x128xf32, #tpu.memory_space<vmem>>) dst(%dma_wait3A_555 : memref<80x128xf32, #tpu.memory_space<hbm>>)
        tpu.yield
      }) : () -> ()
    } else {
    }
    %add3A_91 = arith.constant 32 : i32
    %add3A_92 = arith.addi %arg1, %add3A_91 : i32
    %lt3A_93 = arith.constant 125 : i32
    %lt3A_94 = arith.cmpi slt, %add3A_92, %lt3A_93 : i32
    %convert_element_type3A_95 = arith.extui %lt3A_94 : i1 to i32
    %cond3A_96 = arith.constant 0 : i32
    %cond3A_97 = arith.cmpi ne, %convert_element_type3A_95, %cond3A_96 : i32
    scf.if %cond3A_97 {
      %mul3A_542 = arith.constant 80 : i32
      %mul3A_543 = arith.muli %add3A_92, %mul3A_542 : i32
      "tpu.region"() ({
        %run_scoped3A_544 = tpu.sem_alloc : memref<!tpu.dma_semaphore, #tpu.memory_space<semaphore_mem>>
        %dma_start3A_545 = arith.constant 0 : i32
        %dma_start3A_546 = tpu.memref_slice %arg11[%mul3A_543, %dma_start3A_545] : memref<10000x128xf32, #tpu.memory_space<vmem_shared>> -> memref<80x128xf32, #tpu.memory_space<vmem_shared>>
        %dma_start3A_547 = arith.constant 0 : i32
        %dma_start3A_548 = tpu.memref_slice %arg11[%mul3A_543, %dma_start3A_547] : memref<10000x128xf32, #tpu.memory_space<vmem_shared>> -> memref<80x128xf32, #tpu.memory_space<vmem_shared>>
        tpu.enqueue_dma source(%dma_start3A_548 : memref<80x128xf32, #tpu.memory_space<vmem_shared>>) target(%arg8 : memref<80x128xf32, #tpu.memory_space<vmem>>) target_semaphore(%run_scoped3A_544 : memref<!tpu.dma_semaphore, #tpu.memory_space<semaphore_mem>>)
        %dma_wait3A = arith.constant 0 : i32
        %dma_wait3A_549 = tpu.memref_slice %arg11[%mul3A_543, %dma_wait3A] : memref<10000x128xf32, #tpu.memory_space<vmem_shared>> -> memref<80x128xf32, #tpu.memory_space<vmem_shared>>
        %dma_wait3A_550 = arith.constant 0 : i32
        %dma_wait3A_551 = tpu.memref_slice %arg11[%mul3A_543, %dma_wait3A_550] : memref<10000x128xf32, #tpu.memory_space<vmem_shared>> -> memref<80x128xf32, #tpu.memory_space<vmem_shared>>
        tpu.wait_dma2 semaphore(%run_scoped3A_544 : memref<!tpu.dma_semaphore, #tpu.memory_space<semaphore_mem>>) src(%dma_wait3A_551 : memref<80x128xf32, #tpu.memory_space<vmem_shared>>) dst(%arg8 : memref<80x128xf32, #tpu.memory_space<vmem>>)
        tpu.yield
      }) : () -> ()
      %run_scoped3A = arith.constant 0 : i32
      "tpu.region"() ({
        %run_scoped3A_544 = tpu.sem_alloc : memref<!tpu.dma_semaphore, #tpu.memory_space<semaphore_mem>>
        %dma_start3A_545 = arith.constant 0 : i32
        %dma_start3A_546 = tpu.memref_slice %arg4[%arg0, %run_scoped3A, %mul3A_543, %dma_start3A_545] : memref<2x4x10000x128xf32, #tpu.memory_space<hbm>> -> memref<1x1x80x128xf32, #tpu.memory_space<hbm>>
        %dma_start3A_547 = tpu.memref_squeeze %dma_start3A_546 : memref<1x1x80x128xf32, #tpu.memory_space<hbm>> -> memref<80x128xf32, #tpu.memory_space<hbm>>
        %dma_start3A_548 = arith.constant 0 : i32
        %dma_start3A_549 = tpu.memref_slice %arg4[%arg0, %run_scoped3A, %mul3A_543, %dma_start3A_548] : memref<2x4x10000x128xf32, #tpu.memory_space<hbm>> -> memref<1x1x80x128xf32, #tpu.memory_space<hbm>>
        %dma_start3A_550 = tpu.memref_squeeze %dma_start3A_549 : memref<1x1x80x128xf32, #tpu.memory_space<hbm>> -> memref<80x128xf32, #tpu.memory_space<hbm>>
        tpu.enqueue_dma source(%arg8 : memref<80x128xf32, #tpu.memory_space<vmem>>) target(%dma_start3A_550 : memref<80x128xf32, #tpu.memory_space<hbm>>) target_semaphore(%run_scoped3A_544 : memref<!tpu.dma_semaphore, #tpu.memory_space<semaphore_mem>>)
        %dma_wait3A = arith.constant 0 : i32
        %dma_wait3A_551 = tpu.memref_slice %arg4[%arg0, %run_scoped3A, %mul3A_543, %dma_wait3A] : memref<2x4x10000x128xf32, #tpu.memory_space<hbm>> -> memref<1x1x80x128xf32, #tpu.memory_space<hbm>>
        %dma_wait3A_552 = tpu.memref_squeeze %dma_wait3A_551 : memref<1x1x80x128xf32, #tpu.memory_space<hbm>> -> memref<80x128xf32, #tpu.memory_space<hbm>>
        %dma_wait3A_553 = arith.constant 0 : i32
        %dma_wait3A_554 = tpu.memref_slice %arg4[%arg0, %run_scoped3A, %mul3A_543, %dma_wait3A_553] : memref<2x4x10000x128xf32, #tpu.memory_space<hbm>> -> memref<1x1x80x128xf32, #tpu.memory_space<hbm>>
        %dma_wait3A_555 = tpu.memref_squeeze %dma_wait3A_554 : memref<1x1x80x128xf32, #tpu.memory_space<hbm>> -> memref<80x128xf32, #tpu.memory_space<hbm>>
        tpu.wait_dma2 semaphore(%run_scoped3A_544 : memref<!tpu.dma_semaphore, #tpu.memory_space<semaphore_mem>>) src(%arg8 : memref<80x128xf32, #tpu.memory_space<vmem>>) dst(%dma_wait3A_555 : memref<80x128xf32, #tpu.memory_space<hbm>>)
        tpu.yield
      }) : () -> ()
    } else {
    }
    %add3A_98 = arith.constant 48 : i32
    %add3A_99 = arith.addi %arg1, %add3A_98 : i32
    %lt3A_100 = arith.constant 125 : i32
    %lt3A_101 = arith.cmpi slt, %add3A_99, %lt3A_100 : i32
    %convert_element_type3A_102 = arith.extui %lt3A_101 : i1 to i32
    %cond3A_103 = arith.constant 0 : i32
    %cond3A_104 = arith.cmpi ne, %convert_element_type3A_102, %cond3A_103 : i32
    scf.if %cond3A_104 {
      %mul3A_542 = arith.constant 80 : i32
      %mul3A_543 = arith.muli %add3A_99, %mul3A_542 : i32
      "tpu.region"() ({
        %run_scoped3A_544 = tpu.sem_alloc : memref<!tpu.dma_semaphore, #tpu.memory_space<semaphore_mem>>
        %dma_start3A_545 = arith.constant 0 : i32
        %dma_start3A_546 = tpu.memref_slice %arg11[%mul3A_543, %dma_start3A_545] : memref<10000x128xf32, #tpu.memory_space<vmem_shared>> -> memref<80x128xf32, #tpu.memory_space<vmem_shared>>
        %dma_start3A_547 = arith.constant 0 : i32
        %dma_start3A_548 = tpu.memref_slice %arg11[%mul3A_543, %dma_start3A_547] : memref<10000x128xf32, #tpu.memory_space<vmem_shared>> -> memref<80x128xf32, #tpu.memory_space<vmem_shared>>
        tpu.enqueue_dma source(%dma_start3A_548 : memref<80x128xf32, #tpu.memory_space<vmem_shared>>) target(%arg8 : memref<80x128xf32, #tpu.memory_space<vmem>>) target_semaphore(%run_scoped3A_544 : memref<!tpu.dma_semaphore, #tpu.memory_space<semaphore_mem>>)
        %dma_wait3A = arith.constant 0 : i32
        %dma_wait3A_549 = tpu.memref_slice %arg11[%mul3A_543, %dma_wait3A] : memref<10000x128xf32, #tpu.memory_space<vmem_shared>> -> memref<80x128xf32, #tpu.memory_space<vmem_shared>>
        %dma_wait3A_550 = arith.constant 0 : i32
        %dma_wait3A_551 = tpu.memref_slice %arg11[%mul3A_543, %dma_wait3A_550] : memref<10000x128xf32, #tpu.memory_space<vmem_shared>> -> memref<80x128xf32, #tpu.memory_space<vmem_shared>>
        tpu.wait_dma2 semaphore(%run_scoped3A_544 : memref<!tpu.dma_semaphore, #tpu.memory_space<semaphore_mem>>) src(%dma_wait3A_551 : memref<80x128xf32, #tpu.memory_space<vmem_shared>>) dst(%arg8 : memref<80x128xf32, #tpu.memory_space<vmem>>)
        tpu.yield
      }) : () -> ()
      %run_scoped3A = arith.constant 0 : i32
      "tpu.region"() ({
        %run_scoped3A_544 = tpu.sem_alloc : memref<!tpu.dma_semaphore, #tpu.memory_space<semaphore_mem>>
        %dma_start3A_545 = arith.constant 0 : i32
        %dma_start3A_546 = tpu.memref_slice %arg4[%arg0, %run_scoped3A, %mul3A_543, %dma_start3A_545] : memref<2x4x10000x128xf32, #tpu.memory_space<hbm>> -> memref<1x1x80x128xf32, #tpu.memory_space<hbm>>
        %dma_start3A_547 = tpu.memref_squeeze %dma_start3A_546 : memref<1x1x80x128xf32, #tpu.memory_space<hbm>> -> memref<80x128xf32, #tpu.memory_space<hbm>>
        %dma_start3A_548 = arith.constant 0 : i32
        %dma_start3A_549 = tpu.memref_slice %arg4[%arg0, %run_scoped3A, %mul3A_543, %dma_start3A_548] : memref<2x4x10000x128xf32, #tpu.memory_space<hbm>> -> memref<1x1x80x128xf32, #tpu.memory_space<hbm>>
        %dma_start3A_550 = tpu.memref_squeeze %dma_start3A_549 : memref<1x1x80x128xf32, #tpu.memory_space<hbm>> -> memref<80x128xf32, #tpu.memory_space<hbm>>
        tpu.enqueue_dma source(%arg8 : memref<80x128xf32, #tpu.memory_space<vmem>>) target(%dma_start3A_550 : memref<80x128xf32, #tpu.memory_space<hbm>>) target_semaphore(%run_scoped3A_544 : memref<!tpu.dma_semaphore, #tpu.memory_space<semaphore_mem>>)
        %dma_wait3A = arith.constant 0 : i32
        %dma_wait3A_551 = tpu.memref_slice %arg4[%arg0, %run_scoped3A, %mul3A_543, %dma_wait3A] : memref<2x4x10000x128xf32, #tpu.memory_space<hbm>> -> memref<1x1x80x128xf32, #tpu.memory_space<hbm>>
        %dma_wait3A_552 = tpu.memref_squeeze %dma_wait3A_551 : memref<1x1x80x128xf32, #tpu.memory_space<hbm>> -> memref<80x128xf32, #tpu.memory_space<hbm>>
        %dma_wait3A_553 = arith.constant 0 : i32
        %dma_wait3A_554 = tpu.memref_slice %arg4[%arg0, %run_scoped3A, %mul3A_543, %dma_wait3A_553] : memref<2x4x10000x128xf32, #tpu.memory_space<hbm>> -> memref<1x1x80x128xf32, #tpu.memory_space<hbm>>
        %dma_wait3A_555 = tpu.memref_squeeze %dma_wait3A_554 : memref<1x1x80x128xf32, #tpu.memory_space<hbm>> -> memref<80x128xf32, #tpu.memory_space<hbm>>
        tpu.wait_dma2 semaphore(%run_scoped3A_544 : memref<!tpu.dma_semaphore, #tpu.memory_space<semaphore_mem>>) src(%arg8 : memref<80x128xf32, #tpu.memory_space<vmem>>) dst(%dma_wait3A_555 : memref<80x128xf32, #tpu.memory_space<hbm>>)
        tpu.yield
      }) : () -> ()
    } else {
    }
    %add3A_105 = arith.constant 64 : i32
    %add3A_106 = arith.addi %arg1, %add3A_105 : i32
    %lt3A_107 = arith.constant 125 : i32
    %lt3A_108 = arith.cmpi slt, %add3A_106, %lt3A_107 : i32
    %convert_element_type3A_109 = arith.extui %lt3A_108 : i1 to i32
    %cond3A_110 = arith.constant 0 : i32
    %cond3A_111 = arith.cmpi ne, %convert_element_type3A_109, %cond3A_110 : i32
    scf.if %cond3A_111 {
      %mul3A_542 = arith.constant 80 : i32
      %mul3A_543 = arith.muli %add3A_106, %mul3A_542 : i32
      "tpu.region"() ({
        %run_scoped3A_544 = tpu.sem_alloc : memref<!tpu.dma_semaphore, #tpu.memory_space<semaphore_mem>>
        %dma_start3A_545 = arith.constant 0 : i32
        %dma_start3A_546 = tpu.memref_slice %arg11[%mul3A_543, %dma_start3A_545] : memref<10000x128xf32, #tpu.memory_space<vmem_shared>> -> memref<80x128xf32, #tpu.memory_space<vmem_shared>>
        %dma_start3A_547 = arith.constant 0 : i32
        %dma_start3A_548 = tpu.memref_slice %arg11[%mul3A_543, %dma_start3A_547] : memref<10000x128xf32, #tpu.memory_space<vmem_shared>> -> memref<80x128xf32, #tpu.memory_space<vmem_shared>>
        tpu.enqueue_dma source(%dma_start3A_548 : memref<80x128xf32, #tpu.memory_space<vmem_shared>>) target(%arg8 : memref<80x128xf32, #tpu.memory_space<vmem>>) target_semaphore(%run_scoped3A_544 : memref<!tpu.dma_semaphore, #tpu.memory_space<semaphore_mem>>)
        %dma_wait3A = arith.constant 0 : i32
        %dma_wait3A_549 = tpu.memref_slice %arg11[%mul3A_543, %dma_wait3A] : memref<10000x128xf32, #tpu.memory_space<vmem_shared>> -> memref<80x128xf32, #tpu.memory_space<vmem_shared>>
        %dma_wait3A_550 = arith.constant 0 : i32
        %dma_wait3A_551 = tpu.memref_slice %arg11[%mul3A_543, %dma_wait3A_550] : memref<10000x128xf32, #tpu.memory_space<vmem_shared>> -> memref<80x128xf32, #tpu.memory_space<vmem_shared>>
        tpu.wait_dma2 semaphore(%run_scoped3A_544 : memref<!tpu.dma_semaphore, #tpu.memory_space<semaphore_mem>>) src(%dma_wait3A_551 : memref<80x128xf32, #tpu.memory_space<vmem_shared>>) dst(%arg8 : memref<80x128xf32, #tpu.memory_space<vmem>>)
        tpu.yield
      }) : () -> ()
      %run_scoped3A = arith.constant 0 : i32
      "tpu.region"() ({
        %run_scoped3A_544 = tpu.sem_alloc : memref<!tpu.dma_semaphore, #tpu.memory_space<semaphore_mem>>
        %dma_start3A_545 = arith.constant 0 : i32
        %dma_start3A_546 = tpu.memref_slice %arg4[%arg0, %run_scoped3A, %mul3A_543, %dma_start3A_545] : memref<2x4x10000x128xf32, #tpu.memory_space<hbm>> -> memref<1x1x80x128xf32, #tpu.memory_space<hbm>>
        %dma_start3A_547 = tpu.memref_squeeze %dma_start3A_546 : memref<1x1x80x128xf32, #tpu.memory_space<hbm>> -> memref<80x128xf32, #tpu.memory_space<hbm>>
        %dma_start3A_548 = arith.constant 0 : i32
        %dma_start3A_549 = tpu.memref_slice %arg4[%arg0, %run_scoped3A, %mul3A_543, %dma_start3A_548] : memref<2x4x10000x128xf32, #tpu.memory_space<hbm>> -> memref<1x1x80x128xf32, #tpu.memory_space<hbm>>
        %dma_start3A_550 = tpu.memref_squeeze %dma_start3A_549 : memref<1x1x80x128xf32, #tpu.memory_space<hbm>> -> memref<80x128xf32, #tpu.memory_space<hbm>>
        tpu.enqueue_dma source(%arg8 : memref<80x128xf32, #tpu.memory_space<vmem>>) target(%dma_start3A_550 : memref<80x128xf32, #tpu.memory_space<hbm>>) target_semaphore(%run_scoped3A_544 : memref<!tpu.dma_semaphore, #tpu.memory_space<semaphore_mem>>)
        %dma_wait3A = arith.constant 0 : i32
        %dma_wait3A_551 = tpu.memref_slice %arg4[%arg0, %run_scoped3A, %mul3A_543, %dma_wait3A] : memref<2x4x10000x128xf32, #tpu.memory_space<hbm>> -> memref<1x1x80x128xf32, #tpu.memory_space<hbm>>
        %dma_wait3A_552 = tpu.memref_squeeze %dma_wait3A_551 : memref<1x1x80x128xf32, #tpu.memory_space<hbm>> -> memref<80x128xf32, #tpu.memory_space<hbm>>
        %dma_wait3A_553 = arith.constant 0 : i32
        %dma_wait3A_554 = tpu.memref_slice %arg4[%arg0, %run_scoped3A, %mul3A_543, %dma_wait3A_553] : memref<2x4x10000x128xf32, #tpu.memory_space<hbm>> -> memref<1x1x80x128xf32, #tpu.memory_space<hbm>>
        %dma_wait3A_555 = tpu.memref_squeeze %dma_wait3A_554 : memref<1x1x80x128xf32, #tpu.memory_space<hbm>> -> memref<80x128xf32, #tpu.memory_space<hbm>>
        tpu.wait_dma2 semaphore(%run_scoped3A_544 : memref<!tpu.dma_semaphore, #tpu.memory_space<semaphore_mem>>) src(%arg8 : memref<80x128xf32, #tpu.memory_space<vmem>>) dst(%dma_wait3A_555 : memref<80x128xf32, #tpu.memory_space<hbm>>)
        tpu.yield
      }) : () -> ()
    } else {
    }
    %add3A_112 = arith.constant 80 : i32
    %add3A_113 = arith.addi %arg1, %add3A_112 : i32
    %lt3A_114 = arith.constant 125 : i32
    %lt3A_115 = arith.cmpi slt, %add3A_113, %lt3A_114 : i32
    %convert_element_type3A_116 = arith.extui %lt3A_115 : i1 to i32
    %cond3A_117 = arith.constant 0 : i32
    %cond3A_118 = arith.cmpi ne, %convert_element_type3A_116, %cond3A_117 : i32
    scf.if %cond3A_118 {
      %mul3A_542 = arith.constant 80 : i32
      %mul3A_543 = arith.muli %add3A_113, %mul3A_542 : i32
      "tpu.region"() ({
        %run_scoped3A_544 = tpu.sem_alloc : memref<!tpu.dma_semaphore, #tpu.memory_space<semaphore_mem>>
        %dma_start3A_545 = arith.constant 0 : i32
        %dma_start3A_546 = tpu.memref_slice %arg11[%mul3A_543, %dma_start3A_545] : memref<10000x128xf32, #tpu.memory_space<vmem_shared>> -> memref<80x128xf32, #tpu.memory_space<vmem_shared>>
        %dma_start3A_547 = arith.constant 0 : i32
        %dma_start3A_548 = tpu.memref_slice %arg11[%mul3A_543, %dma_start3A_547] : memref<10000x128xf32, #tpu.memory_space<vmem_shared>> -> memref<80x128xf32, #tpu.memory_space<vmem_shared>>
        tpu.enqueue_dma source(%dma_start3A_548 : memref<80x128xf32, #tpu.memory_space<vmem_shared>>) target(%arg8 : memref<80x128xf32, #tpu.memory_space<vmem>>) target_semaphore(%run_scoped3A_544 : memref<!tpu.dma_semaphore, #tpu.memory_space<semaphore_mem>>)
        %dma_wait3A = arith.constant 0 : i32
        %dma_wait3A_549 = tpu.memref_slice %arg11[%mul3A_543, %dma_wait3A] : memref<10000x128xf32, #tpu.memory_space<vmem_shared>> -> memref<80x128xf32, #tpu.memory_space<vmem_shared>>
        %dma_wait3A_550 = arith.constant 0 : i32
        %dma_wait3A_551 = tpu.memref_slice %arg11[%mul3A_543, %dma_wait3A_550] : memref<10000x128xf32, #tpu.memory_space<vmem_shared>> -> memref<80x128xf32, #tpu.memory_space<vmem_shared>>
        tpu.wait_dma2 semaphore(%run_scoped3A_544 : memref<!tpu.dma_semaphore, #tpu.memory_space<semaphore_mem>>) src(%dma_wait3A_551 : memref<80x128xf32, #tpu.memory_space<vmem_shared>>) dst(%arg8 : memref<80x128xf32, #tpu.memory_space<vmem>>)
        tpu.yield
      }) : () -> ()
      %run_scoped3A = arith.constant 0 : i32
      "tpu.region"() ({
        %run_scoped3A_544 = tpu.sem_alloc : memref<!tpu.dma_semaphore, #tpu.memory_space<semaphore_mem>>
        %dma_start3A_545 = arith.constant 0 : i32
        %dma_start3A_546 = tpu.memref_slice %arg4[%arg0, %run_scoped3A, %mul3A_543, %dma_start3A_545] : memref<2x4x10000x128xf32, #tpu.memory_space<hbm>> -> memref<1x1x80x128xf32, #tpu.memory_space<hbm>>
        %dma_start3A_547 = tpu.memref_squeeze %dma_start3A_546 : memref<1x1x80x128xf32, #tpu.memory_space<hbm>> -> memref<80x128xf32, #tpu.memory_space<hbm>>
        %dma_start3A_548 = arith.constant 0 : i32
        %dma_start3A_549 = tpu.memref_slice %arg4[%arg0, %run_scoped3A, %mul3A_543, %dma_start3A_548] : memref<2x4x10000x128xf32, #tpu.memory_space<hbm>> -> memref<1x1x80x128xf32, #tpu.memory_space<hbm>>
        %dma_start3A_550 = tpu.memref_squeeze %dma_start3A_549 : memref<1x1x80x128xf32, #tpu.memory_space<hbm>> -> memref<80x128xf32, #tpu.memory_space<hbm>>
        tpu.enqueue_dma source(%arg8 : memref<80x128xf32, #tpu.memory_space<vmem>>) target(%dma_start3A_550 : memref<80x128xf32, #tpu.memory_space<hbm>>) target_semaphore(%run_scoped3A_544 : memref<!tpu.dma_semaphore, #tpu.memory_space<semaphore_mem>>)
        %dma_wait3A = arith.constant 0 : i32
        %dma_wait3A_551 = tpu.memref_slice %arg4[%arg0, %run_scoped3A, %mul3A_543, %dma_wait3A] : memref<2x4x10000x128xf32, #tpu.memory_space<hbm>> -> memref<1x1x80x128xf32, #tpu.memory_space<hbm>>
        %dma_wait3A_552 = tpu.memref_squeeze %dma_wait3A_551 : memref<1x1x80x128xf32, #tpu.memory_space<hbm>> -> memref<80x128xf32, #tpu.memory_space<hbm>>
        %dma_wait3A_553 = arith.constant 0 : i32
        %dma_wait3A_554 = tpu.memref_slice %arg4[%arg0, %run_scoped3A, %mul3A_543, %dma_wait3A_553] : memref<2x4x10000x128xf32, #tpu.memory_space<hbm>> -> memref<1x1x80x128xf32, #tpu.memory_space<hbm>>
        %dma_wait3A_555 = tpu.memref_squeeze %dma_wait3A_554 : memref<1x1x80x128xf32, #tpu.memory_space<hbm>> -> memref<80x128xf32, #tpu.memory_space<hbm>>
        tpu.wait_dma2 semaphore(%run_scoped3A_544 : memref<!tpu.dma_semaphore, #tpu.memory_space<semaphore_mem>>) src(%arg8 : memref<80x128xf32, #tpu.memory_space<vmem>>) dst(%dma_wait3A_555 : memref<80x128xf32, #tpu.memory_space<hbm>>)
        tpu.yield
      }) : () -> ()
    } else {
    }
    %add3A_119 = arith.constant 96 : i32
    %add3A_120 = arith.addi %arg1, %add3A_119 : i32
    %lt3A_121 = arith.constant 125 : i32
    %lt3A_122 = arith.cmpi slt, %add3A_120, %lt3A_121 : i32
    %convert_element_type3A_123 = arith.extui %lt3A_122 : i1 to i32
    %cond3A_124 = arith.constant 0 : i32
    %cond3A_125 = arith.cmpi ne, %convert_element_type3A_123, %cond3A_124 : i32
    scf.if %cond3A_125 {
      %mul3A_542 = arith.constant 80 : i32
      %mul3A_543 = arith.muli %add3A_120, %mul3A_542 : i32
      "tpu.region"() ({
        %run_scoped3A_544 = tpu.sem_alloc : memref<!tpu.dma_semaphore, #tpu.memory_space<semaphore_mem>>
        %dma_start3A_545 = arith.constant 0 : i32
        %dma_start3A_546 = tpu.memref_slice %arg11[%mul3A_543, %dma_start3A_545] : memref<10000x128xf32, #tpu.memory_space<vmem_shared>> -> memref<80x128xf32, #tpu.memory_space<vmem_shared>>
        %dma_start3A_547 = arith.constant 0 : i32
        %dma_start3A_548 = tpu.memref_slice %arg11[%mul3A_543, %dma_start3A_547] : memref<10000x128xf32, #tpu.memory_space<vmem_shared>> -> memref<80x128xf32, #tpu.memory_space<vmem_shared>>
        tpu.enqueue_dma source(%dma_start3A_548 : memref<80x128xf32, #tpu.memory_space<vmem_shared>>) target(%arg8 : memref<80x128xf32, #tpu.memory_space<vmem>>) target_semaphore(%run_scoped3A_544 : memref<!tpu.dma_semaphore, #tpu.memory_space<semaphore_mem>>)
        %dma_wait3A = arith.constant 0 : i32
        %dma_wait3A_549 = tpu.memref_slice %arg11[%mul3A_543, %dma_wait3A] : memref<10000x128xf32, #tpu.memory_space<vmem_shared>> -> memref<80x128xf32, #tpu.memory_space<vmem_shared>>
        %dma_wait3A_550 = arith.constant 0 : i32
        %dma_wait3A_551 = tpu.memref_slice %arg11[%mul3A_543, %dma_wait3A_550] : memref<10000x128xf32, #tpu.memory_space<vmem_shared>> -> memref<80x128xf32, #tpu.memory_space<vmem_shared>>
        tpu.wait_dma2 semaphore(%run_scoped3A_544 : memref<!tpu.dma_semaphore, #tpu.memory_space<semaphore_mem>>) src(%dma_wait3A_551 : memref<80x128xf32, #tpu.memory_space<vmem_shared>>) dst(%arg8 : memref<80x128xf32, #tpu.memory_space<vmem>>)
        tpu.yield
      }) : () -> ()
      %run_scoped3A = arith.constant 0 : i32
      "tpu.region"() ({
        %run_scoped3A_544 = tpu.sem_alloc : memref<!tpu.dma_semaphore, #tpu.memory_space<semaphore_mem>>
        %dma_start3A_545 = arith.constant 0 : i32
        %dma_start3A_546 = tpu.memref_slice %arg4[%arg0, %run_scoped3A, %mul3A_543, %dma_start3A_545] : memref<2x4x10000x128xf32, #tpu.memory_space<hbm>> -> memref<1x1x80x128xf32, #tpu.memory_space<hbm>>
        %dma_start3A_547 = tpu.memref_squeeze %dma_start3A_546 : memref<1x1x80x128xf32, #tpu.memory_space<hbm>> -> memref<80x128xf32, #tpu.memory_space<hbm>>
        %dma_start3A_548 = arith.constant 0 : i32
        %dma_start3A_549 = tpu.memref_slice %arg4[%arg0, %run_scoped3A, %mul3A_543, %dma_start3A_548] : memref<2x4x10000x128xf32, #tpu.memory_space<hbm>> -> memref<1x1x80x128xf32, #tpu.memory_space<hbm>>
        %dma_start3A_550 = tpu.memref_squeeze %dma_start3A_549 : memref<1x1x80x128xf32, #tpu.memory_space<hbm>> -> memref<80x128xf32, #tpu.memory_space<hbm>>
        tpu.enqueue_dma source(%arg8 : memref<80x128xf32, #tpu.memory_space<vmem>>) target(%dma_start3A_550 : memref<80x128xf32, #tpu.memory_space<hbm>>) target_semaphore(%run_scoped3A_544 : memref<!tpu.dma_semaphore, #tpu.memory_space<semaphore_mem>>)
        %dma_wait3A = arith.constant 0 : i32
        %dma_wait3A_551 = tpu.memref_slice %arg4[%arg0, %run_scoped3A, %mul3A_543, %dma_wait3A] : memref<2x4x10000x128xf32, #tpu.memory_space<hbm>> -> memref<1x1x80x128xf32, #tpu.memory_space<hbm>>
        %dma_wait3A_552 = tpu.memref_squeeze %dma_wait3A_551 : memref<1x1x80x128xf32, #tpu.memory_space<hbm>> -> memref<80x128xf32, #tpu.memory_space<hbm>>
        %dma_wait3A_553 = arith.constant 0 : i32
        %dma_wait3A_554 = tpu.memref_slice %arg4[%arg0, %run_scoped3A, %mul3A_543, %dma_wait3A_553] : memref<2x4x10000x128xf32, #tpu.memory_space<hbm>> -> memref<1x1x80x128xf32, #tpu.memory_space<hbm>>
        %dma_wait3A_555 = tpu.memref_squeeze %dma_wait3A_554 : memref<1x1x80x128xf32, #tpu.memory_space<hbm>> -> memref<80x128xf32, #tpu.memory_space<hbm>>
        tpu.wait_dma2 semaphore(%run_scoped3A_544 : memref<!tpu.dma_semaphore, #tpu.memory_space<semaphore_mem>>) src(%arg8 : memref<80x128xf32, #tpu.memory_space<vmem>>) dst(%dma_wait3A_555 : memref<80x128xf32, #tpu.memory_space<hbm>>)
        tpu.yield
      }) : () -> ()
    } else {
    }
    %add3A_126 = arith.constant 112 : i32
    %add3A_127 = arith.addi %arg1, %add3A_126 : i32
    %lt3A_128 = arith.constant 125 : i32
    %lt3A_129 = arith.cmpi slt, %add3A_127, %lt3A_128 : i32
    %convert_element_type3A_130 = arith.extui %lt3A_129 : i1 to i32
    %cond3A_131 = arith.constant 0 : i32
    %cond3A_132 = arith.cmpi ne, %convert_element_type3A_130, %cond3A_131 : i32
    scf.if %cond3A_132 {
      %mul3A_542 = arith.constant 80 : i32
      %mul3A_543 = arith.muli %add3A_127, %mul3A_542 : i32
      "tpu.region"() ({
        %run_scoped3A_544 = tpu.sem_alloc : memref<!tpu.dma_semaphore, #tpu.memory_space<semaphore_mem>>
        %dma_start3A_545 = arith.constant 0 : i32
        %dma_start3A_546 = tpu.memref_slice %arg11[%mul3A_543, %dma_start3A_545] : memref<10000x128xf32, #tpu.memory_space<vmem_shared>> -> memref<80x128xf32, #tpu.memory_space<vmem_shared>>
        %dma_start3A_547 = arith.constant 0 : i32
        %dma_start3A_548 = tpu.memref_slice %arg11[%mul3A_543, %dma_start3A_547] : memref<10000x128xf32, #tpu.memory_space<vmem_shared>> -> memref<80x128xf32, #tpu.memory_space<vmem_shared>>
        tpu.enqueue_dma source(%dma_start3A_548 : memref<80x128xf32, #tpu.memory_space<vmem_shared>>) target(%arg8 : memref<80x128xf32, #tpu.memory_space<vmem>>) target_semaphore(%run_scoped3A_544 : memref<!tpu.dma_semaphore, #tpu.memory_space<semaphore_mem>>)
        %dma_wait3A = arith.constant 0 : i32
        %dma_wait3A_549 = tpu.memref_slice %arg11[%mul3A_543, %dma_wait3A] : memref<10000x128xf32, #tpu.memory_space<vmem_shared>> -> memref<80x128xf32, #tpu.memory_space<vmem_shared>>
        %dma_wait3A_550 = arith.constant 0 : i32
        %dma_wait3A_551 = tpu.memref_slice %arg11[%mul3A_543, %dma_wait3A_550] : memref<10000x128xf32, #tpu.memory_space<vmem_shared>> -> memref<80x128xf32, #tpu.memory_space<vmem_shared>>
        tpu.wait_dma2 semaphore(%run_scoped3A_544 : memref<!tpu.dma_semaphore, #tpu.memory_space<semaphore_mem>>) src(%dma_wait3A_551 : memref<80x128xf32, #tpu.memory_space<vmem_shared>>) dst(%arg8 : memref<80x128xf32, #tpu.memory_space<vmem>>)
        tpu.yield
      }) : () -> ()
      %run_scoped3A = arith.constant 0 : i32
      "tpu.region"() ({
        %run_scoped3A_544 = tpu.sem_alloc : memref<!tpu.dma_semaphore, #tpu.memory_space<semaphore_mem>>
        %dma_start3A_545 = arith.constant 0 : i32
        %dma_start3A_546 = tpu.memref_slice %arg4[%arg0, %run_scoped3A, %mul3A_543, %dma_start3A_545] : memref<2x4x10000x128xf32, #tpu.memory_space<hbm>> -> memref<1x1x80x128xf32, #tpu.memory_space<hbm>>
        %dma_start3A_547 = tpu.memref_squeeze %dma_start3A_546 : memref<1x1x80x128xf32, #tpu.memory_space<hbm>> -> memref<80x128xf32, #tpu.memory_space<hbm>>
        %dma_start3A_548 = arith.constant 0 : i32
        %dma_start3A_549 = tpu.memref_slice %arg4[%arg0, %run_scoped3A, %mul3A_543, %dma_start3A_548] : memref<2x4x10000x128xf32, #tpu.memory_space<hbm>> -> memref<1x1x80x128xf32, #tpu.memory_space<hbm>>
        %dma_start3A_550 = tpu.memref_squeeze %dma_start3A_549 : memref<1x1x80x128xf32, #tpu.memory_space<hbm>> -> memref<80x128xf32, #tpu.memory_space<hbm>>
        tpu.enqueue_dma source(%arg8 : memref<80x128xf32, #tpu.memory_space<vmem>>) target(%dma_start3A_550 : memref<80x128xf32, #tpu.memory_space<hbm>>) target_semaphore(%run_scoped3A_544 : memref<!tpu.dma_semaphore, #tpu.memory_space<semaphore_mem>>)
        %dma_wait3A = arith.constant 0 : i32
        %dma_wait3A_551 = tpu.memref_slice %arg4[%arg0, %run_scoped3A, %mul3A_543, %dma_wait3A] : memref<2x4x10000x128xf32, #tpu.memory_space<hbm>> -> memref<1x1x80x128xf32, #tpu.memory_space<hbm>>
        %dma_wait3A_552 = tpu.memref_squeeze %dma_wait3A_551 : memref<1x1x80x128xf32, #tpu.memory_space<hbm>> -> memref<80x128xf32, #tpu.memory_space<hbm>>
        %dma_wait3A_553 = arith.constant 0 : i32
        %dma_wait3A_554 = tpu.memref_slice %arg4[%arg0, %run_scoped3A, %mul3A_543, %dma_wait3A_553] : memref<2x4x10000x128xf32, #tpu.memory_space<hbm>> -> memref<1x1x80x128xf32, #tpu.memory_space<hbm>>
        %dma_wait3A_555 = tpu.memref_squeeze %dma_wait3A_554 : memref<1x1x80x128xf32, #tpu.memory_space<hbm>> -> memref<80x128xf32, #tpu.memory_space<hbm>>
        tpu.wait_dma2 semaphore(%run_scoped3A_544 : memref<!tpu.dma_semaphore, #tpu.memory_space<semaphore_mem>>) src(%arg8 : memref<80x128xf32, #tpu.memory_space<vmem>>) dst(%dma_wait3A_555 : memref<80x128xf32, #tpu.memory_space<hbm>>)
        tpu.yield
      }) : () -> ()
    } else {
    }
    %barrier3A_133 = arith.constant 0 : index
    tpu.barrier barrier_id(%barrier3A_133)
    %scan3A_134 = arith.constant 0 : i32
    %scan3A_135 = arith.constant 0 : i32
    %scan3A_136 = arith.constant 80 : i32
    %scan3A_137 = arith.addi %scan3A_135, %scan3A_136 : i32
    %scan3A_138 = arith.constant 1 : i32
    scf.for %scan3A_542 = %scan3A_135 to %scan3A_137 step %scan3A_138  : i32 {
      %swap3A = arith.index_cast %scan3A_542 : i32 to index
      %swap3A_543 = arith.constant 0 : index
      %swap3A_544 = tpu.vector_load %arg8[%swap3A, %swap3A_543] {strides = array<i32>} : memref<80x128xf32, #tpu.memory_space<vmem>>, vector<1x16xf32>,
      %swap3A_545 = vector.shape_cast %swap3A_544 : vector<1x16xf32> to vector<16xf32>
      %swap3A_546 = vector.shape_cast %broadcast_in_dim3A_3 : vector<16xf32> to vector<1x16xf32>
      tpu.vector_store %arg8[%swap3A, %swap3A_543], %swap3A_546 {strides = array<i32>} : memref<80x128xf32, #tpu.memory_space<vmem>>, vector<1x16xf32>,
      %swap3A_547 = arith.index_cast %scan3A_542 : i32 to index
      %swap3A_548 = arith.constant 16 : index
      %swap3A_549 = tpu.vector_load %arg8[%swap3A_547, %swap3A_548] {strides = array<i32>} : memref<80x128xf32, #tpu.memory_space<vmem>>, vector<1x16xf32>,
      %swap3A_550 = vector.shape_cast %swap3A_549 : vector<1x16xf32> to vector<16xf32>
      %swap3A_551 = vector.shape_cast %broadcast_in_dim3A_3 : vector<16xf32> to vector<1x16xf32>
      tpu.vector_store %arg8[%swap3A_547, %swap3A_548], %swap3A_551 {strides = array<i32>} : memref<80x128xf32, #tpu.memory_space<vmem>>, vector<1x16xf32>,
      %swap3A_552 = arith.index_cast %scan3A_542 : i32 to index
      %swap3A_553 = arith.constant 32 : index
      %swap3A_554 = tpu.vector_load %arg8[%swap3A_552, %swap3A_553] {strides = array<i32>} : memref<80x128xf32, #tpu.memory_space<vmem>>, vector<1x16xf32>,
      %swap3A_555 = vector.shape_cast %swap3A_554 : vector<1x16xf32> to vector<16xf32>
      %swap3A_556 = vector.shape_cast %broadcast_in_dim3A_3 : vector<16xf32> to vector<1x16xf32>
      tpu.vector_store %arg8[%swap3A_552, %swap3A_553], %swap3A_556 {strides = array<i32>} : memref<80x128xf32, #tpu.memory_space<vmem>>, vector<1x16xf32>,
      %swap3A_557 = arith.index_cast %scan3A_542 : i32 to index
      %swap3A_558 = arith.constant 48 : index
      %swap3A_559 = tpu.vector_load %arg8[%swap3A_557, %swap3A_558] {strides = array<i32>} : memref<80x128xf32, #tpu.memory_space<vmem>>, vector<1x16xf32>,
      %swap3A_560 = vector.shape_cast %swap3A_559 : vector<1x16xf32> to vector<16xf32>
      %swap3A_561 = vector.shape_cast %broadcast_in_dim3A_3 : vector<16xf32> to vector<1x16xf32>
      tpu.vector_store %arg8[%swap3A_557, %swap3A_558], %swap3A_561 {strides = array<i32>} : memref<80x128xf32, #tpu.memory_space<vmem>>, vector<1x16xf32>,
      %swap3A_562 = arith.index_cast %scan3A_542 : i32 to index
      %swap3A_563 = arith.constant 64 : index
      %swap3A_564 = tpu.vector_load %arg8[%swap3A_562, %swap3A_563] {strides = array<i32>} : memref<80x128xf32, #tpu.memory_space<vmem>>, vector<1x16xf32>,
      %swap3A_565 = vector.shape_cast %swap3A_564 : vector<1x16xf32> to vector<16xf32>
      %swap3A_566 = vector.shape_cast %broadcast_in_dim3A_3 : vector<16xf32> to vector<1x16xf32>
      tpu.vector_store %arg8[%swap3A_562, %swap3A_563], %swap3A_566 {strides = array<i32>} : memref<80x128xf32, #tpu.memory_space<vmem>>, vector<1x16xf32>,
      %swap3A_567 = arith.index_cast %scan3A_542 : i32 to index
      %swap3A_568 = arith.constant 80 : index
      %swap3A_569 = tpu.vector_load %arg8[%swap3A_567, %swap3A_568] {strides = array<i32>} : memref<80x128xf32, #tpu.memory_space<vmem>>, vector<1x16xf32>,
      %swap3A_570 = vector.shape_cast %swap3A_569 : vector<1x16xf32> to vector<16xf32>
      %swap3A_571 = vector.shape_cast %broadcast_in_dim3A_3 : vector<16xf32> to vector<1x16xf32>
      tpu.vector_store %arg8[%swap3A_567, %swap3A_568], %swap3A_571 {strides = array<i32>} : memref<80x128xf32, #tpu.memory_space<vmem>>, vector<1x16xf32>,
      %swap3A_572 = arith.index_cast %scan3A_542 : i32 to index
      %swap3A_573 = arith.constant 96 : index
      %swap3A_574 = tpu.vector_load %arg8[%swap3A_572, %swap3A_573] {strides = array<i32>} : memref<80x128xf32, #tpu.memory_space<vmem>>, vector<1x16xf32>,
      %swap3A_575 = vector.shape_cast %swap3A_574 : vector<1x16xf32> to vector<16xf32>
      %swap3A_576 = vector.shape_cast %broadcast_in_dim3A_3 : vector<16xf32> to vector<1x16xf32>
      tpu.vector_store %arg8[%swap3A_572, %swap3A_573], %swap3A_576 {strides = array<i32>} : memref<80x128xf32, #tpu.memory_space<vmem>>, vector<1x16xf32>,
      %swap3A_577 = arith.index_cast %scan3A_542 : i32 to index
      %swap3A_578 = arith.constant 112 : index
      %swap3A_579 = tpu.vector_load %arg8[%swap3A_577, %swap3A_578] {strides = array<i32>} : memref<80x128xf32, #tpu.memory_space<vmem>>, vector<1x16xf32>,
      %swap3A_580 = vector.shape_cast %swap3A_579 : vector<1x16xf32> to vector<16xf32>
      %swap3A_581 = vector.shape_cast %broadcast_in_dim3A_3 : vector<16xf32> to vector<1x16xf32>
      tpu.vector_store %arg8[%swap3A_577, %swap3A_578], %swap3A_581 {strides = array<i32>} : memref<80x128xf32, #tpu.memory_space<vmem>>, vector<1x16xf32>,
    }
    %scan3A_139 = arith.constant 80 : i32
    %add3A_140 = arith.constant 0 : i32
    %add3A_141 = arith.addi %arg1, %add3A_140 : i32
    %lt3A_142 = arith.constant 125 : i32
    %lt3A_143 = arith.cmpi slt, %add3A_141, %lt3A_142 : i32
    %convert_element_type3A_144 = arith.extui %lt3A_143 : i1 to i32
    %cond3A_145 = arith.constant 0 : i32
    %cond3A_146 = arith.cmpi ne, %convert_element_type3A_144, %cond3A_145 : i32
    scf.if %cond3A_146 {
      %mul3A_542 = arith.constant 80 : i32
      %mul3A_543 = arith.muli %add3A_141, %mul3A_542 : i32
      "tpu.region"() ({
        %run_scoped3A = tpu.sem_alloc : memref<!tpu.dma_semaphore, #tpu.memory_space<semaphore_mem>>
        %dma_start3A_544 = arith.constant 0 : i32
        %dma_start3A_545 = tpu.memref_slice %arg11[%mul3A_543, %dma_start3A_544] : memref<10000x128xf32, #tpu.memory_space<vmem_shared>> -> memref<80x128xf32, #tpu.memory_space<vmem_shared>>
        %dma_start3A_546 = arith.constant 0 : i32
        %dma_start3A_547 = tpu.memref_slice %arg11[%mul3A_543, %dma_start3A_546] : memref<10000x128xf32, #tpu.memory_space<vmem_shared>> -> memref<80x128xf32, #tpu.memory_space<vmem_shared>>
        tpu.enqueue_dma source(%arg8 : memref<80x128xf32, #tpu.memory_space<vmem>>) target(%dma_start3A_547 : memref<80x128xf32, #tpu.memory_space<vmem_shared>>) target_semaphore(%run_scoped3A : memref<!tpu.dma_semaphore, #tpu.memory_space<semaphore_mem>>)
        %dma_wait3A = arith.constant 0 : i32
        %dma_wait3A_548 = tpu.memref_slice %arg11[%mul3A_543, %dma_wait3A] : memref<10000x128xf32, #tpu.memory_space<vmem_shared>> -> memref<80x128xf32, #tpu.memory_space<vmem_shared>>
        %dma_wait3A_549 = arith.constant 0 : i32
        %dma_wait3A_550 = tpu.memref_slice %arg11[%mul3A_543, %dma_wait3A_549] : memref<10000x128xf32, #tpu.memory_space<vmem_shared>> -> memref<80x128xf32, #tpu.memory_space<vmem_shared>>
        tpu.wait_dma2 semaphore(%run_scoped3A : memref<!tpu.dma_semaphore, #tpu.memory_space<semaphore_mem>>) src(%arg8 : memref<80x128xf32, #tpu.memory_space<vmem>>) dst(%dma_wait3A_550 : memref<80x128xf32, #tpu.memory_space<vmem_shared>>)
        tpu.yield
      }) : () -> ()
    } else {
    }
    %add3A_147 = arith.constant 16 : i32
    %add3A_148 = arith.addi %arg1, %add3A_147 : i32
    %lt3A_149 = arith.constant 125 : i32
    %lt3A_150 = arith.cmpi slt, %add3A_148, %lt3A_149 : i32
    %convert_element_type3A_151 = arith.extui %lt3A_150 : i1 to i32
    %cond3A_152 = arith.constant 0 : i32
    %cond3A_153 = arith.cmpi ne, %convert_element_type3A_151, %cond3A_152 : i32
    scf.if %cond3A_153 {
      %mul3A_542 = arith.constant 80 : i32
      %mul3A_543 = arith.muli %add3A_148, %mul3A_542 : i32
      "tpu.region"() ({
        %run_scoped3A = tpu.sem_alloc : memref<!tpu.dma_semaphore, #tpu.memory_space<semaphore_mem>>
        %dma_start3A_544 = arith.constant 0 : i32
        %dma_start3A_545 = tpu.memref_slice %arg11[%mul3A_543, %dma_start3A_544] : memref<10000x128xf32, #tpu.memory_space<vmem_shared>> -> memref<80x128xf32, #tpu.memory_space<vmem_shared>>
        %dma_start3A_546 = arith.constant 0 : i32
        %dma_start3A_547 = tpu.memref_slice %arg11[%mul3A_543, %dma_start3A_546] : memref<10000x128xf32, #tpu.memory_space<vmem_shared>> -> memref<80x128xf32, #tpu.memory_space<vmem_shared>>
        tpu.enqueue_dma source(%arg8 : memref<80x128xf32, #tpu.memory_space<vmem>>) target(%dma_start3A_547 : memref<80x128xf32, #tpu.memory_space<vmem_shared>>) target_semaphore(%run_scoped3A : memref<!tpu.dma_semaphore, #tpu.memory_space<semaphore_mem>>)
        %dma_wait3A = arith.constant 0 : i32
        %dma_wait3A_548 = tpu.memref_slice %arg11[%mul3A_543, %dma_wait3A] : memref<10000x128xf32, #tpu.memory_space<vmem_shared>> -> memref<80x128xf32, #tpu.memory_space<vmem_shared>>
        %dma_wait3A_549 = arith.constant 0 : i32
        %dma_wait3A_550 = tpu.memref_slice %arg11[%mul3A_543, %dma_wait3A_549] : memref<10000x128xf32, #tpu.memory_space<vmem_shared>> -> memref<80x128xf32, #tpu.memory_space<vmem_shared>>
        tpu.wait_dma2 semaphore(%run_scoped3A : memref<!tpu.dma_semaphore, #tpu.memory_space<semaphore_mem>>) src(%arg8 : memref<80x128xf32, #tpu.memory_space<vmem>>) dst(%dma_wait3A_550 : memref<80x128xf32, #tpu.memory_space<vmem_shared>>)
        tpu.yield
      }) : () -> ()
    } else {
    }
    %add3A_154 = arith.constant 32 : i32
    %add3A_155 = arith.addi %arg1, %add3A_154 : i32
    %lt3A_156 = arith.constant 125 : i32
    %lt3A_157 = arith.cmpi slt, %add3A_155, %lt3A_156 : i32
    %convert_element_type3A_158 = arith.extui %lt3A_157 : i1 to i32
    %cond3A_159 = arith.constant 0 : i32
    %cond3A_160 = arith.cmpi ne, %convert_element_type3A_158, %cond3A_159 : i32
    scf.if %cond3A_160 {
      %mul3A_542 = arith.constant 80 : i32
      %mul3A_543 = arith.muli %add3A_155, %mul3A_542 : i32
      "tpu.region"() ({
        %run_scoped3A = tpu.sem_alloc : memref<!tpu.dma_semaphore, #tpu.memory_space<semaphore_mem>>
        %dma_start3A_544 = arith.constant 0 : i32
        %dma_start3A_545 = tpu.memref_slice %arg11[%mul3A_543, %dma_start3A_544] : memref<10000x128xf32, #tpu.memory_space<vmem_shared>> -> memref<80x128xf32, #tpu.memory_space<vmem_shared>>
        %dma_start3A_546 = arith.constant 0 : i32
        %dma_start3A_547 = tpu.memref_slice %arg11[%mul3A_543, %dma_start3A_546] : memref<10000x128xf32, #tpu.memory_space<vmem_shared>> -> memref<80x128xf32, #tpu.memory_space<vmem_shared>>
        tpu.enqueue_dma source(%arg8 : memref<80x128xf32, #tpu.memory_space<vmem>>) target(%dma_start3A_547 : memref<80x128xf32, #tpu.memory_space<vmem_shared>>) target_semaphore(%run_scoped3A : memref<!tpu.dma_semaphore, #tpu.memory_space<semaphore_mem>>)
        %dma_wait3A = arith.constant 0 : i32
        %dma_wait3A_548 = tpu.memref_slice %arg11[%mul3A_543, %dma_wait3A] : memref<10000x128xf32, #tpu.memory_space<vmem_shared>> -> memref<80x128xf32, #tpu.memory_space<vmem_shared>>
        %dma_wait3A_549 = arith.constant 0 : i32
        %dma_wait3A_550 = tpu.memref_slice %arg11[%mul3A_543, %dma_wait3A_549] : memref<10000x128xf32, #tpu.memory_space<vmem_shared>> -> memref<80x128xf32, #tpu.memory_space<vmem_shared>>
        tpu.wait_dma2 semaphore(%run_scoped3A : memref<!tpu.dma_semaphore, #tpu.memory_space<semaphore_mem>>) src(%arg8 : memref<80x128xf32, #tpu.memory_space<vmem>>) dst(%dma_wait3A_550 : memref<80x128xf32, #tpu.memory_space<vmem_shared>>)
        tpu.yield
      }) : () -> ()
    } else {
    }
    %add3A_161 = arith.constant 48 : i32
    %add3A_162 = arith.addi %arg1, %add3A_161 : i32
    %lt3A_163 = arith.constant 125 : i32
    %lt3A_164 = arith.cmpi slt, %add3A_162, %lt3A_163 : i32
    %convert_element_type3A_165 = arith.extui %lt3A_164 : i1 to i32
    %cond3A_166 = arith.constant 0 : i32
    %cond3A_167 = arith.cmpi ne, %convert_element_type3A_165, %cond3A_166 : i32
    scf.if %cond3A_167 {
      %mul3A_542 = arith.constant 80 : i32
      %mul3A_543 = arith.muli %add3A_162, %mul3A_542 : i32
      "tpu.region"() ({
        %run_scoped3A = tpu.sem_alloc : memref<!tpu.dma_semaphore, #tpu.memory_space<semaphore_mem>>
        %dma_start3A_544 = arith.constant 0 : i32
        %dma_start3A_545 = tpu.memref_slice %arg11[%mul3A_543, %dma_start3A_544] : memref<10000x128xf32, #tpu.memory_space<vmem_shared>> -> memref<80x128xf32, #tpu.memory_space<vmem_shared>>
        %dma_start3A_546 = arith.constant 0 : i32
        %dma_start3A_547 = tpu.memref_slice %arg11[%mul3A_543, %dma_start3A_546] : memref<10000x128xf32, #tpu.memory_space<vmem_shared>> -> memref<80x128xf32, #tpu.memory_space<vmem_shared>>
        tpu.enqueue_dma source(%arg8 : memref<80x128xf32, #tpu.memory_space<vmem>>) target(%dma_start3A_547 : memref<80x128xf32, #tpu.memory_space<vmem_shared>>) target_semaphore(%run_scoped3A : memref<!tpu.dma_semaphore, #tpu.memory_space<semaphore_mem>>)
        %dma_wait3A = arith.constant 0 : i32
        %dma_wait3A_548 = tpu.memref_slice %arg11[%mul3A_543, %dma_wait3A] : memref<10000x128xf32, #tpu.memory_space<vmem_shared>> -> memref<80x128xf32, #tpu.memory_space<vmem_shared>>
        %dma_wait3A_549 = arith.constant 0 : i32
        %dma_wait3A_550 = tpu.memref_slice %arg11[%mul3A_543, %dma_wait3A_549] : memref<10000x128xf32, #tpu.memory_space<vmem_shared>> -> memref<80x128xf32, #tpu.memory_space<vmem_shared>>
        tpu.wait_dma2 semaphore(%run_scoped3A : memref<!tpu.dma_semaphore, #tpu.memory_space<semaphore_mem>>) src(%arg8 : memref<80x128xf32, #tpu.memory_space<vmem>>) dst(%dma_wait3A_550 : memref<80x128xf32, #tpu.memory_space<vmem_shared>>)
        tpu.yield
      }) : () -> ()
    } else {
    }
    %add3A_168 = arith.constant 64 : i32
    %add3A_169 = arith.addi %arg1, %add3A_168 : i32
    %lt3A_170 = arith.constant 125 : i32
    %lt3A_171 = arith.cmpi slt, %add3A_169, %lt3A_170 : i32
    %convert_element_type3A_172 = arith.extui %lt3A_171 : i1 to i32
    %cond3A_173 = arith.constant 0 : i32
    %cond3A_174 = arith.cmpi ne, %convert_element_type3A_172, %cond3A_173 : i32
    scf.if %cond3A_174 {
      %mul3A_542 = arith.constant 80 : i32
      %mul3A_543 = arith.muli %add3A_169, %mul3A_542 : i32
      "tpu.region"() ({
        %run_scoped3A = tpu.sem_alloc : memref<!tpu.dma_semaphore, #tpu.memory_space<semaphore_mem>>
        %dma_start3A_544 = arith.constant 0 : i32
        %dma_start3A_545 = tpu.memref_slice %arg11[%mul3A_543, %dma_start3A_544] : memref<10000x128xf32, #tpu.memory_space<vmem_shared>> -> memref<80x128xf32, #tpu.memory_space<vmem_shared>>
        %dma_start3A_546 = arith.constant 0 : i32
        %dma_start3A_547 = tpu.memref_slice %arg11[%mul3A_543, %dma_start3A_546] : memref<10000x128xf32, #tpu.memory_space<vmem_shared>> -> memref<80x128xf32, #tpu.memory_space<vmem_shared>>
        tpu.enqueue_dma source(%arg8 : memref<80x128xf32, #tpu.memory_space<vmem>>) target(%dma_start3A_547 : memref<80x128xf32, #tpu.memory_space<vmem_shared>>) target_semaphore(%run_scoped3A : memref<!tpu.dma_semaphore, #tpu.memory_space<semaphore_mem>>)
        %dma_wait3A = arith.constant 0 : i32
        %dma_wait3A_548 = tpu.memref_slice %arg11[%mul3A_543, %dma_wait3A] : memref<10000x128xf32, #tpu.memory_space<vmem_shared>> -> memref<80x128xf32, #tpu.memory_space<vmem_shared>>
        %dma_wait3A_549 = arith.constant 0 : i32
        %dma_wait3A_550 = tpu.memref_slice %arg11[%mul3A_543, %dma_wait3A_549] : memref<10000x128xf32, #tpu.memory_space<vmem_shared>> -> memref<80x128xf32, #tpu.memory_space<vmem_shared>>
        tpu.wait_dma2 semaphore(%run_scoped3A : memref<!tpu.dma_semaphore, #tpu.memory_space<semaphore_mem>>) src(%arg8 : memref<80x128xf32, #tpu.memory_space<vmem>>) dst(%dma_wait3A_550 : memref<80x128xf32, #tpu.memory_space<vmem_shared>>)
        tpu.yield
      }) : () -> ()
    } else {
    }
    %add3A_175 = arith.constant 80 : i32
    %add3A_176 = arith.addi %arg1, %add3A_175 : i32
    %lt3A_177 = arith.constant 125 : i32
    %lt3A_178 = arith.cmpi slt, %add3A_176, %lt3A_177 : i32
    %convert_element_type3A_179 = arith.extui %lt3A_178 : i1 to i32
    %cond3A_180 = arith.constant 0 : i32
    %cond3A_181 = arith.cmpi ne, %convert_element_type3A_179, %cond3A_180 : i32
    scf.if %cond3A_181 {
      %mul3A_542 = arith.constant 80 : i32
      %mul3A_543 = arith.muli %add3A_176, %mul3A_542 : i32
      "tpu.region"() ({
        %run_scoped3A = tpu.sem_alloc : memref<!tpu.dma_semaphore, #tpu.memory_space<semaphore_mem>>
        %dma_start3A_544 = arith.constant 0 : i32
        %dma_start3A_545 = tpu.memref_slice %arg11[%mul3A_543, %dma_start3A_544] : memref<10000x128xf32, #tpu.memory_space<vmem_shared>> -> memref<80x128xf32, #tpu.memory_space<vmem_shared>>
        %dma_start3A_546 = arith.constant 0 : i32
        %dma_start3A_547 = tpu.memref_slice %arg11[%mul3A_543, %dma_start3A_546] : memref<10000x128xf32, #tpu.memory_space<vmem_shared>> -> memref<80x128xf32, #tpu.memory_space<vmem_shared>>
        tpu.enqueue_dma source(%arg8 : memref<80x128xf32, #tpu.memory_space<vmem>>) target(%dma_start3A_547 : memref<80x128xf32, #tpu.memory_space<vmem_shared>>) target_semaphore(%run_scoped3A : memref<!tpu.dma_semaphore, #tpu.memory_space<semaphore_mem>>)
        %dma_wait3A = arith.constant 0 : i32
        %dma_wait3A_548 = tpu.memref_slice %arg11[%mul3A_543, %dma_wait3A] : memref<10000x128xf32, #tpu.memory_space<vmem_shared>> -> memref<80x128xf32, #tpu.memory_space<vmem_shared>>
        %dma_wait3A_549 = arith.constant 0 : i32
        %dma_wait3A_550 = tpu.memref_slice %arg11[%mul3A_543, %dma_wait3A_549] : memref<10000x128xf32, #tpu.memory_space<vmem_shared>> -> memref<80x128xf32, #tpu.memory_space<vmem_shared>>
        tpu.wait_dma2 semaphore(%run_scoped3A : memref<!tpu.dma_semaphore, #tpu.memory_space<semaphore_mem>>) src(%arg8 : memref<80x128xf32, #tpu.memory_space<vmem>>) dst(%dma_wait3A_550 : memref<80x128xf32, #tpu.memory_space<vmem_shared>>)
        tpu.yield
      }) : () -> ()
    } else {
    }
    %add3A_182 = arith.constant 96 : i32
    %add3A_183 = arith.addi %arg1, %add3A_182 : i32
    %lt3A_184 = arith.constant 125 : i32
    %lt3A_185 = arith.cmpi slt, %add3A_183, %lt3A_184 : i32
    %convert_element_type3A_186 = arith.extui %lt3A_185 : i1 to i32
    %cond3A_187 = arith.constant 0 : i32
    %cond3A_188 = arith.cmpi ne, %convert_element_type3A_186, %cond3A_187 : i32
    scf.if %cond3A_188 {
      %mul3A_542 = arith.constant 80 : i32
      %mul3A_543 = arith.muli %add3A_183, %mul3A_542 : i32
      "tpu.region"() ({
        %run_scoped3A = tpu.sem_alloc : memref<!tpu.dma_semaphore, #tpu.memory_space<semaphore_mem>>
        %dma_start3A_544 = arith.constant 0 : i32
        %dma_start3A_545 = tpu.memref_slice %arg11[%mul3A_543, %dma_start3A_544] : memref<10000x128xf32, #tpu.memory_space<vmem_shared>> -> memref<80x128xf32, #tpu.memory_space<vmem_shared>>
        %dma_start3A_546 = arith.constant 0 : i32
        %dma_start3A_547 = tpu.memref_slice %arg11[%mul3A_543, %dma_start3A_546] : memref<10000x128xf32, #tpu.memory_space<vmem_shared>> -> memref<80x128xf32, #tpu.memory_space<vmem_shared>>
        tpu.enqueue_dma source(%arg8 : memref<80x128xf32, #tpu.memory_space<vmem>>) target(%dma_start3A_547 : memref<80x128xf32, #tpu.memory_space<vmem_shared>>) target_semaphore(%run_scoped3A : memref<!tpu.dma_semaphore, #tpu.memory_space<semaphore_mem>>)
        %dma_wait3A = arith.constant 0 : i32
        %dma_wait3A_548 = tpu.memref_slice %arg11[%mul3A_543, %dma_wait3A] : memref<10000x128xf32, #tpu.memory_space<vmem_shared>> -> memref<80x128xf32, #tpu.memory_space<vmem_shared>>
        %dma_wait3A_549 = arith.constant 0 : i32
        %dma_wait3A_550 = tpu.memref_slice %arg11[%mul3A_543, %dma_wait3A_549] : memref<10000x128xf32, #tpu.memory_space<vmem_shared>> -> memref<80x128xf32, #tpu.memory_space<vmem_shared>>
        tpu.wait_dma2 semaphore(%run_scoped3A : memref<!tpu.dma_semaphore, #tpu.memory_space<semaphore_mem>>) src(%arg8 : memref<80x128xf32, #tpu.memory_space<vmem>>) dst(%dma_wait3A_550 : memref<80x128xf32, #tpu.memory_space<vmem_shared>>)
        tpu.yield
      }) : () -> ()
    } else {
    }
    %add3A_189 = arith.constant 112 : i32
    %add3A_190 = arith.addi %arg1, %add3A_189 : i32
    %lt3A_191 = arith.constant 125 : i32
    %lt3A_192 = arith.cmpi slt, %add3A_190, %lt3A_191 : i32
    %convert_element_type3A_193 = arith.extui %lt3A_192 : i1 to i32
    %cond3A_194 = arith.constant 0 : i32
    %cond3A_195 = arith.cmpi ne, %convert_element_type3A_193, %cond3A_194 : i32
    scf.if %cond3A_195 {
      %mul3A_542 = arith.constant 80 : i32
      %mul3A_543 = arith.muli %add3A_190, %mul3A_542 : i32
      "tpu.region"() ({
        %run_scoped3A = tpu.sem_alloc : memref<!tpu.dma_semaphore, #tpu.memory_space<semaphore_mem>>
        %dma_start3A_544 = arith.constant 0 : i32
        %dma_start3A_545 = tpu.memref_slice %arg11[%mul3A_543, %dma_start3A_544] : memref<10000x128xf32, #tpu.memory_space<vmem_shared>> -> memref<80x128xf32, #tpu.memory_space<vmem_shared>>
        %dma_start3A_546 = arith.constant 0 : i32
        %dma_start3A_547 = tpu.memref_slice %arg11[%mul3A_543, %dma_start3A_546] : memref<10000x128xf32, #tpu.memory_space<vmem_shared>> -> memref<80x128xf32, #tpu.memory_space<vmem_shared>>
        tpu.enqueue_dma source(%arg8 : memref<80x128xf32, #tpu.memory_space<vmem>>) target(%dma_start3A_547 : memref<80x128xf32, #tpu.memory_space<vmem_shared>>) target_semaphore(%run_scoped3A : memref<!tpu.dma_semaphore, #tpu.memory_space<semaphore_mem>>)
        %dma_wait3A = arith.constant 0 : i32
        %dma_wait3A_548 = tpu.memref_slice %arg11[%mul3A_543, %dma_wait3A] : memref<10000x128xf32, #tpu.memory_space<vmem_shared>> -> memref<80x128xf32, #tpu.memory_space<vmem_shared>>
        %dma_wait3A_549 = arith.constant 0 : i32
        %dma_wait3A_550 = tpu.memref_slice %arg11[%mul3A_543, %dma_wait3A_549] : memref<10000x128xf32, #tpu.memory_space<vmem_shared>> -> memref<80x128xf32, #tpu.memory_space<vmem_shared>>
        tpu.wait_dma2 semaphore(%run_scoped3A : memref<!tpu.dma_semaphore, #tpu.memory_space<semaphore_mem>>) src(%arg8 : memref<80x128xf32, #tpu.memory_space<vmem>>) dst(%dma_wait3A_550 : memref<80x128xf32, #tpu.memory_space<vmem_shared>>)
        tpu.yield
      }) : () -> ()
    } else {
    }
    %barrier3A_196 = arith.constant 0 : index
    tpu.barrier barrier_id(%barrier3A_196)
    %add3A_197 = arith.constant 0 : i32
    %add3A_198 = arith.addi %mul3A_2, %add3A_197 : i32
    %dma_start3A_199 = arith.constant 1 : i32
    %dma_start3A_200 = arith.constant 0 : i32
    %dma_start3A_201 = tpu.memref_slice %arg2[%dma_start3A_199, %add3A_198, %dma_start3A_200] : memref<4x320000x128xf32, #tpu.memory_space<hbm>> -> memref<1x80x128xf32, #tpu.memory_space<hbm>>
    %dma_start3A_202 = tpu.memref_squeeze %dma_start3A_201 : memref<1x80x128xf32, #tpu.memory_space<hbm>> -> memref<80x128xf32, #tpu.memory_space<hbm>>
    %dma_start3A_203 = arith.constant 0 : i32
    %dma_start3A_204 = tpu.memref_slice %arg2[%dma_start3A_199, %add3A_198, %dma_start3A_203] : memref<4x320000x128xf32, #tpu.memory_space<hbm>> -> memref<1x80x128xf32, #tpu.memory_space<hbm>>
    %dma_start3A_205 = tpu.memref_squeeze %dma_start3A_204 : memref<1x80x128xf32, #tpu.memory_space<hbm>> -> memref<80x128xf32, #tpu.memory_space<hbm>>
    tpu.enqueue_dma source(%dma_start3A_205 : memref<80x128xf32, #tpu.memory_space<hbm>>) target(%arg6 : memref<80x128xf32, #tpu.memory_space<vmem>>) target_semaphore(%arg9 : memref<!tpu.dma_semaphore, #tpu.memory_space<semaphore_mem>>)
    %scan3A_206 = arith.constant 0 : i32
    %scan3A_207 = arith.constant 0 : i32
    %scan3A_208 = arith.constant 63 : i32
    %scan3A_209 = arith.addi %scan3A_207, %scan3A_208 : i32
    %scan3A_210 = arith.constant 1 : i32
    scf.for %scan3A_542 = %scan3A_207 to %scan3A_209 step %scan3A_210  : i32 {
      %mul3A_543 = arith.constant 2 : i32
      %mul3A_544 = arith.muli %scan3A_542, %mul3A_543 : i32
      %add3A_545 = arith.constant 0 : i32
      %add3A_546 = arith.addi %mul3A_544, %add3A_545 : i32
      %add3A_547 = arith.constant 1 : i32
      %add3A_548 = arith.addi %add3A_546, %add3A_547 : i32
      %lt3A_549 = arith.constant 125 : i32
      %lt3A_550 = arith.cmpi slt, %add3A_548, %lt3A_549 : i32
      %convert_element_type3A_551 = arith.extui %lt3A_550 : i1 to i32
      %cond3A_552 = arith.constant 0 : i32
      %cond3A_553 = arith.cmpi ne, %convert_element_type3A_551, %cond3A_552 : i32
      scf.if %cond3A_553 {
        %mul3A_575 = arith.constant 80 : i32
        %mul3A_576 = arith.muli %add3A_548, %mul3A_575 : i32
        %add3A_577 = arith.addi %mul3A_2, %mul3A_576 : i32
        %dma_start3A_578 = arith.constant 1 : i32
        %dma_start3A_579 = arith.constant 0 : i32
        %dma_start3A_580 = tpu.memref_slice %arg2[%dma_start3A_578, %add3A_577, %dma_start3A_579] : memref<4x320000x128xf32, #tpu.memory_space<hbm>> -> memref<1x80x128xf32, #tpu.memory_space<hbm>>
        %dma_start3A_581 = tpu.memref_squeeze %dma_start3A_580 : memref<1x80x128xf32, #tpu.memory_space<hbm>> -> memref<80x128xf32, #tpu.memory_space<hbm>>
        %dma_start3A_582 = arith.constant 0 : i32
        %dma_start3A_583 = tpu.memref_slice %arg2[%dma_start3A_578, %add3A_577, %dma_start3A_582] : memref<4x320000x128xf32, #tpu.memory_space<hbm>> -> memref<1x80x128xf32, #tpu.memory_space<hbm>>
        %dma_start3A_584 = tpu.memref_squeeze %dma_start3A_583 : memref<1x80x128xf32, #tpu.memory_space<hbm>> -> memref<80x128xf32, #tpu.memory_space<hbm>>
        tpu.enqueue_dma source(%dma_start3A_584 : memref<80x128xf32, #tpu.memory_space<hbm>>) target(%arg7 : memref<80x128xf32, #tpu.memory_space<vmem>>) target_semaphore(%arg10 : memref<!tpu.dma_semaphore, #tpu.memory_space<semaphore_mem>>)
      } else {
      }
      %lt3A_554 = arith.constant 125 : i32
      %lt3A_555 = arith.cmpi slt, %add3A_546, %lt3A_554 : i32
      %convert_element_type3A_556 = arith.extui %lt3A_555 : i1 to i32
      %cond3A_557 = arith.constant 0 : i32
      %cond3A_558 = arith.cmpi ne, %convert_element_type3A_556, %cond3A_557 : i32
      scf.if %cond3A_558 {
        %mul3A_575 = arith.constant 80 : i32
        %mul3A_576 = arith.muli %add3A_546, %mul3A_575 : i32
        %add3A_577 = arith.addi %mul3A_2, %mul3A_576 : i32
        %dma_wait3A = arith.constant 1 : i32
        %dma_wait3A_578 = arith.constant 0 : i32
        %dma_wait3A_579 = tpu.memref_slice %arg2[%dma_wait3A, %add3A_577, %dma_wait3A_578] : memref<4x320000x128xf32, #tpu.memory_space<hbm>> -> memref<1x80x128xf32, #tpu.memory_space<hbm>>
        %dma_wait3A_580 = tpu.memref_squeeze %dma_wait3A_579 : memref<1x80x128xf32, #tpu.memory_space<hbm>> -> memref<80x128xf32, #tpu.memory_space<hbm>>
        %dma_wait3A_581 = arith.constant 0 : i32
        %dma_wait3A_582 = tpu.memref_slice %arg2[%dma_wait3A, %add3A_577, %dma_wait3A_581] : memref<4x320000x128xf32, #tpu.memory_space<hbm>> -> memref<1x80x128xf32, #tpu.memory_space<hbm>>
        %dma_wait3A_583 = tpu.memref_squeeze %dma_wait3A_582 : memref<1x80x128xf32, #tpu.memory_space<hbm>> -> memref<80x128xf32, #tpu.memory_space<hbm>>
        tpu.wait_dma2 semaphore(%arg9 : memref<!tpu.dma_semaphore, #tpu.memory_space<semaphore_mem>>) src(%dma_wait3A_583 : memref<80x128xf32, #tpu.memory_space<hbm>>) dst(%arg6 : memref<80x128xf32, #tpu.memory_space<vmem>>)
        "tpu.region"() ({
          %run_scoped3A = tpu.sem_alloc : memref<!tpu.dma_semaphore, #tpu.memory_space<semaphore_mem>>
          %dma_start3A_584 = arith.constant 0 : i32
          %dma_start3A_585 = tpu.memref_slice %arg5[%add3A_546, %dma_start3A_584] : memref<125x80xi32, #tpu.memory_space<vmem>> -> memref<1x80xi32, #tpu.memory_space<vmem>>
          %dma_start3A_586 = tpu.memref_squeeze %dma_start3A_585 : memref<1x80xi32, #tpu.memory_space<vmem>> -> memref<80xi32, #tpu.memory_space<vmem>>
          %dma_start3A_587 = arith.constant 0 : i32
          %dma_start3A_588 = arith.constant 0 : i32
          %dma_start3A_589 = tpu.memref_slice %arg11[%dma_start3A_587, %dma_start3A_588] : memref<10000x128xf32, #tpu.memory_space<vmem_shared>> -> memref<10000x128xf32, #tpu.memory_space<vmem_shared>>
          tpu.enqueue_indirect_dma source(%arg6 : memref<80x128xf32, #tpu.memory_space<vmem>>) target(%dma_start3A_589 : memref<10000x128xf32, #tpu.memory_space<vmem_shared>>) offsets(%dma_start3A_586 : memref<80xi32, #tpu.memory_space<vmem>>) semaphore(%run_scoped3A : memref<!tpu.dma_semaphore, #tpu.memory_space<semaphore_mem>>) {add = true}
          %dma_wait3A_590 = arith.constant 0 : i32
          %dma_wait3A_591 = tpu.memref_slice %arg5[%add3A_546, %dma_wait3A_590] : memref<125x80xi32, #tpu.memory_space<vmem>> -> memref<1x80xi32, #tpu.memory_space<vmem>>
          %dma_wait3A_592 = tpu.memref_squeeze %dma_wait3A_591 : memref<1x80xi32, #tpu.memory_space<vmem>> -> memref<80xi32, #tpu.memory_space<vmem>>
          %dma_wait3A_593 = arith.constant 0 : i32
          %dma_wait3A_594 = arith.constant 0 : i32
          %dma_wait3A_595 = tpu.memref_slice %arg11[%dma_wait3A_593, %dma_wait3A_594] : memref<10000x128xf32, #tpu.memory_space<vmem_shared>> -> memref<10000x128xf32, #tpu.memory_space<vmem_shared>>
          tpu.wait_indirect_dma semaphore(%run_scoped3A : memref<!tpu.dma_semaphore, #tpu.memory_space<semaphore_mem>>) src(%arg6 : memref<80x128xf32, #tpu.memory_space<vmem>>) dst(%dma_wait3A_595 : memref<10000x128xf32, #tpu.memory_space<vmem_shared>>)
          tpu.yield
        }) : () -> ()
      } else {
      }
      %mul3A_559 = arith.constant 2 : i32
      %mul3A_560 = arith.muli %scan3A_542, %mul3A_559 : i32
      %add3A_561 = arith.constant 1 : i32
      %add3A_562 = arith.addi %mul3A_560, %add3A_561 : i32
      %add3A_563 = arith.constant 1 : i32
      %add3A_564 = arith.addi %add3A_562, %add3A_563 : i32
      %lt3A_565 = arith.constant 125 : i32
      %lt3A_566 = arith.cmpi slt, %add3A_564, %lt3A_565 : i32
      %convert_element_type3A_567 = arith.extui %lt3A_566 : i1 to i32
      %cond3A_568 = arith.constant 0 : i32
      %cond3A_569 = arith.cmpi ne, %convert_element_type3A_567, %cond3A_568 : i32
      scf.if %cond3A_569 {
        %mul3A_575 = arith.constant 80 : i32
        %mul3A_576 = arith.muli %add3A_564, %mul3A_575 : i32
        %add3A_577 = arith.addi %mul3A_2, %mul3A_576 : i32
        %dma_start3A_578 = arith.constant 1 : i32
        %dma_start3A_579 = arith.constant 0 : i32
        %dma_start3A_580 = tpu.memref_slice %arg2[%dma_start3A_578, %add3A_577, %dma_start3A_579] : memref<4x320000x128xf32, #tpu.memory_space<hbm>> -> memref<1x80x128xf32, #tpu.memory_space<hbm>>
        %dma_start3A_581 = tpu.memref_squeeze %dma_start3A_580 : memref<1x80x128xf32, #tpu.memory_space<hbm>> -> memref<80x128xf32, #tpu.memory_space<hbm>>
        %dma_start3A_582 = arith.constant 0 : i32
        %dma_start3A_583 = tpu.memref_slice %arg2[%dma_start3A_578, %add3A_577, %dma_start3A_582] : memref<4x320000x128xf32, #tpu.memory_space<hbm>> -> memref<1x80x128xf32, #tpu.memory_space<hbm>>
        %dma_start3A_584 = tpu.memref_squeeze %dma_start3A_583 : memref<1x80x128xf32, #tpu.memory_space<hbm>> -> memref<80x128xf32, #tpu.memory_space<hbm>>
        tpu.enqueue_dma source(%dma_start3A_584 : memref<80x128xf32, #tpu.memory_space<hbm>>) target(%arg6 : memref<80x128xf32, #tpu.memory_space<vmem>>) target_semaphore(%arg9 : memref<!tpu.dma_semaphore, #tpu.memory_space<semaphore_mem>>)
      } else {
      }
      %lt3A_570 = arith.constant 125 : i32
      %lt3A_571 = arith.cmpi slt, %add3A_562, %lt3A_570 : i32
      %convert_element_type3A_572 = arith.extui %lt3A_571 : i1 to i32
      %cond3A_573 = arith.constant 0 : i32
      %cond3A_574 = arith.cmpi ne, %convert_element_type3A_572, %cond3A_573 : i32
      scf.if %cond3A_574 {
        %mul3A_575 = arith.constant 80 : i32
        %mul3A_576 = arith.muli %add3A_562, %mul3A_575 : i32
        %add3A_577 = arith.addi %mul3A_2, %mul3A_576 : i32
        %dma_wait3A = arith.constant 1 : i32
        %dma_wait3A_578 = arith.constant 0 : i32
        %dma_wait3A_579 = tpu.memref_slice %arg2[%dma_wait3A, %add3A_577, %dma_wait3A_578] : memref<4x320000x128xf32, #tpu.memory_space<hbm>> -> memref<1x80x128xf32, #tpu.memory_space<hbm>>
        %dma_wait3A_580 = tpu.memref_squeeze %dma_wait3A_579 : memref<1x80x128xf32, #tpu.memory_space<hbm>> -> memref<80x128xf32, #tpu.memory_space<hbm>>
        %dma_wait3A_581 = arith.constant 0 : i32
        %dma_wait3A_582 = tpu.memref_slice %arg2[%dma_wait3A, %add3A_577, %dma_wait3A_581] : memref<4x320000x128xf32, #tpu.memory_space<hbm>> -> memref<1x80x128xf32, #tpu.memory_space<hbm>>
        %dma_wait3A_583 = tpu.memref_squeeze %dma_wait3A_582 : memref<1x80x128xf32, #tpu.memory_space<hbm>> -> memref<80x128xf32, #tpu.memory_space<hbm>>
        tpu.wait_dma2 semaphore(%arg10 : memref<!tpu.dma_semaphore, #tpu.memory_space<semaphore_mem>>) src(%dma_wait3A_583 : memref<80x128xf32, #tpu.memory_space<hbm>>) dst(%arg7 : memref<80x128xf32, #tpu.memory_space<vmem>>)
        "tpu.region"() ({
          %run_scoped3A = tpu.sem_alloc : memref<!tpu.dma_semaphore, #tpu.memory_space<semaphore_mem>>
          %dma_start3A_584 = arith.constant 0 : i32
          %dma_start3A_585 = tpu.memref_slice %arg5[%add3A_562, %dma_start3A_584] : memref<125x80xi32, #tpu.memory_space<vmem>> -> memref<1x80xi32, #tpu.memory_space<vmem>>
          %dma_start3A_586 = tpu.memref_squeeze %dma_start3A_585 : memref<1x80xi32, #tpu.memory_space<vmem>> -> memref<80xi32, #tpu.memory_space<vmem>>
          %dma_start3A_587 = arith.constant 0 : i32
          %dma_start3A_588 = arith.constant 0 : i32
          %dma_start3A_589 = tpu.memref_slice %arg11[%dma_start3A_587, %dma_start3A_588] : memref<10000x128xf32, #tpu.memory_space<vmem_shared>> -> memref<10000x128xf32, #tpu.memory_space<vmem_shared>>
          tpu.enqueue_indirect_dma source(%arg7 : memref<80x128xf32, #tpu.memory_space<vmem>>) target(%dma_start3A_589 : memref<10000x128xf32, #tpu.memory_space<vmem_shared>>) offsets(%dma_start3A_586 : memref<80xi32, #tpu.memory_space<vmem>>) semaphore(%run_scoped3A : memref<!tpu.dma_semaphore, #tpu.memory_space<semaphore_mem>>) {add = true}
          %dma_wait3A_590 = arith.constant 0 : i32
          %dma_wait3A_591 = tpu.memref_slice %arg5[%add3A_562, %dma_wait3A_590] : memref<125x80xi32, #tpu.memory_space<vmem>> -> memref<1x80xi32, #tpu.memory_space<vmem>>
          %dma_wait3A_592 = tpu.memref_squeeze %dma_wait3A_591 : memref<1x80xi32, #tpu.memory_space<vmem>> -> memref<80xi32, #tpu.memory_space<vmem>>
          %dma_wait3A_593 = arith.constant 0 : i32
          %dma_wait3A_594 = arith.constant 0 : i32
          %dma_wait3A_595 = tpu.memref_slice %arg11[%dma_wait3A_593, %dma_wait3A_594] : memref<10000x128xf32, #tpu.memory_space<vmem_shared>> -> memref<10000x128xf32, #tpu.memory_space<vmem_shared>>
          tpu.wait_indirect_dma semaphore(%run_scoped3A : memref<!tpu.dma_semaphore, #tpu.memory_space<semaphore_mem>>) src(%arg7 : memref<80x128xf32, #tpu.memory_space<vmem>>) dst(%dma_wait3A_595 : memref<10000x128xf32, #tpu.memory_space<vmem_shared>>)
          tpu.yield
        }) : () -> ()
      } else {
      }
    }
    %scan3A_211 = arith.constant 63 : i32
    %barrier3A_212 = arith.constant 0 : index
    tpu.barrier barrier_id(%barrier3A_212)
    %add3A_213 = arith.constant 0 : i32
    %add3A_214 = arith.addi %arg1, %add3A_213 : i32
    %lt3A_215 = arith.constant 125 : i32
    %lt3A_216 = arith.cmpi slt, %add3A_214, %lt3A_215 : i32
    %convert_element_type3A_217 = arith.extui %lt3A_216 : i1 to i32
    %cond3A_218 = arith.constant 0 : i32
    %cond3A_219 = arith.cmpi ne, %convert_element_type3A_217, %cond3A_218 : i32
    scf.if %cond3A_219 {
      %mul3A_542 = arith.constant 80 : i32
      %mul3A_543 = arith.muli %add3A_214, %mul3A_542 : i32
      "tpu.region"() ({
        %run_scoped3A_544 = tpu.sem_alloc : memref<!tpu.dma_semaphore, #tpu.memory_space<semaphore_mem>>
        %dma_start3A_545 = arith.constant 0 : i32
        %dma_start3A_546 = tpu.memref_slice %arg11[%mul3A_543, %dma_start3A_545] : memref<10000x128xf32, #tpu.memory_space<vmem_shared>> -> memref<80x128xf32, #tpu.memory_space<vmem_shared>>
        %dma_start3A_547 = arith.constant 0 : i32
        %dma_start3A_548 = tpu.memref_slice %arg11[%mul3A_543, %dma_start3A_547] : memref<10000x128xf32, #tpu.memory_space<vmem_shared>> -> memref<80x128xf32, #tpu.memory_space<vmem_shared>>
        tpu.enqueue_dma source(%dma_start3A_548 : memref<80x128xf32, #tpu.memory_space<vmem_shared>>) target(%arg8 : memref<80x128xf32, #tpu.memory_space<vmem>>) target_semaphore(%run_scoped3A_544 : memref<!tpu.dma_semaphore, #tpu.memory_space<semaphore_mem>>)
        %dma_wait3A = arith.constant 0 : i32
        %dma_wait3A_549 = tpu.memref_slice %arg11[%mul3A_543, %dma_wait3A] : memref<10000x128xf32, #tpu.memory_space<vmem_shared>> -> memref<80x128xf32, #tpu.memory_space<vmem_shared>>
        %dma_wait3A_550 = arith.constant 0 : i32
        %dma_wait3A_551 = tpu.memref_slice %arg11[%mul3A_543, %dma_wait3A_550] : memref<10000x128xf32, #tpu.memory_space<vmem_shared>> -> memref<80x128xf32, #tpu.memory_space<vmem_shared>>
        tpu.wait_dma2 semaphore(%run_scoped3A_544 : memref<!tpu.dma_semaphore, #tpu.memory_space<semaphore_mem>>) src(%dma_wait3A_551 : memref<80x128xf32, #tpu.memory_space<vmem_shared>>) dst(%arg8 : memref<80x128xf32, #tpu.memory_space<vmem>>)
        tpu.yield
      }) : () -> ()
      %run_scoped3A = arith.constant 1 : i32
      "tpu.region"() ({
        %run_scoped3A_544 = tpu.sem_alloc : memref<!tpu.dma_semaphore, #tpu.memory_space<semaphore_mem>>
        %dma_start3A_545 = arith.constant 0 : i32
        %dma_start3A_546 = tpu.memref_slice %arg4[%arg0, %run_scoped3A, %mul3A_543, %dma_start3A_545] : memref<2x4x10000x128xf32, #tpu.memory_space<hbm>> -> memref<1x1x80x128xf32, #tpu.memory_space<hbm>>
        %dma_start3A_547 = tpu.memref_squeeze %dma_start3A_546 : memref<1x1x80x128xf32, #tpu.memory_space<hbm>> -> memref<80x128xf32, #tpu.memory_space<hbm>>
        %dma_start3A_548 = arith.constant 0 : i32
        %dma_start3A_549 = tpu.memref_slice %arg4[%arg0, %run_scoped3A, %mul3A_543, %dma_start3A_548] : memref<2x4x10000x128xf32, #tpu.memory_space<hbm>> -> memref<1x1x80x128xf32, #tpu.memory_space<hbm>>
        %dma_start3A_550 = tpu.memref_squeeze %dma_start3A_549 : memref<1x1x80x128xf32, #tpu.memory_space<hbm>> -> memref<80x128xf32, #tpu.memory_space<hbm>>
        tpu.enqueue_dma source(%arg8 : memref<80x128xf32, #tpu.memory_space<vmem>>) target(%dma_start3A_550 : memref<80x128xf32, #tpu.memory_space<hbm>>) target_semaphore(%run_scoped3A_544 : memref<!tpu.dma_semaphore, #tpu.memory_space<semaphore_mem>>)
        %dma_wait3A = arith.constant 0 : i32
        %dma_wait3A_551 = tpu.memref_slice %arg4[%arg0, %run_scoped3A, %mul3A_543, %dma_wait3A] : memref<2x4x10000x128xf32, #tpu.memory_space<hbm>> -> memref<1x1x80x128xf32, #tpu.memory_space<hbm>>
        %dma_wait3A_552 = tpu.memref_squeeze %dma_wait3A_551 : memref<1x1x80x128xf32, #tpu.memory_space<hbm>> -> memref<80x128xf32, #tpu.memory_space<hbm>>
        %dma_wait3A_553 = arith.constant 0 : i32
        %dma_wait3A_554 = tpu.memref_slice %arg4[%arg0, %run_scoped3A, %mul3A_543, %dma_wait3A_553] : memref<2x4x10000x128xf32, #tpu.memory_space<hbm>> -> memref<1x1x80x128xf32, #tpu.memory_space<hbm>>
        %dma_wait3A_555 = tpu.memref_squeeze %dma_wait3A_554 : memref<1x1x80x128xf32, #tpu.memory_space<hbm>> -> memref<80x128xf32, #tpu.memory_space<hbm>>
        tpu.wait_dma2 semaphore(%run_scoped3A_544 : memref<!tpu.dma_semaphore, #tpu.memory_space<semaphore_mem>>) src(%arg8 : memref<80x128xf32, #tpu.memory_space<vmem>>) dst(%dma_wait3A_555 : memref<80x128xf32, #tpu.memory_space<hbm>>)
        tpu.yield
      }) : () -> ()
    } else {
    }
    %add3A_220 = arith.constant 16 : i32
    %add3A_221 = arith.addi %arg1, %add3A_220 : i32
    %lt3A_222 = arith.constant 125 : i32
    %lt3A_223 = arith.cmpi slt, %add3A_221, %lt3A_222 : i32
    %convert_element_type3A_224 = arith.extui %lt3A_223 : i1 to i32
    %cond3A_225 = arith.constant 0 : i32
    %cond3A_226 = arith.cmpi ne, %convert_element_type3A_224, %cond3A_225 : i32
    scf.if %cond3A_226 {
      %mul3A_542 = arith.constant 80 : i32
      %mul3A_543 = arith.muli %add3A_221, %mul3A_542 : i32
      "tpu.region"() ({
        %run_scoped3A_544 = tpu.sem_alloc : memref<!tpu.dma_semaphore, #tpu.memory_space<semaphore_mem>>
        %dma_start3A_545 = arith.constant 0 : i32
        %dma_start3A_546 = tpu.memref_slice %arg11[%mul3A_543, %dma_start3A_545] : memref<10000x128xf32, #tpu.memory_space<vmem_shared>> -> memref<80x128xf32, #tpu.memory_space<vmem_shared>>
        %dma_start3A_547 = arith.constant 0 : i32
        %dma_start3A_548 = tpu.memref_slice %arg11[%mul3A_543, %dma_start3A_547] : memref<10000x128xf32, #tpu.memory_space<vmem_shared>> -> memref<80x128xf32, #tpu.memory_space<vmem_shared>>
        tpu.enqueue_dma source(%dma_start3A_548 : memref<80x128xf32, #tpu.memory_space<vmem_shared>>) target(%arg8 : memref<80x128xf32, #tpu.memory_space<vmem>>) target_semaphore(%run_scoped3A_544 : memref<!tpu.dma_semaphore, #tpu.memory_space<semaphore_mem>>)
        %dma_wait3A = arith.constant 0 : i32
        %dma_wait3A_549 = tpu.memref_slice %arg11[%mul3A_543, %dma_wait3A] : memref<10000x128xf32, #tpu.memory_space<vmem_shared>> -> memref<80x128xf32, #tpu.memory_space<vmem_shared>>
        %dma_wait3A_550 = arith.constant 0 : i32
        %dma_wait3A_551 = tpu.memref_slice %arg11[%mul3A_543, %dma_wait3A_550] : memref<10000x128xf32, #tpu.memory_space<vmem_shared>> -> memref<80x128xf32, #tpu.memory_space<vmem_shared>>
        tpu.wait_dma2 semaphore(%run_scoped3A_544 : memref<!tpu.dma_semaphore, #tpu.memory_space<semaphore_mem>>) src(%dma_wait3A_551 : memref<80x128xf32, #tpu.memory_space<vmem_shared>>) dst(%arg8 : memref<80x128xf32, #tpu.memory_space<vmem>>)
        tpu.yield
      }) : () -> ()
      %run_scoped3A = arith.constant 1 : i32
      "tpu.region"() ({
        %run_scoped3A_544 = tpu.sem_alloc : memref<!tpu.dma_semaphore, #tpu.memory_space<semaphore_mem>>
        %dma_start3A_545 = arith.constant 0 : i32
        %dma_start3A_546 = tpu.memref_slice %arg4[%arg0, %run_scoped3A, %mul3A_543, %dma_start3A_545] : memref<2x4x10000x128xf32, #tpu.memory_space<hbm>> -> memref<1x1x80x128xf32, #tpu.memory_space<hbm>>
        %dma_start3A_547 = tpu.memref_squeeze %dma_start3A_546 : memref<1x1x80x128xf32, #tpu.memory_space<hbm>> -> memref<80x128xf32, #tpu.memory_space<hbm>>
        %dma_start3A_548 = arith.constant 0 : i32
        %dma_start3A_549 = tpu.memref_slice %arg4[%arg0, %run_scoped3A, %mul3A_543, %dma_start3A_548] : memref<2x4x10000x128xf32, #tpu.memory_space<hbm>> -> memref<1x1x80x128xf32, #tpu.memory_space<hbm>>
        %dma_start3A_550 = tpu.memref_squeeze %dma_start3A_549 : memref<1x1x80x128xf32, #tpu.memory_space<hbm>> -> memref<80x128xf32, #tpu.memory_space<hbm>>
        tpu.enqueue_dma source(%arg8 : memref<80x128xf32, #tpu.memory_space<vmem>>) target(%dma_start3A_550 : memref<80x128xf32, #tpu.memory_space<hbm>>) target_semaphore(%run_scoped3A_544 : memref<!tpu.dma_semaphore, #tpu.memory_space<semaphore_mem>>)
        %dma_wait3A = arith.constant 0 : i32
        %dma_wait3A_551 = tpu.memref_slice %arg4[%arg0, %run_scoped3A, %mul3A_543, %dma_wait3A] : memref<2x4x10000x128xf32, #tpu.memory_space<hbm>> -> memref<1x1x80x128xf32, #tpu.memory_space<hbm>>
        %dma_wait3A_552 = tpu.memref_squeeze %dma_wait3A_551 : memref<1x1x80x128xf32, #tpu.memory_space<hbm>> -> memref<80x128xf32, #tpu.memory_space<hbm>>
        %dma_wait3A_553 = arith.constant 0 : i32
        %dma_wait3A_554 = tpu.memref_slice %arg4[%arg0, %run_scoped3A, %mul3A_543, %dma_wait3A_553] : memref<2x4x10000x128xf32, #tpu.memory_space<hbm>> -> memref<1x1x80x128xf32, #tpu.memory_space<hbm>>
        %dma_wait3A_555 = tpu.memref_squeeze %dma_wait3A_554 : memref<1x1x80x128xf32, #tpu.memory_space<hbm>> -> memref<80x128xf32, #tpu.memory_space<hbm>>
        tpu.wait_dma2 semaphore(%run_scoped3A_544 : memref<!tpu.dma_semaphore, #tpu.memory_space<semaphore_mem>>) src(%arg8 : memref<80x128xf32, #tpu.memory_space<vmem>>) dst(%dma_wait3A_555 : memref<80x128xf32, #tpu.memory_space<hbm>>)
        tpu.yield
      }) : () -> ()
    } else {
    }
    %add3A_227 = arith.constant 32 : i32
    %add3A_228 = arith.addi %arg1, %add3A_227 : i32
    %lt3A_229 = arith.constant 125 : i32
    %lt3A_230 = arith.cmpi slt, %add3A_228, %lt3A_229 : i32
    %convert_element_type3A_231 = arith.extui %lt3A_230 : i1 to i32
    %cond3A_232 = arith.constant 0 : i32
    %cond3A_233 = arith.cmpi ne, %convert_element_type3A_231, %cond3A_232 : i32
    scf.if %cond3A_233 {
      %mul3A_542 = arith.constant 80 : i32
      %mul3A_543 = arith.muli %add3A_228, %mul3A_542 : i32
      "tpu.region"() ({
        %run_scoped3A_544 = tpu.sem_alloc : memref<!tpu.dma_semaphore, #tpu.memory_space<semaphore_mem>>
        %dma_start3A_545 = arith.constant 0 : i32
        %dma_start3A_546 = tpu.memref_slice %arg11[%mul3A_543, %dma_start3A_545] : memref<10000x128xf32, #tpu.memory_space<vmem_shared>> -> memref<80x128xf32, #tpu.memory_space<vmem_shared>>
        %dma_start3A_547 = arith.constant 0 : i32
        %dma_start3A_548 = tpu.memref_slice %arg11[%mul3A_543, %dma_start3A_547] : memref<10000x128xf32, #tpu.memory_space<vmem_shared>> -> memref<80x128xf32, #tpu.memory_space<vmem_shared>>
        tpu.enqueue_dma source(%dma_start3A_548 : memref<80x128xf32, #tpu.memory_space<vmem_shared>>) target(%arg8 : memref<80x128xf32, #tpu.memory_space<vmem>>) target_semaphore(%run_scoped3A_544 : memref<!tpu.dma_semaphore, #tpu.memory_space<semaphore_mem>>)
        %dma_wait3A = arith.constant 0 : i32
        %dma_wait3A_549 = tpu.memref_slice %arg11[%mul3A_543, %dma_wait3A] : memref<10000x128xf32, #tpu.memory_space<vmem_shared>> -> memref<80x128xf32, #tpu.memory_space<vmem_shared>>
        %dma_wait3A_550 = arith.constant 0 : i32
        %dma_wait3A_551 = tpu.memref_slice %arg11[%mul3A_543, %dma_wait3A_550] : memref<10000x128xf32, #tpu.memory_space<vmem_shared>> -> memref<80x128xf32, #tpu.memory_space<vmem_shared>>
        tpu.wait_dma2 semaphore(%run_scoped3A_544 : memref<!tpu.dma_semaphore, #tpu.memory_space<semaphore_mem>>) src(%dma_wait3A_551 : memref<80x128xf32, #tpu.memory_space<vmem_shared>>) dst(%arg8 : memref<80x128xf32, #tpu.memory_space<vmem>>)
        tpu.yield
      }) : () -> ()
      %run_scoped3A = arith.constant 1 : i32
      "tpu.region"() ({
        %run_scoped3A_544 = tpu.sem_alloc : memref<!tpu.dma_semaphore, #tpu.memory_space<semaphore_mem>>
        %dma_start3A_545 = arith.constant 0 : i32
        %dma_start3A_546 = tpu.memref_slice %arg4[%arg0, %run_scoped3A, %mul3A_543, %dma_start3A_545] : memref<2x4x10000x128xf32, #tpu.memory_space<hbm>> -> memref<1x1x80x128xf32, #tpu.memory_space<hbm>>
        %dma_start3A_547 = tpu.memref_squeeze %dma_start3A_546 : memref<1x1x80x128xf32, #tpu.memory_space<hbm>> -> memref<80x128xf32, #tpu.memory_space<hbm>>
        %dma_start3A_548 = arith.constant 0 : i32
        %dma_start3A_549 = tpu.memref_slice %arg4[%arg0, %run_scoped3A, %mul3A_543, %dma_start3A_548] : memref<2x4x10000x128xf32, #tpu.memory_space<hbm>> -> memref<1x1x80x128xf32, #tpu.memory_space<hbm>>
        %dma_start3A_550 = tpu.memref_squeeze %dma_start3A_549 : memref<1x1x80x128xf32, #tpu.memory_space<hbm>> -> memref<80x128xf32, #tpu.memory_space<hbm>>
        tpu.enqueue_dma source(%arg8 : memref<80x128xf32, #tpu.memory_space<vmem>>) target(%dma_start3A_550 : memref<80x128xf32, #tpu.memory_space<hbm>>) target_semaphore(%run_scoped3A_544 : memref<!tpu.dma_semaphore, #tpu.memory_space<semaphore_mem>>)
        %dma_wait3A = arith.constant 0 : i32
        %dma_wait3A_551 = tpu.memref_slice %arg4[%arg0, %run_scoped3A, %mul3A_543, %dma_wait3A] : memref<2x4x10000x128xf32, #tpu.memory_space<hbm>> -> memref<1x1x80x128xf32, #tpu.memory_space<hbm>>
        %dma_wait3A_552 = tpu.memref_squeeze %dma_wait3A_551 : memref<1x1x80x128xf32, #tpu.memory_space<hbm>> -> memref<80x128xf32, #tpu.memory_space<hbm>>
        %dma_wait3A_553 = arith.constant 0 : i32
        %dma_wait3A_554 = tpu.memref_slice %arg4[%arg0, %run_scoped3A, %mul3A_543, %dma_wait3A_553] : memref<2x4x10000x128xf32, #tpu.memory_space<hbm>> -> memref<1x1x80x128xf32, #tpu.memory_space<hbm>>
        %dma_wait3A_555 = tpu.memref_squeeze %dma_wait3A_554 : memref<1x1x80x128xf32, #tpu.memory_space<hbm>> -> memref<80x128xf32, #tpu.memory_space<hbm>>
        tpu.wait_dma2 semaphore(%run_scoped3A_544 : memref<!tpu.dma_semaphore, #tpu.memory_space<semaphore_mem>>) src(%arg8 : memref<80x128xf32, #tpu.memory_space<vmem>>) dst(%dma_wait3A_555 : memref<80x128xf32, #tpu.memory_space<hbm>>)
        tpu.yield
      }) : () -> ()
    } else {
    }
    %add3A_234 = arith.constant 48 : i32
    %add3A_235 = arith.addi %arg1, %add3A_234 : i32
    %lt3A_236 = arith.constant 125 : i32
    %lt3A_237 = arith.cmpi slt, %add3A_235, %lt3A_236 : i32
    %convert_element_type3A_238 = arith.extui %lt3A_237 : i1 to i32
    %cond3A_239 = arith.constant 0 : i32
    %cond3A_240 = arith.cmpi ne, %convert_element_type3A_238, %cond3A_239 : i32
    scf.if %cond3A_240 {
      %mul3A_542 = arith.constant 80 : i32
      %mul3A_543 = arith.muli %add3A_235, %mul3A_542 : i32
      "tpu.region"() ({
        %run_scoped3A_544 = tpu.sem_alloc : memref<!tpu.dma_semaphore, #tpu.memory_space<semaphore_mem>>
        %dma_start3A_545 = arith.constant 0 : i32
        %dma_start3A_546 = tpu.memref_slice %arg11[%mul3A_543, %dma_start3A_545] : memref<10000x128xf32, #tpu.memory_space<vmem_shared>> -> memref<80x128xf32, #tpu.memory_space<vmem_shared>>
        %dma_start3A_547 = arith.constant 0 : i32
        %dma_start3A_548 = tpu.memref_slice %arg11[%mul3A_543, %dma_start3A_547] : memref<10000x128xf32, #tpu.memory_space<vmem_shared>> -> memref<80x128xf32, #tpu.memory_space<vmem_shared>>
        tpu.enqueue_dma source(%dma_start3A_548 : memref<80x128xf32, #tpu.memory_space<vmem_shared>>) target(%arg8 : memref<80x128xf32, #tpu.memory_space<vmem>>) target_semaphore(%run_scoped3A_544 : memref<!tpu.dma_semaphore, #tpu.memory_space<semaphore_mem>>)
        %dma_wait3A = arith.constant 0 : i32
        %dma_wait3A_549 = tpu.memref_slice %arg11[%mul3A_543, %dma_wait3A] : memref<10000x128xf32, #tpu.memory_space<vmem_shared>> -> memref<80x128xf32, #tpu.memory_space<vmem_shared>>
        %dma_wait3A_550 = arith.constant 0 : i32
        %dma_wait3A_551 = tpu.memref_slice %arg11[%mul3A_543, %dma_wait3A_550] : memref<10000x128xf32, #tpu.memory_space<vmem_shared>> -> memref<80x128xf32, #tpu.memory_space<vmem_shared>>
        tpu.wait_dma2 semaphore(%run_scoped3A_544 : memref<!tpu.dma_semaphore, #tpu.memory_space<semaphore_mem>>) src(%dma_wait3A_551 : memref<80x128xf32, #tpu.memory_space<vmem_shared>>) dst(%arg8 : memref<80x128xf32, #tpu.memory_space<vmem>>)
        tpu.yield
      }) : () -> ()
      %run_scoped3A = arith.constant 1 : i32
      "tpu.region"() ({
        %run_scoped3A_544 = tpu.sem_alloc : memref<!tpu.dma_semaphore, #tpu.memory_space<semaphore_mem>>
        %dma_start3A_545 = arith.constant 0 : i32
        %dma_start3A_546 = tpu.memref_slice %arg4[%arg0, %run_scoped3A, %mul3A_543, %dma_start3A_545] : memref<2x4x10000x128xf32, #tpu.memory_space<hbm>> -> memref<1x1x80x128xf32, #tpu.memory_space<hbm>>
        %dma_start3A_547 = tpu.memref_squeeze %dma_start3A_546 : memref<1x1x80x128xf32, #tpu.memory_space<hbm>> -> memref<80x128xf32, #tpu.memory_space<hbm>>
        %dma_start3A_548 = arith.constant 0 : i32
        %dma_start3A_549 = tpu.memref_slice %arg4[%arg0, %run_scoped3A, %mul3A_543, %dma_start3A_548] : memref<2x4x10000x128xf32, #tpu.memory_space<hbm>> -> memref<1x1x80x128xf32, #tpu.memory_space<hbm>>
        %dma_start3A_550 = tpu.memref_squeeze %dma_start3A_549 : memref<1x1x80x128xf32, #tpu.memory_space<hbm>> -> memref<80x128xf32, #tpu.memory_space<hbm>>
        tpu.enqueue_dma source(%arg8 : memref<80x128xf32, #tpu.memory_space<vmem>>) target(%dma_start3A_550 : memref<80x128xf32, #tpu.memory_space<hbm>>) target_semaphore(%run_scoped3A_544 : memref<!tpu.dma_semaphore, #tpu.memory_space<semaphore_mem>>)
        %dma_wait3A = arith.constant 0 : i32
        %dma_wait3A_551 = tpu.memref_slice %arg4[%arg0, %run_scoped3A, %mul3A_543, %dma_wait3A] : memref<2x4x10000x128xf32, #tpu.memory_space<hbm>> -> memref<1x1x80x128xf32, #tpu.memory_space<hbm>>
        %dma_wait3A_552 = tpu.memref_squeeze %dma_wait3A_551 : memref<1x1x80x128xf32, #tpu.memory_space<hbm>> -> memref<80x128xf32, #tpu.memory_space<hbm>>
        %dma_wait3A_553 = arith.constant 0 : i32
        %dma_wait3A_554 = tpu.memref_slice %arg4[%arg0, %run_scoped3A, %mul3A_543, %dma_wait3A_553] : memref<2x4x10000x128xf32, #tpu.memory_space<hbm>> -> memref<1x1x80x128xf32, #tpu.memory_space<hbm>>
        %dma_wait3A_555 = tpu.memref_squeeze %dma_wait3A_554 : memref<1x1x80x128xf32, #tpu.memory_space<hbm>> -> memref<80x128xf32, #tpu.memory_space<hbm>>
        tpu.wait_dma2 semaphore(%run_scoped3A_544 : memref<!tpu.dma_semaphore, #tpu.memory_space<semaphore_mem>>) src(%arg8 : memref<80x128xf32, #tpu.memory_space<vmem>>) dst(%dma_wait3A_555 : memref<80x128xf32, #tpu.memory_space<hbm>>)
        tpu.yield
      }) : () -> ()
    } else {
    }
    %add3A_241 = arith.constant 64 : i32
    %add3A_242 = arith.addi %arg1, %add3A_241 : i32
    %lt3A_243 = arith.constant 125 : i32
    %lt3A_244 = arith.cmpi slt, %add3A_242, %lt3A_243 : i32
    %convert_element_type3A_245 = arith.extui %lt3A_244 : i1 to i32
    %cond3A_246 = arith.constant 0 : i32
    %cond3A_247 = arith.cmpi ne, %convert_element_type3A_245, %cond3A_246 : i32
    scf.if %cond3A_247 {
      %mul3A_542 = arith.constant 80 : i32
      %mul3A_543 = arith.muli %add3A_242, %mul3A_542 : i32
      "tpu.region"() ({
        %run_scoped3A_544 = tpu.sem_alloc : memref<!tpu.dma_semaphore, #tpu.memory_space<semaphore_mem>>
        %dma_start3A_545 = arith.constant 0 : i32
        %dma_start3A_546 = tpu.memref_slice %arg11[%mul3A_543, %dma_start3A_545] : memref<10000x128xf32, #tpu.memory_space<vmem_shared>> -> memref<80x128xf32, #tpu.memory_space<vmem_shared>>
        %dma_start3A_547 = arith.constant 0 : i32
        %dma_start3A_548 = tpu.memref_slice %arg11[%mul3A_543, %dma_start3A_547] : memref<10000x128xf32, #tpu.memory_space<vmem_shared>> -> memref<80x128xf32, #tpu.memory_space<vmem_shared>>
        tpu.enqueue_dma source(%dma_start3A_548 : memref<80x128xf32, #tpu.memory_space<vmem_shared>>) target(%arg8 : memref<80x128xf32, #tpu.memory_space<vmem>>) target_semaphore(%run_scoped3A_544 : memref<!tpu.dma_semaphore, #tpu.memory_space<semaphore_mem>>)
        %dma_wait3A = arith.constant 0 : i32
        %dma_wait3A_549 = tpu.memref_slice %arg11[%mul3A_543, %dma_wait3A] : memref<10000x128xf32, #tpu.memory_space<vmem_shared>> -> memref<80x128xf32, #tpu.memory_space<vmem_shared>>
        %dma_wait3A_550 = arith.constant 0 : i32
        %dma_wait3A_551 = tpu.memref_slice %arg11[%mul3A_543, %dma_wait3A_550] : memref<10000x128xf32, #tpu.memory_space<vmem_shared>> -> memref<80x128xf32, #tpu.memory_space<vmem_shared>>
        tpu.wait_dma2 semaphore(%run_scoped3A_544 : memref<!tpu.dma_semaphore, #tpu.memory_space<semaphore_mem>>) src(%dma_wait3A_551 : memref<80x128xf32, #tpu.memory_space<vmem_shared>>) dst(%arg8 : memref<80x128xf32, #tpu.memory_space<vmem>>)
        tpu.yield
      }) : () -> ()
      %run_scoped3A = arith.constant 1 : i32
      "tpu.region"() ({
        %run_scoped3A_544 = tpu.sem_alloc : memref<!tpu.dma_semaphore, #tpu.memory_space<semaphore_mem>>
        %dma_start3A_545 = arith.constant 0 : i32
        %dma_start3A_546 = tpu.memref_slice %arg4[%arg0, %run_scoped3A, %mul3A_543, %dma_start3A_545] : memref<2x4x10000x128xf32, #tpu.memory_space<hbm>> -> memref<1x1x80x128xf32, #tpu.memory_space<hbm>>
        %dma_start3A_547 = tpu.memref_squeeze %dma_start3A_546 : memref<1x1x80x128xf32, #tpu.memory_space<hbm>> -> memref<80x128xf32, #tpu.memory_space<hbm>>
        %dma_start3A_548 = arith.constant 0 : i32
        %dma_start3A_549 = tpu.memref_slice %arg4[%arg0, %run_scoped3A, %mul3A_543, %dma_start3A_548] : memref<2x4x10000x128xf32, #tpu.memory_space<hbm>> -> memref<1x1x80x128xf32, #tpu.memory_space<hbm>>
        %dma_start3A_550 = tpu.memref_squeeze %dma_start3A_549 : memref<1x1x80x128xf32, #tpu.memory_space<hbm>> -> memref<80x128xf32, #tpu.memory_space<hbm>>
        tpu.enqueue_dma source(%arg8 : memref<80x128xf32, #tpu.memory_space<vmem>>) target(%dma_start3A_550 : memref<80x128xf32, #tpu.memory_space<hbm>>) target_semaphore(%run_scoped3A_544 : memref<!tpu.dma_semaphore, #tpu.memory_space<semaphore_mem>>)
        %dma_wait3A = arith.constant 0 : i32
        %dma_wait3A_551 = tpu.memref_slice %arg4[%arg0, %run_scoped3A, %mul3A_543, %dma_wait3A] : memref<2x4x10000x128xf32, #tpu.memory_space<hbm>> -> memref<1x1x80x128xf32, #tpu.memory_space<hbm>>
        %dma_wait3A_552 = tpu.memref_squeeze %dma_wait3A_551 : memref<1x1x80x128xf32, #tpu.memory_space<hbm>> -> memref<80x128xf32, #tpu.memory_space<hbm>>
        %dma_wait3A_553 = arith.constant 0 : i32
        %dma_wait3A_554 = tpu.memref_slice %arg4[%arg0, %run_scoped3A, %mul3A_543, %dma_wait3A_553] : memref<2x4x10000x128xf32, #tpu.memory_space<hbm>> -> memref<1x1x80x128xf32, #tpu.memory_space<hbm>>
        %dma_wait3A_555 = tpu.memref_squeeze %dma_wait3A_554 : memref<1x1x80x128xf32, #tpu.memory_space<hbm>> -> memref<80x128xf32, #tpu.memory_space<hbm>>
        tpu.wait_dma2 semaphore(%run_scoped3A_544 : memref<!tpu.dma_semaphore, #tpu.memory_space<semaphore_mem>>) src(%arg8 : memref<80x128xf32, #tpu.memory_space<vmem>>) dst(%dma_wait3A_555 : memref<80x128xf32, #tpu.memory_space<hbm>>)
        tpu.yield
      }) : () -> ()
    } else {
    }
    %add3A_248 = arith.constant 80 : i32
    %add3A_249 = arith.addi %arg1, %add3A_248 : i32
    %lt3A_250 = arith.constant 125 : i32
    %lt3A_251 = arith.cmpi slt, %add3A_249, %lt3A_250 : i32
    %convert_element_type3A_252 = arith.extui %lt3A_251 : i1 to i32
    %cond3A_253 = arith.constant 0 : i32
    %cond3A_254 = arith.cmpi ne, %convert_element_type3A_252, %cond3A_253 : i32
    scf.if %cond3A_254 {
      %mul3A_542 = arith.constant 80 : i32
      %mul3A_543 = arith.muli %add3A_249, %mul3A_542 : i32
      "tpu.region"() ({
        %run_scoped3A_544 = tpu.sem_alloc : memref<!tpu.dma_semaphore, #tpu.memory_space<semaphore_mem>>
        %dma_start3A_545 = arith.constant 0 : i32
        %dma_start3A_546 = tpu.memref_slice %arg11[%mul3A_543, %dma_start3A_545] : memref<10000x128xf32, #tpu.memory_space<vmem_shared>> -> memref<80x128xf32, #tpu.memory_space<vmem_shared>>
        %dma_start3A_547 = arith.constant 0 : i32
        %dma_start3A_548 = tpu.memref_slice %arg11[%mul3A_543, %dma_start3A_547] : memref<10000x128xf32, #tpu.memory_space<vmem_shared>> -> memref<80x128xf32, #tpu.memory_space<vmem_shared>>
        tpu.enqueue_dma source(%dma_start3A_548 : memref<80x128xf32, #tpu.memory_space<vmem_shared>>) target(%arg8 : memref<80x128xf32, #tpu.memory_space<vmem>>) target_semaphore(%run_scoped3A_544 : memref<!tpu.dma_semaphore, #tpu.memory_space<semaphore_mem>>)
        %dma_wait3A = arith.constant 0 : i32
        %dma_wait3A_549 = tpu.memref_slice %arg11[%mul3A_543, %dma_wait3A] : memref<10000x128xf32, #tpu.memory_space<vmem_shared>> -> memref<80x128xf32, #tpu.memory_space<vmem_shared>>
        %dma_wait3A_550 = arith.constant 0 : i32
        %dma_wait3A_551 = tpu.memref_slice %arg11[%mul3A_543, %dma_wait3A_550] : memref<10000x128xf32, #tpu.memory_space<vmem_shared>> -> memref<80x128xf32, #tpu.memory_space<vmem_shared>>
        tpu.wait_dma2 semaphore(%run_scoped3A_544 : memref<!tpu.dma_semaphore, #tpu.memory_space<semaphore_mem>>) src(%dma_wait3A_551 : memref<80x128xf32, #tpu.memory_space<vmem_shared>>) dst(%arg8 : memref<80x128xf32, #tpu.memory_space<vmem>>)
        tpu.yield
      }) : () -> ()
      %run_scoped3A = arith.constant 1 : i32
      "tpu.region"() ({
        %run_scoped3A_544 = tpu.sem_alloc : memref<!tpu.dma_semaphore, #tpu.memory_space<semaphore_mem>>
        %dma_start3A_545 = arith.constant 0 : i32
        %dma_start3A_546 = tpu.memref_slice %arg4[%arg0, %run_scoped3A, %mul3A_543, %dma_start3A_545] : memref<2x4x10000x128xf32, #tpu.memory_space<hbm>> -> memref<1x1x80x128xf32, #tpu.memory_space<hbm>>
        %dma_start3A_547 = tpu.memref_squeeze %dma_start3A_546 : memref<1x1x80x128xf32, #tpu.memory_space<hbm>> -> memref<80x128xf32, #tpu.memory_space<hbm>>
        %dma_start3A_548 = arith.constant 0 : i32
        %dma_start3A_549 = tpu.memref_slice %arg4[%arg0, %run_scoped3A, %mul3A_543, %dma_start3A_548] : memref<2x4x10000x128xf32, #tpu.memory_space<hbm>> -> memref<1x1x80x128xf32, #tpu.memory_space<hbm>>
        %dma_start3A_550 = tpu.memref_squeeze %dma_start3A_549 : memref<1x1x80x128xf32, #tpu.memory_space<hbm>> -> memref<80x128xf32, #tpu.memory_space<hbm>>
        tpu.enqueue_dma source(%arg8 : memref<80x128xf32, #tpu.memory_space<vmem>>) target(%dma_start3A_550 : memref<80x128xf32, #tpu.memory_space<hbm>>) target_semaphore(%run_scoped3A_544 : memref<!tpu.dma_semaphore, #tpu.memory_space<semaphore_mem>>)
        %dma_wait3A = arith.constant 0 : i32
        %dma_wait3A_551 = tpu.memref_slice %arg4[%arg0, %run_scoped3A, %mul3A_543, %dma_wait3A] : memref<2x4x10000x128xf32, #tpu.memory_space<hbm>> -> memref<1x1x80x128xf32, #tpu.memory_space<hbm>>
        %dma_wait3A_552 = tpu.memref_squeeze %dma_wait3A_551 : memref<1x1x80x128xf32, #tpu.memory_space<hbm>> -> memref<80x128xf32, #tpu.memory_space<hbm>>
        %dma_wait3A_553 = arith.constant 0 : i32
        %dma_wait3A_554 = tpu.memref_slice %arg4[%arg0, %run_scoped3A, %mul3A_543, %dma_wait3A_553] : memref<2x4x10000x128xf32, #tpu.memory_space<hbm>> -> memref<1x1x80x128xf32, #tpu.memory_space<hbm>>
        %dma_wait3A_555 = tpu.memref_squeeze %dma_wait3A_554 : memref<1x1x80x128xf32, #tpu.memory_space<hbm>> -> memref<80x128xf32, #tpu.memory_space<hbm>>
        tpu.wait_dma2 semaphore(%run_scoped3A_544 : memref<!tpu.dma_semaphore, #tpu.memory_space<semaphore_mem>>) src(%arg8 : memref<80x128xf32, #tpu.memory_space<vmem>>) dst(%dma_wait3A_555 : memref<80x128xf32, #tpu.memory_space<hbm>>)
        tpu.yield
      }) : () -> ()
    } else {
    }
    %add3A_255 = arith.constant 96 : i32
    %add3A_256 = arith.addi %arg1, %add3A_255 : i32
    %lt3A_257 = arith.constant 125 : i32
    %lt3A_258 = arith.cmpi slt, %add3A_256, %lt3A_257 : i32
    %convert_element_type3A_259 = arith.extui %lt3A_258 : i1 to i32
    %cond3A_260 = arith.constant 0 : i32
    %cond3A_261 = arith.cmpi ne, %convert_element_type3A_259, %cond3A_260 : i32
    scf.if %cond3A_261 {
      %mul3A_542 = arith.constant 80 : i32
      %mul3A_543 = arith.muli %add3A_256, %mul3A_542 : i32
      "tpu.region"() ({
        %run_scoped3A_544 = tpu.sem_alloc : memref<!tpu.dma_semaphore, #tpu.memory_space<semaphore_mem>>
        %dma_start3A_545 = arith.constant 0 : i32
        %dma_start3A_546 = tpu.memref_slice %arg11[%mul3A_543, %dma_start3A_545] : memref<10000x128xf32, #tpu.memory_space<vmem_shared>> -> memref<80x128xf32, #tpu.memory_space<vmem_shared>>
        %dma_start3A_547 = arith.constant 0 : i32
        %dma_start3A_548 = tpu.memref_slice %arg11[%mul3A_543, %dma_start3A_547] : memref<10000x128xf32, #tpu.memory_space<vmem_shared>> -> memref<80x128xf32, #tpu.memory_space<vmem_shared>>
        tpu.enqueue_dma source(%dma_start3A_548 : memref<80x128xf32, #tpu.memory_space<vmem_shared>>) target(%arg8 : memref<80x128xf32, #tpu.memory_space<vmem>>) target_semaphore(%run_scoped3A_544 : memref<!tpu.dma_semaphore, #tpu.memory_space<semaphore_mem>>)
        %dma_wait3A = arith.constant 0 : i32
        %dma_wait3A_549 = tpu.memref_slice %arg11[%mul3A_543, %dma_wait3A] : memref<10000x128xf32, #tpu.memory_space<vmem_shared>> -> memref<80x128xf32, #tpu.memory_space<vmem_shared>>
        %dma_wait3A_550 = arith.constant 0 : i32
        %dma_wait3A_551 = tpu.memref_slice %arg11[%mul3A_543, %dma_wait3A_550] : memref<10000x128xf32, #tpu.memory_space<vmem_shared>> -> memref<80x128xf32, #tpu.memory_space<vmem_shared>>
        tpu.wait_dma2 semaphore(%run_scoped3A_544 : memref<!tpu.dma_semaphore, #tpu.memory_space<semaphore_mem>>) src(%dma_wait3A_551 : memref<80x128xf32, #tpu.memory_space<vmem_shared>>) dst(%arg8 : memref<80x128xf32, #tpu.memory_space<vmem>>)
        tpu.yield
      }) : () -> ()
      %run_scoped3A = arith.constant 1 : i32
      "tpu.region"() ({
        %run_scoped3A_544 = tpu.sem_alloc : memref<!tpu.dma_semaphore, #tpu.memory_space<semaphore_mem>>
        %dma_start3A_545 = arith.constant 0 : i32
        %dma_start3A_546 = tpu.memref_slice %arg4[%arg0, %run_scoped3A, %mul3A_543, %dma_start3A_545] : memref<2x4x10000x128xf32, #tpu.memory_space<hbm>> -> memref<1x1x80x128xf32, #tpu.memory_space<hbm>>
        %dma_start3A_547 = tpu.memref_squeeze %dma_start3A_546 : memref<1x1x80x128xf32, #tpu.memory_space<hbm>> -> memref<80x128xf32, #tpu.memory_space<hbm>>
        %dma_start3A_548 = arith.constant 0 : i32
        %dma_start3A_549 = tpu.memref_slice %arg4[%arg0, %run_scoped3A, %mul3A_543, %dma_start3A_548] : memref<2x4x10000x128xf32, #tpu.memory_space<hbm>> -> memref<1x1x80x128xf32, #tpu.memory_space<hbm>>
        %dma_start3A_550 = tpu.memref_squeeze %dma_start3A_549 : memref<1x1x80x128xf32, #tpu.memory_space<hbm>> -> memref<80x128xf32, #tpu.memory_space<hbm>>
        tpu.enqueue_dma source(%arg8 : memref<80x128xf32, #tpu.memory_space<vmem>>) target(%dma_start3A_550 : memref<80x128xf32, #tpu.memory_space<hbm>>) target_semaphore(%run_scoped3A_544 : memref<!tpu.dma_semaphore, #tpu.memory_space<semaphore_mem>>)
        %dma_wait3A = arith.constant 0 : i32
        %dma_wait3A_551 = tpu.memref_slice %arg4[%arg0, %run_scoped3A, %mul3A_543, %dma_wait3A] : memref<2x4x10000x128xf32, #tpu.memory_space<hbm>> -> memref<1x1x80x128xf32, #tpu.memory_space<hbm>>
        %dma_wait3A_552 = tpu.memref_squeeze %dma_wait3A_551 : memref<1x1x80x128xf32, #tpu.memory_space<hbm>> -> memref<80x128xf32, #tpu.memory_space<hbm>>
        %dma_wait3A_553 = arith.constant 0 : i32
        %dma_wait3A_554 = tpu.memref_slice %arg4[%arg0, %run_scoped3A, %mul3A_543, %dma_wait3A_553] : memref<2x4x10000x128xf32, #tpu.memory_space<hbm>> -> memref<1x1x80x128xf32, #tpu.memory_space<hbm>>
        %dma_wait3A_555 = tpu.memref_squeeze %dma_wait3A_554 : memref<1x1x80x128xf32, #tpu.memory_space<hbm>> -> memref<80x128xf32, #tpu.memory_space<hbm>>
        tpu.wait_dma2 semaphore(%run_scoped3A_544 : memref<!tpu.dma_semaphore, #tpu.memory_space<semaphore_mem>>) src(%arg8 : memref<80x128xf32, #tpu.memory_space<vmem>>) dst(%dma_wait3A_555 : memref<80x128xf32, #tpu.memory_space<hbm>>)
        tpu.yield
      }) : () -> ()
    } else {
    }
    %add3A_262 = arith.constant 112 : i32
    %add3A_263 = arith.addi %arg1, %add3A_262 : i32
    %lt3A_264 = arith.constant 125 : i32
    %lt3A_265 = arith.cmpi slt, %add3A_263, %lt3A_264 : i32
    %convert_element_type3A_266 = arith.extui %lt3A_265 : i1 to i32
    %cond3A_267 = arith.constant 0 : i32
    %cond3A_268 = arith.cmpi ne, %convert_element_type3A_266, %cond3A_267 : i32
    scf.if %cond3A_268 {
      %mul3A_542 = arith.constant 80 : i32
      %mul3A_543 = arith.muli %add3A_263, %mul3A_542 : i32
      "tpu.region"() ({
        %run_scoped3A_544 = tpu.sem_alloc : memref<!tpu.dma_semaphore, #tpu.memory_space<semaphore_mem>>
        %dma_start3A_545 = arith.constant 0 : i32
        %dma_start3A_546 = tpu.memref_slice %arg11[%mul3A_543, %dma_start3A_545] : memref<10000x128xf32, #tpu.memory_space<vmem_shared>> -> memref<80x128xf32, #tpu.memory_space<vmem_shared>>
        %dma_start3A_547 = arith.constant 0 : i32
        %dma_start3A_548 = tpu.memref_slice %arg11[%mul3A_543, %dma_start3A_547] : memref<10000x128xf32, #tpu.memory_space<vmem_shared>> -> memref<80x128xf32, #tpu.memory_space<vmem_shared>>
        tpu.enqueue_dma source(%dma_start3A_548 : memref<80x128xf32, #tpu.memory_space<vmem_shared>>) target(%arg8 : memref<80x128xf32, #tpu.memory_space<vmem>>) target_semaphore(%run_scoped3A_544 : memref<!tpu.dma_semaphore, #tpu.memory_space<semaphore_mem>>)
        %dma_wait3A = arith.constant 0 : i32
        %dma_wait3A_549 = tpu.memref_slice %arg11[%mul3A_543, %dma_wait3A] : memref<10000x128xf32, #tpu.memory_space<vmem_shared>> -> memref<80x128xf32, #tpu.memory_space<vmem_shared>>
        %dma_wait3A_550 = arith.constant 0 : i32
        %dma_wait3A_551 = tpu.memref_slice %arg11[%mul3A_543, %dma_wait3A_550] : memref<10000x128xf32, #tpu.memory_space<vmem_shared>> -> memref<80x128xf32, #tpu.memory_space<vmem_shared>>
        tpu.wait_dma2 semaphore(%run_scoped3A_544 : memref<!tpu.dma_semaphore, #tpu.memory_space<semaphore_mem>>) src(%dma_wait3A_551 : memref<80x128xf32, #tpu.memory_space<vmem_shared>>) dst(%arg8 : memref<80x128xf32, #tpu.memory_space<vmem>>)
        tpu.yield
      }) : () -> ()
      %run_scoped3A = arith.constant 1 : i32
      "tpu.region"() ({
        %run_scoped3A_544 = tpu.sem_alloc : memref<!tpu.dma_semaphore, #tpu.memory_space<semaphore_mem>>
        %dma_start3A_545 = arith.constant 0 : i32
        %dma_start3A_546 = tpu.memref_slice %arg4[%arg0, %run_scoped3A, %mul3A_543, %dma_start3A_545] : memref<2x4x10000x128xf32, #tpu.memory_space<hbm>> -> memref<1x1x80x128xf32, #tpu.memory_space<hbm>>
        %dma_start3A_547 = tpu.memref_squeeze %dma_start3A_546 : memref<1x1x80x128xf32, #tpu.memory_space<hbm>> -> memref<80x128xf32, #tpu.memory_space<hbm>>
        %dma_start3A_548 = arith.constant 0 : i32
        %dma_start3A_549 = tpu.memref_slice %arg4[%arg0, %run_scoped3A, %mul3A_543, %dma_start3A_548] : memref<2x4x10000x128xf32, #tpu.memory_space<hbm>> -> memref<1x1x80x128xf32, #tpu.memory_space<hbm>>
        %dma_start3A_550 = tpu.memref_squeeze %dma_start3A_549 : memref<1x1x80x128xf32, #tpu.memory_space<hbm>> -> memref<80x128xf32, #tpu.memory_space<hbm>>
        tpu.enqueue_dma source(%arg8 : memref<80x128xf32, #tpu.memory_space<vmem>>) target(%dma_start3A_550 : memref<80x128xf32, #tpu.memory_space<hbm>>) target_semaphore(%run_scoped3A_544 : memref<!tpu.dma_semaphore, #tpu.memory_space<semaphore_mem>>)
        %dma_wait3A = arith.constant 0 : i32
        %dma_wait3A_551 = tpu.memref_slice %arg4[%arg0, %run_scoped3A, %mul3A_543, %dma_wait3A] : memref<2x4x10000x128xf32, #tpu.memory_space<hbm>> -> memref<1x1x80x128xf32, #tpu.memory_space<hbm>>
        %dma_wait3A_552 = tpu.memref_squeeze %dma_wait3A_551 : memref<1x1x80x128xf32, #tpu.memory_space<hbm>> -> memref<80x128xf32, #tpu.memory_space<hbm>>
        %dma_wait3A_553 = arith.constant 0 : i32
        %dma_wait3A_554 = tpu.memref_slice %arg4[%arg0, %run_scoped3A, %mul3A_543, %dma_wait3A_553] : memref<2x4x10000x128xf32, #tpu.memory_space<hbm>> -> memref<1x1x80x128xf32, #tpu.memory_space<hbm>>
        %dma_wait3A_555 = tpu.memref_squeeze %dma_wait3A_554 : memref<1x1x80x128xf32, #tpu.memory_space<hbm>> -> memref<80x128xf32, #tpu.memory_space<hbm>>
        tpu.wait_dma2 semaphore(%run_scoped3A_544 : memref<!tpu.dma_semaphore, #tpu.memory_space<semaphore_mem>>) src(%arg8 : memref<80x128xf32, #tpu.memory_space<vmem>>) dst(%dma_wait3A_555 : memref<80x128xf32, #tpu.memory_space<hbm>>)
        tpu.yield
      }) : () -> ()
    } else {
    }
    %barrier3A_269 = arith.constant 0 : index
    tpu.barrier barrier_id(%barrier3A_269)
    %scan3A_270 = arith.constant 0 : i32
    %scan3A_271 = arith.constant 0 : i32
    %scan3A_272 = arith.constant 80 : i32
    %scan3A_273 = arith.addi %scan3A_271, %scan3A_272 : i32
    %scan3A_274 = arith.constant 1 : i32
    scf.for %scan3A_542 = %scan3A_271 to %scan3A_273 step %scan3A_274  : i32 {
      %swap3A = arith.index_cast %scan3A_542 : i32 to index
      %swap3A_543 = arith.constant 0 : index
      %swap3A_544 = tpu.vector_load %arg8[%swap3A, %swap3A_543] {strides = array<i32>} : memref<80x128xf32, #tpu.memory_space<vmem>>, vector<1x16xf32>,
      %swap3A_545 = vector.shape_cast %swap3A_544 : vector<1x16xf32> to vector<16xf32>
      %swap3A_546 = vector.shape_cast %broadcast_in_dim3A_3 : vector<16xf32> to vector<1x16xf32>
      tpu.vector_store %arg8[%swap3A, %swap3A_543], %swap3A_546 {strides = array<i32>} : memref<80x128xf32, #tpu.memory_space<vmem>>, vector<1x16xf32>,
      %swap3A_547 = arith.index_cast %scan3A_542 : i32 to index
      %swap3A_548 = arith.constant 16 : index
      %swap3A_549 = tpu.vector_load %arg8[%swap3A_547, %swap3A_548] {strides = array<i32>} : memref<80x128xf32, #tpu.memory_space<vmem>>, vector<1x16xf32>,
      %swap3A_550 = vector.shape_cast %swap3A_549 : vector<1x16xf32> to vector<16xf32>
      %swap3A_551 = vector.shape_cast %broadcast_in_dim3A_3 : vector<16xf32> to vector<1x16xf32>
      tpu.vector_store %arg8[%swap3A_547, %swap3A_548], %swap3A_551 {strides = array<i32>} : memref<80x128xf32, #tpu.memory_space<vmem>>, vector<1x16xf32>,
      %swap3A_552 = arith.index_cast %scan3A_542 : i32 to index
      %swap3A_553 = arith.constant 32 : index
      %swap3A_554 = tpu.vector_load %arg8[%swap3A_552, %swap3A_553] {strides = array<i32>} : memref<80x128xf32, #tpu.memory_space<vmem>>, vector<1x16xf32>,
      %swap3A_555 = vector.shape_cast %swap3A_554 : vector<1x16xf32> to vector<16xf32>
      %swap3A_556 = vector.shape_cast %broadcast_in_dim3A_3 : vector<16xf32> to vector<1x16xf32>
      tpu.vector_store %arg8[%swap3A_552, %swap3A_553], %swap3A_556 {strides = array<i32>} : memref<80x128xf32, #tpu.memory_space<vmem>>, vector<1x16xf32>,
      %swap3A_557 = arith.index_cast %scan3A_542 : i32 to index
      %swap3A_558 = arith.constant 48 : index
      %swap3A_559 = tpu.vector_load %arg8[%swap3A_557, %swap3A_558] {strides = array<i32>} : memref<80x128xf32, #tpu.memory_space<vmem>>, vector<1x16xf32>,
      %swap3A_560 = vector.shape_cast %swap3A_559 : vector<1x16xf32> to vector<16xf32>
      %swap3A_561 = vector.shape_cast %broadcast_in_dim3A_3 : vector<16xf32> to vector<1x16xf32>
      tpu.vector_store %arg8[%swap3A_557, %swap3A_558], %swap3A_561 {strides = array<i32>} : memref<80x128xf32, #tpu.memory_space<vmem>>, vector<1x16xf32>,
      %swap3A_562 = arith.index_cast %scan3A_542 : i32 to index
      %swap3A_563 = arith.constant 64 : index
      %swap3A_564 = tpu.vector_load %arg8[%swap3A_562, %swap3A_563] {strides = array<i32>} : memref<80x128xf32, #tpu.memory_space<vmem>>, vector<1x16xf32>,
      %swap3A_565 = vector.shape_cast %swap3A_564 : vector<1x16xf32> to vector<16xf32>
      %swap3A_566 = vector.shape_cast %broadcast_in_dim3A_3 : vector<16xf32> to vector<1x16xf32>
      tpu.vector_store %arg8[%swap3A_562, %swap3A_563], %swap3A_566 {strides = array<i32>} : memref<80x128xf32, #tpu.memory_space<vmem>>, vector<1x16xf32>,
      %swap3A_567 = arith.index_cast %scan3A_542 : i32 to index
      %swap3A_568 = arith.constant 80 : index
      %swap3A_569 = tpu.vector_load %arg8[%swap3A_567, %swap3A_568] {strides = array<i32>} : memref<80x128xf32, #tpu.memory_space<vmem>>, vector<1x16xf32>,
      %swap3A_570 = vector.shape_cast %swap3A_569 : vector<1x16xf32> to vector<16xf32>
      %swap3A_571 = vector.shape_cast %broadcast_in_dim3A_3 : vector<16xf32> to vector<1x16xf32>
      tpu.vector_store %arg8[%swap3A_567, %swap3A_568], %swap3A_571 {strides = array<i32>} : memref<80x128xf32, #tpu.memory_space<vmem>>, vector<1x16xf32>,
      %swap3A_572 = arith.index_cast %scan3A_542 : i32 to index
      %swap3A_573 = arith.constant 96 : index
      %swap3A_574 = tpu.vector_load %arg8[%swap3A_572, %swap3A_573] {strides = array<i32>} : memref<80x128xf32, #tpu.memory_space<vmem>>, vector<1x16xf32>,
      %swap3A_575 = vector.shape_cast %swap3A_574 : vector<1x16xf32> to vector<16xf32>
      %swap3A_576 = vector.shape_cast %broadcast_in_dim3A_3 : vector<16xf32> to vector<1x16xf32>
      tpu.vector_store %arg8[%swap3A_572, %swap3A_573], %swap3A_576 {strides = array<i32>} : memref<80x128xf32, #tpu.memory_space<vmem>>, vector<1x16xf32>,
      %swap3A_577 = arith.index_cast %scan3A_542 : i32 to index
      %swap3A_578 = arith.constant 112 : index
      %swap3A_579 = tpu.vector_load %arg8[%swap3A_577, %swap3A_578] {strides = array<i32>} : memref<80x128xf32, #tpu.memory_space<vmem>>, vector<1x16xf32>,
      %swap3A_580 = vector.shape_cast %swap3A_579 : vector<1x16xf32> to vector<16xf32>
      %swap3A_581 = vector.shape_cast %broadcast_in_dim3A_3 : vector<16xf32> to vector<1x16xf32>
      tpu.vector_store %arg8[%swap3A_577, %swap3A_578], %swap3A_581 {strides = array<i32>} : memref<80x128xf32, #tpu.memory_space<vmem>>, vector<1x16xf32>,
    }
    %scan3A_275 = arith.constant 80 : i32
    %add3A_276 = arith.constant 0 : i32
    %add3A_277 = arith.addi %arg1, %add3A_276 : i32
    %lt3A_278 = arith.constant 125 : i32
    %lt3A_279 = arith.cmpi slt, %add3A_277, %lt3A_278 : i32
    %convert_element_type3A_280 = arith.extui %lt3A_279 : i1 to i32
    %cond3A_281 = arith.constant 0 : i32
    %cond3A_282 = arith.cmpi ne, %convert_element_type3A_280, %cond3A_281 : i32
    scf.if %cond3A_282 {
      %mul3A_542 = arith.constant 80 : i32
      %mul3A_543 = arith.muli %add3A_277, %mul3A_542 : i32
      "tpu.region"() ({
        %run_scoped3A = tpu.sem_alloc : memref<!tpu.dma_semaphore, #tpu.memory_space<semaphore_mem>>
        %dma_start3A_544 = arith.constant 0 : i32
        %dma_start3A_545 = tpu.memref_slice %arg11[%mul3A_543, %dma_start3A_544] : memref<10000x128xf32, #tpu.memory_space<vmem_shared>> -> memref<80x128xf32, #tpu.memory_space<vmem_shared>>
        %dma_start3A_546 = arith.constant 0 : i32
        %dma_start3A_547 = tpu.memref_slice %arg11[%mul3A_543, %dma_start3A_546] : memref<10000x128xf32, #tpu.memory_space<vmem_shared>> -> memref<80x128xf32, #tpu.memory_space<vmem_shared>>
        tpu.enqueue_dma source(%arg8 : memref<80x128xf32, #tpu.memory_space<vmem>>) target(%dma_start3A_547 : memref<80x128xf32, #tpu.memory_space<vmem_shared>>) target_semaphore(%run_scoped3A : memref<!tpu.dma_semaphore, #tpu.memory_space<semaphore_mem>>)
        %dma_wait3A = arith.constant 0 : i32
        %dma_wait3A_548 = tpu.memref_slice %arg11[%mul3A_543, %dma_wait3A] : memref<10000x128xf32, #tpu.memory_space<vmem_shared>> -> memref<80x128xf32, #tpu.memory_space<vmem_shared>>
        %dma_wait3A_549 = arith.constant 0 : i32
        %dma_wait3A_550 = tpu.memref_slice %arg11[%mul3A_543, %dma_wait3A_549] : memref<10000x128xf32, #tpu.memory_space<vmem_shared>> -> memref<80x128xf32, #tpu.memory_space<vmem_shared>>
        tpu.wait_dma2 semaphore(%run_scoped3A : memref<!tpu.dma_semaphore, #tpu.memory_space<semaphore_mem>>) src(%arg8 : memref<80x128xf32, #tpu.memory_space<vmem>>) dst(%dma_wait3A_550 : memref<80x128xf32, #tpu.memory_space<vmem_shared>>)
        tpu.yield
      }) : () -> ()
    } else {
    }
    %add3A_283 = arith.constant 16 : i32
    %add3A_284 = arith.addi %arg1, %add3A_283 : i32
    %lt3A_285 = arith.constant 125 : i32
    %lt3A_286 = arith.cmpi slt, %add3A_284, %lt3A_285 : i32
    %convert_element_type3A_287 = arith.extui %lt3A_286 : i1 to i32
    %cond3A_288 = arith.constant 0 : i32
    %cond3A_289 = arith.cmpi ne, %convert_element_type3A_287, %cond3A_288 : i32
    scf.if %cond3A_289 {
      %mul3A_542 = arith.constant 80 : i32
      %mul3A_543 = arith.muli %add3A_284, %mul3A_542 : i32
      "tpu.region"() ({
        %run_scoped3A = tpu.sem_alloc : memref<!tpu.dma_semaphore, #tpu.memory_space<semaphore_mem>>
        %dma_start3A_544 = arith.constant 0 : i32
        %dma_start3A_545 = tpu.memref_slice %arg11[%mul3A_543, %dma_start3A_544] : memref<10000x128xf32, #tpu.memory_space<vmem_shared>> -> memref<80x128xf32, #tpu.memory_space<vmem_shared>>
        %dma_start3A_546 = arith.constant 0 : i32
        %dma_start3A_547 = tpu.memref_slice %arg11[%mul3A_543, %dma_start3A_546] : memref<10000x128xf32, #tpu.memory_space<vmem_shared>> -> memref<80x128xf32, #tpu.memory_space<vmem_shared>>
        tpu.enqueue_dma source(%arg8 : memref<80x128xf32, #tpu.memory_space<vmem>>) target(%dma_start3A_547 : memref<80x128xf32, #tpu.memory_space<vmem_shared>>) target_semaphore(%run_scoped3A : memref<!tpu.dma_semaphore, #tpu.memory_space<semaphore_mem>>)
        %dma_wait3A = arith.constant 0 : i32
        %dma_wait3A_548 = tpu.memref_slice %arg11[%mul3A_543, %dma_wait3A] : memref<10000x128xf32, #tpu.memory_space<vmem_shared>> -> memref<80x128xf32, #tpu.memory_space<vmem_shared>>
        %dma_wait3A_549 = arith.constant 0 : i32
        %dma_wait3A_550 = tpu.memref_slice %arg11[%mul3A_543, %dma_wait3A_549] : memref<10000x128xf32, #tpu.memory_space<vmem_shared>> -> memref<80x128xf32, #tpu.memory_space<vmem_shared>>
        tpu.wait_dma2 semaphore(%run_scoped3A : memref<!tpu.dma_semaphore, #tpu.memory_space<semaphore_mem>>) src(%arg8 : memref<80x128xf32, #tpu.memory_space<vmem>>) dst(%dma_wait3A_550 : memref<80x128xf32, #tpu.memory_space<vmem_shared>>)
        tpu.yield
      }) : () -> ()
    } else {
    }
    %add3A_290 = arith.constant 32 : i32
    %add3A_291 = arith.addi %arg1, %add3A_290 : i32
    %lt3A_292 = arith.constant 125 : i32
    %lt3A_293 = arith.cmpi slt, %add3A_291, %lt3A_292 : i32
    %convert_element_type3A_294 = arith.extui %lt3A_293 : i1 to i32
    %cond3A_295 = arith.constant 0 : i32
    %cond3A_296 = arith.cmpi ne, %convert_element_type3A_294, %cond3A_295 : i32
    scf.if %cond3A_296 {
      %mul3A_542 = arith.constant 80 : i32
      %mul3A_543 = arith.muli %add3A_291, %mul3A_542 : i32
      "tpu.region"() ({
        %run_scoped3A = tpu.sem_alloc : memref<!tpu.dma_semaphore, #tpu.memory_space<semaphore_mem>>
        %dma_start3A_544 = arith.constant 0 : i32
        %dma_start3A_545 = tpu.memref_slice %arg11[%mul3A_543, %dma_start3A_544] : memref<10000x128xf32, #tpu.memory_space<vmem_shared>> -> memref<80x128xf32, #tpu.memory_space<vmem_shared>>
        %dma_start3A_546 = arith.constant 0 : i32
        %dma_start3A_547 = tpu.memref_slice %arg11[%mul3A_543, %dma_start3A_546] : memref<10000x128xf32, #tpu.memory_space<vmem_shared>> -> memref<80x128xf32, #tpu.memory_space<vmem_shared>>
        tpu.enqueue_dma source(%arg8 : memref<80x128xf32, #tpu.memory_space<vmem>>) target(%dma_start3A_547 : memref<80x128xf32, #tpu.memory_space<vmem_shared>>) target_semaphore(%run_scoped3A : memref<!tpu.dma_semaphore, #tpu.memory_space<semaphore_mem>>)
        %dma_wait3A = arith.constant 0 : i32
        %dma_wait3A_548 = tpu.memref_slice %arg11[%mul3A_543, %dma_wait3A] : memref<10000x128xf32, #tpu.memory_space<vmem_shared>> -> memref<80x128xf32, #tpu.memory_space<vmem_shared>>
        %dma_wait3A_549 = arith.constant 0 : i32
        %dma_wait3A_550 = tpu.memref_slice %arg11[%mul3A_543, %dma_wait3A_549] : memref<10000x128xf32, #tpu.memory_space<vmem_shared>> -> memref<80x128xf32, #tpu.memory_space<vmem_shared>>
        tpu.wait_dma2 semaphore(%run_scoped3A : memref<!tpu.dma_semaphore, #tpu.memory_space<semaphore_mem>>) src(%arg8 : memref<80x128xf32, #tpu.memory_space<vmem>>) dst(%dma_wait3A_550 : memref<80x128xf32, #tpu.memory_space<vmem_shared>>)
        tpu.yield
      }) : () -> ()
    } else {
    }
    %add3A_297 = arith.constant 48 : i32
    %add3A_298 = arith.addi %arg1, %add3A_297 : i32
    %lt3A_299 = arith.constant 125 : i32
    %lt3A_300 = arith.cmpi slt, %add3A_298, %lt3A_299 : i32
    %convert_element_type3A_301 = arith.extui %lt3A_300 : i1 to i32
    %cond3A_302 = arith.constant 0 : i32
    %cond3A_303 = arith.cmpi ne, %convert_element_type3A_301, %cond3A_302 : i32
    scf.if %cond3A_303 {
      %mul3A_542 = arith.constant 80 : i32
      %mul3A_543 = arith.muli %add3A_298, %mul3A_542 : i32
      "tpu.region"() ({
        %run_scoped3A = tpu.sem_alloc : memref<!tpu.dma_semaphore, #tpu.memory_space<semaphore_mem>>
        %dma_start3A_544 = arith.constant 0 : i32
        %dma_start3A_545 = tpu.memref_slice %arg11[%mul3A_543, %dma_start3A_544] : memref<10000x128xf32, #tpu.memory_space<vmem_shared>> -> memref<80x128xf32, #tpu.memory_space<vmem_shared>>
        %dma_start3A_546 = arith.constant 0 : i32
        %dma_start3A_547 = tpu.memref_slice %arg11[%mul3A_543, %dma_start3A_546] : memref<10000x128xf32, #tpu.memory_space<vmem_shared>> -> memref<80x128xf32, #tpu.memory_space<vmem_shared>>
        tpu.enqueue_dma source(%arg8 : memref<80x128xf32, #tpu.memory_space<vmem>>) target(%dma_start3A_547 : memref<80x128xf32, #tpu.memory_space<vmem_shared>>) target_semaphore(%run_scoped3A : memref<!tpu.dma_semaphore, #tpu.memory_space<semaphore_mem>>)
        %dma_wait3A = arith.constant 0 : i32
        %dma_wait3A_548 = tpu.memref_slice %arg11[%mul3A_543, %dma_wait3A] : memref<10000x128xf32, #tpu.memory_space<vmem_shared>> -> memref<80x128xf32, #tpu.memory_space<vmem_shared>>
        %dma_wait3A_549 = arith.constant 0 : i32
        %dma_wait3A_550 = tpu.memref_slice %arg11[%mul3A_543, %dma_wait3A_549] : memref<10000x128xf32, #tpu.memory_space<vmem_shared>> -> memref<80x128xf32, #tpu.memory_space<vmem_shared>>
        tpu.wait_dma2 semaphore(%run_scoped3A : memref<!tpu.dma_semaphore, #tpu.memory_space<semaphore_mem>>) src(%arg8 : memref<80x128xf32, #tpu.memory_space<vmem>>) dst(%dma_wait3A_550 : memref<80x128xf32, #tpu.memory_space<vmem_shared>>)
        tpu.yield
      }) : () -> ()
    } else {
    }
    %add3A_304 = arith.constant 64 : i32
    %add3A_305 = arith.addi %arg1, %add3A_304 : i32
    %lt3A_306 = arith.constant 125 : i32
    %lt3A_307 = arith.cmpi slt, %add3A_305, %lt3A_306 : i32
    %convert_element_type3A_308 = arith.extui %lt3A_307 : i1 to i32
    %cond3A_309 = arith.constant 0 : i32
    %cond3A_310 = arith.cmpi ne, %convert_element_type3A_308, %cond3A_309 : i32
    scf.if %cond3A_310 {
      %mul3A_542 = arith.constant 80 : i32
      %mul3A_543 = arith.muli %add3A_305, %mul3A_542 : i32
      "tpu.region"() ({
        %run_scoped3A = tpu.sem_alloc : memref<!tpu.dma_semaphore, #tpu.memory_space<semaphore_mem>>
        %dma_start3A_544 = arith.constant 0 : i32
        %dma_start3A_545 = tpu.memref_slice %arg11[%mul3A_543, %dma_start3A_544] : memref<10000x128xf32, #tpu.memory_space<vmem_shared>> -> memref<80x128xf32, #tpu.memory_space<vmem_shared>>
        %dma_start3A_546 = arith.constant 0 : i32
        %dma_start3A_547 = tpu.memref_slice %arg11[%mul3A_543, %dma_start3A_546] : memref<10000x128xf32, #tpu.memory_space<vmem_shared>> -> memref<80x128xf32, #tpu.memory_space<vmem_shared>>
        tpu.enqueue_dma source(%arg8 : memref<80x128xf32, #tpu.memory_space<vmem>>) target(%dma_start3A_547 : memref<80x128xf32, #tpu.memory_space<vmem_shared>>) target_semaphore(%run_scoped3A : memref<!tpu.dma_semaphore, #tpu.memory_space<semaphore_mem>>)
        %dma_wait3A = arith.constant 0 : i32
        %dma_wait3A_548 = tpu.memref_slice %arg11[%mul3A_543, %dma_wait3A] : memref<10000x128xf32, #tpu.memory_space<vmem_shared>> -> memref<80x128xf32, #tpu.memory_space<vmem_shared>>
        %dma_wait3A_549 = arith.constant 0 : i32
        %dma_wait3A_550 = tpu.memref_slice %arg11[%mul3A_543, %dma_wait3A_549] : memref<10000x128xf32, #tpu.memory_space<vmem_shared>> -> memref<80x128xf32, #tpu.memory_space<vmem_shared>>
        tpu.wait_dma2 semaphore(%run_scoped3A : memref<!tpu.dma_semaphore, #tpu.memory_space<semaphore_mem>>) src(%arg8 : memref<80x128xf32, #tpu.memory_space<vmem>>) dst(%dma_wait3A_550 : memref<80x128xf32, #tpu.memory_space<vmem_shared>>)
        tpu.yield
      }) : () -> ()
    } else {
    }
    %add3A_311 = arith.constant 80 : i32
    %add3A_312 = arith.addi %arg1, %add3A_311 : i32
    %lt3A_313 = arith.constant 125 : i32
    %lt3A_314 = arith.cmpi slt, %add3A_312, %lt3A_313 : i32
    %convert_element_type3A_315 = arith.extui %lt3A_314 : i1 to i32
    %cond3A_316 = arith.constant 0 : i32
    %cond3A_317 = arith.cmpi ne, %convert_element_type3A_315, %cond3A_316 : i32
    scf.if %cond3A_317 {
      %mul3A_542 = arith.constant 80 : i32
      %mul3A_543 = arith.muli %add3A_312, %mul3A_542 : i32
      "tpu.region"() ({
        %run_scoped3A = tpu.sem_alloc : memref<!tpu.dma_semaphore, #tpu.memory_space<semaphore_mem>>
        %dma_start3A_544 = arith.constant 0 : i32
        %dma_start3A_545 = tpu.memref_slice %arg11[%mul3A_543, %dma_start3A_544] : memref<10000x128xf32, #tpu.memory_space<vmem_shared>> -> memref<80x128xf32, #tpu.memory_space<vmem_shared>>
        %dma_start3A_546 = arith.constant 0 : i32
        %dma_start3A_547 = tpu.memref_slice %arg11[%mul3A_543, %dma_start3A_546] : memref<10000x128xf32, #tpu.memory_space<vmem_shared>> -> memref<80x128xf32, #tpu.memory_space<vmem_shared>>
        tpu.enqueue_dma source(%arg8 : memref<80x128xf32, #tpu.memory_space<vmem>>) target(%dma_start3A_547 : memref<80x128xf32, #tpu.memory_space<vmem_shared>>) target_semaphore(%run_scoped3A : memref<!tpu.dma_semaphore, #tpu.memory_space<semaphore_mem>>)
        %dma_wait3A = arith.constant 0 : i32
        %dma_wait3A_548 = tpu.memref_slice %arg11[%mul3A_543, %dma_wait3A] : memref<10000x128xf32, #tpu.memory_space<vmem_shared>> -> memref<80x128xf32, #tpu.memory_space<vmem_shared>>
        %dma_wait3A_549 = arith.constant 0 : i32
        %dma_wait3A_550 = tpu.memref_slice %arg11[%mul3A_543, %dma_wait3A_549] : memref<10000x128xf32, #tpu.memory_space<vmem_shared>> -> memref<80x128xf32, #tpu.memory_space<vmem_shared>>
        tpu.wait_dma2 semaphore(%run_scoped3A : memref<!tpu.dma_semaphore, #tpu.memory_space<semaphore_mem>>) src(%arg8 : memref<80x128xf32, #tpu.memory_space<vmem>>) dst(%dma_wait3A_550 : memref<80x128xf32, #tpu.memory_space<vmem_shared>>)
        tpu.yield
      }) : () -> ()
    } else {
    }
    %add3A_318 = arith.constant 96 : i32
    %add3A_319 = arith.addi %arg1, %add3A_318 : i32
    %lt3A_320 = arith.constant 125 : i32
    %lt3A_321 = arith.cmpi slt, %add3A_319, %lt3A_320 : i32
    %convert_element_type3A_322 = arith.extui %lt3A_321 : i1 to i32
    %cond3A_323 = arith.constant 0 : i32
    %cond3A_324 = arith.cmpi ne, %convert_element_type3A_322, %cond3A_323 : i32
    scf.if %cond3A_324 {
      %mul3A_542 = arith.constant 80 : i32
      %mul3A_543 = arith.muli %add3A_319, %mul3A_542 : i32
      "tpu.region"() ({
        %run_scoped3A = tpu.sem_alloc : memref<!tpu.dma_semaphore, #tpu.memory_space<semaphore_mem>>
        %dma_start3A_544 = arith.constant 0 : i32
        %dma_start3A_545 = tpu.memref_slice %arg11[%mul3A_543, %dma_start3A_544] : memref<10000x128xf32, #tpu.memory_space<vmem_shared>> -> memref<80x128xf32, #tpu.memory_space<vmem_shared>>
        %dma_start3A_546 = arith.constant 0 : i32
        %dma_start3A_547 = tpu.memref_slice %arg11[%mul3A_543, %dma_start3A_546] : memref<10000x128xf32, #tpu.memory_space<vmem_shared>> -> memref<80x128xf32, #tpu.memory_space<vmem_shared>>
        tpu.enqueue_dma source(%arg8 : memref<80x128xf32, #tpu.memory_space<vmem>>) target(%dma_start3A_547 : memref<80x128xf32, #tpu.memory_space<vmem_shared>>) target_semaphore(%run_scoped3A : memref<!tpu.dma_semaphore, #tpu.memory_space<semaphore_mem>>)
        %dma_wait3A = arith.constant 0 : i32
        %dma_wait3A_548 = tpu.memref_slice %arg11[%mul3A_543, %dma_wait3A] : memref<10000x128xf32, #tpu.memory_space<vmem_shared>> -> memref<80x128xf32, #tpu.memory_space<vmem_shared>>
        %dma_wait3A_549 = arith.constant 0 : i32
        %dma_wait3A_550 = tpu.memref_slice %arg11[%mul3A_543, %dma_wait3A_549] : memref<10000x128xf32, #tpu.memory_space<vmem_shared>> -> memref<80x128xf32, #tpu.memory_space<vmem_shared>>
        tpu.wait_dma2 semaphore(%run_scoped3A : memref<!tpu.dma_semaphore, #tpu.memory_space<semaphore_mem>>) src(%arg8 : memref<80x128xf32, #tpu.memory_space<vmem>>) dst(%dma_wait3A_550 : memref<80x128xf32, #tpu.memory_space<vmem_shared>>)
        tpu.yield
      }) : () -> ()
    } else {
    }
    %add3A_325 = arith.constant 112 : i32
    %add3A_326 = arith.addi %arg1, %add3A_325 : i32
    %lt3A_327 = arith.constant 125 : i32
    %lt3A_328 = arith.cmpi slt, %add3A_326, %lt3A_327 : i32
    %convert_element_type3A_329 = arith.extui %lt3A_328 : i1 to i32
    %cond3A_330 = arith.constant 0 : i32
    %cond3A_331 = arith.cmpi ne, %convert_element_type3A_329, %cond3A_330 : i32
    scf.if %cond3A_331 {
      %mul3A_542 = arith.constant 80 : i32
      %mul3A_543 = arith.muli %add3A_326, %mul3A_542 : i32
      "tpu.region"() ({
        %run_scoped3A = tpu.sem_alloc : memref<!tpu.dma_semaphore, #tpu.memory_space<semaphore_mem>>
        %dma_start3A_544 = arith.constant 0 : i32
        %dma_start3A_545 = tpu.memref_slice %arg11[%mul3A_543, %dma_start3A_544] : memref<10000x128xf32, #tpu.memory_space<vmem_shared>> -> memref<80x128xf32, #tpu.memory_space<vmem_shared>>
        %dma_start3A_546 = arith.constant 0 : i32
        %dma_start3A_547 = tpu.memref_slice %arg11[%mul3A_543, %dma_start3A_546] : memref<10000x128xf32, #tpu.memory_space<vmem_shared>> -> memref<80x128xf32, #tpu.memory_space<vmem_shared>>
        tpu.enqueue_dma source(%arg8 : memref<80x128xf32, #tpu.memory_space<vmem>>) target(%dma_start3A_547 : memref<80x128xf32, #tpu.memory_space<vmem_shared>>) target_semaphore(%run_scoped3A : memref<!tpu.dma_semaphore, #tpu.memory_space<semaphore_mem>>)
        %dma_wait3A = arith.constant 0 : i32
        %dma_wait3A_548 = tpu.memref_slice %arg11[%mul3A_543, %dma_wait3A] : memref<10000x128xf32, #tpu.memory_space<vmem_shared>> -> memref<80x128xf32, #tpu.memory_space<vmem_shared>>
        %dma_wait3A_549 = arith.constant 0 : i32
        %dma_wait3A_550 = tpu.memref_slice %arg11[%mul3A_543, %dma_wait3A_549] : memref<10000x128xf32, #tpu.memory_space<vmem_shared>> -> memref<80x128xf32, #tpu.memory_space<vmem_shared>>
        tpu.wait_dma2 semaphore(%run_scoped3A : memref<!tpu.dma_semaphore, #tpu.memory_space<semaphore_mem>>) src(%arg8 : memref<80x128xf32, #tpu.memory_space<vmem>>) dst(%dma_wait3A_550 : memref<80x128xf32, #tpu.memory_space<vmem_shared>>)
        tpu.yield
      }) : () -> ()
    } else {
    }
    %barrier3A_332 = arith.constant 0 : index
    tpu.barrier barrier_id(%barrier3A_332)
    %add3A_333 = arith.constant 0 : i32
    %add3A_334 = arith.addi %mul3A_2, %add3A_333 : i32
    %dma_start3A_335 = arith.constant 2 : i32
    %dma_start3A_336 = arith.constant 0 : i32
    %dma_start3A_337 = tpu.memref_slice %arg2[%dma_start3A_335, %add3A_334, %dma_start3A_336] : memref<4x320000x128xf32, #tpu.memory_space<hbm>> -> memref<1x80x128xf32, #tpu.memory_space<hbm>>
    %dma_start3A_338 = tpu.memref_squeeze %dma_start3A_337 : memref<1x80x128xf32, #tpu.memory_space<hbm>> -> memref<80x128xf32, #tpu.memory_space<hbm>>
    %dma_start3A_339 = arith.constant 0 : i32
    %dma_start3A_340 = tpu.memref_slice %arg2[%dma_start3A_335, %add3A_334, %dma_start3A_339] : memref<4x320000x128xf32, #tpu.memory_space<hbm>> -> memref<1x80x128xf32, #tpu.memory_space<hbm>>
    %dma_start3A_341 = tpu.memref_squeeze %dma_start3A_340 : memref<1x80x128xf32, #tpu.memory_space<hbm>> -> memref<80x128xf32, #tpu.memory_space<hbm>>
    tpu.enqueue_dma source(%dma_start3A_341 : memref<80x128xf32, #tpu.memory_space<hbm>>) target(%arg6 : memref<80x128xf32, #tpu.memory_space<vmem>>) target_semaphore(%arg9 : memref<!tpu.dma_semaphore, #tpu.memory_space<semaphore_mem>>)
    %scan3A_342 = arith.constant 0 : i32
    %scan3A_343 = arith.constant 0 : i32
    %scan3A_344 = arith.constant 63 : i32
    %scan3A_345 = arith.addi %scan3A_343, %scan3A_344 : i32
    %scan3A_346 = arith.constant 1 : i32
    scf.for %scan3A_542 = %scan3A_343 to %scan3A_345 step %scan3A_346  : i32 {
      %mul3A_543 = arith.constant 2 : i32
      %mul3A_544 = arith.muli %scan3A_542, %mul3A_543 : i32
      %add3A_545 = arith.constant 0 : i32
      %add3A_546 = arith.addi %mul3A_544, %add3A_545 : i32
      %add3A_547 = arith.constant 1 : i32
      %add3A_548 = arith.addi %add3A_546, %add3A_547 : i32
      %lt3A_549 = arith.constant 125 : i32
      %lt3A_550 = arith.cmpi slt, %add3A_548, %lt3A_549 : i32
      %convert_element_type3A_551 = arith.extui %lt3A_550 : i1 to i32
      %cond3A_552 = arith.constant 0 : i32
      %cond3A_553 = arith.cmpi ne, %convert_element_type3A_551, %cond3A_552 : i32
      scf.if %cond3A_553 {
        %mul3A_575 = arith.constant 80 : i32
        %mul3A_576 = arith.muli %add3A_548, %mul3A_575 : i32
        %add3A_577 = arith.addi %mul3A_2, %mul3A_576 : i32
        %dma_start3A_578 = arith.constant 2 : i32
        %dma_start3A_579 = arith.constant 0 : i32
        %dma_start3A_580 = tpu.memref_slice %arg2[%dma_start3A_578, %add3A_577, %dma_start3A_579] : memref<4x320000x128xf32, #tpu.memory_space<hbm>> -> memref<1x80x128xf32, #tpu.memory_space<hbm>>
        %dma_start3A_581 = tpu.memref_squeeze %dma_start3A_580 : memref<1x80x128xf32, #tpu.memory_space<hbm>> -> memref<80x128xf32, #tpu.memory_space<hbm>>
        %dma_start3A_582 = arith.constant 0 : i32
        %dma_start3A_583 = tpu.memref_slice %arg2[%dma_start3A_578, %add3A_577, %dma_start3A_582] : memref<4x320000x128xf32, #tpu.memory_space<hbm>> -> memref<1x80x128xf32, #tpu.memory_space<hbm>>
        %dma_start3A_584 = tpu.memref_squeeze %dma_start3A_583 : memref<1x80x128xf32, #tpu.memory_space<hbm>> -> memref<80x128xf32, #tpu.memory_space<hbm>>
        tpu.enqueue_dma source(%dma_start3A_584 : memref<80x128xf32, #tpu.memory_space<hbm>>) target(%arg7 : memref<80x128xf32, #tpu.memory_space<vmem>>) target_semaphore(%arg10 : memref<!tpu.dma_semaphore, #tpu.memory_space<semaphore_mem>>)
      } else {
      }
      %lt3A_554 = arith.constant 125 : i32
      %lt3A_555 = arith.cmpi slt, %add3A_546, %lt3A_554 : i32
      %convert_element_type3A_556 = arith.extui %lt3A_555 : i1 to i32
      %cond3A_557 = arith.constant 0 : i32
      %cond3A_558 = arith.cmpi ne, %convert_element_type3A_556, %cond3A_557 : i32
      scf.if %cond3A_558 {
        %mul3A_575 = arith.constant 80 : i32
        %mul3A_576 = arith.muli %add3A_546, %mul3A_575 : i32
        %add3A_577 = arith.addi %mul3A_2, %mul3A_576 : i32
        %dma_wait3A = arith.constant 2 : i32
        %dma_wait3A_578 = arith.constant 0 : i32
        %dma_wait3A_579 = tpu.memref_slice %arg2[%dma_wait3A, %add3A_577, %dma_wait3A_578] : memref<4x320000x128xf32, #tpu.memory_space<hbm>> -> memref<1x80x128xf32, #tpu.memory_space<hbm>>
        %dma_wait3A_580 = tpu.memref_squeeze %dma_wait3A_579 : memref<1x80x128xf32, #tpu.memory_space<hbm>> -> memref<80x128xf32, #tpu.memory_space<hbm>>
        %dma_wait3A_581 = arith.constant 0 : i32
        %dma_wait3A_582 = tpu.memref_slice %arg2[%dma_wait3A, %add3A_577, %dma_wait3A_581] : memref<4x320000x128xf32, #tpu.memory_space<hbm>> -> memref<1x80x128xf32, #tpu.memory_space<hbm>>
        %dma_wait3A_583 = tpu.memref_squeeze %dma_wait3A_582 : memref<1x80x128xf32, #tpu.memory_space<hbm>> -> memref<80x128xf32, #tpu.memory_space<hbm>>
        tpu.wait_dma2 semaphore(%arg9 : memref<!tpu.dma_semaphore, #tpu.memory_space<semaphore_mem>>) src(%dma_wait3A_583 : memref<80x128xf32, #tpu.memory_space<hbm>>) dst(%arg6 : memref<80x128xf32, #tpu.memory_space<vmem>>)
        "tpu.region"() ({
          %run_scoped3A = tpu.sem_alloc : memref<!tpu.dma_semaphore, #tpu.memory_space<semaphore_mem>>
          %dma_start3A_584 = arith.constant 0 : i32
          %dma_start3A_585 = tpu.memref_slice %arg5[%add3A_546, %dma_start3A_584] : memref<125x80xi32, #tpu.memory_space<vmem>> -> memref<1x80xi32, #tpu.memory_space<vmem>>
          %dma_start3A_586 = tpu.memref_squeeze %dma_start3A_585 : memref<1x80xi32, #tpu.memory_space<vmem>> -> memref<80xi32, #tpu.memory_space<vmem>>
          %dma_start3A_587 = arith.constant 0 : i32
          %dma_start3A_588 = arith.constant 0 : i32
          %dma_start3A_589 = tpu.memref_slice %arg11[%dma_start3A_587, %dma_start3A_588] : memref<10000x128xf32, #tpu.memory_space<vmem_shared>> -> memref<10000x128xf32, #tpu.memory_space<vmem_shared>>
          tpu.enqueue_indirect_dma source(%arg6 : memref<80x128xf32, #tpu.memory_space<vmem>>) target(%dma_start3A_589 : memref<10000x128xf32, #tpu.memory_space<vmem_shared>>) offsets(%dma_start3A_586 : memref<80xi32, #tpu.memory_space<vmem>>) semaphore(%run_scoped3A : memref<!tpu.dma_semaphore, #tpu.memory_space<semaphore_mem>>) {add = true}
          %dma_wait3A_590 = arith.constant 0 : i32
          %dma_wait3A_591 = tpu.memref_slice %arg5[%add3A_546, %dma_wait3A_590] : memref<125x80xi32, #tpu.memory_space<vmem>> -> memref<1x80xi32, #tpu.memory_space<vmem>>
          %dma_wait3A_592 = tpu.memref_squeeze %dma_wait3A_591 : memref<1x80xi32, #tpu.memory_space<vmem>> -> memref<80xi32, #tpu.memory_space<vmem>>
          %dma_wait3A_593 = arith.constant 0 : i32
          %dma_wait3A_594 = arith.constant 0 : i32
          %dma_wait3A_595 = tpu.memref_slice %arg11[%dma_wait3A_593, %dma_wait3A_594] : memref<10000x128xf32, #tpu.memory_space<vmem_shared>> -> memref<10000x128xf32, #tpu.memory_space<vmem_shared>>
          tpu.wait_indirect_dma semaphore(%run_scoped3A : memref<!tpu.dma_semaphore, #tpu.memory_space<semaphore_mem>>) src(%arg6 : memref<80x128xf32, #tpu.memory_space<vmem>>) dst(%dma_wait3A_595 : memref<10000x128xf32, #tpu.memory_space<vmem_shared>>)
          tpu.yield
        }) : () -> ()
      } else {
      }
      %mul3A_559 = arith.constant 2 : i32
      %mul3A_560 = arith.muli %scan3A_542, %mul3A_559 : i32
      %add3A_561 = arith.constant 1 : i32
      %add3A_562 = arith.addi %mul3A_560, %add3A_561 : i32
      %add3A_563 = arith.constant 1 : i32
      %add3A_564 = arith.addi %add3A_562, %add3A_563 : i32
      %lt3A_565 = arith.constant 125 : i32
      %lt3A_566 = arith.cmpi slt, %add3A_564, %lt3A_565 : i32
      %convert_element_type3A_567 = arith.extui %lt3A_566 : i1 to i32
      %cond3A_568 = arith.constant 0 : i32
      %cond3A_569 = arith.cmpi ne, %convert_element_type3A_567, %cond3A_568 : i32
      scf.if %cond3A_569 {
        %mul3A_575 = arith.constant 80 : i32
        %mul3A_576 = arith.muli %add3A_564, %mul3A_575 : i32
        %add3A_577 = arith.addi %mul3A_2, %mul3A_576 : i32
        %dma_start3A_578 = arith.constant 2 : i32
        %dma_start3A_579 = arith.constant 0 : i32
        %dma_start3A_580 = tpu.memref_slice %arg2[%dma_start3A_578, %add3A_577, %dma_start3A_579] : memref<4x320000x128xf32, #tpu.memory_space<hbm>> -> memref<1x80x128xf32, #tpu.memory_space<hbm>>
        %dma_start3A_581 = tpu.memref_squeeze %dma_start3A_580 : memref<1x80x128xf32, #tpu.memory_space<hbm>> -> memref<80x128xf32, #tpu.memory_space<hbm>>
        %dma_start3A_582 = arith.constant 0 : i32
        %dma_start3A_583 = tpu.memref_slice %arg2[%dma_start3A_578, %add3A_577, %dma_start3A_582] : memref<4x320000x128xf32, #tpu.memory_space<hbm>> -> memref<1x80x128xf32, #tpu.memory_space<hbm>>
        %dma_start3A_584 = tpu.memref_squeeze %dma_start3A_583 : memref<1x80x128xf32, #tpu.memory_space<hbm>> -> memref<80x128xf32, #tpu.memory_space<hbm>>
        tpu.enqueue_dma source(%dma_start3A_584 : memref<80x128xf32, #tpu.memory_space<hbm>>) target(%arg6 : memref<80x128xf32, #tpu.memory_space<vmem>>) target_semaphore(%arg9 : memref<!tpu.dma_semaphore, #tpu.memory_space<semaphore_mem>>)
      } else {
      }
      %lt3A_570 = arith.constant 125 : i32
      %lt3A_571 = arith.cmpi slt, %add3A_562, %lt3A_570 : i32
      %convert_element_type3A_572 = arith.extui %lt3A_571 : i1 to i32
      %cond3A_573 = arith.constant 0 : i32
      %cond3A_574 = arith.cmpi ne, %convert_element_type3A_572, %cond3A_573 : i32
      scf.if %cond3A_574 {
        %mul3A_575 = arith.constant 80 : i32
        %mul3A_576 = arith.muli %add3A_562, %mul3A_575 : i32
        %add3A_577 = arith.addi %mul3A_2, %mul3A_576 : i32
        %dma_wait3A = arith.constant 2 : i32
        %dma_wait3A_578 = arith.constant 0 : i32
        %dma_wait3A_579 = tpu.memref_slice %arg2[%dma_wait3A, %add3A_577, %dma_wait3A_578] : memref<4x320000x128xf32, #tpu.memory_space<hbm>> -> memref<1x80x128xf32, #tpu.memory_space<hbm>>
        %dma_wait3A_580 = tpu.memref_squeeze %dma_wait3A_579 : memref<1x80x128xf32, #tpu.memory_space<hbm>> -> memref<80x128xf32, #tpu.memory_space<hbm>>
        %dma_wait3A_581 = arith.constant 0 : i32
        %dma_wait3A_582 = tpu.memref_slice %arg2[%dma_wait3A, %add3A_577, %dma_wait3A_581] : memref<4x320000x128xf32, #tpu.memory_space<hbm>> -> memref<1x80x128xf32, #tpu.memory_space<hbm>>
        %dma_wait3A_583 = tpu.memref_squeeze %dma_wait3A_582 : memref<1x80x128xf32, #tpu.memory_space<hbm>> -> memref<80x128xf32, #tpu.memory_space<hbm>>
        tpu.wait_dma2 semaphore(%arg10 : memref<!tpu.dma_semaphore, #tpu.memory_space<semaphore_mem>>) src(%dma_wait3A_583 : memref<80x128xf32, #tpu.memory_space<hbm>>) dst(%arg7 : memref<80x128xf32, #tpu.memory_space<vmem>>)
        "tpu.region"() ({
          %run_scoped3A = tpu.sem_alloc : memref<!tpu.dma_semaphore, #tpu.memory_space<semaphore_mem>>
          %dma_start3A_584 = arith.constant 0 : i32
          %dma_start3A_585 = tpu.memref_slice %arg5[%add3A_562, %dma_start3A_584] : memref<125x80xi32, #tpu.memory_space<vmem>> -> memref<1x80xi32, #tpu.memory_space<vmem>>
          %dma_start3A_586 = tpu.memref_squeeze %dma_start3A_585 : memref<1x80xi32, #tpu.memory_space<vmem>> -> memref<80xi32, #tpu.memory_space<vmem>>
          %dma_start3A_587 = arith.constant 0 : i32
          %dma_start3A_588 = arith.constant 0 : i32
          %dma_start3A_589 = tpu.memref_slice %arg11[%dma_start3A_587, %dma_start3A_588] : memref<10000x128xf32, #tpu.memory_space<vmem_shared>> -> memref<10000x128xf32, #tpu.memory_space<vmem_shared>>
          tpu.enqueue_indirect_dma source(%arg7 : memref<80x128xf32, #tpu.memory_space<vmem>>) target(%dma_start3A_589 : memref<10000x128xf32, #tpu.memory_space<vmem_shared>>) offsets(%dma_start3A_586 : memref<80xi32, #tpu.memory_space<vmem>>) semaphore(%run_scoped3A : memref<!tpu.dma_semaphore, #tpu.memory_space<semaphore_mem>>) {add = true}
          %dma_wait3A_590 = arith.constant 0 : i32
          %dma_wait3A_591 = tpu.memref_slice %arg5[%add3A_562, %dma_wait3A_590] : memref<125x80xi32, #tpu.memory_space<vmem>> -> memref<1x80xi32, #tpu.memory_space<vmem>>
          %dma_wait3A_592 = tpu.memref_squeeze %dma_wait3A_591 : memref<1x80xi32, #tpu.memory_space<vmem>> -> memref<80xi32, #tpu.memory_space<vmem>>
          %dma_wait3A_593 = arith.constant 0 : i32
          %dma_wait3A_594 = arith.constant 0 : i32
          %dma_wait3A_595 = tpu.memref_slice %arg11[%dma_wait3A_593, %dma_wait3A_594] : memref<10000x128xf32, #tpu.memory_space<vmem_shared>> -> memref<10000x128xf32, #tpu.memory_space<vmem_shared>>
          tpu.wait_indirect_dma semaphore(%run_scoped3A : memref<!tpu.dma_semaphore, #tpu.memory_space<semaphore_mem>>) src(%arg7 : memref<80x128xf32, #tpu.memory_space<vmem>>) dst(%dma_wait3A_595 : memref<10000x128xf32, #tpu.memory_space<vmem_shared>>)
          tpu.yield
        }) : () -> ()
      } else {
      }
    }
    %scan3A_347 = arith.constant 63 : i32
    %barrier3A_348 = arith.constant 0 : index
    tpu.barrier barrier_id(%barrier3A_348)
    %add3A_349 = arith.constant 0 : i32
    %add3A_350 = arith.addi %arg1, %add3A_349 : i32
    %lt3A_351 = arith.constant 125 : i32
    %lt3A_352 = arith.cmpi slt, %add3A_350, %lt3A_351 : i32
    %convert_element_type3A_353 = arith.extui %lt3A_352 : i1 to i32
    %cond3A_354 = arith.constant 0 : i32
    %cond3A_355 = arith.cmpi ne, %convert_element_type3A_353, %cond3A_354 : i32
    scf.if %cond3A_355 {
      %mul3A_542 = arith.constant 80 : i32
      %mul3A_543 = arith.muli %add3A_350, %mul3A_542 : i32
      "tpu.region"() ({
        %run_scoped3A_544 = tpu.sem_alloc : memref<!tpu.dma_semaphore, #tpu.memory_space<semaphore_mem>>
        %dma_start3A_545 = arith.constant 0 : i32
        %dma_start3A_546 = tpu.memref_slice %arg11[%mul3A_543, %dma_start3A_545] : memref<10000x128xf32, #tpu.memory_space<vmem_shared>> -> memref<80x128xf32, #tpu.memory_space<vmem_shared>>
        %dma_start3A_547 = arith.constant 0 : i32
        %dma_start3A_548 = tpu.memref_slice %arg11[%mul3A_543, %dma_start3A_547] : memref<10000x128xf32, #tpu.memory_space<vmem_shared>> -> memref<80x128xf32, #tpu.memory_space<vmem_shared>>
        tpu.enqueue_dma source(%dma_start3A_548 : memref<80x128xf32, #tpu.memory_space<vmem_shared>>) target(%arg8 : memref<80x128xf32, #tpu.memory_space<vmem>>) target_semaphore(%run_scoped3A_544 : memref<!tpu.dma_semaphore, #tpu.memory_space<semaphore_mem>>)
        %dma_wait3A = arith.constant 0 : i32
        %dma_wait3A_549 = tpu.memref_slice %arg11[%mul3A_543, %dma_wait3A] : memref<10000x128xf32, #tpu.memory_space<vmem_shared>> -> memref<80x128xf32, #tpu.memory_space<vmem_shared>>
        %dma_wait3A_550 = arith.constant 0 : i32
        %dma_wait3A_551 = tpu.memref_slice %arg11[%mul3A_543, %dma_wait3A_550] : memref<10000x128xf32, #tpu.memory_space<vmem_shared>> -> memref<80x128xf32, #tpu.memory_space<vmem_shared>>
        tpu.wait_dma2 semaphore(%run_scoped3A_544 : memref<!tpu.dma_semaphore, #tpu.memory_space<semaphore_mem>>) src(%dma_wait3A_551 : memref<80x128xf32, #tpu.memory_space<vmem_shared>>) dst(%arg8 : memref<80x128xf32, #tpu.memory_space<vmem>>)
        tpu.yield
      }) : () -> ()
      %run_scoped3A = arith.constant 2 : i32
      "tpu.region"() ({
        %run_scoped3A_544 = tpu.sem_alloc : memref<!tpu.dma_semaphore, #tpu.memory_space<semaphore_mem>>
        %dma_start3A_545 = arith.constant 0 : i32
        %dma_start3A_546 = tpu.memref_slice %arg4[%arg0, %run_scoped3A, %mul3A_543, %dma_start3A_545] : memref<2x4x10000x128xf32, #tpu.memory_space<hbm>> -> memref<1x1x80x128xf32, #tpu.memory_space<hbm>>
        %dma_start3A_547 = tpu.memref_squeeze %dma_start3A_546 : memref<1x1x80x128xf32, #tpu.memory_space<hbm>> -> memref<80x128xf32, #tpu.memory_space<hbm>>
        %dma_start3A_548 = arith.constant 0 : i32
        %dma_start3A_549 = tpu.memref_slice %arg4[%arg0, %run_scoped3A, %mul3A_543, %dma_start3A_548] : memref<2x4x10000x128xf32, #tpu.memory_space<hbm>> -> memref<1x1x80x128xf32, #tpu.memory_space<hbm>>
        %dma_start3A_550 = tpu.memref_squeeze %dma_start3A_549 : memref<1x1x80x128xf32, #tpu.memory_space<hbm>> -> memref<80x128xf32, #tpu.memory_space<hbm>>
        tpu.enqueue_dma source(%arg8 : memref<80x128xf32, #tpu.memory_space<vmem>>) target(%dma_start3A_550 : memref<80x128xf32, #tpu.memory_space<hbm>>) target_semaphore(%run_scoped3A_544 : memref<!tpu.dma_semaphore, #tpu.memory_space<semaphore_mem>>)
        %dma_wait3A = arith.constant 0 : i32
        %dma_wait3A_551 = tpu.memref_slice %arg4[%arg0, %run_scoped3A, %mul3A_543, %dma_wait3A] : memref<2x4x10000x128xf32, #tpu.memory_space<hbm>> -> memref<1x1x80x128xf32, #tpu.memory_space<hbm>>
        %dma_wait3A_552 = tpu.memref_squeeze %dma_wait3A_551 : memref<1x1x80x128xf32, #tpu.memory_space<hbm>> -> memref<80x128xf32, #tpu.memory_space<hbm>>
        %dma_wait3A_553 = arith.constant 0 : i32
        %dma_wait3A_554 = tpu.memref_slice %arg4[%arg0, %run_scoped3A, %mul3A_543, %dma_wait3A_553] : memref<2x4x10000x128xf32, #tpu.memory_space<hbm>> -> memref<1x1x80x128xf32, #tpu.memory_space<hbm>>
        %dma_wait3A_555 = tpu.memref_squeeze %dma_wait3A_554 : memref<1x1x80x128xf32, #tpu.memory_space<hbm>> -> memref<80x128xf32, #tpu.memory_space<hbm>>
        tpu.wait_dma2 semaphore(%run_scoped3A_544 : memref<!tpu.dma_semaphore, #tpu.memory_space<semaphore_mem>>) src(%arg8 : memref<80x128xf32, #tpu.memory_space<vmem>>) dst(%dma_wait3A_555 : memref<80x128xf32, #tpu.memory_space<hbm>>)
        tpu.yield
      }) : () -> ()
    } else {
    }
    %add3A_356 = arith.constant 16 : i32
    %add3A_357 = arith.addi %arg1, %add3A_356 : i32
    %lt3A_358 = arith.constant 125 : i32
    %lt3A_359 = arith.cmpi slt, %add3A_357, %lt3A_358 : i32
    %convert_element_type3A_360 = arith.extui %lt3A_359 : i1 to i32
    %cond3A_361 = arith.constant 0 : i32
    %cond3A_362 = arith.cmpi ne, %convert_element_type3A_360, %cond3A_361 : i32
    scf.if %cond3A_362 {
      %mul3A_542 = arith.constant 80 : i32
      %mul3A_543 = arith.muli %add3A_357, %mul3A_542 : i32
      "tpu.region"() ({
        %run_scoped3A_544 = tpu.sem_alloc : memref<!tpu.dma_semaphore, #tpu.memory_space<semaphore_mem>>
        %dma_start3A_545 = arith.constant 0 : i32
        %dma_start3A_546 = tpu.memref_slice %arg11[%mul3A_543, %dma_start3A_545] : memref<10000x128xf32, #tpu.memory_space<vmem_shared>> -> memref<80x128xf32, #tpu.memory_space<vmem_shared>>
        %dma_start3A_547 = arith.constant 0 : i32
        %dma_start3A_548 = tpu.memref_slice %arg11[%mul3A_543, %dma_start3A_547] : memref<10000x128xf32, #tpu.memory_space<vmem_shared>> -> memref<80x128xf32, #tpu.memory_space<vmem_shared>>
        tpu.enqueue_dma source(%dma_start3A_548 : memref<80x128xf32, #tpu.memory_space<vmem_shared>>) target(%arg8 : memref<80x128xf32, #tpu.memory_space<vmem>>) target_semaphore(%run_scoped3A_544 : memref<!tpu.dma_semaphore, #tpu.memory_space<semaphore_mem>>)
        %dma_wait3A = arith.constant 0 : i32
        %dma_wait3A_549 = tpu.memref_slice %arg11[%mul3A_543, %dma_wait3A] : memref<10000x128xf32, #tpu.memory_space<vmem_shared>> -> memref<80x128xf32, #tpu.memory_space<vmem_shared>>
        %dma_wait3A_550 = arith.constant 0 : i32
        %dma_wait3A_551 = tpu.memref_slice %arg11[%mul3A_543, %dma_wait3A_550] : memref<10000x128xf32, #tpu.memory_space<vmem_shared>> -> memref<80x128xf32, #tpu.memory_space<vmem_shared>>
        tpu.wait_dma2 semaphore(%run_scoped3A_544 : memref<!tpu.dma_semaphore, #tpu.memory_space<semaphore_mem>>) src(%dma_wait3A_551 : memref<80x128xf32, #tpu.memory_space<vmem_shared>>) dst(%arg8 : memref<80x128xf32, #tpu.memory_space<vmem>>)
        tpu.yield
      }) : () -> ()
      %run_scoped3A = arith.constant 2 : i32
      "tpu.region"() ({
        %run_scoped3A_544 = tpu.sem_alloc : memref<!tpu.dma_semaphore, #tpu.memory_space<semaphore_mem>>
        %dma_start3A_545 = arith.constant 0 : i32
        %dma_start3A_546 = tpu.memref_slice %arg4[%arg0, %run_scoped3A, %mul3A_543, %dma_start3A_545] : memref<2x4x10000x128xf32, #tpu.memory_space<hbm>> -> memref<1x1x80x128xf32, #tpu.memory_space<hbm>>
        %dma_start3A_547 = tpu.memref_squeeze %dma_start3A_546 : memref<1x1x80x128xf32, #tpu.memory_space<hbm>> -> memref<80x128xf32, #tpu.memory_space<hbm>>
        %dma_start3A_548 = arith.constant 0 : i32
        %dma_start3A_549 = tpu.memref_slice %arg4[%arg0, %run_scoped3A, %mul3A_543, %dma_start3A_548] : memref<2x4x10000x128xf32, #tpu.memory_space<hbm>> -> memref<1x1x80x128xf32, #tpu.memory_space<hbm>>
        %dma_start3A_550 = tpu.memref_squeeze %dma_start3A_549 : memref<1x1x80x128xf32, #tpu.memory_space<hbm>> -> memref<80x128xf32, #tpu.memory_space<hbm>>
        tpu.enqueue_dma source(%arg8 : memref<80x128xf32, #tpu.memory_space<vmem>>) target(%dma_start3A_550 : memref<80x128xf32, #tpu.memory_space<hbm>>) target_semaphore(%run_scoped3A_544 : memref<!tpu.dma_semaphore, #tpu.memory_space<semaphore_mem>>)
        %dma_wait3A = arith.constant 0 : i32
        %dma_wait3A_551 = tpu.memref_slice %arg4[%arg0, %run_scoped3A, %mul3A_543, %dma_wait3A] : memref<2x4x10000x128xf32, #tpu.memory_space<hbm>> -> memref<1x1x80x128xf32, #tpu.memory_space<hbm>>
        %dma_wait3A_552 = tpu.memref_squeeze %dma_wait3A_551 : memref<1x1x80x128xf32, #tpu.memory_space<hbm>> -> memref<80x128xf32, #tpu.memory_space<hbm>>
        %dma_wait3A_553 = arith.constant 0 : i32
        %dma_wait3A_554 = tpu.memref_slice %arg4[%arg0, %run_scoped3A, %mul3A_543, %dma_wait3A_553] : memref<2x4x10000x128xf32, #tpu.memory_space<hbm>> -> memref<1x1x80x128xf32, #tpu.memory_space<hbm>>
        %dma_wait3A_555 = tpu.memref_squeeze %dma_wait3A_554 : memref<1x1x80x128xf32, #tpu.memory_space<hbm>> -> memref<80x128xf32, #tpu.memory_space<hbm>>
        tpu.wait_dma2 semaphore(%run_scoped3A_544 : memref<!tpu.dma_semaphore, #tpu.memory_space<semaphore_mem>>) src(%arg8 : memref<80x128xf32, #tpu.memory_space<vmem>>) dst(%dma_wait3A_555 : memref<80x128xf32, #tpu.memory_space<hbm>>)
        tpu.yield
      }) : () -> ()
    } else {
    }
    %add3A_363 = arith.constant 32 : i32
    %add3A_364 = arith.addi %arg1, %add3A_363 : i32
    %lt3A_365 = arith.constant 125 : i32
    %lt3A_366 = arith.cmpi slt, %add3A_364, %lt3A_365 : i32
    %convert_element_type3A_367 = arith.extui %lt3A_366 : i1 to i32
    %cond3A_368 = arith.constant 0 : i32
    %cond3A_369 = arith.cmpi ne, %convert_element_type3A_367, %cond3A_368 : i32
    scf.if %cond3A_369 {
      %mul3A_542 = arith.constant 80 : i32
      %mul3A_543 = arith.muli %add3A_364, %mul3A_542 : i32
      "tpu.region"() ({
        %run_scoped3A_544 = tpu.sem_alloc : memref<!tpu.dma_semaphore, #tpu.memory_space<semaphore_mem>>
        %dma_start3A_545 = arith.constant 0 : i32
        %dma_start3A_546 = tpu.memref_slice %arg11[%mul3A_543, %dma_start3A_545] : memref<10000x128xf32, #tpu.memory_space<vmem_shared>> -> memref<80x128xf32, #tpu.memory_space<vmem_shared>>
        %dma_start3A_547 = arith.constant 0 : i32
        %dma_start3A_548 = tpu.memref_slice %arg11[%mul3A_543, %dma_start3A_547] : memref<10000x128xf32, #tpu.memory_space<vmem_shared>> -> memref<80x128xf32, #tpu.memory_space<vmem_shared>>
        tpu.enqueue_dma source(%dma_start3A_548 : memref<80x128xf32, #tpu.memory_space<vmem_shared>>) target(%arg8 : memref<80x128xf32, #tpu.memory_space<vmem>>) target_semaphore(%run_scoped3A_544 : memref<!tpu.dma_semaphore, #tpu.memory_space<semaphore_mem>>)
        %dma_wait3A = arith.constant 0 : i32
        %dma_wait3A_549 = tpu.memref_slice %arg11[%mul3A_543, %dma_wait3A] : memref<10000x128xf32, #tpu.memory_space<vmem_shared>> -> memref<80x128xf32, #tpu.memory_space<vmem_shared>>
        %dma_wait3A_550 = arith.constant 0 : i32
        %dma_wait3A_551 = tpu.memref_slice %arg11[%mul3A_543, %dma_wait3A_550] : memref<10000x128xf32, #tpu.memory_space<vmem_shared>> -> memref<80x128xf32, #tpu.memory_space<vmem_shared>>
        tpu.wait_dma2 semaphore(%run_scoped3A_544 : memref<!tpu.dma_semaphore, #tpu.memory_space<semaphore_mem>>) src(%dma_wait3A_551 : memref<80x128xf32, #tpu.memory_space<vmem_shared>>) dst(%arg8 : memref<80x128xf32, #tpu.memory_space<vmem>>)
        tpu.yield
      }) : () -> ()
      %run_scoped3A = arith.constant 2 : i32
      "tpu.region"() ({
        %run_scoped3A_544 = tpu.sem_alloc : memref<!tpu.dma_semaphore, #tpu.memory_space<semaphore_mem>>
        %dma_start3A_545 = arith.constant 0 : i32
        %dma_start3A_546 = tpu.memref_slice %arg4[%arg0, %run_scoped3A, %mul3A_543, %dma_start3A_545] : memref<2x4x10000x128xf32, #tpu.memory_space<hbm>> -> memref<1x1x80x128xf32, #tpu.memory_space<hbm>>
        %dma_start3A_547 = tpu.memref_squeeze %dma_start3A_546 : memref<1x1x80x128xf32, #tpu.memory_space<hbm>> -> memref<80x128xf32, #tpu.memory_space<hbm>>
        %dma_start3A_548 = arith.constant 0 : i32
        %dma_start3A_549 = tpu.memref_slice %arg4[%arg0, %run_scoped3A, %mul3A_543, %dma_start3A_548] : memref<2x4x10000x128xf32, #tpu.memory_space<hbm>> -> memref<1x1x80x128xf32, #tpu.memory_space<hbm>>
        %dma_start3A_550 = tpu.memref_squeeze %dma_start3A_549 : memref<1x1x80x128xf32, #tpu.memory_space<hbm>> -> memref<80x128xf32, #tpu.memory_space<hbm>>
        tpu.enqueue_dma source(%arg8 : memref<80x128xf32, #tpu.memory_space<vmem>>) target(%dma_start3A_550 : memref<80x128xf32, #tpu.memory_space<hbm>>) target_semaphore(%run_scoped3A_544 : memref<!tpu.dma_semaphore, #tpu.memory_space<semaphore_mem>>)
        %dma_wait3A = arith.constant 0 : i32
        %dma_wait3A_551 = tpu.memref_slice %arg4[%arg0, %run_scoped3A, %mul3A_543, %dma_wait3A] : memref<2x4x10000x128xf32, #tpu.memory_space<hbm>> -> memref<1x1x80x128xf32, #tpu.memory_space<hbm>>
        %dma_wait3A_552 = tpu.memref_squeeze %dma_wait3A_551 : memref<1x1x80x128xf32, #tpu.memory_space<hbm>> -> memref<80x128xf32, #tpu.memory_space<hbm>>
        %dma_wait3A_553 = arith.constant 0 : i32
        %dma_wait3A_554 = tpu.memref_slice %arg4[%arg0, %run_scoped3A, %mul3A_543, %dma_wait3A_553] : memref<2x4x10000x128xf32, #tpu.memory_space<hbm>> -> memref<1x1x80x128xf32, #tpu.memory_space<hbm>>
        %dma_wait3A_555 = tpu.memref_squeeze %dma_wait3A_554 : memref<1x1x80x128xf32, #tpu.memory_space<hbm>> -> memref<80x128xf32, #tpu.memory_space<hbm>>
        tpu.wait_dma2 semaphore(%run_scoped3A_544 : memref<!tpu.dma_semaphore, #tpu.memory_space<semaphore_mem>>) src(%arg8 : memref<80x128xf32, #tpu.memory_space<vmem>>) dst(%dma_wait3A_555 : memref<80x128xf32, #tpu.memory_space<hbm>>)
        tpu.yield
      }) : () -> ()
    } else {
    }
    %add3A_370 = arith.constant 48 : i32
    %add3A_371 = arith.addi %arg1, %add3A_370 : i32
    %lt3A_372 = arith.constant 125 : i32
    %lt3A_373 = arith.cmpi slt, %add3A_371, %lt3A_372 : i32
    %convert_element_type3A_374 = arith.extui %lt3A_373 : i1 to i32
    %cond3A_375 = arith.constant 0 : i32
    %cond3A_376 = arith.cmpi ne, %convert_element_type3A_374, %cond3A_375 : i32
    scf.if %cond3A_376 {
      %mul3A_542 = arith.constant 80 : i32
      %mul3A_543 = arith.muli %add3A_371, %mul3A_542 : i32
      "tpu.region"() ({
        %run_scoped3A_544 = tpu.sem_alloc : memref<!tpu.dma_semaphore, #tpu.memory_space<semaphore_mem>>
        %dma_start3A_545 = arith.constant 0 : i32
        %dma_start3A_546 = tpu.memref_slice %arg11[%mul3A_543, %dma_start3A_545] : memref<10000x128xf32, #tpu.memory_space<vmem_shared>> -> memref<80x128xf32, #tpu.memory_space<vmem_shared>>
        %dma_start3A_547 = arith.constant 0 : i32
        %dma_start3A_548 = tpu.memref_slice %arg11[%mul3A_543, %dma_start3A_547] : memref<10000x128xf32, #tpu.memory_space<vmem_shared>> -> memref<80x128xf32, #tpu.memory_space<vmem_shared>>
        tpu.enqueue_dma source(%dma_start3A_548 : memref<80x128xf32, #tpu.memory_space<vmem_shared>>) target(%arg8 : memref<80x128xf32, #tpu.memory_space<vmem>>) target_semaphore(%run_scoped3A_544 : memref<!tpu.dma_semaphore, #tpu.memory_space<semaphore_mem>>)
        %dma_wait3A = arith.constant 0 : i32
        %dma_wait3A_549 = tpu.memref_slice %arg11[%mul3A_543, %dma_wait3A] : memref<10000x128xf32, #tpu.memory_space<vmem_shared>> -> memref<80x128xf32, #tpu.memory_space<vmem_shared>>
        %dma_wait3A_550 = arith.constant 0 : i32
        %dma_wait3A_551 = tpu.memref_slice %arg11[%mul3A_543, %dma_wait3A_550] : memref<10000x128xf32, #tpu.memory_space<vmem_shared>> -> memref<80x128xf32, #tpu.memory_space<vmem_shared>>
        tpu.wait_dma2 semaphore(%run_scoped3A_544 : memref<!tpu.dma_semaphore, #tpu.memory_space<semaphore_mem>>) src(%dma_wait3A_551 : memref<80x128xf32, #tpu.memory_space<vmem_shared>>) dst(%arg8 : memref<80x128xf32, #tpu.memory_space<vmem>>)
        tpu.yield
      }) : () -> ()
      %run_scoped3A = arith.constant 2 : i32
      "tpu.region"() ({
        %run_scoped3A_544 = tpu.sem_alloc : memref<!tpu.dma_semaphore, #tpu.memory_space<semaphore_mem>>
        %dma_start3A_545 = arith.constant 0 : i32
        %dma_start3A_546 = tpu.memref_slice %arg4[%arg0, %run_scoped3A, %mul3A_543, %dma_start3A_545] : memref<2x4x10000x128xf32, #tpu.memory_space<hbm>> -> memref<1x1x80x128xf32, #tpu.memory_space<hbm>>
        %dma_start3A_547 = tpu.memref_squeeze %dma_start3A_546 : memref<1x1x80x128xf32, #tpu.memory_space<hbm>> -> memref<80x128xf32, #tpu.memory_space<hbm>>
        %dma_start3A_548 = arith.constant 0 : i32
        %dma_start3A_549 = tpu.memref_slice %arg4[%arg0, %run_scoped3A, %mul3A_543, %dma_start3A_548] : memref<2x4x10000x128xf32, #tpu.memory_space<hbm>> -> memref<1x1x80x128xf32, #tpu.memory_space<hbm>>
        %dma_start3A_550 = tpu.memref_squeeze %dma_start3A_549 : memref<1x1x80x128xf32, #tpu.memory_space<hbm>> -> memref<80x128xf32, #tpu.memory_space<hbm>>
        tpu.enqueue_dma source(%arg8 : memref<80x128xf32, #tpu.memory_space<vmem>>) target(%dma_start3A_550 : memref<80x128xf32, #tpu.memory_space<hbm>>) target_semaphore(%run_scoped3A_544 : memref<!tpu.dma_semaphore, #tpu.memory_space<semaphore_mem>>)
        %dma_wait3A = arith.constant 0 : i32
        %dma_wait3A_551 = tpu.memref_slice %arg4[%arg0, %run_scoped3A, %mul3A_543, %dma_wait3A] : memref<2x4x10000x128xf32, #tpu.memory_space<hbm>> -> memref<1x1x80x128xf32, #tpu.memory_space<hbm>>
        %dma_wait3A_552 = tpu.memref_squeeze %dma_wait3A_551 : memref<1x1x80x128xf32, #tpu.memory_space<hbm>> -> memref<80x128xf32, #tpu.memory_space<hbm>>
        %dma_wait3A_553 = arith.constant 0 : i32
        %dma_wait3A_554 = tpu.memref_slice %arg4[%arg0, %run_scoped3A, %mul3A_543, %dma_wait3A_553] : memref<2x4x10000x128xf32, #tpu.memory_space<hbm>> -> memref<1x1x80x128xf32, #tpu.memory_space<hbm>>
        %dma_wait3A_555 = tpu.memref_squeeze %dma_wait3A_554 : memref<1x1x80x128xf32, #tpu.memory_space<hbm>> -> memref<80x128xf32, #tpu.memory_space<hbm>>
        tpu.wait_dma2 semaphore(%run_scoped3A_544 : memref<!tpu.dma_semaphore, #tpu.memory_space<semaphore_mem>>) src(%arg8 : memref<80x128xf32, #tpu.memory_space<vmem>>) dst(%dma_wait3A_555 : memref<80x128xf32, #tpu.memory_space<hbm>>)
        tpu.yield
      }) : () -> ()
    } else {
    }
    %add3A_377 = arith.constant 64 : i32
    %add3A_378 = arith.addi %arg1, %add3A_377 : i32
    %lt3A_379 = arith.constant 125 : i32
    %lt3A_380 = arith.cmpi slt, %add3A_378, %lt3A_379 : i32
    %convert_element_type3A_381 = arith.extui %lt3A_380 : i1 to i32
    %cond3A_382 = arith.constant 0 : i32
    %cond3A_383 = arith.cmpi ne, %convert_element_type3A_381, %cond3A_382 : i32
    scf.if %cond3A_383 {
      %mul3A_542 = arith.constant 80 : i32
      %mul3A_543 = arith.muli %add3A_378, %mul3A_542 : i32
      "tpu.region"() ({
        %run_scoped3A_544 = tpu.sem_alloc : memref<!tpu.dma_semaphore, #tpu.memory_space<semaphore_mem>>
        %dma_start3A_545 = arith.constant 0 : i32
        %dma_start3A_546 = tpu.memref_slice %arg11[%mul3A_543, %dma_start3A_545] : memref<10000x128xf32, #tpu.memory_space<vmem_shared>> -> memref<80x128xf32, #tpu.memory_space<vmem_shared>>
        %dma_start3A_547 = arith.constant 0 : i32
        %dma_start3A_548 = tpu.memref_slice %arg11[%mul3A_543, %dma_start3A_547] : memref<10000x128xf32, #tpu.memory_space<vmem_shared>> -> memref<80x128xf32, #tpu.memory_space<vmem_shared>>
        tpu.enqueue_dma source(%dma_start3A_548 : memref<80x128xf32, #tpu.memory_space<vmem_shared>>) target(%arg8 : memref<80x128xf32, #tpu.memory_space<vmem>>) target_semaphore(%run_scoped3A_544 : memref<!tpu.dma_semaphore, #tpu.memory_space<semaphore_mem>>)
        %dma_wait3A = arith.constant 0 : i32
        %dma_wait3A_549 = tpu.memref_slice %arg11[%mul3A_543, %dma_wait3A] : memref<10000x128xf32, #tpu.memory_space<vmem_shared>> -> memref<80x128xf32, #tpu.memory_space<vmem_shared>>
        %dma_wait3A_550 = arith.constant 0 : i32
        %dma_wait3A_551 = tpu.memref_slice %arg11[%mul3A_543, %dma_wait3A_550] : memref<10000x128xf32, #tpu.memory_space<vmem_shared>> -> memref<80x128xf32, #tpu.memory_space<vmem_shared>>
        tpu.wait_dma2 semaphore(%run_scoped3A_544 : memref<!tpu.dma_semaphore, #tpu.memory_space<semaphore_mem>>) src(%dma_wait3A_551 : memref<80x128xf32, #tpu.memory_space<vmem_shared>>) dst(%arg8 : memref<80x128xf32, #tpu.memory_space<vmem>>)
        tpu.yield
      }) : () -> ()
      %run_scoped3A = arith.constant 2 : i32
      "tpu.region"() ({
        %run_scoped3A_544 = tpu.sem_alloc : memref<!tpu.dma_semaphore, #tpu.memory_space<semaphore_mem>>
        %dma_start3A_545 = arith.constant 0 : i32
        %dma_start3A_546 = tpu.memref_slice %arg4[%arg0, %run_scoped3A, %mul3A_543, %dma_start3A_545] : memref<2x4x10000x128xf32, #tpu.memory_space<hbm>> -> memref<1x1x80x128xf32, #tpu.memory_space<hbm>>
        %dma_start3A_547 = tpu.memref_squeeze %dma_start3A_546 : memref<1x1x80x128xf32, #tpu.memory_space<hbm>> -> memref<80x128xf32, #tpu.memory_space<hbm>>
        %dma_start3A_548 = arith.constant 0 : i32
        %dma_start3A_549 = tpu.memref_slice %arg4[%arg0, %run_scoped3A, %mul3A_543, %dma_start3A_548] : memref<2x4x10000x128xf32, #tpu.memory_space<hbm>> -> memref<1x1x80x128xf32, #tpu.memory_space<hbm>>
        %dma_start3A_550 = tpu.memref_squeeze %dma_start3A_549 : memref<1x1x80x128xf32, #tpu.memory_space<hbm>> -> memref<80x128xf32, #tpu.memory_space<hbm>>
        tpu.enqueue_dma source(%arg8 : memref<80x128xf32, #tpu.memory_space<vmem>>) target(%dma_start3A_550 : memref<80x128xf32, #tpu.memory_space<hbm>>) target_semaphore(%run_scoped3A_544 : memref<!tpu.dma_semaphore, #tpu.memory_space<semaphore_mem>>)
        %dma_wait3A = arith.constant 0 : i32
        %dma_wait3A_551 = tpu.memref_slice %arg4[%arg0, %run_scoped3A, %mul3A_543, %dma_wait3A] : memref<2x4x10000x128xf32, #tpu.memory_space<hbm>> -> memref<1x1x80x128xf32, #tpu.memory_space<hbm>>
        %dma_wait3A_552 = tpu.memref_squeeze %dma_wait3A_551 : memref<1x1x80x128xf32, #tpu.memory_space<hbm>> -> memref<80x128xf32, #tpu.memory_space<hbm>>
        %dma_wait3A_553 = arith.constant 0 : i32
        %dma_wait3A_554 = tpu.memref_slice %arg4[%arg0, %run_scoped3A, %mul3A_543, %dma_wait3A_553] : memref<2x4x10000x128xf32, #tpu.memory_space<hbm>> -> memref<1x1x80x128xf32, #tpu.memory_space<hbm>>
        %dma_wait3A_555 = tpu.memref_squeeze %dma_wait3A_554 : memref<1x1x80x128xf32, #tpu.memory_space<hbm>> -> memref<80x128xf32, #tpu.memory_space<hbm>>
        tpu.wait_dma2 semaphore(%run_scoped3A_544 : memref<!tpu.dma_semaphore, #tpu.memory_space<semaphore_mem>>) src(%arg8 : memref<80x128xf32, #tpu.memory_space<vmem>>) dst(%dma_wait3A_555 : memref<80x128xf32, #tpu.memory_space<hbm>>)
        tpu.yield
      }) : () -> ()
    } else {
    }
    %add3A_384 = arith.constant 80 : i32
    %add3A_385 = arith.addi %arg1, %add3A_384 : i32
    %lt3A_386 = arith.constant 125 : i32
    %lt3A_387 = arith.cmpi slt, %add3A_385, %lt3A_386 : i32
    %convert_element_type3A_388 = arith.extui %lt3A_387 : i1 to i32
    %cond3A_389 = arith.constant 0 : i32
    %cond3A_390 = arith.cmpi ne, %convert_element_type3A_388, %cond3A_389 : i32
    scf.if %cond3A_390 {
      %mul3A_542 = arith.constant 80 : i32
      %mul3A_543 = arith.muli %add3A_385, %mul3A_542 : i32
      "tpu.region"() ({
        %run_scoped3A_544 = tpu.sem_alloc : memref<!tpu.dma_semaphore, #tpu.memory_space<semaphore_mem>>
        %dma_start3A_545 = arith.constant 0 : i32
        %dma_start3A_546 = tpu.memref_slice %arg11[%mul3A_543, %dma_start3A_545] : memref<10000x128xf32, #tpu.memory_space<vmem_shared>> -> memref<80x128xf32, #tpu.memory_space<vmem_shared>>
        %dma_start3A_547 = arith.constant 0 : i32
        %dma_start3A_548 = tpu.memref_slice %arg11[%mul3A_543, %dma_start3A_547] : memref<10000x128xf32, #tpu.memory_space<vmem_shared>> -> memref<80x128xf32, #tpu.memory_space<vmem_shared>>
        tpu.enqueue_dma source(%dma_start3A_548 : memref<80x128xf32, #tpu.memory_space<vmem_shared>>) target(%arg8 : memref<80x128xf32, #tpu.memory_space<vmem>>) target_semaphore(%run_scoped3A_544 : memref<!tpu.dma_semaphore, #tpu.memory_space<semaphore_mem>>)
        %dma_wait3A = arith.constant 0 : i32
        %dma_wait3A_549 = tpu.memref_slice %arg11[%mul3A_543, %dma_wait3A] : memref<10000x128xf32, #tpu.memory_space<vmem_shared>> -> memref<80x128xf32, #tpu.memory_space<vmem_shared>>
        %dma_wait3A_550 = arith.constant 0 : i32
        %dma_wait3A_551 = tpu.memref_slice %arg11[%mul3A_543, %dma_wait3A_550] : memref<10000x128xf32, #tpu.memory_space<vmem_shared>> -> memref<80x128xf32, #tpu.memory_space<vmem_shared>>
        tpu.wait_dma2 semaphore(%run_scoped3A_544 : memref<!tpu.dma_semaphore, #tpu.memory_space<semaphore_mem>>) src(%dma_wait3A_551 : memref<80x128xf32, #tpu.memory_space<vmem_shared>>) dst(%arg8 : memref<80x128xf32, #tpu.memory_space<vmem>>)
        tpu.yield
      }) : () -> ()
      %run_scoped3A = arith.constant 2 : i32
      "tpu.region"() ({
        %run_scoped3A_544 = tpu.sem_alloc : memref<!tpu.dma_semaphore, #tpu.memory_space<semaphore_mem>>
        %dma_start3A_545 = arith.constant 0 : i32
        %dma_start3A_546 = tpu.memref_slice %arg4[%arg0, %run_scoped3A, %mul3A_543, %dma_start3A_545] : memref<2x4x10000x128xf32, #tpu.memory_space<hbm>> -> memref<1x1x80x128xf32, #tpu.memory_space<hbm>>
        %dma_start3A_547 = tpu.memref_squeeze %dma_start3A_546 : memref<1x1x80x128xf32, #tpu.memory_space<hbm>> -> memref<80x128xf32, #tpu.memory_space<hbm>>
        %dma_start3A_548 = arith.constant 0 : i32
        %dma_start3A_549 = tpu.memref_slice %arg4[%arg0, %run_scoped3A, %mul3A_543, %dma_start3A_548] : memref<2x4x10000x128xf32, #tpu.memory_space<hbm>> -> memref<1x1x80x128xf32, #tpu.memory_space<hbm>>
        %dma_start3A_550 = tpu.memref_squeeze %dma_start3A_549 : memref<1x1x80x128xf32, #tpu.memory_space<hbm>> -> memref<80x128xf32, #tpu.memory_space<hbm>>
        tpu.enqueue_dma source(%arg8 : memref<80x128xf32, #tpu.memory_space<vmem>>) target(%dma_start3A_550 : memref<80x128xf32, #tpu.memory_space<hbm>>) target_semaphore(%run_scoped3A_544 : memref<!tpu.dma_semaphore, #tpu.memory_space<semaphore_mem>>)
        %dma_wait3A = arith.constant 0 : i32
        %dma_wait3A_551 = tpu.memref_slice %arg4[%arg0, %run_scoped3A, %mul3A_543, %dma_wait3A] : memref<2x4x10000x128xf32, #tpu.memory_space<hbm>> -> memref<1x1x80x128xf32, #tpu.memory_space<hbm>>
        %dma_wait3A_552 = tpu.memref_squeeze %dma_wait3A_551 : memref<1x1x80x128xf32, #tpu.memory_space<hbm>> -> memref<80x128xf32, #tpu.memory_space<hbm>>
        %dma_wait3A_553 = arith.constant 0 : i32
        %dma_wait3A_554 = tpu.memref_slice %arg4[%arg0, %run_scoped3A, %mul3A_543, %dma_wait3A_553] : memref<2x4x10000x128xf32, #tpu.memory_space<hbm>> -> memref<1x1x80x128xf32, #tpu.memory_space<hbm>>
        %dma_wait3A_555 = tpu.memref_squeeze %dma_wait3A_554 : memref<1x1x80x128xf32, #tpu.memory_space<hbm>> -> memref<80x128xf32, #tpu.memory_space<hbm>>
        tpu.wait_dma2 semaphore(%run_scoped3A_544 : memref<!tpu.dma_semaphore, #tpu.memory_space<semaphore_mem>>) src(%arg8 : memref<80x128xf32, #tpu.memory_space<vmem>>) dst(%dma_wait3A_555 : memref<80x128xf32, #tpu.memory_space<hbm>>)
        tpu.yield
      }) : () -> ()
    } else {
    }
    %add3A_391 = arith.constant 96 : i32
    %add3A_392 = arith.addi %arg1, %add3A_391 : i32
    %lt3A_393 = arith.constant 125 : i32
    %lt3A_394 = arith.cmpi slt, %add3A_392, %lt3A_393 : i32
    %convert_element_type3A_395 = arith.extui %lt3A_394 : i1 to i32
    %cond3A_396 = arith.constant 0 : i32
    %cond3A_397 = arith.cmpi ne, %convert_element_type3A_395, %cond3A_396 : i32
    scf.if %cond3A_397 {
      %mul3A_542 = arith.constant 80 : i32
      %mul3A_543 = arith.muli %add3A_392, %mul3A_542 : i32
      "tpu.region"() ({
        %run_scoped3A_544 = tpu.sem_alloc : memref<!tpu.dma_semaphore, #tpu.memory_space<semaphore_mem>>
        %dma_start3A_545 = arith.constant 0 : i32
        %dma_start3A_546 = tpu.memref_slice %arg11[%mul3A_543, %dma_start3A_545] : memref<10000x128xf32, #tpu.memory_space<vmem_shared>> -> memref<80x128xf32, #tpu.memory_space<vmem_shared>>
        %dma_start3A_547 = arith.constant 0 : i32
        %dma_start3A_548 = tpu.memref_slice %arg11[%mul3A_543, %dma_start3A_547] : memref<10000x128xf32, #tpu.memory_space<vmem_shared>> -> memref<80x128xf32, #tpu.memory_space<vmem_shared>>
        tpu.enqueue_dma source(%dma_start3A_548 : memref<80x128xf32, #tpu.memory_space<vmem_shared>>) target(%arg8 : memref<80x128xf32, #tpu.memory_space<vmem>>) target_semaphore(%run_scoped3A_544 : memref<!tpu.dma_semaphore, #tpu.memory_space<semaphore_mem>>)
        %dma_wait3A = arith.constant 0 : i32
        %dma_wait3A_549 = tpu.memref_slice %arg11[%mul3A_543, %dma_wait3A] : memref<10000x128xf32, #tpu.memory_space<vmem_shared>> -> memref<80x128xf32, #tpu.memory_space<vmem_shared>>
        %dma_wait3A_550 = arith.constant 0 : i32
        %dma_wait3A_551 = tpu.memref_slice %arg11[%mul3A_543, %dma_wait3A_550] : memref<10000x128xf32, #tpu.memory_space<vmem_shared>> -> memref<80x128xf32, #tpu.memory_space<vmem_shared>>
        tpu.wait_dma2 semaphore(%run_scoped3A_544 : memref<!tpu.dma_semaphore, #tpu.memory_space<semaphore_mem>>) src(%dma_wait3A_551 : memref<80x128xf32, #tpu.memory_space<vmem_shared>>) dst(%arg8 : memref<80x128xf32, #tpu.memory_space<vmem>>)
        tpu.yield
      }) : () -> ()
      %run_scoped3A = arith.constant 2 : i32
      "tpu.region"() ({
        %run_scoped3A_544 = tpu.sem_alloc : memref<!tpu.dma_semaphore, #tpu.memory_space<semaphore_mem>>
        %dma_start3A_545 = arith.constant 0 : i32
        %dma_start3A_546 = tpu.memref_slice %arg4[%arg0, %run_scoped3A, %mul3A_543, %dma_start3A_545] : memref<2x4x10000x128xf32, #tpu.memory_space<hbm>> -> memref<1x1x80x128xf32, #tpu.memory_space<hbm>>
        %dma_start3A_547 = tpu.memref_squeeze %dma_start3A_546 : memref<1x1x80x128xf32, #tpu.memory_space<hbm>> -> memref<80x128xf32, #tpu.memory_space<hbm>>
        %dma_start3A_548 = arith.constant 0 : i32
        %dma_start3A_549 = tpu.memref_slice %arg4[%arg0, %run_scoped3A, %mul3A_543, %dma_start3A_548] : memref<2x4x10000x128xf32, #tpu.memory_space<hbm>> -> memref<1x1x80x128xf32, #tpu.memory_space<hbm>>
        %dma_start3A_550 = tpu.memref_squeeze %dma_start3A_549 : memref<1x1x80x128xf32, #tpu.memory_space<hbm>> -> memref<80x128xf32, #tpu.memory_space<hbm>>
        tpu.enqueue_dma source(%arg8 : memref<80x128xf32, #tpu.memory_space<vmem>>) target(%dma_start3A_550 : memref<80x128xf32, #tpu.memory_space<hbm>>) target_semaphore(%run_scoped3A_544 : memref<!tpu.dma_semaphore, #tpu.memory_space<semaphore_mem>>)
        %dma_wait3A = arith.constant 0 : i32
        %dma_wait3A_551 = tpu.memref_slice %arg4[%arg0, %run_scoped3A, %mul3A_543, %dma_wait3A] : memref<2x4x10000x128xf32, #tpu.memory_space<hbm>> -> memref<1x1x80x128xf32, #tpu.memory_space<hbm>>
        %dma_wait3A_552 = tpu.memref_squeeze %dma_wait3A_551 : memref<1x1x80x128xf32, #tpu.memory_space<hbm>> -> memref<80x128xf32, #tpu.memory_space<hbm>>
        %dma_wait3A_553 = arith.constant 0 : i32
        %dma_wait3A_554 = tpu.memref_slice %arg4[%arg0, %run_scoped3A, %mul3A_543, %dma_wait3A_553] : memref<2x4x10000x128xf32, #tpu.memory_space<hbm>> -> memref<1x1x80x128xf32, #tpu.memory_space<hbm>>
        %dma_wait3A_555 = tpu.memref_squeeze %dma_wait3A_554 : memref<1x1x80x128xf32, #tpu.memory_space<hbm>> -> memref<80x128xf32, #tpu.memory_space<hbm>>
        tpu.wait_dma2 semaphore(%run_scoped3A_544 : memref<!tpu.dma_semaphore, #tpu.memory_space<semaphore_mem>>) src(%arg8 : memref<80x128xf32, #tpu.memory_space<vmem>>) dst(%dma_wait3A_555 : memref<80x128xf32, #tpu.memory_space<hbm>>)
        tpu.yield
      }) : () -> ()
    } else {
    }
    %add3A_398 = arith.constant 112 : i32
    %add3A_399 = arith.addi %arg1, %add3A_398 : i32
    %lt3A_400 = arith.constant 125 : i32
    %lt3A_401 = arith.cmpi slt, %add3A_399, %lt3A_400 : i32
    %convert_element_type3A_402 = arith.extui %lt3A_401 : i1 to i32
    %cond3A_403 = arith.constant 0 : i32
    %cond3A_404 = arith.cmpi ne, %convert_element_type3A_402, %cond3A_403 : i32
    scf.if %cond3A_404 {
      %mul3A_542 = arith.constant 80 : i32
      %mul3A_543 = arith.muli %add3A_399, %mul3A_542 : i32
      "tpu.region"() ({
        %run_scoped3A_544 = tpu.sem_alloc : memref<!tpu.dma_semaphore, #tpu.memory_space<semaphore_mem>>
        %dma_start3A_545 = arith.constant 0 : i32
        %dma_start3A_546 = tpu.memref_slice %arg11[%mul3A_543, %dma_start3A_545] : memref<10000x128xf32, #tpu.memory_space<vmem_shared>> -> memref<80x128xf32, #tpu.memory_space<vmem_shared>>
        %dma_start3A_547 = arith.constant 0 : i32
        %dma_start3A_548 = tpu.memref_slice %arg11[%mul3A_543, %dma_start3A_547] : memref<10000x128xf32, #tpu.memory_space<vmem_shared>> -> memref<80x128xf32, #tpu.memory_space<vmem_shared>>
        tpu.enqueue_dma source(%dma_start3A_548 : memref<80x128xf32, #tpu.memory_space<vmem_shared>>) target(%arg8 : memref<80x128xf32, #tpu.memory_space<vmem>>) target_semaphore(%run_scoped3A_544 : memref<!tpu.dma_semaphore, #tpu.memory_space<semaphore_mem>>)
        %dma_wait3A = arith.constant 0 : i32
        %dma_wait3A_549 = tpu.memref_slice %arg11[%mul3A_543, %dma_wait3A] : memref<10000x128xf32, #tpu.memory_space<vmem_shared>> -> memref<80x128xf32, #tpu.memory_space<vmem_shared>>
        %dma_wait3A_550 = arith.constant 0 : i32
        %dma_wait3A_551 = tpu.memref_slice %arg11[%mul3A_543, %dma_wait3A_550] : memref<10000x128xf32, #tpu.memory_space<vmem_shared>> -> memref<80x128xf32, #tpu.memory_space<vmem_shared>>
        tpu.wait_dma2 semaphore(%run_scoped3A_544 : memref<!tpu.dma_semaphore, #tpu.memory_space<semaphore_mem>>) src(%dma_wait3A_551 : memref<80x128xf32, #tpu.memory_space<vmem_shared>>) dst(%arg8 : memref<80x128xf32, #tpu.memory_space<vmem>>)
        tpu.yield
      }) : () -> ()
      %run_scoped3A = arith.constant 2 : i32
      "tpu.region"() ({
        %run_scoped3A_544 = tpu.sem_alloc : memref<!tpu.dma_semaphore, #tpu.memory_space<semaphore_mem>>
        %dma_start3A_545 = arith.constant 0 : i32
        %dma_start3A_546 = tpu.memref_slice %arg4[%arg0, %run_scoped3A, %mul3A_543, %dma_start3A_545] : memref<2x4x10000x128xf32, #tpu.memory_space<hbm>> -> memref<1x1x80x128xf32, #tpu.memory_space<hbm>>
        %dma_start3A_547 = tpu.memref_squeeze %dma_start3A_546 : memref<1x1x80x128xf32, #tpu.memory_space<hbm>> -> memref<80x128xf32, #tpu.memory_space<hbm>>
        %dma_start3A_548 = arith.constant 0 : i32
        %dma_start3A_549 = tpu.memref_slice %arg4[%arg0, %run_scoped3A, %mul3A_543, %dma_start3A_548] : memref<2x4x10000x128xf32, #tpu.memory_space<hbm>> -> memref<1x1x80x128xf32, #tpu.memory_space<hbm>>
        %dma_start3A_550 = tpu.memref_squeeze %dma_start3A_549 : memref<1x1x80x128xf32, #tpu.memory_space<hbm>> -> memref<80x128xf32, #tpu.memory_space<hbm>>
        tpu.enqueue_dma source(%arg8 : memref<80x128xf32, #tpu.memory_space<vmem>>) target(%dma_start3A_550 : memref<80x128xf32, #tpu.memory_space<hbm>>) target_semaphore(%run_scoped3A_544 : memref<!tpu.dma_semaphore, #tpu.memory_space<semaphore_mem>>)
        %dma_wait3A = arith.constant 0 : i32
        %dma_wait3A_551 = tpu.memref_slice %arg4[%arg0, %run_scoped3A, %mul3A_543, %dma_wait3A] : memref<2x4x10000x128xf32, #tpu.memory_space<hbm>> -> memref<1x1x80x128xf32, #tpu.memory_space<hbm>>
        %dma_wait3A_552 = tpu.memref_squeeze %dma_wait3A_551 : memref<1x1x80x128xf32, #tpu.memory_space<hbm>> -> memref<80x128xf32, #tpu.memory_space<hbm>>
        %dma_wait3A_553 = arith.constant 0 : i32
        %dma_wait3A_554 = tpu.memref_slice %arg4[%arg0, %run_scoped3A, %mul3A_543, %dma_wait3A_553] : memref<2x4x10000x128xf32, #tpu.memory_space<hbm>> -> memref<1x1x80x128xf32, #tpu.memory_space<hbm>>
        %dma_wait3A_555 = tpu.memref_squeeze %dma_wait3A_554 : memref<1x1x80x128xf32, #tpu.memory_space<hbm>> -> memref<80x128xf32, #tpu.memory_space<hbm>>
        tpu.wait_dma2 semaphore(%run_scoped3A_544 : memref<!tpu.dma_semaphore, #tpu.memory_space<semaphore_mem>>) src(%arg8 : memref<80x128xf32, #tpu.memory_space<vmem>>) dst(%dma_wait3A_555 : memref<80x128xf32, #tpu.memory_space<hbm>>)
        tpu.yield
      }) : () -> ()
    } else {
    }
    %barrier3A_405 = arith.constant 0 : index
    tpu.barrier barrier_id(%barrier3A_405)
    %scan3A_406 = arith.constant 0 : i32
    %scan3A_407 = arith.constant 0 : i32
    %scan3A_408 = arith.constant 80 : i32
    %scan3A_409 = arith.addi %scan3A_407, %scan3A_408 : i32
    %scan3A_410 = arith.constant 1 : i32
    scf.for %scan3A_542 = %scan3A_407 to %scan3A_409 step %scan3A_410  : i32 {
      %swap3A = arith.index_cast %scan3A_542 : i32 to index
      %swap3A_543 = arith.constant 0 : index
      %swap3A_544 = tpu.vector_load %arg8[%swap3A, %swap3A_543] {strides = array<i32>} : memref<80x128xf32, #tpu.memory_space<vmem>>, vector<1x16xf32>,
      %swap3A_545 = vector.shape_cast %swap3A_544 : vector<1x16xf32> to vector<16xf32>
      %swap3A_546 = vector.shape_cast %broadcast_in_dim3A_3 : vector<16xf32> to vector<1x16xf32>
      tpu.vector_store %arg8[%swap3A, %swap3A_543], %swap3A_546 {strides = array<i32>} : memref<80x128xf32, #tpu.memory_space<vmem>>, vector<1x16xf32>,
      %swap3A_547 = arith.index_cast %scan3A_542 : i32 to index
      %swap3A_548 = arith.constant 16 : index
      %swap3A_549 = tpu.vector_load %arg8[%swap3A_547, %swap3A_548] {strides = array<i32>} : memref<80x128xf32, #tpu.memory_space<vmem>>, vector<1x16xf32>,
      %swap3A_550 = vector.shape_cast %swap3A_549 : vector<1x16xf32> to vector<16xf32>
      %swap3A_551 = vector.shape_cast %broadcast_in_dim3A_3 : vector<16xf32> to vector<1x16xf32>
      tpu.vector_store %arg8[%swap3A_547, %swap3A_548], %swap3A_551 {strides = array<i32>} : memref<80x128xf32, #tpu.memory_space<vmem>>, vector<1x16xf32>,
      %swap3A_552 = arith.index_cast %scan3A_542 : i32 to index
      %swap3A_553 = arith.constant 32 : index
      %swap3A_554 = tpu.vector_load %arg8[%swap3A_552, %swap3A_553] {strides = array<i32>} : memref<80x128xf32, #tpu.memory_space<vmem>>, vector<1x16xf32>,
      %swap3A_555 = vector.shape_cast %swap3A_554 : vector<1x16xf32> to vector<16xf32>
      %swap3A_556 = vector.shape_cast %broadcast_in_dim3A_3 : vector<16xf32> to vector<1x16xf32>
      tpu.vector_store %arg8[%swap3A_552, %swap3A_553], %swap3A_556 {strides = array<i32>} : memref<80x128xf32, #tpu.memory_space<vmem>>, vector<1x16xf32>,
      %swap3A_557 = arith.index_cast %scan3A_542 : i32 to index
      %swap3A_558 = arith.constant 48 : index
      %swap3A_559 = tpu.vector_load %arg8[%swap3A_557, %swap3A_558] {strides = array<i32>} : memref<80x128xf32, #tpu.memory_space<vmem>>, vector<1x16xf32>,
      %swap3A_560 = vector.shape_cast %swap3A_559 : vector<1x16xf32> to vector<16xf32>
      %swap3A_561 = vector.shape_cast %broadcast_in_dim3A_3 : vector<16xf32> to vector<1x16xf32>
      tpu.vector_store %arg8[%swap3A_557, %swap3A_558], %swap3A_561 {strides = array<i32>} : memref<80x128xf32, #tpu.memory_space<vmem>>, vector<1x16xf32>,
      %swap3A_562 = arith.index_cast %scan3A_542 : i32 to index
      %swap3A_563 = arith.constant 64 : index
      %swap3A_564 = tpu.vector_load %arg8[%swap3A_562, %swap3A_563] {strides = array<i32>} : memref<80x128xf32, #tpu.memory_space<vmem>>, vector<1x16xf32>,
      %swap3A_565 = vector.shape_cast %swap3A_564 : vector<1x16xf32> to vector<16xf32>
      %swap3A_566 = vector.shape_cast %broadcast_in_dim3A_3 : vector<16xf32> to vector<1x16xf32>
      tpu.vector_store %arg8[%swap3A_562, %swap3A_563], %swap3A_566 {strides = array<i32>} : memref<80x128xf32, #tpu.memory_space<vmem>>, vector<1x16xf32>,
      %swap3A_567 = arith.index_cast %scan3A_542 : i32 to index
      %swap3A_568 = arith.constant 80 : index
      %swap3A_569 = tpu.vector_load %arg8[%swap3A_567, %swap3A_568] {strides = array<i32>} : memref<80x128xf32, #tpu.memory_space<vmem>>, vector<1x16xf32>,
      %swap3A_570 = vector.shape_cast %swap3A_569 : vector<1x16xf32> to vector<16xf32>
      %swap3A_571 = vector.shape_cast %broadcast_in_dim3A_3 : vector<16xf32> to vector<1x16xf32>
      tpu.vector_store %arg8[%swap3A_567, %swap3A_568], %swap3A_571 {strides = array<i32>} : memref<80x128xf32, #tpu.memory_space<vmem>>, vector<1x16xf32>,
      %swap3A_572 = arith.index_cast %scan3A_542 : i32 to index
      %swap3A_573 = arith.constant 96 : index
      %swap3A_574 = tpu.vector_load %arg8[%swap3A_572, %swap3A_573] {strides = array<i32>} : memref<80x128xf32, #tpu.memory_space<vmem>>, vector<1x16xf32>,
      %swap3A_575 = vector.shape_cast %swap3A_574 : vector<1x16xf32> to vector<16xf32>
      %swap3A_576 = vector.shape_cast %broadcast_in_dim3A_3 : vector<16xf32> to vector<1x16xf32>
      tpu.vector_store %arg8[%swap3A_572, %swap3A_573], %swap3A_576 {strides = array<i32>} : memref<80x128xf32, #tpu.memory_space<vmem>>, vector<1x16xf32>,
      %swap3A_577 = arith.index_cast %scan3A_542 : i32 to index
      %swap3A_578 = arith.constant 112 : index
      %swap3A_579 = tpu.vector_load %arg8[%swap3A_577, %swap3A_578] {strides = array<i32>} : memref<80x128xf32, #tpu.memory_space<vmem>>, vector<1x16xf32>,
      %swap3A_580 = vector.shape_cast %swap3A_579 : vector<1x16xf32> to vector<16xf32>
      %swap3A_581 = vector.shape_cast %broadcast_in_dim3A_3 : vector<16xf32> to vector<1x16xf32>
      tpu.vector_store %arg8[%swap3A_577, %swap3A_578], %swap3A_581 {strides = array<i32>} : memref<80x128xf32, #tpu.memory_space<vmem>>, vector<1x16xf32>,
    }
    %scan3A_411 = arith.constant 80 : i32
    %add3A_412 = arith.constant 0 : i32
    %add3A_413 = arith.addi %arg1, %add3A_412 : i32
    %lt3A_414 = arith.constant 125 : i32
    %lt3A_415 = arith.cmpi slt, %add3A_413, %lt3A_414 : i32
    %convert_element_type3A_416 = arith.extui %lt3A_415 : i1 to i32
    %cond3A_417 = arith.constant 0 : i32
    %cond3A_418 = arith.cmpi ne, %convert_element_type3A_416, %cond3A_417 : i32
    scf.if %cond3A_418 {
      %mul3A_542 = arith.constant 80 : i32
      %mul3A_543 = arith.muli %add3A_413, %mul3A_542 : i32
      "tpu.region"() ({
        %run_scoped3A = tpu.sem_alloc : memref<!tpu.dma_semaphore, #tpu.memory_space<semaphore_mem>>
        %dma_start3A_544 = arith.constant 0 : i32
        %dma_start3A_545 = tpu.memref_slice %arg11[%mul3A_543, %dma_start3A_544] : memref<10000x128xf32, #tpu.memory_space<vmem_shared>> -> memref<80x128xf32, #tpu.memory_space<vmem_shared>>
        %dma_start3A_546 = arith.constant 0 : i32
        %dma_start3A_547 = tpu.memref_slice %arg11[%mul3A_543, %dma_start3A_546] : memref<10000x128xf32, #tpu.memory_space<vmem_shared>> -> memref<80x128xf32, #tpu.memory_space<vmem_shared>>
        tpu.enqueue_dma source(%arg8 : memref<80x128xf32, #tpu.memory_space<vmem>>) target(%dma_start3A_547 : memref<80x128xf32, #tpu.memory_space<vmem_shared>>) target_semaphore(%run_scoped3A : memref<!tpu.dma_semaphore, #tpu.memory_space<semaphore_mem>>)
        %dma_wait3A = arith.constant 0 : i32
        %dma_wait3A_548 = tpu.memref_slice %arg11[%mul3A_543, %dma_wait3A] : memref<10000x128xf32, #tpu.memory_space<vmem_shared>> -> memref<80x128xf32, #tpu.memory_space<vmem_shared>>
        %dma_wait3A_549 = arith.constant 0 : i32
        %dma_wait3A_550 = tpu.memref_slice %arg11[%mul3A_543, %dma_wait3A_549] : memref<10000x128xf32, #tpu.memory_space<vmem_shared>> -> memref<80x128xf32, #tpu.memory_space<vmem_shared>>
        tpu.wait_dma2 semaphore(%run_scoped3A : memref<!tpu.dma_semaphore, #tpu.memory_space<semaphore_mem>>) src(%arg8 : memref<80x128xf32, #tpu.memory_space<vmem>>) dst(%dma_wait3A_550 : memref<80x128xf32, #tpu.memory_space<vmem_shared>>)
        tpu.yield
      }) : () -> ()
    } else {
    }
    %add3A_419 = arith.constant 16 : i32
    %add3A_420 = arith.addi %arg1, %add3A_419 : i32
    %lt3A_421 = arith.constant 125 : i32
    %lt3A_422 = arith.cmpi slt, %add3A_420, %lt3A_421 : i32
    %convert_element_type3A_423 = arith.extui %lt3A_422 : i1 to i32
    %cond3A_424 = arith.constant 0 : i32
    %cond3A_425 = arith.cmpi ne, %convert_element_type3A_423, %cond3A_424 : i32
    scf.if %cond3A_425 {
      %mul3A_542 = arith.constant 80 : i32
      %mul3A_543 = arith.muli %add3A_420, %mul3A_542 : i32
      "tpu.region"() ({
        %run_scoped3A = tpu.sem_alloc : memref<!tpu.dma_semaphore, #tpu.memory_space<semaphore_mem>>
        %dma_start3A_544 = arith.constant 0 : i32
        %dma_start3A_545 = tpu.memref_slice %arg11[%mul3A_543, %dma_start3A_544] : memref<10000x128xf32, #tpu.memory_space<vmem_shared>> -> memref<80x128xf32, #tpu.memory_space<vmem_shared>>
        %dma_start3A_546 = arith.constant 0 : i32
        %dma_start3A_547 = tpu.memref_slice %arg11[%mul3A_543, %dma_start3A_546] : memref<10000x128xf32, #tpu.memory_space<vmem_shared>> -> memref<80x128xf32, #tpu.memory_space<vmem_shared>>
        tpu.enqueue_dma source(%arg8 : memref<80x128xf32, #tpu.memory_space<vmem>>) target(%dma_start3A_547 : memref<80x128xf32, #tpu.memory_space<vmem_shared>>) target_semaphore(%run_scoped3A : memref<!tpu.dma_semaphore, #tpu.memory_space<semaphore_mem>>)
        %dma_wait3A = arith.constant 0 : i32
        %dma_wait3A_548 = tpu.memref_slice %arg11[%mul3A_543, %dma_wait3A] : memref<10000x128xf32, #tpu.memory_space<vmem_shared>> -> memref<80x128xf32, #tpu.memory_space<vmem_shared>>
        %dma_wait3A_549 = arith.constant 0 : i32
        %dma_wait3A_550 = tpu.memref_slice %arg11[%mul3A_543, %dma_wait3A_549] : memref<10000x128xf32, #tpu.memory_space<vmem_shared>> -> memref<80x128xf32, #tpu.memory_space<vmem_shared>>
        tpu.wait_dma2 semaphore(%run_scoped3A : memref<!tpu.dma_semaphore, #tpu.memory_space<semaphore_mem>>) src(%arg8 : memref<80x128xf32, #tpu.memory_space<vmem>>) dst(%dma_wait3A_550 : memref<80x128xf32, #tpu.memory_space<vmem_shared>>)
        tpu.yield
      }) : () -> ()
    } else {
    }
    %add3A_426 = arith.constant 32 : i32
    %add3A_427 = arith.addi %arg1, %add3A_426 : i32
    %lt3A_428 = arith.constant 125 : i32
    %lt3A_429 = arith.cmpi slt, %add3A_427, %lt3A_428 : i32
    %convert_element_type3A_430 = arith.extui %lt3A_429 : i1 to i32
    %cond3A_431 = arith.constant 0 : i32
    %cond3A_432 = arith.cmpi ne, %convert_element_type3A_430, %cond3A_431 : i32
    scf.if %cond3A_432 {
      %mul3A_542 = arith.constant 80 : i32
      %mul3A_543 = arith.muli %add3A_427, %mul3A_542 : i32
      "tpu.region"() ({
        %run_scoped3A = tpu.sem_alloc : memref<!tpu.dma_semaphore, #tpu.memory_space<semaphore_mem>>
        %dma_start3A_544 = arith.constant 0 : i32
        %dma_start3A_545 = tpu.memref_slice %arg11[%mul3A_543, %dma_start3A_544] : memref<10000x128xf32, #tpu.memory_space<vmem_shared>> -> memref<80x128xf32, #tpu.memory_space<vmem_shared>>
        %dma_start3A_546 = arith.constant 0 : i32
        %dma_start3A_547 = tpu.memref_slice %arg11[%mul3A_543, %dma_start3A_546] : memref<10000x128xf32, #tpu.memory_space<vmem_shared>> -> memref<80x128xf32, #tpu.memory_space<vmem_shared>>
        tpu.enqueue_dma source(%arg8 : memref<80x128xf32, #tpu.memory_space<vmem>>) target(%dma_start3A_547 : memref<80x128xf32, #tpu.memory_space<vmem_shared>>) target_semaphore(%run_scoped3A : memref<!tpu.dma_semaphore, #tpu.memory_space<semaphore_mem>>)
        %dma_wait3A = arith.constant 0 : i32
        %dma_wait3A_548 = tpu.memref_slice %arg11[%mul3A_543, %dma_wait3A] : memref<10000x128xf32, #tpu.memory_space<vmem_shared>> -> memref<80x128xf32, #tpu.memory_space<vmem_shared>>
        %dma_wait3A_549 = arith.constant 0 : i32
        %dma_wait3A_550 = tpu.memref_slice %arg11[%mul3A_543, %dma_wait3A_549] : memref<10000x128xf32, #tpu.memory_space<vmem_shared>> -> memref<80x128xf32, #tpu.memory_space<vmem_shared>>
        tpu.wait_dma2 semaphore(%run_scoped3A : memref<!tpu.dma_semaphore, #tpu.memory_space<semaphore_mem>>) src(%arg8 : memref<80x128xf32, #tpu.memory_space<vmem>>) dst(%dma_wait3A_550 : memref<80x128xf32, #tpu.memory_space<vmem_shared>>)
        tpu.yield
      }) : () -> ()
    } else {
    }
    %add3A_433 = arith.constant 48 : i32
    %add3A_434 = arith.addi %arg1, %add3A_433 : i32
    %lt3A_435 = arith.constant 125 : i32
    %lt3A_436 = arith.cmpi slt, %add3A_434, %lt3A_435 : i32
    %convert_element_type3A_437 = arith.extui %lt3A_436 : i1 to i32
    %cond3A_438 = arith.constant 0 : i32
    %cond3A_439 = arith.cmpi ne, %convert_element_type3A_437, %cond3A_438 : i32
    scf.if %cond3A_439 {
      %mul3A_542 = arith.constant 80 : i32
      %mul3A_543 = arith.muli %add3A_434, %mul3A_542 : i32
      "tpu.region"() ({
        %run_scoped3A = tpu.sem_alloc : memref<!tpu.dma_semaphore, #tpu.memory_space<semaphore_mem>>
        %dma_start3A_544 = arith.constant 0 : i32
        %dma_start3A_545 = tpu.memref_slice %arg11[%mul3A_543, %dma_start3A_544] : memref<10000x128xf32, #tpu.memory_space<vmem_shared>> -> memref<80x128xf32, #tpu.memory_space<vmem_shared>>
        %dma_start3A_546 = arith.constant 0 : i32
        %dma_start3A_547 = tpu.memref_slice %arg11[%mul3A_543, %dma_start3A_546] : memref<10000x128xf32, #tpu.memory_space<vmem_shared>> -> memref<80x128xf32, #tpu.memory_space<vmem_shared>>
        tpu.enqueue_dma source(%arg8 : memref<80x128xf32, #tpu.memory_space<vmem>>) target(%dma_start3A_547 : memref<80x128xf32, #tpu.memory_space<vmem_shared>>) target_semaphore(%run_scoped3A : memref<!tpu.dma_semaphore, #tpu.memory_space<semaphore_mem>>)
        %dma_wait3A = arith.constant 0 : i32
        %dma_wait3A_548 = tpu.memref_slice %arg11[%mul3A_543, %dma_wait3A] : memref<10000x128xf32, #tpu.memory_space<vmem_shared>> -> memref<80x128xf32, #tpu.memory_space<vmem_shared>>
        %dma_wait3A_549 = arith.constant 0 : i32
        %dma_wait3A_550 = tpu.memref_slice %arg11[%mul3A_543, %dma_wait3A_549] : memref<10000x128xf32, #tpu.memory_space<vmem_shared>> -> memref<80x128xf32, #tpu.memory_space<vmem_shared>>
        tpu.wait_dma2 semaphore(%run_scoped3A : memref<!tpu.dma_semaphore, #tpu.memory_space<semaphore_mem>>) src(%arg8 : memref<80x128xf32, #tpu.memory_space<vmem>>) dst(%dma_wait3A_550 : memref<80x128xf32, #tpu.memory_space<vmem_shared>>)
        tpu.yield
      }) : () -> ()
    } else {
    }
    %add3A_440 = arith.constant 64 : i32
    %add3A_441 = arith.addi %arg1, %add3A_440 : i32
    %lt3A_442 = arith.constant 125 : i32
    %lt3A_443 = arith.cmpi slt, %add3A_441, %lt3A_442 : i32
    %convert_element_type3A_444 = arith.extui %lt3A_443 : i1 to i32
    %cond3A_445 = arith.constant 0 : i32
    %cond3A_446 = arith.cmpi ne, %convert_element_type3A_444, %cond3A_445 : i32
    scf.if %cond3A_446 {
      %mul3A_542 = arith.constant 80 : i32
      %mul3A_543 = arith.muli %add3A_441, %mul3A_542 : i32
      "tpu.region"() ({
        %run_scoped3A = tpu.sem_alloc : memref<!tpu.dma_semaphore, #tpu.memory_space<semaphore_mem>>
        %dma_start3A_544 = arith.constant 0 : i32
        %dma_start3A_545 = tpu.memref_slice %arg11[%mul3A_543, %dma_start3A_544] : memref<10000x128xf32, #tpu.memory_space<vmem_shared>> -> memref<80x128xf32, #tpu.memory_space<vmem_shared>>
        %dma_start3A_546 = arith.constant 0 : i32
        %dma_start3A_547 = tpu.memref_slice %arg11[%mul3A_543, %dma_start3A_546] : memref<10000x128xf32, #tpu.memory_space<vmem_shared>> -> memref<80x128xf32, #tpu.memory_space<vmem_shared>>
        tpu.enqueue_dma source(%arg8 : memref<80x128xf32, #tpu.memory_space<vmem>>) target(%dma_start3A_547 : memref<80x128xf32, #tpu.memory_space<vmem_shared>>) target_semaphore(%run_scoped3A : memref<!tpu.dma_semaphore, #tpu.memory_space<semaphore_mem>>)
        %dma_wait3A = arith.constant 0 : i32
        %dma_wait3A_548 = tpu.memref_slice %arg11[%mul3A_543, %dma_wait3A] : memref<10000x128xf32, #tpu.memory_space<vmem_shared>> -> memref<80x128xf32, #tpu.memory_space<vmem_shared>>
        %dma_wait3A_549 = arith.constant 0 : i32
        %dma_wait3A_550 = tpu.memref_slice %arg11[%mul3A_543, %dma_wait3A_549] : memref<10000x128xf32, #tpu.memory_space<vmem_shared>> -> memref<80x128xf32, #tpu.memory_space<vmem_shared>>
        tpu.wait_dma2 semaphore(%run_scoped3A : memref<!tpu.dma_semaphore, #tpu.memory_space<semaphore_mem>>) src(%arg8 : memref<80x128xf32, #tpu.memory_space<vmem>>) dst(%dma_wait3A_550 : memref<80x128xf32, #tpu.memory_space<vmem_shared>>)
        tpu.yield
      }) : () -> ()
    } else {
    }
    %add3A_447 = arith.constant 80 : i32
    %add3A_448 = arith.addi %arg1, %add3A_447 : i32
    %lt3A_449 = arith.constant 125 : i32
    %lt3A_450 = arith.cmpi slt, %add3A_448, %lt3A_449 : i32
    %convert_element_type3A_451 = arith.extui %lt3A_450 : i1 to i32
    %cond3A_452 = arith.constant 0 : i32
    %cond3A_453 = arith.cmpi ne, %convert_element_type3A_451, %cond3A_452 : i32
    scf.if %cond3A_453 {
      %mul3A_542 = arith.constant 80 : i32
      %mul3A_543 = arith.muli %add3A_448, %mul3A_542 : i32
      "tpu.region"() ({
        %run_scoped3A = tpu.sem_alloc : memref<!tpu.dma_semaphore, #tpu.memory_space<semaphore_mem>>
        %dma_start3A_544 = arith.constant 0 : i32
        %dma_start3A_545 = tpu.memref_slice %arg11[%mul3A_543, %dma_start3A_544] : memref<10000x128xf32, #tpu.memory_space<vmem_shared>> -> memref<80x128xf32, #tpu.memory_space<vmem_shared>>
        %dma_start3A_546 = arith.constant 0 : i32
        %dma_start3A_547 = tpu.memref_slice %arg11[%mul3A_543, %dma_start3A_546] : memref<10000x128xf32, #tpu.memory_space<vmem_shared>> -> memref<80x128xf32, #tpu.memory_space<vmem_shared>>
        tpu.enqueue_dma source(%arg8 : memref<80x128xf32, #tpu.memory_space<vmem>>) target(%dma_start3A_547 : memref<80x128xf32, #tpu.memory_space<vmem_shared>>) target_semaphore(%run_scoped3A : memref<!tpu.dma_semaphore, #tpu.memory_space<semaphore_mem>>)
        %dma_wait3A = arith.constant 0 : i32
        %dma_wait3A_548 = tpu.memref_slice %arg11[%mul3A_543, %dma_wait3A] : memref<10000x128xf32, #tpu.memory_space<vmem_shared>> -> memref<80x128xf32, #tpu.memory_space<vmem_shared>>
        %dma_wait3A_549 = arith.constant 0 : i32
        %dma_wait3A_550 = tpu.memref_slice %arg11[%mul3A_543, %dma_wait3A_549] : memref<10000x128xf32, #tpu.memory_space<vmem_shared>> -> memref<80x128xf32, #tpu.memory_space<vmem_shared>>
        tpu.wait_dma2 semaphore(%run_scoped3A : memref<!tpu.dma_semaphore, #tpu.memory_space<semaphore_mem>>) src(%arg8 : memref<80x128xf32, #tpu.memory_space<vmem>>) dst(%dma_wait3A_550 : memref<80x128xf32, #tpu.memory_space<vmem_shared>>)
        tpu.yield
      }) : () -> ()
    } else {
    }
    %add3A_454 = arith.constant 96 : i32
    %add3A_455 = arith.addi %arg1, %add3A_454 : i32
    %lt3A_456 = arith.constant 125 : i32
    %lt3A_457 = arith.cmpi slt, %add3A_455, %lt3A_456 : i32
    %convert_element_type3A_458 = arith.extui %lt3A_457 : i1 to i32
    %cond3A_459 = arith.constant 0 : i32
    %cond3A_460 = arith.cmpi ne, %convert_element_type3A_458, %cond3A_459 : i32
    scf.if %cond3A_460 {
      %mul3A_542 = arith.constant 80 : i32
      %mul3A_543 = arith.muli %add3A_455, %mul3A_542 : i32
      "tpu.region"() ({
        %run_scoped3A = tpu.sem_alloc : memref<!tpu.dma_semaphore, #tpu.memory_space<semaphore_mem>>
        %dma_start3A_544 = arith.constant 0 : i32
        %dma_start3A_545 = tpu.memref_slice %arg11[%mul3A_543, %dma_start3A_544] : memref<10000x128xf32, #tpu.memory_space<vmem_shared>> -> memref<80x128xf32, #tpu.memory_space<vmem_shared>>
        %dma_start3A_546 = arith.constant 0 : i32
        %dma_start3A_547 = tpu.memref_slice %arg11[%mul3A_543, %dma_start3A_546] : memref<10000x128xf32, #tpu.memory_space<vmem_shared>> -> memref<80x128xf32, #tpu.memory_space<vmem_shared>>
        tpu.enqueue_dma source(%arg8 : memref<80x128xf32, #tpu.memory_space<vmem>>) target(%dma_start3A_547 : memref<80x128xf32, #tpu.memory_space<vmem_shared>>) target_semaphore(%run_scoped3A : memref<!tpu.dma_semaphore, #tpu.memory_space<semaphore_mem>>)
        %dma_wait3A = arith.constant 0 : i32
        %dma_wait3A_548 = tpu.memref_slice %arg11[%mul3A_543, %dma_wait3A] : memref<10000x128xf32, #tpu.memory_space<vmem_shared>> -> memref<80x128xf32, #tpu.memory_space<vmem_shared>>
        %dma_wait3A_549 = arith.constant 0 : i32
        %dma_wait3A_550 = tpu.memref_slice %arg11[%mul3A_543, %dma_wait3A_549] : memref<10000x128xf32, #tpu.memory_space<vmem_shared>> -> memref<80x128xf32, #tpu.memory_space<vmem_shared>>
        tpu.wait_dma2 semaphore(%run_scoped3A : memref<!tpu.dma_semaphore, #tpu.memory_space<semaphore_mem>>) src(%arg8 : memref<80x128xf32, #tpu.memory_space<vmem>>) dst(%dma_wait3A_550 : memref<80x128xf32, #tpu.memory_space<vmem_shared>>)
        tpu.yield
      }) : () -> ()
    } else {
    }
    %add3A_461 = arith.constant 112 : i32
    %add3A_462 = arith.addi %arg1, %add3A_461 : i32
    %lt3A_463 = arith.constant 125 : i32
    %lt3A_464 = arith.cmpi slt, %add3A_462, %lt3A_463 : i32
    %convert_element_type3A_465 = arith.extui %lt3A_464 : i1 to i32
    %cond3A_466 = arith.constant 0 : i32
    %cond3A_467 = arith.cmpi ne, %convert_element_type3A_465, %cond3A_466 : i32
    scf.if %cond3A_467 {
      %mul3A_542 = arith.constant 80 : i32
      %mul3A_543 = arith.muli %add3A_462, %mul3A_542 : i32
      "tpu.region"() ({
        %run_scoped3A = tpu.sem_alloc : memref<!tpu.dma_semaphore, #tpu.memory_space<semaphore_mem>>
        %dma_start3A_544 = arith.constant 0 : i32
        %dma_start3A_545 = tpu.memref_slice %arg11[%mul3A_543, %dma_start3A_544] : memref<10000x128xf32, #tpu.memory_space<vmem_shared>> -> memref<80x128xf32, #tpu.memory_space<vmem_shared>>
        %dma_start3A_546 = arith.constant 0 : i32
        %dma_start3A_547 = tpu.memref_slice %arg11[%mul3A_543, %dma_start3A_546] : memref<10000x128xf32, #tpu.memory_space<vmem_shared>> -> memref<80x128xf32, #tpu.memory_space<vmem_shared>>
        tpu.enqueue_dma source(%arg8 : memref<80x128xf32, #tpu.memory_space<vmem>>) target(%dma_start3A_547 : memref<80x128xf32, #tpu.memory_space<vmem_shared>>) target_semaphore(%run_scoped3A : memref<!tpu.dma_semaphore, #tpu.memory_space<semaphore_mem>>)
        %dma_wait3A = arith.constant 0 : i32
        %dma_wait3A_548 = tpu.memref_slice %arg11[%mul3A_543, %dma_wait3A] : memref<10000x128xf32, #tpu.memory_space<vmem_shared>> -> memref<80x128xf32, #tpu.memory_space<vmem_shared>>
        %dma_wait3A_549 = arith.constant 0 : i32
        %dma_wait3A_550 = tpu.memref_slice %arg11[%mul3A_543, %dma_wait3A_549] : memref<10000x128xf32, #tpu.memory_space<vmem_shared>> -> memref<80x128xf32, #tpu.memory_space<vmem_shared>>
        tpu.wait_dma2 semaphore(%run_scoped3A : memref<!tpu.dma_semaphore, #tpu.memory_space<semaphore_mem>>) src(%arg8 : memref<80x128xf32, #tpu.memory_space<vmem>>) dst(%dma_wait3A_550 : memref<80x128xf32, #tpu.memory_space<vmem_shared>>)
        tpu.yield
      }) : () -> ()
    } else {
    }
    %barrier3A_468 = arith.constant 0 : index
    tpu.barrier barrier_id(%barrier3A_468)
    %add3A_469 = arith.constant 0 : i32
    %add3A_470 = arith.addi %mul3A_2, %add3A_469 : i32
    %dma_start3A_471 = arith.constant 3 : i32
    %dma_start3A_472 = arith.constant 0 : i32
    %dma_start3A_473 = tpu.memref_slice %arg2[%dma_start3A_471, %add3A_470, %dma_start3A_472] : memref<4x320000x128xf32, #tpu.memory_space<hbm>> -> memref<1x80x128xf32, #tpu.memory_space<hbm>>
    %dma_start3A_474 = tpu.memref_squeeze %dma_start3A_473 : memref<1x80x128xf32, #tpu.memory_space<hbm>> -> memref<80x128xf32, #tpu.memory_space<hbm>>
    %dma_start3A_475 = arith.constant 0 : i32
    %dma_start3A_476 = tpu.memref_slice %arg2[%dma_start3A_471, %add3A_470, %dma_start3A_475] : memref<4x320000x128xf32, #tpu.memory_space<hbm>> -> memref<1x80x128xf32, #tpu.memory_space<hbm>>
    %dma_start3A_477 = tpu.memref_squeeze %dma_start3A_476 : memref<1x80x128xf32, #tpu.memory_space<hbm>> -> memref<80x128xf32, #tpu.memory_space<hbm>>
    tpu.enqueue_dma source(%dma_start3A_477 : memref<80x128xf32, #tpu.memory_space<hbm>>) target(%arg6 : memref<80x128xf32, #tpu.memory_space<vmem>>) target_semaphore(%arg9 : memref<!tpu.dma_semaphore, #tpu.memory_space<semaphore_mem>>)
    %scan3A_478 = arith.constant 0 : i32
    %scan3A_479 = arith.constant 0 : i32
    %scan3A_480 = arith.constant 63 : i32
    %scan3A_481 = arith.addi %scan3A_479, %scan3A_480 : i32
    %scan3A_482 = arith.constant 1 : i32
    scf.for %scan3A_542 = %scan3A_479 to %scan3A_481 step %scan3A_482  : i32 {
      %mul3A_543 = arith.constant 2 : i32
      %mul3A_544 = arith.muli %scan3A_542, %mul3A_543 : i32
      %add3A_545 = arith.constant 0 : i32
      %add3A_546 = arith.addi %mul3A_544, %add3A_545 : i32
      %add3A_547 = arith.constant 1 : i32
      %add3A_548 = arith.addi %add3A_546, %add3A_547 : i32
      %lt3A_549 = arith.constant 125 : i32
      %lt3A_550 = arith.cmpi slt, %add3A_548, %lt3A_549 : i32
      %convert_element_type3A_551 = arith.extui %lt3A_550 : i1 to i32
      %cond3A_552 = arith.constant 0 : i32
      %cond3A_553 = arith.cmpi ne, %convert_element_type3A_551, %cond3A_552 : i32
      scf.if %cond3A_553 {
        %mul3A_575 = arith.constant 80 : i32
        %mul3A_576 = arith.muli %add3A_548, %mul3A_575 : i32
        %add3A_577 = arith.addi %mul3A_2, %mul3A_576 : i32
        %dma_start3A_578 = arith.constant 3 : i32
        %dma_start3A_579 = arith.constant 0 : i32
        %dma_start3A_580 = tpu.memref_slice %arg2[%dma_start3A_578, %add3A_577, %dma_start3A_579] : memref<4x320000x128xf32, #tpu.memory_space<hbm>> -> memref<1x80x128xf32, #tpu.memory_space<hbm>>
        %dma_start3A_581 = tpu.memref_squeeze %dma_start3A_580 : memref<1x80x128xf32, #tpu.memory_space<hbm>> -> memref<80x128xf32, #tpu.memory_space<hbm>>
        %dma_start3A_582 = arith.constant 0 : i32
        %dma_start3A_583 = tpu.memref_slice %arg2[%dma_start3A_578, %add3A_577, %dma_start3A_582] : memref<4x320000x128xf32, #tpu.memory_space<hbm>> -> memref<1x80x128xf32, #tpu.memory_space<hbm>>
        %dma_start3A_584 = tpu.memref_squeeze %dma_start3A_583 : memref<1x80x128xf32, #tpu.memory_space<hbm>> -> memref<80x128xf32, #tpu.memory_space<hbm>>
        tpu.enqueue_dma source(%dma_start3A_584 : memref<80x128xf32, #tpu.memory_space<hbm>>) target(%arg7 : memref<80x128xf32, #tpu.memory_space<vmem>>) target_semaphore(%arg10 : memref<!tpu.dma_semaphore, #tpu.memory_space<semaphore_mem>>)
      } else {
      }
      %lt3A_554 = arith.constant 125 : i32
      %lt3A_555 = arith.cmpi slt, %add3A_546, %lt3A_554 : i32
      %convert_element_type3A_556 = arith.extui %lt3A_555 : i1 to i32
      %cond3A_557 = arith.constant 0 : i32
      %cond3A_558 = arith.cmpi ne, %convert_element_type3A_556, %cond3A_557 : i32
      scf.if %cond3A_558 {
        %mul3A_575 = arith.constant 80 : i32
        %mul3A_576 = arith.muli %add3A_546, %mul3A_575 : i32
        %add3A_577 = arith.addi %mul3A_2, %mul3A_576 : i32
        %dma_wait3A = arith.constant 3 : i32
        %dma_wait3A_578 = arith.constant 0 : i32
        %dma_wait3A_579 = tpu.memref_slice %arg2[%dma_wait3A, %add3A_577, %dma_wait3A_578] : memref<4x320000x128xf32, #tpu.memory_space<hbm>> -> memref<1x80x128xf32, #tpu.memory_space<hbm>>
        %dma_wait3A_580 = tpu.memref_squeeze %dma_wait3A_579 : memref<1x80x128xf32, #tpu.memory_space<hbm>> -> memref<80x128xf32, #tpu.memory_space<hbm>>
        %dma_wait3A_581 = arith.constant 0 : i32
        %dma_wait3A_582 = tpu.memref_slice %arg2[%dma_wait3A, %add3A_577, %dma_wait3A_581] : memref<4x320000x128xf32, #tpu.memory_space<hbm>> -> memref<1x80x128xf32, #tpu.memory_space<hbm>>
        %dma_wait3A_583 = tpu.memref_squeeze %dma_wait3A_582 : memref<1x80x128xf32, #tpu.memory_space<hbm>> -> memref<80x128xf32, #tpu.memory_space<hbm>>
        tpu.wait_dma2 semaphore(%arg9 : memref<!tpu.dma_semaphore, #tpu.memory_space<semaphore_mem>>) src(%dma_wait3A_583 : memref<80x128xf32, #tpu.memory_space<hbm>>) dst(%arg6 : memref<80x128xf32, #tpu.memory_space<vmem>>)
        "tpu.region"() ({
          %run_scoped3A = tpu.sem_alloc : memref<!tpu.dma_semaphore, #tpu.memory_space<semaphore_mem>>
          %dma_start3A_584 = arith.constant 0 : i32
          %dma_start3A_585 = tpu.memref_slice %arg5[%add3A_546, %dma_start3A_584] : memref<125x80xi32, #tpu.memory_space<vmem>> -> memref<1x80xi32, #tpu.memory_space<vmem>>
          %dma_start3A_586 = tpu.memref_squeeze %dma_start3A_585 : memref<1x80xi32, #tpu.memory_space<vmem>> -> memref<80xi32, #tpu.memory_space<vmem>>
          %dma_start3A_587 = arith.constant 0 : i32
          %dma_start3A_588 = arith.constant 0 : i32
          %dma_start3A_589 = tpu.memref_slice %arg11[%dma_start3A_587, %dma_start3A_588] : memref<10000x128xf32, #tpu.memory_space<vmem_shared>> -> memref<10000x128xf32, #tpu.memory_space<vmem_shared>>
          tpu.enqueue_indirect_dma source(%arg6 : memref<80x128xf32, #tpu.memory_space<vmem>>) target(%dma_start3A_589 : memref<10000x128xf32, #tpu.memory_space<vmem_shared>>) offsets(%dma_start3A_586 : memref<80xi32, #tpu.memory_space<vmem>>) semaphore(%run_scoped3A : memref<!tpu.dma_semaphore, #tpu.memory_space<semaphore_mem>>) {add = true}
          %dma_wait3A_590 = arith.constant 0 : i32
          %dma_wait3A_591 = tpu.memref_slice %arg5[%add3A_546, %dma_wait3A_590] : memref<125x80xi32, #tpu.memory_space<vmem>> -> memref<1x80xi32, #tpu.memory_space<vmem>>
          %dma_wait3A_592 = tpu.memref_squeeze %dma_wait3A_591 : memref<1x80xi32, #tpu.memory_space<vmem>> -> memref<80xi32, #tpu.memory_space<vmem>>
          %dma_wait3A_593 = arith.constant 0 : i32
          %dma_wait3A_594 = arith.constant 0 : i32
          %dma_wait3A_595 = tpu.memref_slice %arg11[%dma_wait3A_593, %dma_wait3A_594] : memref<10000x128xf32, #tpu.memory_space<vmem_shared>> -> memref<10000x128xf32, #tpu.memory_space<vmem_shared>>
          tpu.wait_indirect_dma semaphore(%run_scoped3A : memref<!tpu.dma_semaphore, #tpu.memory_space<semaphore_mem>>) src(%arg6 : memref<80x128xf32, #tpu.memory_space<vmem>>) dst(%dma_wait3A_595 : memref<10000x128xf32, #tpu.memory_space<vmem_shared>>)
          tpu.yield
        }) : () -> ()
      } else {
      }
      %mul3A_559 = arith.constant 2 : i32
      %mul3A_560 = arith.muli %scan3A_542, %mul3A_559 : i32
      %add3A_561 = arith.constant 1 : i32
      %add3A_562 = arith.addi %mul3A_560, %add3A_561 : i32
      %add3A_563 = arith.constant 1 : i32
      %add3A_564 = arith.addi %add3A_562, %add3A_563 : i32
      %lt3A_565 = arith.constant 125 : i32
      %lt3A_566 = arith.cmpi slt, %add3A_564, %lt3A_565 : i32
      %convert_element_type3A_567 = arith.extui %lt3A_566 : i1 to i32
      %cond3A_568 = arith.constant 0 : i32
      %cond3A_569 = arith.cmpi ne, %convert_element_type3A_567, %cond3A_568 : i32
      scf.if %cond3A_569 {
        %mul3A_575 = arith.constant 80 : i32
        %mul3A_576 = arith.muli %add3A_564, %mul3A_575 : i32
        %add3A_577 = arith.addi %mul3A_2, %mul3A_576 : i32
        %dma_start3A_578 = arith.constant 3 : i32
        %dma_start3A_579 = arith.constant 0 : i32
        %dma_start3A_580 = tpu.memref_slice %arg2[%dma_start3A_578, %add3A_577, %dma_start3A_579] : memref<4x320000x128xf32, #tpu.memory_space<hbm>> -> memref<1x80x128xf32, #tpu.memory_space<hbm>>
        %dma_start3A_581 = tpu.memref_squeeze %dma_start3A_580 : memref<1x80x128xf32, #tpu.memory_space<hbm>> -> memref<80x128xf32, #tpu.memory_space<hbm>>
        %dma_start3A_582 = arith.constant 0 : i32
        %dma_start3A_583 = tpu.memref_slice %arg2[%dma_start3A_578, %add3A_577, %dma_start3A_582] : memref<4x320000x128xf32, #tpu.memory_space<hbm>> -> memref<1x80x128xf32, #tpu.memory_space<hbm>>
        %dma_start3A_584 = tpu.memref_squeeze %dma_start3A_583 : memref<1x80x128xf32, #tpu.memory_space<hbm>> -> memref<80x128xf32, #tpu.memory_space<hbm>>
        tpu.enqueue_dma source(%dma_start3A_584 : memref<80x128xf32, #tpu.memory_space<hbm>>) target(%arg6 : memref<80x128xf32, #tpu.memory_space<vmem>>) target_semaphore(%arg9 : memref<!tpu.dma_semaphore, #tpu.memory_space<semaphore_mem>>)
      } else {
      }
      %lt3A_570 = arith.constant 125 : i32
      %lt3A_571 = arith.cmpi slt, %add3A_562, %lt3A_570 : i32
      %convert_element_type3A_572 = arith.extui %lt3A_571 : i1 to i32
      %cond3A_573 = arith.constant 0 : i32
      %cond3A_574 = arith.cmpi ne, %convert_element_type3A_572, %cond3A_573 : i32
      scf.if %cond3A_574 {
        %mul3A_575 = arith.constant 80 : i32
        %mul3A_576 = arith.muli %add3A_562, %mul3A_575 : i32
        %add3A_577 = arith.addi %mul3A_2, %mul3A_576 : i32
        %dma_wait3A = arith.constant 3 : i32
        %dma_wait3A_578 = arith.constant 0 : i32
        %dma_wait3A_579 = tpu.memref_slice %arg2[%dma_wait3A, %add3A_577, %dma_wait3A_578] : memref<4x320000x128xf32, #tpu.memory_space<hbm>> -> memref<1x80x128xf32, #tpu.memory_space<hbm>>
        %dma_wait3A_580 = tpu.memref_squeeze %dma_wait3A_579 : memref<1x80x128xf32, #tpu.memory_space<hbm>> -> memref<80x128xf32, #tpu.memory_space<hbm>>
        %dma_wait3A_581 = arith.constant 0 : i32
        %dma_wait3A_582 = tpu.memref_slice %arg2[%dma_wait3A, %add3A_577, %dma_wait3A_581] : memref<4x320000x128xf32, #tpu.memory_space<hbm>> -> memref<1x80x128xf32, #tpu.memory_space<hbm>>
        %dma_wait3A_583 = tpu.memref_squeeze %dma_wait3A_582 : memref<1x80x128xf32, #tpu.memory_space<hbm>> -> memref<80x128xf32, #tpu.memory_space<hbm>>
        tpu.wait_dma2 semaphore(%arg10 : memref<!tpu.dma_semaphore, #tpu.memory_space<semaphore_mem>>) src(%dma_wait3A_583 : memref<80x128xf32, #tpu.memory_space<hbm>>) dst(%arg7 : memref<80x128xf32, #tpu.memory_space<vmem>>)
        "tpu.region"() ({
          %run_scoped3A = tpu.sem_alloc : memref<!tpu.dma_semaphore, #tpu.memory_space<semaphore_mem>>
          %dma_start3A_584 = arith.constant 0 : i32
          %dma_start3A_585 = tpu.memref_slice %arg5[%add3A_562, %dma_start3A_584] : memref<125x80xi32, #tpu.memory_space<vmem>> -> memref<1x80xi32, #tpu.memory_space<vmem>>
          %dma_start3A_586 = tpu.memref_squeeze %dma_start3A_585 : memref<1x80xi32, #tpu.memory_space<vmem>> -> memref<80xi32, #tpu.memory_space<vmem>>
          %dma_start3A_587 = arith.constant 0 : i32
          %dma_start3A_588 = arith.constant 0 : i32
          %dma_start3A_589 = tpu.memref_slice %arg11[%dma_start3A_587, %dma_start3A_588] : memref<10000x128xf32, #tpu.memory_space<vmem_shared>> -> memref<10000x128xf32, #tpu.memory_space<vmem_shared>>
          tpu.enqueue_indirect_dma source(%arg7 : memref<80x128xf32, #tpu.memory_space<vmem>>) target(%dma_start3A_589 : memref<10000x128xf32, #tpu.memory_space<vmem_shared>>) offsets(%dma_start3A_586 : memref<80xi32, #tpu.memory_space<vmem>>) semaphore(%run_scoped3A : memref<!tpu.dma_semaphore, #tpu.memory_space<semaphore_mem>>) {add = true}
          %dma_wait3A_590 = arith.constant 0 : i32
          %dma_wait3A_591 = tpu.memref_slice %arg5[%add3A_562, %dma_wait3A_590] : memref<125x80xi32, #tpu.memory_space<vmem>> -> memref<1x80xi32, #tpu.memory_space<vmem>>
          %dma_wait3A_592 = tpu.memref_squeeze %dma_wait3A_591 : memref<1x80xi32, #tpu.memory_space<vmem>> -> memref<80xi32, #tpu.memory_space<vmem>>
          %dma_wait3A_593 = arith.constant 0 : i32
          %dma_wait3A_594 = arith.constant 0 : i32
          %dma_wait3A_595 = tpu.memref_slice %arg11[%dma_wait3A_593, %dma_wait3A_594] : memref<10000x128xf32, #tpu.memory_space<vmem_shared>> -> memref<10000x128xf32, #tpu.memory_space<vmem_shared>>
          tpu.wait_indirect_dma semaphore(%run_scoped3A : memref<!tpu.dma_semaphore, #tpu.memory_space<semaphore_mem>>) src(%arg7 : memref<80x128xf32, #tpu.memory_space<vmem>>) dst(%dma_wait3A_595 : memref<10000x128xf32, #tpu.memory_space<vmem_shared>>)
          tpu.yield
        }) : () -> ()
      } else {
      }
    }
    %scan3A_483 = arith.constant 63 : i32
    %barrier3A_484 = arith.constant 0 : index
    tpu.barrier barrier_id(%barrier3A_484)
    %add3A_485 = arith.constant 0 : i32
    %add3A_486 = arith.addi %arg1, %add3A_485 : i32
    %lt3A_487 = arith.constant 125 : i32
    %lt3A_488 = arith.cmpi slt, %add3A_486, %lt3A_487 : i32
    %convert_element_type3A_489 = arith.extui %lt3A_488 : i1 to i32
    %cond3A_490 = arith.constant 0 : i32
    %cond3A_491 = arith.cmpi ne, %convert_element_type3A_489, %cond3A_490 : i32
    scf.if %cond3A_491 {
      %mul3A_542 = arith.constant 80 : i32
      %mul3A_543 = arith.muli %add3A_486, %mul3A_542 : i32
      "tpu.region"() ({
        %run_scoped3A_544 = tpu.sem_alloc : memref<!tpu.dma_semaphore, #tpu.memory_space<semaphore_mem>>
        %dma_start3A_545 = arith.constant 0 : i32
        %dma_start3A_546 = tpu.memref_slice %arg11[%mul3A_543, %dma_start3A_545] : memref<10000x128xf32, #tpu.memory_space<vmem_shared>> -> memref<80x128xf32, #tpu.memory_space<vmem_shared>>
        %dma_start3A_547 = arith.constant 0 : i32
        %dma_start3A_548 = tpu.memref_slice %arg11[%mul3A_543, %dma_start3A_547] : memref<10000x128xf32, #tpu.memory_space<vmem_shared>> -> memref<80x128xf32, #tpu.memory_space<vmem_shared>>
        tpu.enqueue_dma source(%dma_start3A_548 : memref<80x128xf32, #tpu.memory_space<vmem_shared>>) target(%arg8 : memref<80x128xf32, #tpu.memory_space<vmem>>) target_semaphore(%run_scoped3A_544 : memref<!tpu.dma_semaphore, #tpu.memory_space<semaphore_mem>>)
        %dma_wait3A = arith.constant 0 : i32
        %dma_wait3A_549 = tpu.memref_slice %arg11[%mul3A_543, %dma_wait3A] : memref<10000x128xf32, #tpu.memory_space<vmem_shared>> -> memref<80x128xf32, #tpu.memory_space<vmem_shared>>
        %dma_wait3A_550 = arith.constant 0 : i32
        %dma_wait3A_551 = tpu.memref_slice %arg11[%mul3A_543, %dma_wait3A_550] : memref<10000x128xf32, #tpu.memory_space<vmem_shared>> -> memref<80x128xf32, #tpu.memory_space<vmem_shared>>
        tpu.wait_dma2 semaphore(%run_scoped3A_544 : memref<!tpu.dma_semaphore, #tpu.memory_space<semaphore_mem>>) src(%dma_wait3A_551 : memref<80x128xf32, #tpu.memory_space<vmem_shared>>) dst(%arg8 : memref<80x128xf32, #tpu.memory_space<vmem>>)
        tpu.yield
      }) : () -> ()
      %run_scoped3A = arith.constant 3 : i32
      "tpu.region"() ({
        %run_scoped3A_544 = tpu.sem_alloc : memref<!tpu.dma_semaphore, #tpu.memory_space<semaphore_mem>>
        %dma_start3A_545 = arith.constant 0 : i32
        %dma_start3A_546 = tpu.memref_slice %arg4[%arg0, %run_scoped3A, %mul3A_543, %dma_start3A_545] : memref<2x4x10000x128xf32, #tpu.memory_space<hbm>> -> memref<1x1x80x128xf32, #tpu.memory_space<hbm>>
        %dma_start3A_547 = tpu.memref_squeeze %dma_start3A_546 : memref<1x1x80x128xf32, #tpu.memory_space<hbm>> -> memref<80x128xf32, #tpu.memory_space<hbm>>
        %dma_start3A_548 = arith.constant 0 : i32
        %dma_start3A_549 = tpu.memref_slice %arg4[%arg0, %run_scoped3A, %mul3A_543, %dma_start3A_548] : memref<2x4x10000x128xf32, #tpu.memory_space<hbm>> -> memref<1x1x80x128xf32, #tpu.memory_space<hbm>>
        %dma_start3A_550 = tpu.memref_squeeze %dma_start3A_549 : memref<1x1x80x128xf32, #tpu.memory_space<hbm>> -> memref<80x128xf32, #tpu.memory_space<hbm>>
        tpu.enqueue_dma source(%arg8 : memref<80x128xf32, #tpu.memory_space<vmem>>) target(%dma_start3A_550 : memref<80x128xf32, #tpu.memory_space<hbm>>) target_semaphore(%run_scoped3A_544 : memref<!tpu.dma_semaphore, #tpu.memory_space<semaphore_mem>>)
        %dma_wait3A = arith.constant 0 : i32
        %dma_wait3A_551 = tpu.memref_slice %arg4[%arg0, %run_scoped3A, %mul3A_543, %dma_wait3A] : memref<2x4x10000x128xf32, #tpu.memory_space<hbm>> -> memref<1x1x80x128xf32, #tpu.memory_space<hbm>>
        %dma_wait3A_552 = tpu.memref_squeeze %dma_wait3A_551 : memref<1x1x80x128xf32, #tpu.memory_space<hbm>> -> memref<80x128xf32, #tpu.memory_space<hbm>>
        %dma_wait3A_553 = arith.constant 0 : i32
        %dma_wait3A_554 = tpu.memref_slice %arg4[%arg0, %run_scoped3A, %mul3A_543, %dma_wait3A_553] : memref<2x4x10000x128xf32, #tpu.memory_space<hbm>> -> memref<1x1x80x128xf32, #tpu.memory_space<hbm>>
        %dma_wait3A_555 = tpu.memref_squeeze %dma_wait3A_554 : memref<1x1x80x128xf32, #tpu.memory_space<hbm>> -> memref<80x128xf32, #tpu.memory_space<hbm>>
        tpu.wait_dma2 semaphore(%run_scoped3A_544 : memref<!tpu.dma_semaphore, #tpu.memory_space<semaphore_mem>>) src(%arg8 : memref<80x128xf32, #tpu.memory_space<vmem>>) dst(%dma_wait3A_555 : memref<80x128xf32, #tpu.memory_space<hbm>>)
        tpu.yield
      }) : () -> ()
    } else {
    }
    %add3A_492 = arith.constant 16 : i32
    %add3A_493 = arith.addi %arg1, %add3A_492 : i32
    %lt3A_494 = arith.constant 125 : i32
    %lt3A_495 = arith.cmpi slt, %add3A_493, %lt3A_494 : i32
    %convert_element_type3A_496 = arith.extui %lt3A_495 : i1 to i32
    %cond3A_497 = arith.constant 0 : i32
    %cond3A_498 = arith.cmpi ne, %convert_element_type3A_496, %cond3A_497 : i32
    scf.if %cond3A_498 {
      %mul3A_542 = arith.constant 80 : i32
      %mul3A_543 = arith.muli %add3A_493, %mul3A_542 : i32
      "tpu.region"() ({
        %run_scoped3A_544 = tpu.sem_alloc : memref<!tpu.dma_semaphore, #tpu.memory_space<semaphore_mem>>
        %dma_start3A_545 = arith.constant 0 : i32
        %dma_start3A_546 = tpu.memref_slice %arg11[%mul3A_543, %dma_start3A_545] : memref<10000x128xf32, #tpu.memory_space<vmem_shared>> -> memref<80x128xf32, #tpu.memory_space<vmem_shared>>
        %dma_start3A_547 = arith.constant 0 : i32
        %dma_start3A_548 = tpu.memref_slice %arg11[%mul3A_543, %dma_start3A_547] : memref<10000x128xf32, #tpu.memory_space<vmem_shared>> -> memref<80x128xf32, #tpu.memory_space<vmem_shared>>
        tpu.enqueue_dma source(%dma_start3A_548 : memref<80x128xf32, #tpu.memory_space<vmem_shared>>) target(%arg8 : memref<80x128xf32, #tpu.memory_space<vmem>>) target_semaphore(%run_scoped3A_544 : memref<!tpu.dma_semaphore, #tpu.memory_space<semaphore_mem>>)
        %dma_wait3A = arith.constant 0 : i32
        %dma_wait3A_549 = tpu.memref_slice %arg11[%mul3A_543, %dma_wait3A] : memref<10000x128xf32, #tpu.memory_space<vmem_shared>> -> memref<80x128xf32, #tpu.memory_space<vmem_shared>>
        %dma_wait3A_550 = arith.constant 0 : i32
        %dma_wait3A_551 = tpu.memref_slice %arg11[%mul3A_543, %dma_wait3A_550] : memref<10000x128xf32, #tpu.memory_space<vmem_shared>> -> memref<80x128xf32, #tpu.memory_space<vmem_shared>>
        tpu.wait_dma2 semaphore(%run_scoped3A_544 : memref<!tpu.dma_semaphore, #tpu.memory_space<semaphore_mem>>) src(%dma_wait3A_551 : memref<80x128xf32, #tpu.memory_space<vmem_shared>>) dst(%arg8 : memref<80x128xf32, #tpu.memory_space<vmem>>)
        tpu.yield
      }) : () -> ()
      %run_scoped3A = arith.constant 3 : i32
      "tpu.region"() ({
        %run_scoped3A_544 = tpu.sem_alloc : memref<!tpu.dma_semaphore, #tpu.memory_space<semaphore_mem>>
        %dma_start3A_545 = arith.constant 0 : i32
        %dma_start3A_546 = tpu.memref_slice %arg4[%arg0, %run_scoped3A, %mul3A_543, %dma_start3A_545] : memref<2x4x10000x128xf32, #tpu.memory_space<hbm>> -> memref<1x1x80x128xf32, #tpu.memory_space<hbm>>
        %dma_start3A_547 = tpu.memref_squeeze %dma_start3A_546 : memref<1x1x80x128xf32, #tpu.memory_space<hbm>> -> memref<80x128xf32, #tpu.memory_space<hbm>>
        %dma_start3A_548 = arith.constant 0 : i32
        %dma_start3A_549 = tpu.memref_slice %arg4[%arg0, %run_scoped3A, %mul3A_543, %dma_start3A_548] : memref<2x4x10000x128xf32, #tpu.memory_space<hbm>> -> memref<1x1x80x128xf32, #tpu.memory_space<hbm>>
        %dma_start3A_550 = tpu.memref_squeeze %dma_start3A_549 : memref<1x1x80x128xf32, #tpu.memory_space<hbm>> -> memref<80x128xf32, #tpu.memory_space<hbm>>
        tpu.enqueue_dma source(%arg8 : memref<80x128xf32, #tpu.memory_space<vmem>>) target(%dma_start3A_550 : memref<80x128xf32, #tpu.memory_space<hbm>>) target_semaphore(%run_scoped3A_544 : memref<!tpu.dma_semaphore, #tpu.memory_space<semaphore_mem>>)
        %dma_wait3A = arith.constant 0 : i32
        %dma_wait3A_551 = tpu.memref_slice %arg4[%arg0, %run_scoped3A, %mul3A_543, %dma_wait3A] : memref<2x4x10000x128xf32, #tpu.memory_space<hbm>> -> memref<1x1x80x128xf32, #tpu.memory_space<hbm>>
        %dma_wait3A_552 = tpu.memref_squeeze %dma_wait3A_551 : memref<1x1x80x128xf32, #tpu.memory_space<hbm>> -> memref<80x128xf32, #tpu.memory_space<hbm>>
        %dma_wait3A_553 = arith.constant 0 : i32
        %dma_wait3A_554 = tpu.memref_slice %arg4[%arg0, %run_scoped3A, %mul3A_543, %dma_wait3A_553] : memref<2x4x10000x128xf32, #tpu.memory_space<hbm>> -> memref<1x1x80x128xf32, #tpu.memory_space<hbm>>
        %dma_wait3A_555 = tpu.memref_squeeze %dma_wait3A_554 : memref<1x1x80x128xf32, #tpu.memory_space<hbm>> -> memref<80x128xf32, #tpu.memory_space<hbm>>
        tpu.wait_dma2 semaphore(%run_scoped3A_544 : memref<!tpu.dma_semaphore, #tpu.memory_space<semaphore_mem>>) src(%arg8 : memref<80x128xf32, #tpu.memory_space<vmem>>) dst(%dma_wait3A_555 : memref<80x128xf32, #tpu.memory_space<hbm>>)
        tpu.yield
      }) : () -> ()
    } else {
    }
    %add3A_499 = arith.constant 32 : i32
    %add3A_500 = arith.addi %arg1, %add3A_499 : i32
    %lt3A_501 = arith.constant 125 : i32
    %lt3A_502 = arith.cmpi slt, %add3A_500, %lt3A_501 : i32
    %convert_element_type3A_503 = arith.extui %lt3A_502 : i1 to i32
    %cond3A_504 = arith.constant 0 : i32
    %cond3A_505 = arith.cmpi ne, %convert_element_type3A_503, %cond3A_504 : i32
    scf.if %cond3A_505 {
      %mul3A_542 = arith.constant 80 : i32
      %mul3A_543 = arith.muli %add3A_500, %mul3A_542 : i32
      "tpu.region"() ({
        %run_scoped3A_544 = tpu.sem_alloc : memref<!tpu.dma_semaphore, #tpu.memory_space<semaphore_mem>>
        %dma_start3A_545 = arith.constant 0 : i32
        %dma_start3A_546 = tpu.memref_slice %arg11[%mul3A_543, %dma_start3A_545] : memref<10000x128xf32, #tpu.memory_space<vmem_shared>> -> memref<80x128xf32, #tpu.memory_space<vmem_shared>>
        %dma_start3A_547 = arith.constant 0 : i32
        %dma_start3A_548 = tpu.memref_slice %arg11[%mul3A_543, %dma_start3A_547] : memref<10000x128xf32, #tpu.memory_space<vmem_shared>> -> memref<80x128xf32, #tpu.memory_space<vmem_shared>>
        tpu.enqueue_dma source(%dma_start3A_548 : memref<80x128xf32, #tpu.memory_space<vmem_shared>>) target(%arg8 : memref<80x128xf32, #tpu.memory_space<vmem>>) target_semaphore(%run_scoped3A_544 : memref<!tpu.dma_semaphore, #tpu.memory_space<semaphore_mem>>)
        %dma_wait3A = arith.constant 0 : i32
        %dma_wait3A_549 = tpu.memref_slice %arg11[%mul3A_543, %dma_wait3A] : memref<10000x128xf32, #tpu.memory_space<vmem_shared>> -> memref<80x128xf32, #tpu.memory_space<vmem_shared>>
        %dma_wait3A_550 = arith.constant 0 : i32
        %dma_wait3A_551 = tpu.memref_slice %arg11[%mul3A_543, %dma_wait3A_550] : memref<10000x128xf32, #tpu.memory_space<vmem_shared>> -> memref<80x128xf32, #tpu.memory_space<vmem_shared>>
        tpu.wait_dma2 semaphore(%run_scoped3A_544 : memref<!tpu.dma_semaphore, #tpu.memory_space<semaphore_mem>>) src(%dma_wait3A_551 : memref<80x128xf32, #tpu.memory_space<vmem_shared>>) dst(%arg8 : memref<80x128xf32, #tpu.memory_space<vmem>>)
        tpu.yield
      }) : () -> ()
      %run_scoped3A = arith.constant 3 : i32
      "tpu.region"() ({
        %run_scoped3A_544 = tpu.sem_alloc : memref<!tpu.dma_semaphore, #tpu.memory_space<semaphore_mem>>
        %dma_start3A_545 = arith.constant 0 : i32
        %dma_start3A_546 = tpu.memref_slice %arg4[%arg0, %run_scoped3A, %mul3A_543, %dma_start3A_545] : memref<2x4x10000x128xf32, #tpu.memory_space<hbm>> -> memref<1x1x80x128xf32, #tpu.memory_space<hbm>>
        %dma_start3A_547 = tpu.memref_squeeze %dma_start3A_546 : memref<1x1x80x128xf32, #tpu.memory_space<hbm>> -> memref<80x128xf32, #tpu.memory_space<hbm>>
        %dma_start3A_548 = arith.constant 0 : i32
        %dma_start3A_549 = tpu.memref_slice %arg4[%arg0, %run_scoped3A, %mul3A_543, %dma_start3A_548] : memref<2x4x10000x128xf32, #tpu.memory_space<hbm>> -> memref<1x1x80x128xf32, #tpu.memory_space<hbm>>
        %dma_start3A_550 = tpu.memref_squeeze %dma_start3A_549 : memref<1x1x80x128xf32, #tpu.memory_space<hbm>> -> memref<80x128xf32, #tpu.memory_space<hbm>>
        tpu.enqueue_dma source(%arg8 : memref<80x128xf32, #tpu.memory_space<vmem>>) target(%dma_start3A_550 : memref<80x128xf32, #tpu.memory_space<hbm>>) target_semaphore(%run_scoped3A_544 : memref<!tpu.dma_semaphore, #tpu.memory_space<semaphore_mem>>)
        %dma_wait3A = arith.constant 0 : i32
        %dma_wait3A_551 = tpu.memref_slice %arg4[%arg0, %run_scoped3A, %mul3A_543, %dma_wait3A] : memref<2x4x10000x128xf32, #tpu.memory_space<hbm>> -> memref<1x1x80x128xf32, #tpu.memory_space<hbm>>
        %dma_wait3A_552 = tpu.memref_squeeze %dma_wait3A_551 : memref<1x1x80x128xf32, #tpu.memory_space<hbm>> -> memref<80x128xf32, #tpu.memory_space<hbm>>
        %dma_wait3A_553 = arith.constant 0 : i32
        %dma_wait3A_554 = tpu.memref_slice %arg4[%arg0, %run_scoped3A, %mul3A_543, %dma_wait3A_553] : memref<2x4x10000x128xf32, #tpu.memory_space<hbm>> -> memref<1x1x80x128xf32, #tpu.memory_space<hbm>>
        %dma_wait3A_555 = tpu.memref_squeeze %dma_wait3A_554 : memref<1x1x80x128xf32, #tpu.memory_space<hbm>> -> memref<80x128xf32, #tpu.memory_space<hbm>>
        tpu.wait_dma2 semaphore(%run_scoped3A_544 : memref<!tpu.dma_semaphore, #tpu.memory_space<semaphore_mem>>) src(%arg8 : memref<80x128xf32, #tpu.memory_space<vmem>>) dst(%dma_wait3A_555 : memref<80x128xf32, #tpu.memory_space<hbm>>)
        tpu.yield
      }) : () -> ()
    } else {
    }
    %add3A_506 = arith.constant 48 : i32
    %add3A_507 = arith.addi %arg1, %add3A_506 : i32
    %lt3A_508 = arith.constant 125 : i32
    %lt3A_509 = arith.cmpi slt, %add3A_507, %lt3A_508 : i32
    %convert_element_type3A_510 = arith.extui %lt3A_509 : i1 to i32
    %cond3A_511 = arith.constant 0 : i32
    %cond3A_512 = arith.cmpi ne, %convert_element_type3A_510, %cond3A_511 : i32
    scf.if %cond3A_512 {
      %mul3A_542 = arith.constant 80 : i32
      %mul3A_543 = arith.muli %add3A_507, %mul3A_542 : i32
      "tpu.region"() ({
        %run_scoped3A_544 = tpu.sem_alloc : memref<!tpu.dma_semaphore, #tpu.memory_space<semaphore_mem>>
        %dma_start3A_545 = arith.constant 0 : i32
        %dma_start3A_546 = tpu.memref_slice %arg11[%mul3A_543, %dma_start3A_545] : memref<10000x128xf32, #tpu.memory_space<vmem_shared>> -> memref<80x128xf32, #tpu.memory_space<vmem_shared>>
        %dma_start3A_547 = arith.constant 0 : i32
        %dma_start3A_548 = tpu.memref_slice %arg11[%mul3A_543, %dma_start3A_547] : memref<10000x128xf32, #tpu.memory_space<vmem_shared>> -> memref<80x128xf32, #tpu.memory_space<vmem_shared>>
        tpu.enqueue_dma source(%dma_start3A_548 : memref<80x128xf32, #tpu.memory_space<vmem_shared>>) target(%arg8 : memref<80x128xf32, #tpu.memory_space<vmem>>) target_semaphore(%run_scoped3A_544 : memref<!tpu.dma_semaphore, #tpu.memory_space<semaphore_mem>>)
        %dma_wait3A = arith.constant 0 : i32
        %dma_wait3A_549 = tpu.memref_slice %arg11[%mul3A_543, %dma_wait3A] : memref<10000x128xf32, #tpu.memory_space<vmem_shared>> -> memref<80x128xf32, #tpu.memory_space<vmem_shared>>
        %dma_wait3A_550 = arith.constant 0 : i32
        %dma_wait3A_551 = tpu.memref_slice %arg11[%mul3A_543, %dma_wait3A_550] : memref<10000x128xf32, #tpu.memory_space<vmem_shared>> -> memref<80x128xf32, #tpu.memory_space<vmem_shared>>
        tpu.wait_dma2 semaphore(%run_scoped3A_544 : memref<!tpu.dma_semaphore, #tpu.memory_space<semaphore_mem>>) src(%dma_wait3A_551 : memref<80x128xf32, #tpu.memory_space<vmem_shared>>) dst(%arg8 : memref<80x128xf32, #tpu.memory_space<vmem>>)
        tpu.yield
      }) : () -> ()
      %run_scoped3A = arith.constant 3 : i32
      "tpu.region"() ({
        %run_scoped3A_544 = tpu.sem_alloc : memref<!tpu.dma_semaphore, #tpu.memory_space<semaphore_mem>>
        %dma_start3A_545 = arith.constant 0 : i32
        %dma_start3A_546 = tpu.memref_slice %arg4[%arg0, %run_scoped3A, %mul3A_543, %dma_start3A_545] : memref<2x4x10000x128xf32, #tpu.memory_space<hbm>> -> memref<1x1x80x128xf32, #tpu.memory_space<hbm>>
        %dma_start3A_547 = tpu.memref_squeeze %dma_start3A_546 : memref<1x1x80x128xf32, #tpu.memory_space<hbm>> -> memref<80x128xf32, #tpu.memory_space<hbm>>
        %dma_start3A_548 = arith.constant 0 : i32
        %dma_start3A_549 = tpu.memref_slice %arg4[%arg0, %run_scoped3A, %mul3A_543, %dma_start3A_548] : memref<2x4x10000x128xf32, #tpu.memory_space<hbm>> -> memref<1x1x80x128xf32, #tpu.memory_space<hbm>>
        %dma_start3A_550 = tpu.memref_squeeze %dma_start3A_549 : memref<1x1x80x128xf32, #tpu.memory_space<hbm>> -> memref<80x128xf32, #tpu.memory_space<hbm>>
        tpu.enqueue_dma source(%arg8 : memref<80x128xf32, #tpu.memory_space<vmem>>) target(%dma_start3A_550 : memref<80x128xf32, #tpu.memory_space<hbm>>) target_semaphore(%run_scoped3A_544 : memref<!tpu.dma_semaphore, #tpu.memory_space<semaphore_mem>>)
        %dma_wait3A = arith.constant 0 : i32
        %dma_wait3A_551 = tpu.memref_slice %arg4[%arg0, %run_scoped3A, %mul3A_543, %dma_wait3A] : memref<2x4x10000x128xf32, #tpu.memory_space<hbm>> -> memref<1x1x80x128xf32, #tpu.memory_space<hbm>>
        %dma_wait3A_552 = tpu.memref_squeeze %dma_wait3A_551 : memref<1x1x80x128xf32, #tpu.memory_space<hbm>> -> memref<80x128xf32, #tpu.memory_space<hbm>>
        %dma_wait3A_553 = arith.constant 0 : i32
        %dma_wait3A_554 = tpu.memref_slice %arg4[%arg0, %run_scoped3A, %mul3A_543, %dma_wait3A_553] : memref<2x4x10000x128xf32, #tpu.memory_space<hbm>> -> memref<1x1x80x128xf32, #tpu.memory_space<hbm>>
        %dma_wait3A_555 = tpu.memref_squeeze %dma_wait3A_554 : memref<1x1x80x128xf32, #tpu.memory_space<hbm>> -> memref<80x128xf32, #tpu.memory_space<hbm>>
        tpu.wait_dma2 semaphore(%run_scoped3A_544 : memref<!tpu.dma_semaphore, #tpu.memory_space<semaphore_mem>>) src(%arg8 : memref<80x128xf32, #tpu.memory_space<vmem>>) dst(%dma_wait3A_555 : memref<80x128xf32, #tpu.memory_space<hbm>>)
        tpu.yield
      }) : () -> ()
    } else {
    }
    %add3A_513 = arith.constant 64 : i32
    %add3A_514 = arith.addi %arg1, %add3A_513 : i32
    %lt3A_515 = arith.constant 125 : i32
    %lt3A_516 = arith.cmpi slt, %add3A_514, %lt3A_515 : i32
    %convert_element_type3A_517 = arith.extui %lt3A_516 : i1 to i32
    %cond3A_518 = arith.constant 0 : i32
    %cond3A_519 = arith.cmpi ne, %convert_element_type3A_517, %cond3A_518 : i32
    scf.if %cond3A_519 {
      %mul3A_542 = arith.constant 80 : i32
      %mul3A_543 = arith.muli %add3A_514, %mul3A_542 : i32
      "tpu.region"() ({
        %run_scoped3A_544 = tpu.sem_alloc : memref<!tpu.dma_semaphore, #tpu.memory_space<semaphore_mem>>
        %dma_start3A_545 = arith.constant 0 : i32
        %dma_start3A_546 = tpu.memref_slice %arg11[%mul3A_543, %dma_start3A_545] : memref<10000x128xf32, #tpu.memory_space<vmem_shared>> -> memref<80x128xf32, #tpu.memory_space<vmem_shared>>
        %dma_start3A_547 = arith.constant 0 : i32
        %dma_start3A_548 = tpu.memref_slice %arg11[%mul3A_543, %dma_start3A_547] : memref<10000x128xf32, #tpu.memory_space<vmem_shared>> -> memref<80x128xf32, #tpu.memory_space<vmem_shared>>
        tpu.enqueue_dma source(%dma_start3A_548 : memref<80x128xf32, #tpu.memory_space<vmem_shared>>) target(%arg8 : memref<80x128xf32, #tpu.memory_space<vmem>>) target_semaphore(%run_scoped3A_544 : memref<!tpu.dma_semaphore, #tpu.memory_space<semaphore_mem>>)
        %dma_wait3A = arith.constant 0 : i32
        %dma_wait3A_549 = tpu.memref_slice %arg11[%mul3A_543, %dma_wait3A] : memref<10000x128xf32, #tpu.memory_space<vmem_shared>> -> memref<80x128xf32, #tpu.memory_space<vmem_shared>>
        %dma_wait3A_550 = arith.constant 0 : i32
        %dma_wait3A_551 = tpu.memref_slice %arg11[%mul3A_543, %dma_wait3A_550] : memref<10000x128xf32, #tpu.memory_space<vmem_shared>> -> memref<80x128xf32, #tpu.memory_space<vmem_shared>>
        tpu.wait_dma2 semaphore(%run_scoped3A_544 : memref<!tpu.dma_semaphore, #tpu.memory_space<semaphore_mem>>) src(%dma_wait3A_551 : memref<80x128xf32, #tpu.memory_space<vmem_shared>>) dst(%arg8 : memref<80x128xf32, #tpu.memory_space<vmem>>)
        tpu.yield
      }) : () -> ()
      %run_scoped3A = arith.constant 3 : i32
      "tpu.region"() ({
        %run_scoped3A_544 = tpu.sem_alloc : memref<!tpu.dma_semaphore, #tpu.memory_space<semaphore_mem>>
        %dma_start3A_545 = arith.constant 0 : i32
        %dma_start3A_546 = tpu.memref_slice %arg4[%arg0, %run_scoped3A, %mul3A_543, %dma_start3A_545] : memref<2x4x10000x128xf32, #tpu.memory_space<hbm>> -> memref<1x1x80x128xf32, #tpu.memory_space<hbm>>
        %dma_start3A_547 = tpu.memref_squeeze %dma_start3A_546 : memref<1x1x80x128xf32, #tpu.memory_space<hbm>> -> memref<80x128xf32, #tpu.memory_space<hbm>>
        %dma_start3A_548 = arith.constant 0 : i32
        %dma_start3A_549 = tpu.memref_slice %arg4[%arg0, %run_scoped3A, %mul3A_543, %dma_start3A_548] : memref<2x4x10000x128xf32, #tpu.memory_space<hbm>> -> memref<1x1x80x128xf32, #tpu.memory_space<hbm>>
        %dma_start3A_550 = tpu.memref_squeeze %dma_start3A_549 : memref<1x1x80x128xf32, #tpu.memory_space<hbm>> -> memref<80x128xf32, #tpu.memory_space<hbm>>
        tpu.enqueue_dma source(%arg8 : memref<80x128xf32, #tpu.memory_space<vmem>>) target(%dma_start3A_550 : memref<80x128xf32, #tpu.memory_space<hbm>>) target_semaphore(%run_scoped3A_544 : memref<!tpu.dma_semaphore, #tpu.memory_space<semaphore_mem>>)
        %dma_wait3A = arith.constant 0 : i32
        %dma_wait3A_551 = tpu.memref_slice %arg4[%arg0, %run_scoped3A, %mul3A_543, %dma_wait3A] : memref<2x4x10000x128xf32, #tpu.memory_space<hbm>> -> memref<1x1x80x128xf32, #tpu.memory_space<hbm>>
        %dma_wait3A_552 = tpu.memref_squeeze %dma_wait3A_551 : memref<1x1x80x128xf32, #tpu.memory_space<hbm>> -> memref<80x128xf32, #tpu.memory_space<hbm>>
        %dma_wait3A_553 = arith.constant 0 : i32
        %dma_wait3A_554 = tpu.memref_slice %arg4[%arg0, %run_scoped3A, %mul3A_543, %dma_wait3A_553] : memref<2x4x10000x128xf32, #tpu.memory_space<hbm>> -> memref<1x1x80x128xf32, #tpu.memory_space<hbm>>
        %dma_wait3A_555 = tpu.memref_squeeze %dma_wait3A_554 : memref<1x1x80x128xf32, #tpu.memory_space<hbm>> -> memref<80x128xf32, #tpu.memory_space<hbm>>
        tpu.wait_dma2 semaphore(%run_scoped3A_544 : memref<!tpu.dma_semaphore, #tpu.memory_space<semaphore_mem>>) src(%arg8 : memref<80x128xf32, #tpu.memory_space<vmem>>) dst(%dma_wait3A_555 : memref<80x128xf32, #tpu.memory_space<hbm>>)
        tpu.yield
      }) : () -> ()
    } else {
    }
    %add3A_520 = arith.constant 80 : i32
    %add3A_521 = arith.addi %arg1, %add3A_520 : i32
    %lt3A_522 = arith.constant 125 : i32
    %lt3A_523 = arith.cmpi slt, %add3A_521, %lt3A_522 : i32
    %convert_element_type3A_524 = arith.extui %lt3A_523 : i1 to i32
    %cond3A_525 = arith.constant 0 : i32
    %cond3A_526 = arith.cmpi ne, %convert_element_type3A_524, %cond3A_525 : i32
    scf.if %cond3A_526 {
      %mul3A_542 = arith.constant 80 : i32
      %mul3A_543 = arith.muli %add3A_521, %mul3A_542 : i32
      "tpu.region"() ({
        %run_scoped3A_544 = tpu.sem_alloc : memref<!tpu.dma_semaphore, #tpu.memory_space<semaphore_mem>>
        %dma_start3A_545 = arith.constant 0 : i32
        %dma_start3A_546 = tpu.memref_slice %arg11[%mul3A_543, %dma_start3A_545] : memref<10000x128xf32, #tpu.memory_space<vmem_shared>> -> memref<80x128xf32, #tpu.memory_space<vmem_shared>>
        %dma_start3A_547 = arith.constant 0 : i32
        %dma_start3A_548 = tpu.memref_slice %arg11[%mul3A_543, %dma_start3A_547] : memref<10000x128xf32, #tpu.memory_space<vmem_shared>> -> memref<80x128xf32, #tpu.memory_space<vmem_shared>>
        tpu.enqueue_dma source(%dma_start3A_548 : memref<80x128xf32, #tpu.memory_space<vmem_shared>>) target(%arg8 : memref<80x128xf32, #tpu.memory_space<vmem>>) target_semaphore(%run_scoped3A_544 : memref<!tpu.dma_semaphore, #tpu.memory_space<semaphore_mem>>)
        %dma_wait3A = arith.constant 0 : i32
        %dma_wait3A_549 = tpu.memref_slice %arg11[%mul3A_543, %dma_wait3A] : memref<10000x128xf32, #tpu.memory_space<vmem_shared>> -> memref<80x128xf32, #tpu.memory_space<vmem_shared>>
        %dma_wait3A_550 = arith.constant 0 : i32
        %dma_wait3A_551 = tpu.memref_slice %arg11[%mul3A_543, %dma_wait3A_550] : memref<10000x128xf32, #tpu.memory_space<vmem_shared>> -> memref<80x128xf32, #tpu.memory_space<vmem_shared>>
        tpu.wait_dma2 semaphore(%run_scoped3A_544 : memref<!tpu.dma_semaphore, #tpu.memory_space<semaphore_mem>>) src(%dma_wait3A_551 : memref<80x128xf32, #tpu.memory_space<vmem_shared>>) dst(%arg8 : memref<80x128xf32, #tpu.memory_space<vmem>>)
        tpu.yield
      }) : () -> ()
      %run_scoped3A = arith.constant 3 : i32
      "tpu.region"() ({
        %run_scoped3A_544 = tpu.sem_alloc : memref<!tpu.dma_semaphore, #tpu.memory_space<semaphore_mem>>
        %dma_start3A_545 = arith.constant 0 : i32
        %dma_start3A_546 = tpu.memref_slice %arg4[%arg0, %run_scoped3A, %mul3A_543, %dma_start3A_545] : memref<2x4x10000x128xf32, #tpu.memory_space<hbm>> -> memref<1x1x80x128xf32, #tpu.memory_space<hbm>>
        %dma_start3A_547 = tpu.memref_squeeze %dma_start3A_546 : memref<1x1x80x128xf32, #tpu.memory_space<hbm>> -> memref<80x128xf32, #tpu.memory_space<hbm>>
        %dma_start3A_548 = arith.constant 0 : i32
        %dma_start3A_549 = tpu.memref_slice %arg4[%arg0, %run_scoped3A, %mul3A_543, %dma_start3A_548] : memref<2x4x10000x128xf32, #tpu.memory_space<hbm>> -> memref<1x1x80x128xf32, #tpu.memory_space<hbm>>
        %dma_start3A_550 = tpu.memref_squeeze %dma_start3A_549 : memref<1x1x80x128xf32, #tpu.memory_space<hbm>> -> memref<80x128xf32, #tpu.memory_space<hbm>>
        tpu.enqueue_dma source(%arg8 : memref<80x128xf32, #tpu.memory_space<vmem>>) target(%dma_start3A_550 : memref<80x128xf32, #tpu.memory_space<hbm>>) target_semaphore(%run_scoped3A_544 : memref<!tpu.dma_semaphore, #tpu.memory_space<semaphore_mem>>)
        %dma_wait3A = arith.constant 0 : i32
        %dma_wait3A_551 = tpu.memref_slice %arg4[%arg0, %run_scoped3A, %mul3A_543, %dma_wait3A] : memref<2x4x10000x128xf32, #tpu.memory_space<hbm>> -> memref<1x1x80x128xf32, #tpu.memory_space<hbm>>
        %dma_wait3A_552 = tpu.memref_squeeze %dma_wait3A_551 : memref<1x1x80x128xf32, #tpu.memory_space<hbm>> -> memref<80x128xf32, #tpu.memory_space<hbm>>
        %dma_wait3A_553 = arith.constant 0 : i32
        %dma_wait3A_554 = tpu.memref_slice %arg4[%arg0, %run_scoped3A, %mul3A_543, %dma_wait3A_553] : memref<2x4x10000x128xf32, #tpu.memory_space<hbm>> -> memref<1x1x80x128xf32, #tpu.memory_space<hbm>>
        %dma_wait3A_555 = tpu.memref_squeeze %dma_wait3A_554 : memref<1x1x80x128xf32, #tpu.memory_space<hbm>> -> memref<80x128xf32, #tpu.memory_space<hbm>>
        tpu.wait_dma2 semaphore(%run_scoped3A_544 : memref<!tpu.dma_semaphore, #tpu.memory_space<semaphore_mem>>) src(%arg8 : memref<80x128xf32, #tpu.memory_space<vmem>>) dst(%dma_wait3A_555 : memref<80x128xf32, #tpu.memory_space<hbm>>)
        tpu.yield
      }) : () -> ()
    } else {
    }
    %add3A_527 = arith.constant 96 : i32
    %add3A_528 = arith.addi %arg1, %add3A_527 : i32
    %lt3A_529 = arith.constant 125 : i32
    %lt3A_530 = arith.cmpi slt, %add3A_528, %lt3A_529 : i32
    %convert_element_type3A_531 = arith.extui %lt3A_530 : i1 to i32
    %cond3A_532 = arith.constant 0 : i32
    %cond3A_533 = arith.cmpi ne, %convert_element_type3A_531, %cond3A_532 : i32
    scf.if %cond3A_533 {
      %mul3A_542 = arith.constant 80 : i32
      %mul3A_543 = arith.muli %add3A_528, %mul3A_542 : i32
      "tpu.region"() ({
        %run_scoped3A_544 = tpu.sem_alloc : memref<!tpu.dma_semaphore, #tpu.memory_space<semaphore_mem>>
        %dma_start3A_545 = arith.constant 0 : i32
        %dma_start3A_546 = tpu.memref_slice %arg11[%mul3A_543, %dma_start3A_545] : memref<10000x128xf32, #tpu.memory_space<vmem_shared>> -> memref<80x128xf32, #tpu.memory_space<vmem_shared>>
        %dma_start3A_547 = arith.constant 0 : i32
        %dma_start3A_548 = tpu.memref_slice %arg11[%mul3A_543, %dma_start3A_547] : memref<10000x128xf32, #tpu.memory_space<vmem_shared>> -> memref<80x128xf32, #tpu.memory_space<vmem_shared>>
        tpu.enqueue_dma source(%dma_start3A_548 : memref<80x128xf32, #tpu.memory_space<vmem_shared>>) target(%arg8 : memref<80x128xf32, #tpu.memory_space<vmem>>) target_semaphore(%run_scoped3A_544 : memref<!tpu.dma_semaphore, #tpu.memory_space<semaphore_mem>>)
        %dma_wait3A = arith.constant 0 : i32
        %dma_wait3A_549 = tpu.memref_slice %arg11[%mul3A_543, %dma_wait3A] : memref<10000x128xf32, #tpu.memory_space<vmem_shared>> -> memref<80x128xf32, #tpu.memory_space<vmem_shared>>
        %dma_wait3A_550 = arith.constant 0 : i32
        %dma_wait3A_551 = tpu.memref_slice %arg11[%mul3A_543, %dma_wait3A_550] : memref<10000x128xf32, #tpu.memory_space<vmem_shared>> -> memref<80x128xf32, #tpu.memory_space<vmem_shared>>
        tpu.wait_dma2 semaphore(%run_scoped3A_544 : memref<!tpu.dma_semaphore, #tpu.memory_space<semaphore_mem>>) src(%dma_wait3A_551 : memref<80x128xf32, #tpu.memory_space<vmem_shared>>) dst(%arg8 : memref<80x128xf32, #tpu.memory_space<vmem>>)
        tpu.yield
      }) : () -> ()
      %run_scoped3A = arith.constant 3 : i32
      "tpu.region"() ({
        %run_scoped3A_544 = tpu.sem_alloc : memref<!tpu.dma_semaphore, #tpu.memory_space<semaphore_mem>>
        %dma_start3A_545 = arith.constant 0 : i32
        %dma_start3A_546 = tpu.memref_slice %arg4[%arg0, %run_scoped3A, %mul3A_543, %dma_start3A_545] : memref<2x4x10000x128xf32, #tpu.memory_space<hbm>> -> memref<1x1x80x128xf32, #tpu.memory_space<hbm>>
        %dma_start3A_547 = tpu.memref_squeeze %dma_start3A_546 : memref<1x1x80x128xf32, #tpu.memory_space<hbm>> -> memref<80x128xf32, #tpu.memory_space<hbm>>
        %dma_start3A_548 = arith.constant 0 : i32
        %dma_start3A_549 = tpu.memref_slice %arg4[%arg0, %run_scoped3A, %mul3A_543, %dma_start3A_548] : memref<2x4x10000x128xf32, #tpu.memory_space<hbm>> -> memref<1x1x80x128xf32, #tpu.memory_space<hbm>>
        %dma_start3A_550 = tpu.memref_squeeze %dma_start3A_549 : memref<1x1x80x128xf32, #tpu.memory_space<hbm>> -> memref<80x128xf32, #tpu.memory_space<hbm>>
        tpu.enqueue_dma source(%arg8 : memref<80x128xf32, #tpu.memory_space<vmem>>) target(%dma_start3A_550 : memref<80x128xf32, #tpu.memory_space<hbm>>) target_semaphore(%run_scoped3A_544 : memref<!tpu.dma_semaphore, #tpu.memory_space<semaphore_mem>>)
        %dma_wait3A = arith.constant 0 : i32
        %dma_wait3A_551 = tpu.memref_slice %arg4[%arg0, %run_scoped3A, %mul3A_543, %dma_wait3A] : memref<2x4x10000x128xf32, #tpu.memory_space<hbm>> -> memref<1x1x80x128xf32, #tpu.memory_space<hbm>>
        %dma_wait3A_552 = tpu.memref_squeeze %dma_wait3A_551 : memref<1x1x80x128xf32, #tpu.memory_space<hbm>> -> memref<80x128xf32, #tpu.memory_space<hbm>>
        %dma_wait3A_553 = arith.constant 0 : i32
        %dma_wait3A_554 = tpu.memref_slice %arg4[%arg0, %run_scoped3A, %mul3A_543, %dma_wait3A_553] : memref<2x4x10000x128xf32, #tpu.memory_space<hbm>> -> memref<1x1x80x128xf32, #tpu.memory_space<hbm>>
        %dma_wait3A_555 = tpu.memref_squeeze %dma_wait3A_554 : memref<1x1x80x128xf32, #tpu.memory_space<hbm>> -> memref<80x128xf32, #tpu.memory_space<hbm>>
        tpu.wait_dma2 semaphore(%run_scoped3A_544 : memref<!tpu.dma_semaphore, #tpu.memory_space<semaphore_mem>>) src(%arg8 : memref<80x128xf32, #tpu.memory_space<vmem>>) dst(%dma_wait3A_555 : memref<80x128xf32, #tpu.memory_space<hbm>>)
        tpu.yield
      }) : () -> ()
    } else {
    }
    %add3A_534 = arith.constant 112 : i32
    %add3A_535 = arith.addi %arg1, %add3A_534 : i32
    %lt3A_536 = arith.constant 125 : i32
    %lt3A_537 = arith.cmpi slt, %add3A_535, %lt3A_536 : i32
    %convert_element_type3A_538 = arith.extui %lt3A_537 : i1 to i32
    %cond3A_539 = arith.constant 0 : i32
    %cond3A_540 = arith.cmpi ne, %convert_element_type3A_538, %cond3A_539 : i32
    scf.if %cond3A_540 {
      %mul3A_542 = arith.constant 80 : i32
      %mul3A_543 = arith.muli %add3A_535, %mul3A_542 : i32
      "tpu.region"() ({
        %run_scoped3A_544 = tpu.sem_alloc : memref<!tpu.dma_semaphore, #tpu.memory_space<semaphore_mem>>
        %dma_start3A_545 = arith.constant 0 : i32
        %dma_start3A_546 = tpu.memref_slice %arg11[%mul3A_543, %dma_start3A_545] : memref<10000x128xf32, #tpu.memory_space<vmem_shared>> -> memref<80x128xf32, #tpu.memory_space<vmem_shared>>
        %dma_start3A_547 = arith.constant 0 : i32
        %dma_start3A_548 = tpu.memref_slice %arg11[%mul3A_543, %dma_start3A_547] : memref<10000x128xf32, #tpu.memory_space<vmem_shared>> -> memref<80x128xf32, #tpu.memory_space<vmem_shared>>
        tpu.enqueue_dma source(%dma_start3A_548 : memref<80x128xf32, #tpu.memory_space<vmem_shared>>) target(%arg8 : memref<80x128xf32, #tpu.memory_space<vmem>>) target_semaphore(%run_scoped3A_544 : memref<!tpu.dma_semaphore, #tpu.memory_space<semaphore_mem>>)
        %dma_wait3A = arith.constant 0 : i32
        %dma_wait3A_549 = tpu.memref_slice %arg11[%mul3A_543, %dma_wait3A] : memref<10000x128xf32, #tpu.memory_space<vmem_shared>> -> memref<80x128xf32, #tpu.memory_space<vmem_shared>>
        %dma_wait3A_550 = arith.constant 0 : i32
        %dma_wait3A_551 = tpu.memref_slice %arg11[%mul3A_543, %dma_wait3A_550] : memref<10000x128xf32, #tpu.memory_space<vmem_shared>> -> memref<80x128xf32, #tpu.memory_space<vmem_shared>>
        tpu.wait_dma2 semaphore(%run_scoped3A_544 : memref<!tpu.dma_semaphore, #tpu.memory_space<semaphore_mem>>) src(%dma_wait3A_551 : memref<80x128xf32, #tpu.memory_space<vmem_shared>>) dst(%arg8 : memref<80x128xf32, #tpu.memory_space<vmem>>)
        tpu.yield
      }) : () -> ()
      %run_scoped3A = arith.constant 3 : i32
      "tpu.region"() ({
        %run_scoped3A_544 = tpu.sem_alloc : memref<!tpu.dma_semaphore, #tpu.memory_space<semaphore_mem>>
        %dma_start3A_545 = arith.constant 0 : i32
        %dma_start3A_546 = tpu.memref_slice %arg4[%arg0, %run_scoped3A, %mul3A_543, %dma_start3A_545] : memref<2x4x10000x128xf32, #tpu.memory_space<hbm>> -> memref<1x1x80x128xf32, #tpu.memory_space<hbm>>
        %dma_start3A_547 = tpu.memref_squeeze %dma_start3A_546 : memref<1x1x80x128xf32, #tpu.memory_space<hbm>> -> memref<80x128xf32, #tpu.memory_space<hbm>>
        %dma_start3A_548 = arith.constant 0 : i32
        %dma_start3A_549 = tpu.memref_slice %arg4[%arg0, %run_scoped3A, %mul3A_543, %dma_start3A_548] : memref<2x4x10000x128xf32, #tpu.memory_space<hbm>> -> memref<1x1x80x128xf32, #tpu.memory_space<hbm>>
        %dma_start3A_550 = tpu.memref_squeeze %dma_start3A_549 : memref<1x1x80x128xf32, #tpu.memory_space<hbm>> -> memref<80x128xf32, #tpu.memory_space<hbm>>
        tpu.enqueue_dma source(%arg8 : memref<80x128xf32, #tpu.memory_space<vmem>>) target(%dma_start3A_550 : memref<80x128xf32, #tpu.memory_space<hbm>>) target_semaphore(%run_scoped3A_544 : memref<!tpu.dma_semaphore, #tpu.memory_space<semaphore_mem>>)
        %dma_wait3A = arith.constant 0 : i32
        %dma_wait3A_551 = tpu.memref_slice %arg4[%arg0, %run_scoped3A, %mul3A_543, %dma_wait3A] : memref<2x4x10000x128xf32, #tpu.memory_space<hbm>> -> memref<1x1x80x128xf32, #tpu.memory_space<hbm>>
        %dma_wait3A_552 = tpu.memref_squeeze %dma_wait3A_551 : memref<1x1x80x128xf32, #tpu.memory_space<hbm>> -> memref<80x128xf32, #tpu.memory_space<hbm>>
        %dma_wait3A_553 = arith.constant 0 : i32
        %dma_wait3A_554 = tpu.memref_slice %arg4[%arg0, %run_scoped3A, %mul3A_543, %dma_wait3A_553] : memref<2x4x10000x128xf32, #tpu.memory_space<hbm>> -> memref<1x1x80x128xf32, #tpu.memory_space<hbm>>
        %dma_wait3A_555 = tpu.memref_squeeze %dma_wait3A_554 : memref<1x1x80x128xf32, #tpu.memory_space<hbm>> -> memref<80x128xf32, #tpu.memory_space<hbm>>
        tpu.wait_dma2 semaphore(%run_scoped3A_544 : memref<!tpu.dma_semaphore, #tpu.memory_space<semaphore_mem>>) src(%arg8 : memref<80x128xf32, #tpu.memory_space<vmem>>) dst(%dma_wait3A_555 : memref<80x128xf32, #tpu.memory_space<hbm>>)
        tpu.yield
      }) : () -> ()
    } else {
    }
    %barrier3A_541 = arith.constant 0 : index
    tpu.barrier barrier_id(%barrier3A_541)
    return
  }
}

#map = affine_map<(d0, d1) -> (0, 0)>
#map1 = affine_map<(d0, d1) -> (0)>
module attributes {stable_mosaic.version = 14 : i64} {
  func.func @gather_k(%arg0: i32, %arg1: i32, %arg2: memref<10000x384xf32, #tpu.memory_space<hbm>>, %arg3: memref<10000x384xf32, #tpu.memory_space<hbm>>, %arg4: memref<320000xi32, #tpu.memory_space<hbm>>, %arg5: memref<320000x384xf32, #tpu.memory_space<hbm>>, %arg6: memref<320000x384xf32, #tpu.memory_space<hbm>>, %arg7: memref<3x40xi32, #tpu.memory_space<vmem>>, %arg8: memref<40x384xf32, #tpu.memory_space<vmem>>, %arg9: memref<40x384xf32, #tpu.memory_space<vmem>>, %arg10: memref<40x384xf32, #tpu.memory_space<vmem>>, %arg11: memref<40x384xf32, #tpu.memory_space<vmem>>, %arg12: memref<40x384xf32, #tpu.memory_space<vmem>>, %arg13: memref<40x384xf32, #tpu.memory_space<vmem>>, %arg14: memref<!tpu.dma_semaphore, #tpu.memory_space<semaphore_mem>>, %arg15: memref<!tpu.dma_semaphore, #tpu.memory_space<semaphore_mem>>, %arg16: memref<!tpu.dma_semaphore, #tpu.memory_space<semaphore_mem>>, %arg17: memref<!tpu.dma_semaphore, #tpu.memory_space<semaphore_mem>>, %arg18: memref<!tpu.dma_semaphore, #tpu.memory_space<semaphore_mem>>, %arg19: memref<!tpu.dma_semaphore, #tpu.memory_space<semaphore_mem>>) attributes {dimension_semantics = [#tpu.dimension_semantics<core_parallel>, #tpu.dimension_semantics<subcore_parallel>], iteration_bounds = array<i64: 2, 16>, scalar_prefetch = 0 : i64, scratch_operands = 13 : i64, tpu.core_type = #tpu.core_type<sc_vector_subcore>, window_params = [{transform_indices = #map}, {transform_indices = #map}, {transform_indices = #map1}, {transform_indices = #map}, {transform_indices = #map}]} {
    %mul3A = arith.constant 2 : i32
    %mul3A_0 = arith.muli %arg1, %mul3A : i32
    %add3A = arith.addi %mul3A_0, %arg0 : i32
    %mul3A_1 = arith.constant 10000 : i32
    %mul3A_2 = arith.muli %add3A, %mul3A_1 : i32
    %add3A_3 = arith.constant 0 : i32
    %add3A_4 = arith.addi %mul3A_2, %add3A_3 : i32
    %run_scoped3A = arith.constant 0 : i32
    "tpu.region"() ({
      %run_scoped3A_40 = tpu.sem_alloc : memref<!tpu.dma_semaphore, #tpu.memory_space<semaphore_mem>>
      %dma_start3A_41 = arith.constant 0 : i32
      %dma_start3A_42 = tpu.memref_slice %arg7[%run_scoped3A, %dma_start3A_41] : memref<3x40xi32, #tpu.memory_space<vmem>> -> memref<1x40xi32, #tpu.memory_space<vmem>>
      %dma_start3A_43 = tpu.memref_squeeze %dma_start3A_42 : memref<1x40xi32, #tpu.memory_space<vmem>> -> memref<40xi32, #tpu.memory_space<vmem>>
      %dma_start3A_44 = tpu.memref_slice %arg4[%add3A_4] : memref<320000xi32, #tpu.memory_space<hbm>> -> memref<40xi32, #tpu.memory_space<hbm>>
      %dma_start3A_45 = arith.constant 0 : i32
      %dma_start3A_46 = tpu.memref_slice %arg7[%run_scoped3A, %dma_start3A_45] : memref<3x40xi32, #tpu.memory_space<vmem>> -> memref<1x40xi32, #tpu.memory_space<vmem>>
      %dma_start3A_47 = tpu.memref_squeeze %dma_start3A_46 : memref<1x40xi32, #tpu.memory_space<vmem>> -> memref<40xi32, #tpu.memory_space<vmem>>
      %dma_start3A_48 = tpu.memref_slice %arg4[%add3A_4] : memref<320000xi32, #tpu.memory_space<hbm>> -> memref<40xi32, #tpu.memory_space<hbm>>
      tpu.enqueue_dma source(%dma_start3A_48 : memref<40xi32, #tpu.memory_space<hbm>>) target(%dma_start3A_47 : memref<40xi32, #tpu.memory_space<vmem>>) target_semaphore(%run_scoped3A_40 : memref<!tpu.dma_semaphore, #tpu.memory_space<semaphore_mem>>)
      %dma_wait3A = arith.constant 0 : i32
      %dma_wait3A_49 = tpu.memref_slice %arg7[%run_scoped3A, %dma_wait3A] : memref<3x40xi32, #tpu.memory_space<vmem>> -> memref<1x40xi32, #tpu.memory_space<vmem>>
      %dma_wait3A_50 = tpu.memref_squeeze %dma_wait3A_49 : memref<1x40xi32, #tpu.memory_space<vmem>> -> memref<40xi32, #tpu.memory_space<vmem>>
      %dma_wait3A_51 = tpu.memref_slice %arg4[%add3A_4] : memref<320000xi32, #tpu.memory_space<hbm>> -> memref<40xi32, #tpu.memory_space<hbm>>
      %dma_wait3A_52 = arith.constant 0 : i32
      %dma_wait3A_53 = tpu.memref_slice %arg7[%run_scoped3A, %dma_wait3A_52] : memref<3x40xi32, #tpu.memory_space<vmem>> -> memref<1x40xi32, #tpu.memory_space<vmem>>
      %dma_wait3A_54 = tpu.memref_squeeze %dma_wait3A_53 : memref<1x40xi32, #tpu.memory_space<vmem>> -> memref<40xi32, #tpu.memory_space<vmem>>
      %dma_wait3A_55 = tpu.memref_slice %arg4[%add3A_4] : memref<320000xi32, #tpu.memory_space<hbm>> -> memref<40xi32, #tpu.memory_space<hbm>>
      tpu.wait_dma2 semaphore(%run_scoped3A_40 : memref<!tpu.dma_semaphore, #tpu.memory_space<semaphore_mem>>) src(%dma_wait3A_55 : memref<40xi32, #tpu.memory_space<hbm>>) dst(%dma_wait3A_54 : memref<40xi32, #tpu.memory_space<vmem>>)
      tpu.yield
    }) : () -> ()
    %dma_start3A = arith.constant 0 : i32
    %dma_start3A_5 = arith.constant 0 : i32
    %dma_start3A_6 = tpu.memref_slice %arg7[%dma_start3A, %dma_start3A_5] : memref<3x40xi32, #tpu.memory_space<vmem>> -> memref<1x40xi32, #tpu.memory_space<vmem>>
    %dma_start3A_7 = tpu.memref_squeeze %dma_start3A_6 : memref<1x40xi32, #tpu.memory_space<vmem>> -> memref<40xi32, #tpu.memory_space<vmem>>
    %dma_start3A_8 = arith.constant 0 : i32
    %dma_start3A_9 = arith.constant 0 : i32
    %dma_start3A_10 = tpu.memref_slice %arg2[%dma_start3A_8, %dma_start3A_9] : memref<10000x384xf32, #tpu.memory_space<hbm>> -> memref<10000x384xf32, #tpu.memory_space<hbm>>
    tpu.enqueue_indirect_dma source(%dma_start3A_10 : memref<10000x384xf32, #tpu.memory_space<hbm>>) target(%arg8 : memref<40x384xf32, #tpu.memory_space<vmem>>) offsets(%dma_start3A_7 : memref<40xi32, #tpu.memory_space<vmem>>) semaphore(%arg14 : memref<!tpu.dma_semaphore, #tpu.memory_space<semaphore_mem>>)
    %dma_start3A_11 = arith.constant 0 : i32
    %dma_start3A_12 = arith.constant 0 : i32
    %dma_start3A_13 = tpu.memref_slice %arg7[%dma_start3A_11, %dma_start3A_12] : memref<3x40xi32, #tpu.memory_space<vmem>> -> memref<1x40xi32, #tpu.memory_space<vmem>>
    %dma_start3A_14 = tpu.memref_squeeze %dma_start3A_13 : memref<1x40xi32, #tpu.memory_space<vmem>> -> memref<40xi32, #tpu.memory_space<vmem>>
    %dma_start3A_15 = arith.constant 0 : i32
    %dma_start3A_16 = arith.constant 0 : i32
    %dma_start3A_17 = tpu.memref_slice %arg3[%dma_start3A_15, %dma_start3A_16] : memref<10000x384xf32, #tpu.memory_space<hbm>> -> memref<10000x384xf32, #tpu.memory_space<hbm>>
    tpu.enqueue_indirect_dma source(%dma_start3A_17 : memref<10000x384xf32, #tpu.memory_space<hbm>>) target(%arg11 : memref<40x384xf32, #tpu.memory_space<vmem>>) offsets(%dma_start3A_14 : memref<40xi32, #tpu.memory_space<vmem>>) semaphore(%arg17 : memref<!tpu.dma_semaphore, #tpu.memory_space<semaphore_mem>>)
    %add3A_18 = arith.constant 40 : i32
    %add3A_19 = arith.addi %mul3A_2, %add3A_18 : i32
    %run_scoped3A_20 = arith.constant 1 : i32
    "tpu.region"() ({
      %run_scoped3A_40 = tpu.sem_alloc : memref<!tpu.dma_semaphore, #tpu.memory_space<semaphore_mem>>
      %dma_start3A_41 = arith.constant 0 : i32
      %dma_start3A_42 = tpu.memref_slice %arg7[%run_scoped3A_20, %dma_start3A_41] : memref<3x40xi32, #tpu.memory_space<vmem>> -> memref<1x40xi32, #tpu.memory_space<vmem>>
      %dma_start3A_43 = tpu.memref_squeeze %dma_start3A_42 : memref<1x40xi32, #tpu.memory_space<vmem>> -> memref<40xi32, #tpu.memory_space<vmem>>
      %dma_start3A_44 = tpu.memref_slice %arg4[%add3A_19] : memref<320000xi32, #tpu.memory_space<hbm>> -> memref<40xi32, #tpu.memory_space<hbm>>
      %dma_start3A_45 = arith.constant 0 : i32
      %dma_start3A_46 = tpu.memref_slice %arg7[%run_scoped3A_20, %dma_start3A_45] : memref<3x40xi32, #tpu.memory_space<vmem>> -> memref<1x40xi32, #tpu.memory_space<vmem>>
      %dma_start3A_47 = tpu.memref_squeeze %dma_start3A_46 : memref<1x40xi32, #tpu.memory_space<vmem>> -> memref<40xi32, #tpu.memory_space<vmem>>
      %dma_start3A_48 = tpu.memref_slice %arg4[%add3A_19] : memref<320000xi32, #tpu.memory_space<hbm>> -> memref<40xi32, #tpu.memory_space<hbm>>
      tpu.enqueue_dma source(%dma_start3A_48 : memref<40xi32, #tpu.memory_space<hbm>>) target(%dma_start3A_47 : memref<40xi32, #tpu.memory_space<vmem>>) target_semaphore(%run_scoped3A_40 : memref<!tpu.dma_semaphore, #tpu.memory_space<semaphore_mem>>)
      %dma_wait3A = arith.constant 0 : i32
      %dma_wait3A_49 = tpu.memref_slice %arg7[%run_scoped3A_20, %dma_wait3A] : memref<3x40xi32, #tpu.memory_space<vmem>> -> memref<1x40xi32, #tpu.memory_space<vmem>>
      %dma_wait3A_50 = tpu.memref_squeeze %dma_wait3A_49 : memref<1x40xi32, #tpu.memory_space<vmem>> -> memref<40xi32, #tpu.memory_space<vmem>>
      %dma_wait3A_51 = tpu.memref_slice %arg4[%add3A_19] : memref<320000xi32, #tpu.memory_space<hbm>> -> memref<40xi32, #tpu.memory_space<hbm>>
      %dma_wait3A_52 = arith.constant 0 : i32
      %dma_wait3A_53 = tpu.memref_slice %arg7[%run_scoped3A_20, %dma_wait3A_52] : memref<3x40xi32, #tpu.memory_space<vmem>> -> memref<1x40xi32, #tpu.memory_space<vmem>>
      %dma_wait3A_54 = tpu.memref_squeeze %dma_wait3A_53 : memref<1x40xi32, #tpu.memory_space<vmem>> -> memref<40xi32, #tpu.memory_space<vmem>>
      %dma_wait3A_55 = tpu.memref_slice %arg4[%add3A_19] : memref<320000xi32, #tpu.memory_space<hbm>> -> memref<40xi32, #tpu.memory_space<hbm>>
      tpu.wait_dma2 semaphore(%run_scoped3A_40 : memref<!tpu.dma_semaphore, #tpu.memory_space<semaphore_mem>>) src(%dma_wait3A_55 : memref<40xi32, #tpu.memory_space<hbm>>) dst(%dma_wait3A_54 : memref<40xi32, #tpu.memory_space<vmem>>)
      tpu.yield
    }) : () -> ()
    %dma_start3A_21 = arith.constant 1 : i32
    %dma_start3A_22 = arith.constant 0 : i32
    %dma_start3A_23 = tpu.memref_slice %arg7[%dma_start3A_21, %dma_start3A_22] : memref<3x40xi32, #tpu.memory_space<vmem>> -> memref<1x40xi32, #tpu.memory_space<vmem>>
    %dma_start3A_24 = tpu.memref_squeeze %dma_start3A_23 : memref<1x40xi32, #tpu.memory_space<vmem>> -> memref<40xi32, #tpu.memory_space<vmem>>
    %dma_start3A_25 = arith.constant 0 : i32
    %dma_start3A_26 = arith.constant 0 : i32
    %dma_start3A_27 = tpu.memref_slice %arg2[%dma_start3A_25, %dma_start3A_26] : memref<10000x384xf32, #tpu.memory_space<hbm>> -> memref<10000x384xf32, #tpu.memory_space<hbm>>
    tpu.enqueue_indirect_dma source(%dma_start3A_27 : memref<10000x384xf32, #tpu.memory_space<hbm>>) target(%arg9 : memref<40x384xf32, #tpu.memory_space<vmem>>) offsets(%dma_start3A_24 : memref<40xi32, #tpu.memory_space<vmem>>) semaphore(%arg15 : memref<!tpu.dma_semaphore, #tpu.memory_space<semaphore_mem>>)
    %dma_start3A_28 = arith.constant 1 : i32
    %dma_start3A_29 = arith.constant 0 : i32
    %dma_start3A_30 = tpu.memref_slice %arg7[%dma_start3A_28, %dma_start3A_29] : memref<3x40xi32, #tpu.memory_space<vmem>> -> memref<1x40xi32, #tpu.memory_space<vmem>>
    %dma_start3A_31 = tpu.memref_squeeze %dma_start3A_30 : memref<1x40xi32, #tpu.memory_space<vmem>> -> memref<40xi32, #tpu.memory_space<vmem>>
    %dma_start3A_32 = arith.constant 0 : i32
    %dma_start3A_33 = arith.constant 0 : i32
    %dma_start3A_34 = tpu.memref_slice %arg3[%dma_start3A_32, %dma_start3A_33] : memref<10000x384xf32, #tpu.memory_space<hbm>> -> memref<10000x384xf32, #tpu.memory_space<hbm>>
    tpu.enqueue_indirect_dma source(%dma_start3A_34 : memref<10000x384xf32, #tpu.memory_space<hbm>>) target(%arg12 : memref<40x384xf32, #tpu.memory_space<vmem>>) offsets(%dma_start3A_31 : memref<40xi32, #tpu.memory_space<vmem>>) semaphore(%arg18 : memref<!tpu.dma_semaphore, #tpu.memory_space<semaphore_mem>>)
    %scan3A = arith.constant 0 : i32
    %scan3A_35 = arith.constant 0 : i32
    %scan3A_36 = arith.constant 84 : i32
    %scan3A_37 = arith.addi %scan3A_35, %scan3A_36 : i32
    %scan3A_38 = arith.constant 1 : i32
    scf.for %scan3A_40 = %scan3A_35 to %scan3A_37 step %scan3A_38  : i32 {
      %mul3A_41 = arith.constant 3 : i32
      %mul3A_42 = arith.muli %scan3A_40, %mul3A_41 : i32
      %add3A_43 = arith.constant 0 : i32
      %add3A_44 = arith.addi %mul3A_42, %add3A_43 : i32
      %add3A_45 = arith.constant 3 : i32
      %add3A_46 = arith.addi %add3A_44, %add3A_45 : i32
      %sub3A = arith.constant 1 : i32
      %sub3A_47 = arith.subi %add3A_46, %sub3A : i32
      %lt3A = arith.constant 250 : i32
      %lt3A_48 = arith.cmpi slt, %sub3A_47, %lt3A : i32
      %convert_element_type3A = arith.extui %lt3A_48 : i1 to i32
      %cond3A = arith.constant 0 : i32
      %cond3A_49 = arith.cmpi ne, %convert_element_type3A, %cond3A : i32
      scf.if %cond3A_49 {
        %mul3A_91 = arith.constant 40 : i32
        %mul3A_92 = arith.muli %sub3A_47, %mul3A_91 : i32
        %add3A_93 = arith.addi %mul3A_2, %mul3A_92 : i32
        %run_scoped3A_94 = arith.constant 2 : i32
        "tpu.region"() ({
          %run_scoped3A_109 = tpu.sem_alloc : memref<!tpu.dma_semaphore, #tpu.memory_space<semaphore_mem>>
          %dma_start3A_110 = arith.constant 0 : i32
          %dma_start3A_111 = tpu.memref_slice %arg7[%run_scoped3A_94, %dma_start3A_110] : memref<3x40xi32, #tpu.memory_space<vmem>> -> memref<1x40xi32, #tpu.memory_space<vmem>>
          %dma_start3A_112 = tpu.memref_squeeze %dma_start3A_111 : memref<1x40xi32, #tpu.memory_space<vmem>> -> memref<40xi32, #tpu.memory_space<vmem>>
          %dma_start3A_113 = tpu.memref_slice %arg4[%add3A_93] : memref<320000xi32, #tpu.memory_space<hbm>> -> memref<40xi32, #tpu.memory_space<hbm>>
          %dma_start3A_114 = arith.constant 0 : i32
          %dma_start3A_115 = tpu.memref_slice %arg7[%run_scoped3A_94, %dma_start3A_114] : memref<3x40xi32, #tpu.memory_space<vmem>> -> memref<1x40xi32, #tpu.memory_space<vmem>>
          %dma_start3A_116 = tpu.memref_squeeze %dma_start3A_115 : memref<1x40xi32, #tpu.memory_space<vmem>> -> memref<40xi32, #tpu.memory_space<vmem>>
          %dma_start3A_117 = tpu.memref_slice %arg4[%add3A_93] : memref<320000xi32, #tpu.memory_space<hbm>> -> memref<40xi32, #tpu.memory_space<hbm>>
          tpu.enqueue_dma source(%dma_start3A_117 : memref<40xi32, #tpu.memory_space<hbm>>) target(%dma_start3A_116 : memref<40xi32, #tpu.memory_space<vmem>>) target_semaphore(%run_scoped3A_109 : memref<!tpu.dma_semaphore, #tpu.memory_space<semaphore_mem>>)
          %dma_wait3A = arith.constant 0 : i32
          %dma_wait3A_118 = tpu.memref_slice %arg7[%run_scoped3A_94, %dma_wait3A] : memref<3x40xi32, #tpu.memory_space<vmem>> -> memref<1x40xi32, #tpu.memory_space<vmem>>
          %dma_wait3A_119 = tpu.memref_squeeze %dma_wait3A_118 : memref<1x40xi32, #tpu.memory_space<vmem>> -> memref<40xi32, #tpu.memory_space<vmem>>
          %dma_wait3A_120 = tpu.memref_slice %arg4[%add3A_93] : memref<320000xi32, #tpu.memory_space<hbm>> -> memref<40xi32, #tpu.memory_space<hbm>>
          %dma_wait3A_121 = arith.constant 0 : i32
          %dma_wait3A_122 = tpu.memref_slice %arg7[%run_scoped3A_94, %dma_wait3A_121] : memref<3x40xi32, #tpu.memory_space<vmem>> -> memref<1x40xi32, #tpu.memory_space<vmem>>
          %dma_wait3A_123 = tpu.memref_squeeze %dma_wait3A_122 : memref<1x40xi32, #tpu.memory_space<vmem>> -> memref<40xi32, #tpu.memory_space<vmem>>
          %dma_wait3A_124 = tpu.memref_slice %arg4[%add3A_93] : memref<320000xi32, #tpu.memory_space<hbm>> -> memref<40xi32, #tpu.memory_space<hbm>>
          tpu.wait_dma2 semaphore(%run_scoped3A_109 : memref<!tpu.dma_semaphore, #tpu.memory_space<semaphore_mem>>) src(%dma_wait3A_124 : memref<40xi32, #tpu.memory_space<hbm>>) dst(%dma_wait3A_123 : memref<40xi32, #tpu.memory_space<vmem>>)
          tpu.yield
        }) : () -> ()
        %dma_start3A_95 = arith.constant 2 : i32
        %dma_start3A_96 = arith.constant 0 : i32
        %dma_start3A_97 = tpu.memref_slice %arg7[%dma_start3A_95, %dma_start3A_96] : memref<3x40xi32, #tpu.memory_space<vmem>> -> memref<1x40xi32, #tpu.memory_space<vmem>>
        %dma_start3A_98 = tpu.memref_squeeze %dma_start3A_97 : memref<1x40xi32, #tpu.memory_space<vmem>> -> memref<40xi32, #tpu.memory_space<vmem>>
        %dma_start3A_99 = arith.constant 0 : i32
        %dma_start3A_100 = arith.constant 0 : i32
        %dma_start3A_101 = tpu.memref_slice %arg2[%dma_start3A_99, %dma_start3A_100] : memref<10000x384xf32, #tpu.memory_space<hbm>> -> memref<10000x384xf32, #tpu.memory_space<hbm>>
        tpu.enqueue_indirect_dma source(%dma_start3A_101 : memref<10000x384xf32, #tpu.memory_space<hbm>>) target(%arg10 : memref<40x384xf32, #tpu.memory_space<vmem>>) offsets(%dma_start3A_98 : memref<40xi32, #tpu.memory_space<vmem>>) semaphore(%arg16 : memref<!tpu.dma_semaphore, #tpu.memory_space<semaphore_mem>>)
        %dma_start3A_102 = arith.constant 2 : i32
        %dma_start3A_103 = arith.constant 0 : i32
        %dma_start3A_104 = tpu.memref_slice %arg7[%dma_start3A_102, %dma_start3A_103] : memref<3x40xi32, #tpu.memory_space<vmem>> -> memref<1x40xi32, #tpu.memory_space<vmem>>
        %dma_start3A_105 = tpu.memref_squeeze %dma_start3A_104 : memref<1x40xi32, #tpu.memory_space<vmem>> -> memref<40xi32, #tpu.memory_space<vmem>>
        %dma_start3A_106 = arith.constant 0 : i32
        %dma_start3A_107 = arith.constant 0 : i32
        %dma_start3A_108 = tpu.memref_slice %arg3[%dma_start3A_106, %dma_start3A_107] : memref<10000x384xf32, #tpu.memory_space<hbm>> -> memref<10000x384xf32, #tpu.memory_space<hbm>>
        tpu.enqueue_indirect_dma source(%dma_start3A_108 : memref<10000x384xf32, #tpu.memory_space<hbm>>) target(%arg13 : memref<40x384xf32, #tpu.memory_space<vmem>>) offsets(%dma_start3A_105 : memref<40xi32, #tpu.memory_space<vmem>>) semaphore(%arg19 : memref<!tpu.dma_semaphore, #tpu.memory_space<semaphore_mem>>)
      } else {
      }
      %lt3A_50 = arith.constant 250 : i32
      %lt3A_51 = arith.cmpi slt, %add3A_44, %lt3A_50 : i32
      %convert_element_type3A_52 = arith.extui %lt3A_51 : i1 to i32
      %cond3A_53 = arith.constant 0 : i32
      %cond3A_54 = arith.cmpi ne, %convert_element_type3A_52, %cond3A_53 : i32
      scf.if %cond3A_54 {
        %dma_wait3A = arith.constant 0 : i32
        %dma_wait3A_91 = arith.constant 0 : i32
        %dma_wait3A_92 = tpu.memref_slice %arg7[%dma_wait3A, %dma_wait3A_91] : memref<3x40xi32, #tpu.memory_space<vmem>> -> memref<1x40xi32, #tpu.memory_space<vmem>>
        %dma_wait3A_93 = tpu.memref_squeeze %dma_wait3A_92 : memref<1x40xi32, #tpu.memory_space<vmem>> -> memref<40xi32, #tpu.memory_space<vmem>>
        %dma_wait3A_94 = arith.constant 0 : i32
        %dma_wait3A_95 = arith.constant 0 : i32
        %dma_wait3A_96 = tpu.memref_slice %arg2[%dma_wait3A_94, %dma_wait3A_95] : memref<10000x384xf32, #tpu.memory_space<hbm>> -> memref<10000x384xf32, #tpu.memory_space<hbm>>
        tpu.wait_indirect_dma semaphore(%arg14 : memref<!tpu.dma_semaphore, #tpu.memory_space<semaphore_mem>>) src(%dma_wait3A_96 : memref<10000x384xf32, #tpu.memory_space<hbm>>) dst(%arg8 : memref<40x384xf32, #tpu.memory_space<vmem>>)
        %dma_wait3A_97 = arith.constant 0 : i32
        %dma_wait3A_98 = arith.constant 0 : i32
        %dma_wait3A_99 = tpu.memref_slice %arg7[%dma_wait3A_97, %dma_wait3A_98] : memref<3x40xi32, #tpu.memory_space<vmem>> -> memref<1x40xi32, #tpu.memory_space<vmem>>
        %dma_wait3A_100 = tpu.memref_squeeze %dma_wait3A_99 : memref<1x40xi32, #tpu.memory_space<vmem>> -> memref<40xi32, #tpu.memory_space<vmem>>
        %dma_wait3A_101 = arith.constant 0 : i32
        %dma_wait3A_102 = arith.constant 0 : i32
        %dma_wait3A_103 = tpu.memref_slice %arg3[%dma_wait3A_101, %dma_wait3A_102] : memref<10000x384xf32, #tpu.memory_space<hbm>> -> memref<10000x384xf32, #tpu.memory_space<hbm>>
        tpu.wait_indirect_dma semaphore(%arg17 : memref<!tpu.dma_semaphore, #tpu.memory_space<semaphore_mem>>) src(%dma_wait3A_103 : memref<10000x384xf32, #tpu.memory_space<hbm>>) dst(%arg11 : memref<40x384xf32, #tpu.memory_space<vmem>>)
        %mul3A_104 = arith.constant 40 : i32
        %mul3A_105 = arith.muli %add3A_44, %mul3A_104 : i32
        %add3A_106 = arith.addi %mul3A_2, %mul3A_105 : i32
        "tpu.region"() ({
          %run_scoped3A_107 = tpu.sem_alloc : memref<!tpu.dma_semaphore, #tpu.memory_space<semaphore_mem>>
          %dma_start3A_108 = arith.constant 0 : i32
          %dma_start3A_109 = tpu.memref_slice %arg5[%add3A_106, %dma_start3A_108] : memref<320000x384xf32, #tpu.memory_space<hbm>> -> memref<40x384xf32, #tpu.memory_space<hbm>>
          %dma_start3A_110 = arith.constant 0 : i32
          %dma_start3A_111 = tpu.memref_slice %arg5[%add3A_106, %dma_start3A_110] : memref<320000x384xf32, #tpu.memory_space<hbm>> -> memref<40x384xf32, #tpu.memory_space<hbm>>
          tpu.enqueue_dma source(%arg8 : memref<40x384xf32, #tpu.memory_space<vmem>>) target(%dma_start3A_111 : memref<40x384xf32, #tpu.memory_space<hbm>>) target_semaphore(%run_scoped3A_107 : memref<!tpu.dma_semaphore, #tpu.memory_space<semaphore_mem>>)
          %dma_wait3A_112 = arith.constant 0 : i32
          %dma_wait3A_113 = tpu.memref_slice %arg5[%add3A_106, %dma_wait3A_112] : memref<320000x384xf32, #tpu.memory_space<hbm>> -> memref<40x384xf32, #tpu.memory_space<hbm>>
          %dma_wait3A_114 = arith.constant 0 : i32
          %dma_wait3A_115 = tpu.memref_slice %arg5[%add3A_106, %dma_wait3A_114] : memref<320000x384xf32, #tpu.memory_space<hbm>> -> memref<40x384xf32, #tpu.memory_space<hbm>>
          tpu.wait_dma2 semaphore(%run_scoped3A_107 : memref<!tpu.dma_semaphore, #tpu.memory_space<semaphore_mem>>) src(%arg8 : memref<40x384xf32, #tpu.memory_space<vmem>>) dst(%dma_wait3A_115 : memref<40x384xf32, #tpu.memory_space<hbm>>)
          tpu.yield
        }) : () -> ()
        "tpu.region"() ({
          %run_scoped3A_107 = tpu.sem_alloc : memref<!tpu.dma_semaphore, #tpu.memory_space<semaphore_mem>>
          %dma_start3A_108 = arith.constant 0 : i32
          %dma_start3A_109 = tpu.memref_slice %arg6[%add3A_106, %dma_start3A_108] : memref<320000x384xf32, #tpu.memory_space<hbm>> -> memref<40x384xf32, #tpu.memory_space<hbm>>
          %dma_start3A_110 = arith.constant 0 : i32
          %dma_start3A_111 = tpu.memref_slice %arg6[%add3A_106, %dma_start3A_110] : memref<320000x384xf32, #tpu.memory_space<hbm>> -> memref<40x384xf32, #tpu.memory_space<hbm>>
          tpu.enqueue_dma source(%arg11 : memref<40x384xf32, #tpu.memory_space<vmem>>) target(%dma_start3A_111 : memref<40x384xf32, #tpu.memory_space<hbm>>) target_semaphore(%run_scoped3A_107 : memref<!tpu.dma_semaphore, #tpu.memory_space<semaphore_mem>>)
          %dma_wait3A_112 = arith.constant 0 : i32
          %dma_wait3A_113 = tpu.memref_slice %arg6[%add3A_106, %dma_wait3A_112] : memref<320000x384xf32, #tpu.memory_space<hbm>> -> memref<40x384xf32, #tpu.memory_space<hbm>>
          %dma_wait3A_114 = arith.constant 0 : i32
          %dma_wait3A_115 = tpu.memref_slice %arg6[%add3A_106, %dma_wait3A_114] : memref<320000x384xf32, #tpu.memory_space<hbm>> -> memref<40x384xf32, #tpu.memory_space<hbm>>
          tpu.wait_dma2 semaphore(%run_scoped3A_107 : memref<!tpu.dma_semaphore, #tpu.memory_space<semaphore_mem>>) src(%arg11 : memref<40x384xf32, #tpu.memory_space<vmem>>) dst(%dma_wait3A_115 : memref<40x384xf32, #tpu.memory_space<hbm>>)
          tpu.yield
        }) : () -> ()
      } else {
      }
      %mul3A_55 = arith.constant 3 : i32
      %mul3A_56 = arith.muli %scan3A_40, %mul3A_55 : i32
      %add3A_57 = arith.constant 1 : i32
      %add3A_58 = arith.addi %mul3A_56, %add3A_57 : i32
      %add3A_59 = arith.constant 3 : i32
      %add3A_60 = arith.addi %add3A_58, %add3A_59 : i32
      %sub3A_61 = arith.constant 1 : i32
      %sub3A_62 = arith.subi %add3A_60, %sub3A_61 : i32
      %lt3A_63 = arith.constant 250 : i32
      %lt3A_64 = arith.cmpi slt, %sub3A_62, %lt3A_63 : i32
      %convert_element_type3A_65 = arith.extui %lt3A_64 : i1 to i32
      %cond3A_66 = arith.constant 0 : i32
      %cond3A_67 = arith.cmpi ne, %convert_element_type3A_65, %cond3A_66 : i32
      scf.if %cond3A_67 {
        %mul3A_91 = arith.constant 40 : i32
        %mul3A_92 = arith.muli %sub3A_62, %mul3A_91 : i32
        %add3A_93 = arith.addi %mul3A_2, %mul3A_92 : i32
        %run_scoped3A_94 = arith.constant 0 : i32
        "tpu.region"() ({
          %run_scoped3A_109 = tpu.sem_alloc : memref<!tpu.dma_semaphore, #tpu.memory_space<semaphore_mem>>
          %dma_start3A_110 = arith.constant 0 : i32
          %dma_start3A_111 = tpu.memref_slice %arg7[%run_scoped3A_94, %dma_start3A_110] : memref<3x40xi32, #tpu.memory_space<vmem>> -> memref<1x40xi32, #tpu.memory_space<vmem>>
          %dma_start3A_112 = tpu.memref_squeeze %dma_start3A_111 : memref<1x40xi32, #tpu.memory_space<vmem>> -> memref<40xi32, #tpu.memory_space<vmem>>
          %dma_start3A_113 = tpu.memref_slice %arg4[%add3A_93] : memref<320000xi32, #tpu.memory_space<hbm>> -> memref<40xi32, #tpu.memory_space<hbm>>
          %dma_start3A_114 = arith.constant 0 : i32
          %dma_start3A_115 = tpu.memref_slice %arg7[%run_scoped3A_94, %dma_start3A_114] : memref<3x40xi32, #tpu.memory_space<vmem>> -> memref<1x40xi32, #tpu.memory_space<vmem>>
          %dma_start3A_116 = tpu.memref_squeeze %dma_start3A_115 : memref<1x40xi32, #tpu.memory_space<vmem>> -> memref<40xi32, #tpu.memory_space<vmem>>
          %dma_start3A_117 = tpu.memref_slice %arg4[%add3A_93] : memref<320000xi32, #tpu.memory_space<hbm>> -> memref<40xi32, #tpu.memory_space<hbm>>
          tpu.enqueue_dma source(%dma_start3A_117 : memref<40xi32, #tpu.memory_space<hbm>>) target(%dma_start3A_116 : memref<40xi32, #tpu.memory_space<vmem>>) target_semaphore(%run_scoped3A_109 : memref<!tpu.dma_semaphore, #tpu.memory_space<semaphore_mem>>)
          %dma_wait3A = arith.constant 0 : i32
          %dma_wait3A_118 = tpu.memref_slice %arg7[%run_scoped3A_94, %dma_wait3A] : memref<3x40xi32, #tpu.memory_space<vmem>> -> memref<1x40xi32, #tpu.memory_space<vmem>>
          %dma_wait3A_119 = tpu.memref_squeeze %dma_wait3A_118 : memref<1x40xi32, #tpu.memory_space<vmem>> -> memref<40xi32, #tpu.memory_space<vmem>>
          %dma_wait3A_120 = tpu.memref_slice %arg4[%add3A_93] : memref<320000xi32, #tpu.memory_space<hbm>> -> memref<40xi32, #tpu.memory_space<hbm>>
          %dma_wait3A_121 = arith.constant 0 : i32
          %dma_wait3A_122 = tpu.memref_slice %arg7[%run_scoped3A_94, %dma_wait3A_121] : memref<3x40xi32, #tpu.memory_space<vmem>> -> memref<1x40xi32, #tpu.memory_space<vmem>>
          %dma_wait3A_123 = tpu.memref_squeeze %dma_wait3A_122 : memref<1x40xi32, #tpu.memory_space<vmem>> -> memref<40xi32, #tpu.memory_space<vmem>>
          %dma_wait3A_124 = tpu.memref_slice %arg4[%add3A_93] : memref<320000xi32, #tpu.memory_space<hbm>> -> memref<40xi32, #tpu.memory_space<hbm>>
          tpu.wait_dma2 semaphore(%run_scoped3A_109 : memref<!tpu.dma_semaphore, #tpu.memory_space<semaphore_mem>>) src(%dma_wait3A_124 : memref<40xi32, #tpu.memory_space<hbm>>) dst(%dma_wait3A_123 : memref<40xi32, #tpu.memory_space<vmem>>)
          tpu.yield
        }) : () -> ()
        %dma_start3A_95 = arith.constant 0 : i32
        %dma_start3A_96 = arith.constant 0 : i32
        %dma_start3A_97 = tpu.memref_slice %arg7[%dma_start3A_95, %dma_start3A_96] : memref<3x40xi32, #tpu.memory_space<vmem>> -> memref<1x40xi32, #tpu.memory_space<vmem>>
        %dma_start3A_98 = tpu.memref_squeeze %dma_start3A_97 : memref<1x40xi32, #tpu.memory_space<vmem>> -> memref<40xi32, #tpu.memory_space<vmem>>
        %dma_start3A_99 = arith.constant 0 : i32
        %dma_start3A_100 = arith.constant 0 : i32
        %dma_start3A_101 = tpu.memref_slice %arg2[%dma_start3A_99, %dma_start3A_100] : memref<10000x384xf32, #tpu.memory_space<hbm>> -> memref<10000x384xf32, #tpu.memory_space<hbm>>
        tpu.enqueue_indirect_dma source(%dma_start3A_101 : memref<10000x384xf32, #tpu.memory_space<hbm>>) target(%arg8 : memref<40x384xf32, #tpu.memory_space<vmem>>) offsets(%dma_start3A_98 : memref<40xi32, #tpu.memory_space<vmem>>) semaphore(%arg14 : memref<!tpu.dma_semaphore, #tpu.memory_space<semaphore_mem>>)
        %dma_start3A_102 = arith.constant 0 : i32
        %dma_start3A_103 = arith.constant 0 : i32
        %dma_start3A_104 = tpu.memref_slice %arg7[%dma_start3A_102, %dma_start3A_103] : memref<3x40xi32, #tpu.memory_space<vmem>> -> memref<1x40xi32, #tpu.memory_space<vmem>>
        %dma_start3A_105 = tpu.memref_squeeze %dma_start3A_104 : memref<1x40xi32, #tpu.memory_space<vmem>> -> memref<40xi32, #tpu.memory_space<vmem>>
        %dma_start3A_106 = arith.constant 0 : i32
        %dma_start3A_107 = arith.constant 0 : i32
        %dma_start3A_108 = tpu.memref_slice %arg3[%dma_start3A_106, %dma_start3A_107] : memref<10000x384xf32, #tpu.memory_space<hbm>> -> memref<10000x384xf32, #tpu.memory_space<hbm>>
        tpu.enqueue_indirect_dma source(%dma_start3A_108 : memref<10000x384xf32, #tpu.memory_space<hbm>>) target(%arg11 : memref<40x384xf32, #tpu.memory_space<vmem>>) offsets(%dma_start3A_105 : memref<40xi32, #tpu.memory_space<vmem>>) semaphore(%arg17 : memref<!tpu.dma_semaphore, #tpu.memory_space<semaphore_mem>>)
      } else {
      }
      %lt3A_68 = arith.constant 250 : i32
      %lt3A_69 = arith.cmpi slt, %add3A_58, %lt3A_68 : i32
      %convert_element_type3A_70 = arith.extui %lt3A_69 : i1 to i32
      %cond3A_71 = arith.constant 0 : i32
      %cond3A_72 = arith.cmpi ne, %convert_element_type3A_70, %cond3A_71 : i32
      scf.if %cond3A_72 {
        %dma_wait3A = arith.constant 1 : i32
        %dma_wait3A_91 = arith.constant 0 : i32
        %dma_wait3A_92 = tpu.memref_slice %arg7[%dma_wait3A, %dma_wait3A_91] : memref<3x40xi32, #tpu.memory_space<vmem>> -> memref<1x40xi32, #tpu.memory_space<vmem>>
        %dma_wait3A_93 = tpu.memref_squeeze %dma_wait3A_92 : memref<1x40xi32, #tpu.memory_space<vmem>> -> memref<40xi32, #tpu.memory_space<vmem>>
        %dma_wait3A_94 = arith.constant 0 : i32
        %dma_wait3A_95 = arith.constant 0 : i32
        %dma_wait3A_96 = tpu.memref_slice %arg2[%dma_wait3A_94, %dma_wait3A_95] : memref<10000x384xf32, #tpu.memory_space<hbm>> -> memref<10000x384xf32, #tpu.memory_space<hbm>>
        tpu.wait_indirect_dma semaphore(%arg15 : memref<!tpu.dma_semaphore, #tpu.memory_space<semaphore_mem>>) src(%dma_wait3A_96 : memref<10000x384xf32, #tpu.memory_space<hbm>>) dst(%arg9 : memref<40x384xf32, #tpu.memory_space<vmem>>)
        %dma_wait3A_97 = arith.constant 1 : i32
        %dma_wait3A_98 = arith.constant 0 : i32
        %dma_wait3A_99 = tpu.memref_slice %arg7[%dma_wait3A_97, %dma_wait3A_98] : memref<3x40xi32, #tpu.memory_space<vmem>> -> memref<1x40xi32, #tpu.memory_space<vmem>>
        %dma_wait3A_100 = tpu.memref_squeeze %dma_wait3A_99 : memref<1x40xi32, #tpu.memory_space<vmem>> -> memref<40xi32, #tpu.memory_space<vmem>>
        %dma_wait3A_101 = arith.constant 0 : i32
        %dma_wait3A_102 = arith.constant 0 : i32
        %dma_wait3A_103 = tpu.memref_slice %arg3[%dma_wait3A_101, %dma_wait3A_102] : memref<10000x384xf32, #tpu.memory_space<hbm>> -> memref<10000x384xf32, #tpu.memory_space<hbm>>
        tpu.wait_indirect_dma semaphore(%arg18 : memref<!tpu.dma_semaphore, #tpu.memory_space<semaphore_mem>>) src(%dma_wait3A_103 : memref<10000x384xf32, #tpu.memory_space<hbm>>) dst(%arg12 : memref<40x384xf32, #tpu.memory_space<vmem>>)
        %mul3A_104 = arith.constant 40 : i32
        %mul3A_105 = arith.muli %add3A_58, %mul3A_104 : i32
        %add3A_106 = arith.addi %mul3A_2, %mul3A_105 : i32
        "tpu.region"() ({
          %run_scoped3A_107 = tpu.sem_alloc : memref<!tpu.dma_semaphore, #tpu.memory_space<semaphore_mem>>
          %dma_start3A_108 = arith.constant 0 : i32
          %dma_start3A_109 = tpu.memref_slice %arg5[%add3A_106, %dma_start3A_108] : memref<320000x384xf32, #tpu.memory_space<hbm>> -> memref<40x384xf32, #tpu.memory_space<hbm>>
          %dma_start3A_110 = arith.constant 0 : i32
          %dma_start3A_111 = tpu.memref_slice %arg5[%add3A_106, %dma_start3A_110] : memref<320000x384xf32, #tpu.memory_space<hbm>> -> memref<40x384xf32, #tpu.memory_space<hbm>>
          tpu.enqueue_dma source(%arg9 : memref<40x384xf32, #tpu.memory_space<vmem>>) target(%dma_start3A_111 : memref<40x384xf32, #tpu.memory_space<hbm>>) target_semaphore(%run_scoped3A_107 : memref<!tpu.dma_semaphore, #tpu.memory_space<semaphore_mem>>)
          %dma_wait3A_112 = arith.constant 0 : i32
          %dma_wait3A_113 = tpu.memref_slice %arg5[%add3A_106, %dma_wait3A_112] : memref<320000x384xf32, #tpu.memory_space<hbm>> -> memref<40x384xf32, #tpu.memory_space<hbm>>
          %dma_wait3A_114 = arith.constant 0 : i32
          %dma_wait3A_115 = tpu.memref_slice %arg5[%add3A_106, %dma_wait3A_114] : memref<320000x384xf32, #tpu.memory_space<hbm>> -> memref<40x384xf32, #tpu.memory_space<hbm>>
          tpu.wait_dma2 semaphore(%run_scoped3A_107 : memref<!tpu.dma_semaphore, #tpu.memory_space<semaphore_mem>>) src(%arg9 : memref<40x384xf32, #tpu.memory_space<vmem>>) dst(%dma_wait3A_115 : memref<40x384xf32, #tpu.memory_space<hbm>>)
          tpu.yield
        }) : () -> ()
        "tpu.region"() ({
          %run_scoped3A_107 = tpu.sem_alloc : memref<!tpu.dma_semaphore, #tpu.memory_space<semaphore_mem>>
          %dma_start3A_108 = arith.constant 0 : i32
          %dma_start3A_109 = tpu.memref_slice %arg6[%add3A_106, %dma_start3A_108] : memref<320000x384xf32, #tpu.memory_space<hbm>> -> memref<40x384xf32, #tpu.memory_space<hbm>>
          %dma_start3A_110 = arith.constant 0 : i32
          %dma_start3A_111 = tpu.memref_slice %arg6[%add3A_106, %dma_start3A_110] : memref<320000x384xf32, #tpu.memory_space<hbm>> -> memref<40x384xf32, #tpu.memory_space<hbm>>
          tpu.enqueue_dma source(%arg12 : memref<40x384xf32, #tpu.memory_space<vmem>>) target(%dma_start3A_111 : memref<40x384xf32, #tpu.memory_space<hbm>>) target_semaphore(%run_scoped3A_107 : memref<!tpu.dma_semaphore, #tpu.memory_space<semaphore_mem>>)
          %dma_wait3A_112 = arith.constant 0 : i32
          %dma_wait3A_113 = tpu.memref_slice %arg6[%add3A_106, %dma_wait3A_112] : memref<320000x384xf32, #tpu.memory_space<hbm>> -> memref<40x384xf32, #tpu.memory_space<hbm>>
          %dma_wait3A_114 = arith.constant 0 : i32
          %dma_wait3A_115 = tpu.memref_slice %arg6[%add3A_106, %dma_wait3A_114] : memref<320000x384xf32, #tpu.memory_space<hbm>> -> memref<40x384xf32, #tpu.memory_space<hbm>>
          tpu.wait_dma2 semaphore(%run_scoped3A_107 : memref<!tpu.dma_semaphore, #tpu.memory_space<semaphore_mem>>) src(%arg12 : memref<40x384xf32, #tpu.memory_space<vmem>>) dst(%dma_wait3A_115 : memref<40x384xf32, #tpu.memory_space<hbm>>)
          tpu.yield
        }) : () -> ()
      } else {
      }
      %mul3A_73 = arith.constant 3 : i32
      %mul3A_74 = arith.muli %scan3A_40, %mul3A_73 : i32
      %add3A_75 = arith.constant 2 : i32
      %add3A_76 = arith.addi %mul3A_74, %add3A_75 : i32
      %add3A_77 = arith.constant 3 : i32
      %add3A_78 = arith.addi %add3A_76, %add3A_77 : i32
      %sub3A_79 = arith.constant 1 : i32
      %sub3A_80 = arith.subi %add3A_78, %sub3A_79 : i32
      %lt3A_81 = arith.constant 250 : i32
      %lt3A_82 = arith.cmpi slt, %sub3A_80, %lt3A_81 : i32
      %convert_element_type3A_83 = arith.extui %lt3A_82 : i1 to i32
      %cond3A_84 = arith.constant 0 : i32
      %cond3A_85 = arith.cmpi ne, %convert_element_type3A_83, %cond3A_84 : i32
      scf.if %cond3A_85 {
        %mul3A_91 = arith.constant 40 : i32
        %mul3A_92 = arith.muli %sub3A_80, %mul3A_91 : i32
        %add3A_93 = arith.addi %mul3A_2, %mul3A_92 : i32
        %run_scoped3A_94 = arith.constant 1 : i32
        "tpu.region"() ({
          %run_scoped3A_109 = tpu.sem_alloc : memref<!tpu.dma_semaphore, #tpu.memory_space<semaphore_mem>>
          %dma_start3A_110 = arith.constant 0 : i32
          %dma_start3A_111 = tpu.memref_slice %arg7[%run_scoped3A_94, %dma_start3A_110] : memref<3x40xi32, #tpu.memory_space<vmem>> -> memref<1x40xi32, #tpu.memory_space<vmem>>
          %dma_start3A_112 = tpu.memref_squeeze %dma_start3A_111 : memref<1x40xi32, #tpu.memory_space<vmem>> -> memref<40xi32, #tpu.memory_space<vmem>>
          %dma_start3A_113 = tpu.memref_slice %arg4[%add3A_93] : memref<320000xi32, #tpu.memory_space<hbm>> -> memref<40xi32, #tpu.memory_space<hbm>>
          %dma_start3A_114 = arith.constant 0 : i32
          %dma_start3A_115 = tpu.memref_slice %arg7[%run_scoped3A_94, %dma_start3A_114] : memref<3x40xi32, #tpu.memory_space<vmem>> -> memref<1x40xi32, #tpu.memory_space<vmem>>
          %dma_start3A_116 = tpu.memref_squeeze %dma_start3A_115 : memref<1x40xi32, #tpu.memory_space<vmem>> -> memref<40xi32, #tpu.memory_space<vmem>>
          %dma_start3A_117 = tpu.memref_slice %arg4[%add3A_93] : memref<320000xi32, #tpu.memory_space<hbm>> -> memref<40xi32, #tpu.memory_space<hbm>>
          tpu.enqueue_dma source(%dma_start3A_117 : memref<40xi32, #tpu.memory_space<hbm>>) target(%dma_start3A_116 : memref<40xi32, #tpu.memory_space<vmem>>) target_semaphore(%run_scoped3A_109 : memref<!tpu.dma_semaphore, #tpu.memory_space<semaphore_mem>>)
          %dma_wait3A = arith.constant 0 : i32
          %dma_wait3A_118 = tpu.memref_slice %arg7[%run_scoped3A_94, %dma_wait3A] : memref<3x40xi32, #tpu.memory_space<vmem>> -> memref<1x40xi32, #tpu.memory_space<vmem>>
          %dma_wait3A_119 = tpu.memref_squeeze %dma_wait3A_118 : memref<1x40xi32, #tpu.memory_space<vmem>> -> memref<40xi32, #tpu.memory_space<vmem>>
          %dma_wait3A_120 = tpu.memref_slice %arg4[%add3A_93] : memref<320000xi32, #tpu.memory_space<hbm>> -> memref<40xi32, #tpu.memory_space<hbm>>
          %dma_wait3A_121 = arith.constant 0 : i32
          %dma_wait3A_122 = tpu.memref_slice %arg7[%run_scoped3A_94, %dma_wait3A_121] : memref<3x40xi32, #tpu.memory_space<vmem>> -> memref<1x40xi32, #tpu.memory_space<vmem>>
          %dma_wait3A_123 = tpu.memref_squeeze %dma_wait3A_122 : memref<1x40xi32, #tpu.memory_space<vmem>> -> memref<40xi32, #tpu.memory_space<vmem>>
          %dma_wait3A_124 = tpu.memref_slice %arg4[%add3A_93] : memref<320000xi32, #tpu.memory_space<hbm>> -> memref<40xi32, #tpu.memory_space<hbm>>
          tpu.wait_dma2 semaphore(%run_scoped3A_109 : memref<!tpu.dma_semaphore, #tpu.memory_space<semaphore_mem>>) src(%dma_wait3A_124 : memref<40xi32, #tpu.memory_space<hbm>>) dst(%dma_wait3A_123 : memref<40xi32, #tpu.memory_space<vmem>>)
          tpu.yield
        }) : () -> ()
        %dma_start3A_95 = arith.constant 1 : i32
        %dma_start3A_96 = arith.constant 0 : i32
        %dma_start3A_97 = tpu.memref_slice %arg7[%dma_start3A_95, %dma_start3A_96] : memref<3x40xi32, #tpu.memory_space<vmem>> -> memref<1x40xi32, #tpu.memory_space<vmem>>
        %dma_start3A_98 = tpu.memref_squeeze %dma_start3A_97 : memref<1x40xi32, #tpu.memory_space<vmem>> -> memref<40xi32, #tpu.memory_space<vmem>>
        %dma_start3A_99 = arith.constant 0 : i32
        %dma_start3A_100 = arith.constant 0 : i32
        %dma_start3A_101 = tpu.memref_slice %arg2[%dma_start3A_99, %dma_start3A_100] : memref<10000x384xf32, #tpu.memory_space<hbm>> -> memref<10000x384xf32, #tpu.memory_space<hbm>>
        tpu.enqueue_indirect_dma source(%dma_start3A_101 : memref<10000x384xf32, #tpu.memory_space<hbm>>) target(%arg9 : memref<40x384xf32, #tpu.memory_space<vmem>>) offsets(%dma_start3A_98 : memref<40xi32, #tpu.memory_space<vmem>>) semaphore(%arg15 : memref<!tpu.dma_semaphore, #tpu.memory_space<semaphore_mem>>)
        %dma_start3A_102 = arith.constant 1 : i32
        %dma_start3A_103 = arith.constant 0 : i32
        %dma_start3A_104 = tpu.memref_slice %arg7[%dma_start3A_102, %dma_start3A_103] : memref<3x40xi32, #tpu.memory_space<vmem>> -> memref<1x40xi32, #tpu.memory_space<vmem>>
        %dma_start3A_105 = tpu.memref_squeeze %dma_start3A_104 : memref<1x40xi32, #tpu.memory_space<vmem>> -> memref<40xi32, #tpu.memory_space<vmem>>
        %dma_start3A_106 = arith.constant 0 : i32
        %dma_start3A_107 = arith.constant 0 : i32
        %dma_start3A_108 = tpu.memref_slice %arg3[%dma_start3A_106, %dma_start3A_107] : memref<10000x384xf32, #tpu.memory_space<hbm>> -> memref<10000x384xf32, #tpu.memory_space<hbm>>
        tpu.enqueue_indirect_dma source(%dma_start3A_108 : memref<10000x384xf32, #tpu.memory_space<hbm>>) target(%arg12 : memref<40x384xf32, #tpu.memory_space<vmem>>) offsets(%dma_start3A_105 : memref<40xi32, #tpu.memory_space<vmem>>) semaphore(%arg18 : memref<!tpu.dma_semaphore, #tpu.memory_space<semaphore_mem>>)
      } else {
      }
      %lt3A_86 = arith.constant 250 : i32
      %lt3A_87 = arith.cmpi slt, %add3A_76, %lt3A_86 : i32
      %convert_element_type3A_88 = arith.extui %lt3A_87 : i1 to i32
      %cond3A_89 = arith.constant 0 : i32
      %cond3A_90 = arith.cmpi ne, %convert_element_type3A_88, %cond3A_89 : i32
      scf.if %cond3A_90 {
        %dma_wait3A = arith.constant 2 : i32
        %dma_wait3A_91 = arith.constant 0 : i32
        %dma_wait3A_92 = tpu.memref_slice %arg7[%dma_wait3A, %dma_wait3A_91] : memref<3x40xi32, #tpu.memory_space<vmem>> -> memref<1x40xi32, #tpu.memory_space<vmem>>
        %dma_wait3A_93 = tpu.memref_squeeze %dma_wait3A_92 : memref<1x40xi32, #tpu.memory_space<vmem>> -> memref<40xi32, #tpu.memory_space<vmem>>
        %dma_wait3A_94 = arith.constant 0 : i32
        %dma_wait3A_95 = arith.constant 0 : i32
        %dma_wait3A_96 = tpu.memref_slice %arg2[%dma_wait3A_94, %dma_wait3A_95] : memref<10000x384xf32, #tpu.memory_space<hbm>> -> memref<10000x384xf32, #tpu.memory_space<hbm>>
        tpu.wait_indirect_dma semaphore(%arg16 : memref<!tpu.dma_semaphore, #tpu.memory_space<semaphore_mem>>) src(%dma_wait3A_96 : memref<10000x384xf32, #tpu.memory_space<hbm>>) dst(%arg10 : memref<40x384xf32, #tpu.memory_space<vmem>>)
        %dma_wait3A_97 = arith.constant 2 : i32
        %dma_wait3A_98 = arith.constant 0 : i32
        %dma_wait3A_99 = tpu.memref_slice %arg7[%dma_wait3A_97, %dma_wait3A_98] : memref<3x40xi32, #tpu.memory_space<vmem>> -> memref<1x40xi32, #tpu.memory_space<vmem>>
        %dma_wait3A_100 = tpu.memref_squeeze %dma_wait3A_99 : memref<1x40xi32, #tpu.memory_space<vmem>> -> memref<40xi32, #tpu.memory_space<vmem>>
        %dma_wait3A_101 = arith.constant 0 : i32
        %dma_wait3A_102 = arith.constant 0 : i32
        %dma_wait3A_103 = tpu.memref_slice %arg3[%dma_wait3A_101, %dma_wait3A_102] : memref<10000x384xf32, #tpu.memory_space<hbm>> -> memref<10000x384xf32, #tpu.memory_space<hbm>>
        tpu.wait_indirect_dma semaphore(%arg19 : memref<!tpu.dma_semaphore, #tpu.memory_space<semaphore_mem>>) src(%dma_wait3A_103 : memref<10000x384xf32, #tpu.memory_space<hbm>>) dst(%arg13 : memref<40x384xf32, #tpu.memory_space<vmem>>)
        %mul3A_104 = arith.constant 40 : i32
        %mul3A_105 = arith.muli %add3A_76, %mul3A_104 : i32
        %add3A_106 = arith.addi %mul3A_2, %mul3A_105 : i32
        "tpu.region"() ({
          %run_scoped3A_107 = tpu.sem_alloc : memref<!tpu.dma_semaphore, #tpu.memory_space<semaphore_mem>>
          %dma_start3A_108 = arith.constant 0 : i32
          %dma_start3A_109 = tpu.memref_slice %arg5[%add3A_106, %dma_start3A_108] : memref<320000x384xf32, #tpu.memory_space<hbm>> -> memref<40x384xf32, #tpu.memory_space<hbm>>
          %dma_start3A_110 = arith.constant 0 : i32
          %dma_start3A_111 = tpu.memref_slice %arg5[%add3A_106, %dma_start3A_110] : memref<320000x384xf32, #tpu.memory_space<hbm>> -> memref<40x384xf32, #tpu.memory_space<hbm>>
          tpu.enqueue_dma source(%arg10 : memref<40x384xf32, #tpu.memory_space<vmem>>) target(%dma_start3A_111 : memref<40x384xf32, #tpu.memory_space<hbm>>) target_semaphore(%run_scoped3A_107 : memref<!tpu.dma_semaphore, #tpu.memory_space<semaphore_mem>>)
          %dma_wait3A_112 = arith.constant 0 : i32
          %dma_wait3A_113 = tpu.memref_slice %arg5[%add3A_106, %dma_wait3A_112] : memref<320000x384xf32, #tpu.memory_space<hbm>> -> memref<40x384xf32, #tpu.memory_space<hbm>>
          %dma_wait3A_114 = arith.constant 0 : i32
          %dma_wait3A_115 = tpu.memref_slice %arg5[%add3A_106, %dma_wait3A_114] : memref<320000x384xf32, #tpu.memory_space<hbm>> -> memref<40x384xf32, #tpu.memory_space<hbm>>
          tpu.wait_dma2 semaphore(%run_scoped3A_107 : memref<!tpu.dma_semaphore, #tpu.memory_space<semaphore_mem>>) src(%arg10 : memref<40x384xf32, #tpu.memory_space<vmem>>) dst(%dma_wait3A_115 : memref<40x384xf32, #tpu.memory_space<hbm>>)
          tpu.yield
        }) : () -> ()
        "tpu.region"() ({
          %run_scoped3A_107 = tpu.sem_alloc : memref<!tpu.dma_semaphore, #tpu.memory_space<semaphore_mem>>
          %dma_start3A_108 = arith.constant 0 : i32
          %dma_start3A_109 = tpu.memref_slice %arg6[%add3A_106, %dma_start3A_108] : memref<320000x384xf32, #tpu.memory_space<hbm>> -> memref<40x384xf32, #tpu.memory_space<hbm>>
          %dma_start3A_110 = arith.constant 0 : i32
          %dma_start3A_111 = tpu.memref_slice %arg6[%add3A_106, %dma_start3A_110] : memref<320000x384xf32, #tpu.memory_space<hbm>> -> memref<40x384xf32, #tpu.memory_space<hbm>>
          tpu.enqueue_dma source(%arg13 : memref<40x384xf32, #tpu.memory_space<vmem>>) target(%dma_start3A_111 : memref<40x384xf32, #tpu.memory_space<hbm>>) target_semaphore(%run_scoped3A_107 : memref<!tpu.dma_semaphore, #tpu.memory_space<semaphore_mem>>)
          %dma_wait3A_112 = arith.constant 0 : i32
          %dma_wait3A_113 = tpu.memref_slice %arg6[%add3A_106, %dma_wait3A_112] : memref<320000x384xf32, #tpu.memory_space<hbm>> -> memref<40x384xf32, #tpu.memory_space<hbm>>
          %dma_wait3A_114 = arith.constant 0 : i32
          %dma_wait3A_115 = tpu.memref_slice %arg6[%add3A_106, %dma_wait3A_114] : memref<320000x384xf32, #tpu.memory_space<hbm>> -> memref<40x384xf32, #tpu.memory_space<hbm>>
          tpu.wait_dma2 semaphore(%run_scoped3A_107 : memref<!tpu.dma_semaphore, #tpu.memory_space<semaphore_mem>>) src(%arg13 : memref<40x384xf32, #tpu.memory_space<vmem>>) dst(%dma_wait3A_115 : memref<40x384xf32, #tpu.memory_space<hbm>>)
          tpu.yield
        }) : () -> ()
      } else {
      }
    }
    %scan3A_39 = arith.constant 84 : i32
    return
  }
}

module attributes {stable_mosaic.version = 14 : i64} {
  func.func @_mlp_body(%arg0: i32, %arg1: memref<400x128xf32, #tpu.memory_space<vmem>>, %arg2: memref<128x128xf32, #tpu.memory_space<vmem>>, %arg3: memref<1x128xf32, #tpu.memory_space<vmem>>, %arg4: memref<128x384xf32, #tpu.memory_space<vmem>>, %arg5: memref<1x384xf32, #tpu.memory_space<vmem>>, %arg6: memref<400x384xf32, #tpu.memory_space<vmem>>) attributes {dimension_semantics = [#tpu.dimension_semantics<arbitrary>], iteration_bounds = array<i64: 25>, scalar_prefetch = 0 : i64, scratch_operands = 0 : i64, tpu.core_type = #tpu.core_type<tc>, window_params = [{transform_indices = @transform_0, window_bounds = array<i64: 400, 128>}, {pipeline_mode = #tpu.pipeline_mode<synchronous>, transform_indices = @transform_1, window_bounds = array<i64: 128, 128>}, {pipeline_mode = #tpu.pipeline_mode<synchronous>, transform_indices = @transform_2, window_bounds = array<i64: 1, 128>}, {pipeline_mode = #tpu.pipeline_mode<synchronous>, transform_indices = @transform_3, window_bounds = array<i64: 128, 384>}, {pipeline_mode = #tpu.pipeline_mode<synchronous>, transform_indices = @transform_4, window_bounds = array<i64: 1, 384>}, {transform_indices = @transform_5, window_bounds = array<i64: 400, 384>}]} {
    %get3A = arith.constant 0 : index
    %get3A_0 = arith.constant 0 : index
    %get3A_1 = vector.load %arg1[%get3A, %get3A_0] : memref<400x128xf32, #tpu.memory_space<vmem>>, vector<400x128xf32>
    %get3A_2 = arith.constant 0 : index
    %get3A_3 = arith.constant 0 : index
    %get3A_4 = vector.load %arg2[%get3A_2, %get3A_3] : memref<128x128xf32, #tpu.memory_space<vmem>>, vector<128x128xf32>
    %dot_general3A = arith.constant dense<0.000000e+00> : vector<400x128xf32>
    %dot_general3A_5 = tpu.matmul %get3A_1, %get3A_4, %dot_general3A {dimension_numbers = #tpu.dot_dimension_numbers<[1], [0], [0], [1], [0, 0, 1, 1], [], []>, transpose_lhs_hint = false} : vector<400x128xf32>, vector<128x128xf32>, vector<400x128xf32> -> vector<400x128xf32>
    %get3A_6 = arith.constant 0 : index
    %get3A_7 = arith.constant 0 : index
    %get3A_8 = vector.load %arg3[%get3A_6, %get3A_7] : memref<1x128xf32, #tpu.memory_space<vmem>>, vector<1x128xf32>
    %add3A = vector.broadcast %get3A_8 : vector<1x128xf32> to vector<400x128xf32>
    %add3A_9 = arith.addf %dot_general3A_5, %add3A : vector<400x128xf32>
    %logistic3A = arith.negf %add3A_9 : vector<400x128xf32>
    %logistic3A_10 = math.exp %logistic3A : vector<400x128xf32>
    %logistic3A_11 = arith.constant 1.000000e+00 : f32
    %logistic3A_12 = vector.broadcast %logistic3A_11 : f32 to vector<400x128xf32>
    %logistic3A_13 = arith.addf %logistic3A_12, %logistic3A_10 : vector<400x128xf32>
    %logistic3A_14 = arith.divf %logistic3A_12, %logistic3A_13 : vector<400x128xf32>
    %mul3A = arith.mulf %add3A_9, %logistic3A_14 : vector<400x128xf32>
    %get3A_15 = arith.constant 0 : index
    %get3A_16 = arith.constant 0 : index
    %get3A_17 = vector.load %arg4[%get3A_15, %get3A_16] : memref<128x384xf32, #tpu.memory_space<vmem>>, vector<128x384xf32>
    %dot_general3A_18 = arith.constant dense<0.000000e+00> : vector<400x384xf32>
    %dot_general3A_19 = tpu.matmul %mul3A, %get3A_17, %dot_general3A_18 {dimension_numbers = #tpu.dot_dimension_numbers<[1], [0], [0], [1], [0, 0, 1, 1], [], []>, transpose_lhs_hint = false} : vector<400x128xf32>, vector<128x384xf32>, vector<400x384xf32> -> vector<400x384xf32>
    %get3A_20 = arith.constant 0 : index
    %get3A_21 = arith.constant 0 : index
    %get3A_22 = vector.load %arg5[%get3A_20, %get3A_21] : memref<1x384xf32, #tpu.memory_space<vmem>>, vector<1x384xf32>
    %add3A_23 = vector.broadcast %get3A_22 : vector<1x384xf32> to vector<400x384xf32>
    %add3A_24 = arith.addf %dot_general3A_19, %add3A_23 : vector<400x384xf32>
    %swap3A = arith.constant 0 : index
    %swap3A_25 = arith.constant 0 : index
    %swap3A_26 = vector.load %arg6[%swap3A, %swap3A_25] : memref<400x384xf32, #tpu.memory_space<vmem>>, vector<400x384xf32>
    tpu.vector_store %arg6[%swap3A, %swap3A_25], %add3A_24 {strides = array<i32>} : memref<400x384xf32, #tpu.memory_space<vmem>>, vector<400x384xf32>,
    return
  }
  func.func @transform_0(%arg0: i32) -> (i32, i32) {
    %c0_i32 = arith.constant 0 : i32
    %c0_i32_0 = arith.constant 0 : i32
    return %arg0, %c0_i32 : i32, i32
  }
  func.func @transform_1(%arg0: i32) -> (i32, i32) {
    %c0_i32 = arith.constant 0 : i32
    %c0_i32_0 = arith.constant 0 : i32
    %c0_i32_1 = arith.constant 0 : i32
    return %c0_i32, %c0_i32_0 : i32, i32
  }
  func.func @transform_2(%arg0: i32) -> (i32, i32) {
    %c0_i32 = arith.constant 0 : i32
    %c0_i32_0 = arith.constant 0 : i32
    %c0_i32_1 = arith.constant 0 : i32
    return %c0_i32, %c0_i32_0 : i32, i32
  }
  func.func @transform_3(%arg0: i32) -> (i32, i32) {
    %c0_i32 = arith.constant 0 : i32
    %c0_i32_0 = arith.constant 0 : i32
    %c0_i32_1 = arith.constant 0 : i32
    return %c0_i32, %c0_i32_0 : i32, i32
  }
  func.func @transform_4(%arg0: i32) -> (i32, i32) {
    %c0_i32 = arith.constant 0 : i32
    %c0_i32_0 = arith.constant 0 : i32
    %c0_i32_1 = arith.constant 0 : i32
    return %c0_i32, %c0_i32_0 : i32, i32
  }
  func.func @transform_5(%arg0: i32) -> (i32, i32) {
    %c0_i32 = arith.constant 0 : i32
    %c0_i32_0 = arith.constant 0 : i32
    return %arg0, %c0_i32 : i32, i32
  }
}

module attributes {stable_mosaic.version = 14 : i64} {
  func.func @_edge_body(%arg0: i32, %arg1: memref<512xf32, #tpu.memory_space<vmem>>, %arg2: memref<3x512xf32, #tpu.memory_space<vmem>>, %arg3: memref<20x1xf32, #tpu.memory_space<vmem>>, %arg4: memref<512x384xf32, #tpu.memory_space<vmem>>, %arg5: memref<512x384xf32, #tpu.memory_space<vmem>>, %arg6: memref<21x384xf32, #tpu.memory_space<vmem>>, %arg7: memref<4x512x128xf32, #tpu.memory_space<vmem>>) attributes {dimension_semantics = [#tpu.dimension_semantics<arbitrary>], iteration_bounds = array<i64: 625>, scalar_prefetch = 0 : i64, scratch_operands = 0 : i64, tpu.core_type = #tpu.core_type<tc>, window_params = [{transform_indices = @transform_0, window_bounds = array<i64: 512>}, {transform_indices = @transform_1, window_bounds = array<i64: 3, 512>}, {pipeline_mode = #tpu.pipeline_mode<synchronous>, transform_indices = @transform_2, window_bounds = array<i64: 20, 1>}, {transform_indices = @transform_3, window_bounds = array<i64: 512, 384>}, {transform_indices = @transform_4, window_bounds = array<i64: 512, 384>}, {pipeline_mode = #tpu.pipeline_mode<synchronous>, transform_indices = @transform_5, window_bounds = array<i64: 21, 384>}, {transform_indices = @transform_6, window_bounds = array<i64: 4, 512, 128>}]} {
    %get3A = arith.constant 0 : index
    %get3A_0 = vector.load %arg1[%get3A] : memref<512xf32, #tpu.memory_space<vmem>>, vector<512xf32>
    %reshape3A = vector.shape_cast %get3A_0 : vector<512xf32> to vector<1x512xf32>
    %get3A_1 = arith.constant 0 : index
    %get3A_2 = arith.constant 0 : index
    %get3A_3 = vector.load %arg3[%get3A_1, %get3A_2] : memref<20x1xf32, #tpu.memory_space<vmem>>, vector<20x1xf32>
    %mul3A = vector.broadcast %get3A_3 : vector<20x1xf32> to vector<20x512xf32>
    %mul3A_4 = vector.broadcast %reshape3A : vector<1x512xf32> to vector<20x512xf32>
    %mul3A_5 = arith.mulf %mul3A, %mul3A_4 : vector<20x512xf32>
    %mul3A_6 = arith.constant 0.318309873 : f32
    %mul3A_7 = vector.broadcast %mul3A_6 : f32 to vector<20x512xf32>
    %mul3A_8 = arith.mulf %mul3A_5, %mul3A_7 : vector<20x512xf32>
    %add3A = arith.constant 5.000000e-01 : f32
    %add3A_9 = vector.broadcast %add3A : f32 to vector<20x512xf32>
    %add3A_10 = arith.addf %mul3A_8, %add3A_9 : vector<20x512xf32>
    %floor3A = math.floor %add3A_10 : vector<20x512xf32>
    %sub3A = arith.subf %mul3A_8, %floor3A : vector<20x512xf32>
    %mul3A_11 = arith.constant 3.14159274 : f32
    %mul3A_12 = vector.broadcast %mul3A_11 : f32 to vector<20x512xf32>
    %mul3A_13 = arith.mulf %sub3A, %mul3A_12 : vector<20x512xf32>
    %mul3A_14 = arith.mulf %mul3A_13, %mul3A_13 : vector<20x512xf32>
    %mul3A_15 = arith.constant -2.50521079E-8 : f32
    %mul3A_16 = vector.broadcast %mul3A_15 : f32 to vector<20x512xf32>
    %mul3A_17 = arith.mulf %mul3A_16, %mul3A_14 : vector<20x512xf32>
    %add3A_18 = arith.constant 2.75573188E-6 : f32
    %add3A_19 = vector.broadcast %add3A_18 : f32 to vector<20x512xf32>
    %add3A_20 = arith.addf %mul3A_17, %add3A_19 : vector<20x512xf32>
    %mul3A_21 = arith.mulf %add3A_20, %mul3A_14 : vector<20x512xf32>
    %sub3A_22 = arith.constant 1.98412701E-4 : f32
    %sub3A_23 = vector.broadcast %sub3A_22 : f32 to vector<20x512xf32>
    %sub3A_24 = arith.subf %mul3A_21, %sub3A_23 : vector<20x512xf32>
    %mul3A_25 = arith.mulf %sub3A_24, %mul3A_14 : vector<20x512xf32>
    %add3A_26 = arith.constant 0.00833333284 : f32
    %add3A_27 = vector.broadcast %add3A_26 : f32 to vector<20x512xf32>
    %add3A_28 = arith.addf %mul3A_25, %add3A_27 : vector<20x512xf32>
    %mul3A_29 = arith.mulf %add3A_28, %mul3A_14 : vector<20x512xf32>
    %sub3A_30 = arith.constant 0.166666672 : f32
    %sub3A_31 = vector.broadcast %sub3A_30 : f32 to vector<20x512xf32>
    %sub3A_32 = arith.subf %mul3A_29, %sub3A_31 : vector<20x512xf32>
    %mul3A_33 = arith.mulf %mul3A_14, %sub3A_32 : vector<20x512xf32>
    %mul3A_34 = arith.mulf %mul3A_13, %mul3A_33 : vector<20x512xf32>
    %add3A_35 = arith.addf %mul3A_13, %mul3A_34 : vector<20x512xf32>
    %mul3A_36 = arith.constant 5.000000e-01 : f32
    %mul3A_37 = vector.broadcast %mul3A_36 : f32 to vector<20x512xf32>
    %mul3A_38 = arith.mulf %floor3A, %mul3A_37 : vector<20x512xf32>
    %floor3A_39 = math.floor %mul3A_38 : vector<20x512xf32>
    %mul3A_40 = arith.constant 2.000000e+00 : f32
    %mul3A_41 = vector.broadcast %mul3A_40 : f32 to vector<20x512xf32>
    %mul3A_42 = arith.mulf %mul3A_41, %floor3A_39 : vector<20x512xf32>
    %sub3A_43 = arith.subf %floor3A, %mul3A_42 : vector<20x512xf32>
    %mul3A_44 = arith.constant 2.000000e+00 : f32
    %mul3A_45 = vector.broadcast %mul3A_44 : f32 to vector<20x512xf32>
    %mul3A_46 = arith.mulf %mul3A_45, %sub3A_43 : vector<20x512xf32>
    %sub3A_47 = arith.constant 1.000000e+00 : f32
    %sub3A_48 = vector.broadcast %sub3A_47 : f32 to vector<20x512xf32>
    %sub3A_49 = arith.subf %sub3A_48, %mul3A_46 : vector<20x512xf32>
    %mul3A_50 = arith.mulf %add3A_35, %sub3A_49 : vector<20x512xf32>
    %mul3A_51 = arith.constant 0.628318548 : f32
    %mul3A_52 = vector.broadcast %mul3A_51 : f32 to vector<1x512xf32>
    %mul3A_53 = arith.mulf %mul3A_52, %reshape3A : vector<1x512xf32>
    %add3A_54 = arith.constant 1.57079637 : f32
    %add3A_55 = vector.broadcast %add3A_54 : f32 to vector<1x512xf32>
    %add3A_56 = arith.addf %add3A_55, %mul3A_53 : vector<1x512xf32>
    %mul3A_57 = arith.constant 0.318309873 : f32
    %mul3A_58 = vector.broadcast %mul3A_57 : f32 to vector<1x512xf32>
    %mul3A_59 = arith.mulf %add3A_56, %mul3A_58 : vector<1x512xf32>
    %add3A_60 = arith.constant 5.000000e-01 : f32
    %add3A_61 = vector.broadcast %add3A_60 : f32 to vector<1x512xf32>
    %add3A_62 = arith.addf %mul3A_59, %add3A_61 : vector<1x512xf32>
    %floor3A_63 = math.floor %add3A_62 : vector<1x512xf32>
    %sub3A_64 = arith.subf %mul3A_59, %floor3A_63 : vector<1x512xf32>
    %mul3A_65 = arith.constant 3.14159274 : f32
    %mul3A_66 = vector.broadcast %mul3A_65 : f32 to vector<1x512xf32>
    %mul3A_67 = arith.mulf %sub3A_64, %mul3A_66 : vector<1x512xf32>
    %mul3A_68 = arith.mulf %mul3A_67, %mul3A_67 : vector<1x512xf32>
    %mul3A_69 = arith.constant -2.50521079E-8 : f32
    %mul3A_70 = vector.broadcast %mul3A_69 : f32 to vector<1x512xf32>
    %mul3A_71 = arith.mulf %mul3A_70, %mul3A_68 : vector<1x512xf32>
    %add3A_72 = arith.constant 2.75573188E-6 : f32
    %add3A_73 = vector.broadcast %add3A_72 : f32 to vector<1x512xf32>
    %add3A_74 = arith.addf %mul3A_71, %add3A_73 : vector<1x512xf32>
    %mul3A_75 = arith.mulf %add3A_74, %mul3A_68 : vector<1x512xf32>
    %sub3A_76 = arith.constant 1.98412701E-4 : f32
    %sub3A_77 = vector.broadcast %sub3A_76 : f32 to vector<1x512xf32>
    %sub3A_78 = arith.subf %mul3A_75, %sub3A_77 : vector<1x512xf32>
    %mul3A_79 = arith.mulf %sub3A_78, %mul3A_68 : vector<1x512xf32>
    %add3A_80 = arith.constant 0.00833333284 : f32
    %add3A_81 = vector.broadcast %add3A_80 : f32 to vector<1x512xf32>
    %add3A_82 = arith.addf %mul3A_79, %add3A_81 : vector<1x512xf32>
    %mul3A_83 = arith.mulf %add3A_82, %mul3A_68 : vector<1x512xf32>
    %sub3A_84 = arith.constant 0.166666672 : f32
    %sub3A_85 = vector.broadcast %sub3A_84 : f32 to vector<1x512xf32>
    %sub3A_86 = arith.subf %mul3A_83, %sub3A_85 : vector<1x512xf32>
    %mul3A_87 = arith.mulf %mul3A_68, %sub3A_86 : vector<1x512xf32>
    %mul3A_88 = arith.mulf %mul3A_67, %mul3A_87 : vector<1x512xf32>
    %add3A_89 = arith.addf %mul3A_67, %mul3A_88 : vector<1x512xf32>
    %mul3A_90 = arith.constant 5.000000e-01 : f32
    %mul3A_91 = vector.broadcast %mul3A_90 : f32 to vector<1x512xf32>
    %mul3A_92 = arith.mulf %floor3A_63, %mul3A_91 : vector<1x512xf32>
    %floor3A_93 = math.floor %mul3A_92 : vector<1x512xf32>
    %mul3A_94 = arith.constant 2.000000e+00 : f32
    %mul3A_95 = vector.broadcast %mul3A_94 : f32 to vector<1x512xf32>
    %mul3A_96 = arith.mulf %mul3A_95, %floor3A_93 : vector<1x512xf32>
    %sub3A_97 = arith.subf %floor3A_63, %mul3A_96 : vector<1x512xf32>
    %mul3A_98 = arith.constant 2.000000e+00 : f32
    %mul3A_99 = vector.broadcast %mul3A_98 : f32 to vector<1x512xf32>
    %mul3A_100 = arith.mulf %mul3A_99, %sub3A_97 : vector<1x512xf32>
    %sub3A_101 = arith.constant 1.000000e+00 : f32
    %sub3A_102 = vector.broadcast %sub3A_101 : f32 to vector<1x512xf32>
    %sub3A_103 = arith.subf %sub3A_102, %mul3A_100 : vector<1x512xf32>
    %mul3A_104 = arith.mulf %add3A_89, %sub3A_103 : vector<1x512xf32>
    %le3A = arith.constant 5.000000e+00 : f32
    %le3A_105 = vector.broadcast %le3A : f32 to vector<1x512xf32>
    %le3A_106 = arith.cmpf ole, %reshape3A, %le3A_105 : vector<1x512xf32>
    %add3A_107 = arith.constant 1.000000e+00 : f32
    %add3A_108 = vector.broadcast %add3A_107 : f32 to vector<1x512xf32>
    %add3A_109 = arith.addf %mul3A_104, %add3A_108 : vector<1x512xf32>
    %mul3A_110 = arith.constant 5.000000e-01 : f32
    %mul3A_111 = vector.broadcast %mul3A_110 : f32 to vector<1x512xf32>
    %mul3A_112 = arith.mulf %mul3A_111, %add3A_109 : vector<1x512xf32>
    %jit3A = arith.constant 0.000000e+00 : f32
    %broadcast_in_dim3A = vector.broadcast %jit3A : f32 to vector<1x512xf32>
    %select_n3A = arith.select %le3A_106, %mul3A_112, %broadcast_in_dim3A : vector<1x512xi1>, vector<1x512xf32>
    %div3A = vector.broadcast %reshape3A : vector<1x512xf32> to vector<20x512xf32>
    %div3A_113 = arith.divf %mul3A_50, %div3A : vector<20x512xf32>
    %get3A_114 = arith.constant 0 : index
    %get3A_115 = arith.constant 0 : index
    %get3A_116 = vector.load %arg6[%get3A_114, %get3A_115] : memref<21x384xf32, #tpu.memory_space<vmem>>, vector<20x384xf32>
    %dot_general3A = arith.constant dense<0.000000e+00> : vector<512x384xf32>
    %dot_general3A_117 = tpu.matmul %div3A_113, %get3A_116, %dot_general3A {dimension_numbers = #tpu.dot_dimension_numbers<[0], [0], [1], [1], [0, 1, 1, 1], [], []>, transpose_lhs_hint = false} : vector<20x512xf32>, vector<20x384xf32>, vector<512x384xf32> -> vector<512x384xf32>
    %get3A_118 = arith.constant 20 : index
    %get3A_119 = arith.constant 0 : index
    %get3A_120 = vector.load %arg6[%get3A_118, %get3A_119] : memref<21x384xf32, #tpu.memory_space<vmem>>, vector<1x384xf32>
    %add3A_121 = vector.broadcast %get3A_120 : vector<1x384xf32> to vector<512x384xf32>
    %add3A_122 = arith.addf %dot_general3A_117, %add3A_121 : vector<512x384xf32>
    %transpose3A = tpu.transpose %select_n3A, [1, 0] : vector<1x512xf32> -> vector<512x1xf32>
    %mul3A_123 = vector.broadcast %transpose3A : vector<512x1xf32> to vector<512x384xf32>
    %mul3A_124 = arith.mulf %add3A_122, %mul3A_123 : vector<512x384xf32>
    %get3A_125 = arith.constant 0 : index
    %get3A_126 = arith.constant 0 : index
    %get3A_127 = vector.load %arg4[%get3A_125, %get3A_126] : memref<512x384xf32, #tpu.memory_space<vmem>>, vector<512x384xf32>
    %mul3A_128 = arith.mulf %mul3A_124, %get3A_127 : vector<512x384xf32>
    %slice3A = vector.extract_strided_slice %mul3A_128 {offsets = [0, 0], sizes = [512, 128], strides = [1, 1]} : vector<512x384xf32> to vector<512x128xf32>
    %slice3A_129 = vector.extract_strided_slice %mul3A_128 {offsets = [0, 128], sizes = [512, 128], strides = [1, 1]} : vector<512x384xf32> to vector<512x128xf32>
    %slice3A_130 = vector.extract_strided_slice %mul3A_128 {offsets = [0, 256], sizes = [512, 128], strides = [1, 1]} : vector<512x384xf32> to vector<512x128xf32>
    %swap3A = arith.constant 0 : index
    %swap3A_131 = arith.constant 0 : index
    %swap3A_132 = arith.constant 0 : index
    %swap3A_133 = vector.load %arg7[%swap3A, %swap3A_131, %swap3A_132] : memref<4x512x128xf32, #tpu.memory_space<vmem>>, vector<1x512x128xf32>
    %swap3A_134 = vector.shape_cast %swap3A_133 : vector<1x512x128xf32> to vector<512x128xf32>
    %swap3A_135 = vector.shape_cast %slice3A_129 : vector<512x128xf32> to vector<1x512x128xf32>
    tpu.vector_store %arg7[%swap3A, %swap3A_131, %swap3A_132], %swap3A_135 {strides = array<i32>} : memref<4x512x128xf32, #tpu.memory_space<vmem>>, vector<1x512x128xf32>,
    %get3A_136 = arith.constant 0 : index
    %get3A_137 = arith.constant 0 : index
    %get3A_138 = vector.load %arg5[%get3A_136, %get3A_137] : memref<512x384xf32, #tpu.memory_space<vmem>>, vector<512x384xf32>
    %get3A_139 = arith.constant 0 : index
    %get3A_140 = arith.constant 0 : index
    %get3A_141 = vector.load %arg2[%get3A_139, %get3A_140] : memref<3x512xf32, #tpu.memory_space<vmem>>, vector<1x512xf32>
    %get3A_142 = vector.shape_cast %get3A_141 : vector<1x512xf32> to vector<512xf32>
    %reshape3A_143 = vector.shape_cast %get3A_142 : vector<512xf32> to vector<512x1xf32>
    %slice3A_144 = vector.extract_strided_slice %get3A_138 {offsets = [0, 0], sizes = [512, 128], strides = [1, 1]} : vector<512x384xf32> to vector<512x128xf32>
    %mul3A_145 = arith.mulf %slice3A_144, %slice3A : vector<512x128xf32>
    %mul3A_146 = vector.broadcast %reshape3A_143 : vector<512x1xf32> to vector<512x128xf32>
    %mul3A_147 = arith.mulf %mul3A_146, %slice3A_130 : vector<512x128xf32>
    %add3A_148 = arith.addf %mul3A_145, %mul3A_147 : vector<512x128xf32>
    %swap3A_149 = arith.constant 1 : index
    %swap3A_150 = arith.constant 0 : index
    %swap3A_151 = arith.constant 0 : index
    %swap3A_152 = vector.load %arg7[%swap3A_149, %swap3A_150, %swap3A_151] : memref<4x512x128xf32, #tpu.memory_space<vmem>>, vector<1x512x128xf32>
    %swap3A_153 = vector.shape_cast %swap3A_152 : vector<1x512x128xf32> to vector<512x128xf32>
    %swap3A_154 = vector.shape_cast %add3A_148 : vector<512x128xf32> to vector<1x512x128xf32>
    tpu.vector_store %arg7[%swap3A_149, %swap3A_150, %swap3A_151], %swap3A_154 {strides = array<i32>} : memref<4x512x128xf32, #tpu.memory_space<vmem>>, vector<1x512x128xf32>,
    %get3A_155 = arith.constant 1 : index
    %get3A_156 = arith.constant 0 : index
    %get3A_157 = vector.load %arg2[%get3A_155, %get3A_156] : memref<3x512xf32, #tpu.memory_space<vmem>>, vector<1x512xf32>
    %get3A_158 = vector.shape_cast %get3A_157 : vector<1x512xf32> to vector<512xf32>
    %reshape3A_159 = vector.shape_cast %get3A_158 : vector<512xf32> to vector<512x1xf32>
    %slice3A_160 = vector.extract_strided_slice %get3A_138 {offsets = [0, 128], sizes = [512, 128], strides = [1, 1]} : vector<512x384xf32> to vector<512x128xf32>
    %mul3A_161 = arith.mulf %slice3A_160, %slice3A : vector<512x128xf32>
    %mul3A_162 = vector.broadcast %reshape3A_159 : vector<512x1xf32> to vector<512x128xf32>
    %mul3A_163 = arith.mulf %mul3A_162, %slice3A_130 : vector<512x128xf32>
    %add3A_164 = arith.addf %mul3A_161, %mul3A_163 : vector<512x128xf32>
    %swap3A_165 = arith.constant 2 : index
    %swap3A_166 = arith.constant 0 : index
    %swap3A_167 = arith.constant 0 : index
    %swap3A_168 = vector.load %arg7[%swap3A_165, %swap3A_166, %swap3A_167] : memref<4x512x128xf32, #tpu.memory_space<vmem>>, vector<1x512x128xf32>
    %swap3A_169 = vector.shape_cast %swap3A_168 : vector<1x512x128xf32> to vector<512x128xf32>
    %swap3A_170 = vector.shape_cast %add3A_164 : vector<512x128xf32> to vector<1x512x128xf32>
    tpu.vector_store %arg7[%swap3A_165, %swap3A_166, %swap3A_167], %swap3A_170 {strides = array<i32>} : memref<4x512x128xf32, #tpu.memory_space<vmem>>, vector<1x512x128xf32>,
    %get3A_171 = arith.constant 2 : index
    %get3A_172 = arith.constant 0 : index
    %get3A_173 = vector.load %arg2[%get3A_171, %get3A_172] : memref<3x512xf32, #tpu.memory_space<vmem>>, vector<1x512xf32>
    %get3A_174 = vector.shape_cast %get3A_173 : vector<1x512xf32> to vector<512xf32>
    %reshape3A_175 = vector.shape_cast %get3A_174 : vector<512xf32> to vector<512x1xf32>
    %slice3A_176 = vector.extract_strided_slice %get3A_138 {offsets = [0, 256], sizes = [512, 128], strides = [1, 1]} : vector<512x384xf32> to vector<512x128xf32>
    %mul3A_177 = arith.mulf %slice3A_176, %slice3A : vector<512x128xf32>
    %mul3A_178 = vector.broadcast %reshape3A_175 : vector<512x1xf32> to vector<512x128xf32>
    %mul3A_179 = arith.mulf %mul3A_178, %slice3A_130 : vector<512x128xf32>
    %add3A_180 = arith.addf %mul3A_177, %mul3A_179 : vector<512x128xf32>
    %swap3A_181 = arith.constant 3 : index
    %swap3A_182 = arith.constant 0 : index
    %swap3A_183 = arith.constant 0 : index
    %swap3A_184 = vector.load %arg7[%swap3A_181, %swap3A_182, %swap3A_183] : memref<4x512x128xf32, #tpu.memory_space<vmem>>, vector<1x512x128xf32>
    %swap3A_185 = vector.shape_cast %swap3A_184 : vector<1x512x128xf32> to vector<512x128xf32>
    %swap3A_186 = vector.shape_cast %add3A_180 : vector<512x128xf32> to vector<1x512x128xf32>
    tpu.vector_store %arg7[%swap3A_181, %swap3A_182, %swap3A_183], %swap3A_186 {strides = array<i32>} : memref<4x512x128xf32, #tpu.memory_space<vmem>>, vector<1x512x128xf32>,
    return
  }
  func.func @transform_0(%arg0: i32) -> i32 {
    %c0_i32 = arith.constant 0 : i32
    return %arg0 : i32
  }
  func.func @transform_1(%arg0: i32) -> (i32, i32) {
    %c0_i32 = arith.constant 0 : i32
    %c0_i32_0 = arith.constant 0 : i32
    return %c0_i32, %arg0 : i32, i32
  }
  func.func @transform_2(%arg0: i32) -> (i32, i32) {
    %c0_i32 = arith.constant 0 : i32
    %c0_i32_0 = arith.constant 0 : i32
    %c0_i32_1 = arith.constant 0 : i32
    return %c0_i32, %c0_i32_0 : i32, i32
  }
  func.func @transform_3(%arg0: i32) -> (i32, i32) {
    %c0_i32 = arith.constant 0 : i32
    %c0_i32_0 = arith.constant 0 : i32
    return %arg0, %c0_i32 : i32, i32
  }
  func.func @transform_4(%arg0: i32) -> (i32, i32) {
    %c0_i32 = arith.constant 0 : i32
    %c0_i32_0 = arith.constant 0 : i32
    return %arg0, %c0_i32 : i32, i32
  }
  func.func @transform_5(%arg0: i32) -> (i32, i32) {
    %c0_i32 = arith.constant 0 : i32
    %c0_i32_0 = arith.constant 0 : i32
    %c0_i32_1 = arith.constant 0 : i32
    return %c0_i32, %c0_i32_0 : i32, i32
  }
  func.func @transform_6(%arg0: i32) -> (i32, i32, i32) {
    %c0_i32 = arith.constant 0 : i32
    %c0_i32_0 = arith.constant 0 : i32
    %c0_i32_1 = arith.constant 0 : i32
    return %c0_i32, %arg0, %c0_i32_0 : i32, i32, i32
  }
}

module attributes {stable_mosaic.version = 14 : i64} {
  func.func @_combine_body(%arg0: i32, %arg1: memref<400x128xf32, #tpu.memory_space<vmem>>, %arg2: memref<400x384xf32, #tpu.memory_space<vmem>>, %arg3: memref<2x4x400x128xf32, #tpu.memory_space<vmem>>, %arg4: memref<400x128xf32, #tpu.memory_space<vmem>>, %arg5: memref<400x384xf32, #tpu.memory_space<vmem>>) attributes {dimension_semantics = [#tpu.dimension_semantics<arbitrary>], iteration_bounds = array<i64: 25>, scalar_prefetch = 0 : i64, scratch_operands = 0 : i64, tpu.core_type = #tpu.core_type<tc>, window_params = [{transform_indices = @transform_0, window_bounds = array<i64: 400, 128>}, {transform_indices = @transform_1, window_bounds = array<i64: 400, 384>}, {transform_indices = @transform_2, window_bounds = array<i64: 2, 4, 400, 128>}, {transform_indices = @transform_3, window_bounds = array<i64: 400, 128>}, {transform_indices = @transform_4, window_bounds = array<i64: 400, 384>}]} {
    %get3A = arith.constant 0 : index
    %get3A_0 = arith.constant 0 : index
    %get3A_1 = vector.load %arg1[%get3A, %get3A_0] : memref<400x128xf32, #tpu.memory_space<vmem>>, vector<400x128xf32>
    %get3A_2 = arith.constant 0 : index
    %get3A_3 = arith.constant 0 : index
    %get3A_4 = arith.constant 0 : index
    %get3A_5 = arith.constant 0 : index
    %get3A_6 = vector.load %arg3[%get3A_2, %get3A_3, %get3A_4, %get3A_5] : memref<2x4x400x128xf32, #tpu.memory_space<vmem>>, vector<1x1x400x128xf32>
    %get3A_7 = vector.shape_cast %get3A_6 : vector<1x1x400x128xf32> to vector<400x128xf32>
    %add3A = arith.addf %get3A_1, %get3A_7 : vector<400x128xf32>
    %get3A_8 = arith.constant 1 : index
    %get3A_9 = arith.constant 0 : index
    %get3A_10 = arith.constant 0 : index
    %get3A_11 = arith.constant 0 : index
    %get3A_12 = vector.load %arg3[%get3A_8, %get3A_9, %get3A_10, %get3A_11] : memref<2x4x400x128xf32, #tpu.memory_space<vmem>>, vector<1x1x400x128xf32>
    %get3A_13 = vector.shape_cast %get3A_12 : vector<1x1x400x128xf32> to vector<400x128xf32>
    %add3A_14 = arith.addf %add3A, %get3A_13 : vector<400x128xf32>
    %swap3A = arith.constant 0 : index
    %swap3A_15 = arith.constant 0 : index
    %swap3A_16 = vector.load %arg4[%swap3A, %swap3A_15] : memref<400x128xf32, #tpu.memory_space<vmem>>, vector<400x128xf32>
    tpu.vector_store %arg4[%swap3A, %swap3A_15], %add3A_14 {strides = array<i32>} : memref<400x128xf32, #tpu.memory_space<vmem>>, vector<400x128xf32>,
    %get3A_17 = arith.constant 0 : index
    %get3A_18 = arith.constant 1 : index
    %get3A_19 = arith.constant 0 : index
    %get3A_20 = arith.constant 0 : index
    %get3A_21 = vector.load %arg3[%get3A_17, %get3A_18, %get3A_19, %get3A_20] : memref<2x4x400x128xf32, #tpu.memory_space<vmem>>, vector<1x1x400x128xf32>
    %get3A_22 = vector.shape_cast %get3A_21 : vector<1x1x400x128xf32> to vector<400x128xf32>
    %get3A_23 = arith.constant 1 : index
    %get3A_24 = arith.constant 1 : index
    %get3A_25 = arith.constant 0 : index
    %get3A_26 = arith.constant 0 : index
    %get3A_27 = vector.load %arg3[%get3A_23, %get3A_24, %get3A_25, %get3A_26] : memref<2x4x400x128xf32, #tpu.memory_space<vmem>>, vector<1x1x400x128xf32>
    %get3A_28 = vector.shape_cast %get3A_27 : vector<1x1x400x128xf32> to vector<400x128xf32>
    %add3A_29 = arith.addf %get3A_22, %get3A_28 : vector<400x128xf32>
    %get3A_30 = arith.constant 0 : index
    %get3A_31 = arith.constant 2 : index
    %get3A_32 = arith.constant 0 : index
    %get3A_33 = arith.constant 0 : index
    %get3A_34 = vector.load %arg3[%get3A_30, %get3A_31, %get3A_32, %get3A_33] : memref<2x4x400x128xf32, #tpu.memory_space<vmem>>, vector<1x1x400x128xf32>
    %get3A_35 = vector.shape_cast %get3A_34 : vector<1x1x400x128xf32> to vector<400x128xf32>
    %get3A_36 = arith.constant 1 : index
    %get3A_37 = arith.constant 2 : index
    %get3A_38 = arith.constant 0 : index
    %get3A_39 = arith.constant 0 : index
    %get3A_40 = vector.load %arg3[%get3A_36, %get3A_37, %get3A_38, %get3A_39] : memref<2x4x400x128xf32, #tpu.memory_space<vmem>>, vector<1x1x400x128xf32>
    %get3A_41 = vector.shape_cast %get3A_40 : vector<1x1x400x128xf32> to vector<400x128xf32>
    %add3A_42 = arith.addf %get3A_35, %get3A_41 : vector<400x128xf32>
    %get3A_43 = arith.constant 0 : index
    %get3A_44 = arith.constant 3 : index
    %get3A_45 = arith.constant 0 : index
    %get3A_46 = arith.constant 0 : index
    %get3A_47 = vector.load %arg3[%get3A_43, %get3A_44, %get3A_45, %get3A_46] : memref<2x4x400x128xf32, #tpu.memory_space<vmem>>, vector<1x1x400x128xf32>
    %get3A_48 = vector.shape_cast %get3A_47 : vector<1x1x400x128xf32> to vector<400x128xf32>
    %get3A_49 = arith.constant 1 : index
    %get3A_50 = arith.constant 3 : index
    %get3A_51 = arith.constant 0 : index
    %get3A_52 = arith.constant 0 : index
    %get3A_53 = vector.load %arg3[%get3A_49, %get3A_50, %get3A_51, %get3A_52] : memref<2x4x400x128xf32, #tpu.memory_space<vmem>>, vector<1x1x400x128xf32>
    %get3A_54 = vector.shape_cast %get3A_53 : vector<1x1x400x128xf32> to vector<400x128xf32>
    %add3A_55 = arith.addf %get3A_48, %get3A_54 : vector<400x128xf32>
    %get3A_56 = arith.constant 0 : index
    %get3A_57 = arith.constant 0 : index
    %get3A_58 = vector.load %arg2[%get3A_56, %get3A_57] : memref<400x384xf32, #tpu.memory_space<vmem>>, vector<400x384xf32>
    %concatenate3A = tpu.concatenate %add3A_29, %add3A_42, %add3A_55 in 1 : vector<400x128xf32>, vector<400x128xf32>, vector<400x128xf32> -> vector<400x384xf32>
    %add3A_59 = arith.addf %get3A_58, %concatenate3A : vector<400x384xf32>
    %swap3A_60 = arith.constant 0 : index
    %swap3A_61 = arith.constant 0 : index
    %swap3A_62 = vector.load %arg5[%swap3A_60, %swap3A_61] : memref<400x384xf32, #tpu.memory_space<vmem>>, vector<400x384xf32>
    tpu.vector_store %arg5[%swap3A_60, %swap3A_61], %add3A_59 {strides = array<i32>} : memref<400x384xf32, #tpu.memory_space<vmem>>, vector<400x384xf32>,
    return
  }
  func.func @transform_0(%arg0: i32) -> (i32, i32) {
    %c0_i32 = arith.constant 0 : i32
    %c0_i32_0 = arith.constant 0 : i32
    return %arg0, %c0_i32 : i32, i32
  }
  func.func @transform_1(%arg0: i32) -> (i32, i32) {
    %c0_i32 = arith.constant 0 : i32
    %c0_i32_0 = arith.constant 0 : i32
    return %arg0, %c0_i32 : i32, i32
  }
  func.func @transform_2(%arg0: i32) -> (i32, i32, i32, i32) {
    %c0_i32 = arith.constant 0 : i32
    %c0_i32_0 = arith.constant 0 : i32
    %c0_i32_1 = arith.constant 0 : i32
    %c0_i32_2 = arith.constant 0 : i32
    return %c0_i32, %c0_i32_0, %arg0, %c0_i32_1 : i32, i32, i32, i32
  }
  func.func @transform_3(%arg0: i32) -> (i32, i32) {
    %c0_i32 = arith.constant 0 : i32
    %c0_i32_0 = arith.constant 0 : i32
    return %arg0, %c0_i32 : i32, i32
  }
  func.func @transform_4(%arg0: i32) -> (i32, i32) {
    %c0_i32 = arith.constant 0 : i32
    %c0_i32_0 = arith.constant 0 : i32
    return %arg0, %c0_i32 : i32, i32
  }
}

</mosaic_0001>

<sc_bundles>
// kernel: kernel.10.cloned.1.call-start
scs
__scs_entry_jumppad:
0x0: {  	(pc) =	sbr.rel $0x88, $3  }
0x1: {  	(tag) =	ssettag $0x0;
	lr =	simm.s32 $0x1  }
0x2: {  	[smem:$0x3F96] =	sst lr;
	_ =	strace $0xD0000000  }
0x3: {  	_ = 	snop  }
0x4: {  	_ = 	snop  }
0x5: {  	_ = 	snop  }
0x6: {  	_ = 	snop  }
0x7: {  	_ = 	snop  }
__scs_overlays_trampoline_lowered:
0x8: {  	[smem:$0x3FA5] =	sst s0  }
0x9: {  	[smem:$0x3FA6] =	sst s1  }
0xa: {  	[smem:$0x3FA7] =	sst s2  }
0xb: {  	[smem:$0x3FA8] =	sst s3  }
0xc: {  	[smem:$0x3FA9] =	sst s4  }
0xd: {  	[smem:$0x3FAA] =	sst s5  }
0xe: {  	[smem:$0x3FAB] =	sst s6  }
0xf: {  	[smem:$0x3FAC] =	sst s7  }
0x10: {  	[smem:$0x3FAD] =	sst s8  }
0x11: {  	[smem:$0x3FAE] =	sst s9;
	s0 =	simm.s32 @!p0 $0x0  }
0x12: {  	s1 =	sld [smem:$0x3F94];
	s0 =	simm.s32 @p0 $0x1  }
0x13: {  	[smem:$0x3FAF] =	sst s0;
	s0 =	simm.s32 @!p1 $0x0  }
0x14: {  	s2 =	sld [smem:$0x3F93];
	s0 =	simm.s32 @p1 $0x1  }
0x15: {  	[smem:$0x3FB0] =	sst s0;
	s0 =	simm.s32 @!p2 $0x0  }
0x16: {  	s3 =	sld [smem:$0x3FDB];
	s0 =	simm.s32 @p2 $0x1  }
0x17: {  	s4 =	simm.s32 $0x1BF5;
	[smem:$0x3FB2] =	sst s0  }
0x18: {  	s0 =	sld [smem:$0x3F95];
	_ =	swait.ge [sflag:s4], $0x0  }
0x19: {  	s7 =	sld [smem:$0x3F96]  }
0x1a: {  	s8 =	sadd.s32 $0xFFFFE003, lr  }
0x1b: {  	s9 =	sadd.s32 $0xFFFFFEF7, lr;
	s5 =	simm.s32 $0xFFFFFFFF;
	p2 =	slt.u32 s8, $0xFFFFF086  }
0x1c: {  	p1 =	slt.u32 s9, $0xF7A;
	s5 =	simm.s32 @!p2 $0x0  }
0x1d: {  	s5 =	simm.s32 @p1 $0x1;
	p0 =	seq.s32 s7, s2  }
0x1e: {  	s7 =	smul.u32 @!p0 $0xF7A, s2;
	p2 =	seq.s32 @!p0 s5, $0x0  }
0x1f: {  	s9 =	smul.u32 $0xF7A, s1;
	s8 =	simm.s32 @!p0 $0x1BF5;
	p2 =	por !p2, p0  }
0x20: {  	[sflag:s8] =	ssyncset.s32 @!p0 $0xFFFFF086;
	s6 =	sadd.s32 @!p0 s3, s7;
	s7 =	simm.s32 @!p0 $0x108  }
0x21: {  	s3 =	sadd.s32 s3, s9;
	s6 =	sadd.s32 @!p0 $0x88, s6;
	s7 =	simm.s32 @p2 $0x1082  }
0x22: {  	[simem:s7], [sflag:s8] =	dma.local @!p0 [hbm:s6], $0xF7A  }
0x23: {  	s9 =	sor.u32 $0xD0000000, s2;
	s6 =	simm.s32 $0x108;
	_ =	swait.ge @!p0 [sflag:s8], $0x0  }
0x24: {  	s3 =	sadd.s32 $0x88, s3;
	s6 =	simm.s32 @!p1 $0x1082;
	[sflag:s4] =	ssyncset.s32 $0xFFFFF086  }
0x25: {  	[simem:s6], [sflag:s4] =	dma.local [hbm:s3], $0xF7A  }
0x26: {  	[smem:$0x3F96] =	sst s1;
	(tag) =	ssettag s2;
	_ =	strace s9  }
0x27: {  	s1 =	sld [smem:$0x3FA6]  }
0x28: {  	s2 =	sld [smem:$0x3FA7]  }
0x29: {  	s4 =	sld [smem:$0x3FA9]  }
0x2a: {  	p0 =	seq.s32 s5, $0x0;
	s5 =	sld [smem:$0x3FAA]  }
0x2b: {  	s6 =	sld [smem:$0x3FAB]  }
0x2c: {  	s7 =	sld [smem:$0x3FAC]  }
0x2d: {  	s3 =	simm.s32 $0x108;
	s8 =	sld [smem:$0x3FAD]  }
0x2e: {  	s3 =	simm.s32 @!p0 $0x1082;
	s9 =	sld [smem:$0x3FAE]  }
0x2f: {  	lr =	sadd.s32 s0, s3;
	s0 =	sld [smem:$0x3FA5]  }
0x30: {  	s3 =	sld [smem:$0x3FA8]  }
0x31: {  	[smem:$0x3FB1] =	sst s10  }
0x32: {  	s10 =	sld [smem:$0x3FAF];
	_ =	sdelay $0x3  }
0x33: {  	p0 =	seq.s32 s10, $0x1;
	s10 =	sld [smem:$0x3FB1];
	_ =	sdelay $0x3  }
0x34: {  	[smem:$0x3FB1] =	sst s10  }
0x35: {  	s10 =	sld [smem:$0x3FB0];
	_ =	sdelay $0x3  }
0x36: {  	p1 =	seq.s32 s10, $0x1;
	s10 =	sld [smem:$0x3FB1];
	_ =	sdelay $0x3  }
0x37: {  	[smem:$0x3FB1] =	sst s10  }
0x38: {  	s10 =	sld [smem:$0x3FB2]  }
0x39: {  	_ = 	snop;
	(pc) =	sbr.ind lr, $3  }
0x3a: {  	_ = 	snop  }
0x3b: {  	_ = 	snop  }
0x3c: {  	p2 =	seq.s32 s10, $0x1;
	s10 =	sld [smem:$0x3FB1]  }
0x3d: {  	_ =	shalt  }
0x3e: {  	_ =	shalt  }
0x3f: {  	_ =	shalt  }
0x40: {  	_ =	shalt  }
0x41: {  	_ =	shalt  }
0x42: {  	_ =	shalt  }
0x43: {  	_ =	shalt  }
0x44: {  	_ =	shalt  }
0x45: {  	_ =	shalt  }
0x46: {  	_ =	shalt  }
0x47: {  	_ =	shalt  }
0x48: {  	_ =	shalt  }
0x49: {  	_ =	shalt  }
0x4a: {  	_ =	shalt  }
0x4b: {  	_ =	shalt  }
0x4c: {  	_ =	shalt  }
0x4d: {  	_ =	shalt  }
0x4e: {  	_ =	shalt  }
0x4f: {  	_ =	shalt  }
0x50: {  	_ =	shalt  }
0x51: {  	_ =	shalt  }
0x52: {  	_ =	shalt  }
0x53: {  	_ =	shalt  }
0x54: {  	_ =	shalt  }
0x55: {  	_ =	shalt  }
0x56: {  	_ =	shalt  }
0x57: {  	_ =	shalt  }
0x58: {  	_ =	shalt  }
0x59: {  	_ =	shalt  }
0x5a: {  	_ =	shalt  }
0x5b: {  	_ =	shalt  }
0x5c: {  	_ =	shalt  }
0x5d: {  	_ =	shalt  }
0x5e: {  	_ =	shalt  }
0x5f: {  	_ =	shalt  }
0x60: {  	_ =	shalt  }
0x61: {  	_ =	shalt  }
0x62: {  	_ =	shalt  }
0x63: {  	_ =	shalt  }
0x64: {  	_ =	shalt  }
0x65: {  	_ =	shalt  }
0x66: {  	_ =	shalt  }
0x67: {  	_ =	shalt  }
0x68: {  	_ =	shalt  }
0x69: {  	_ =	shalt  }
0x6a: {  	_ =	shalt  }
0x6b: {  	_ =	shalt  }
0x6c: {  	_ =	shalt  }
0x6d: {  	_ =	shalt  }
0x6e: {  	_ =	shalt  }
0x6f: {  	_ =	shalt  }
0x70: {  	_ =	shalt  }
0x71: {  	_ =	shalt  }
0x72: {  	_ =	shalt  }
0x73: {  	_ =	shalt  }
0x74: {  	_ =	shalt  }
0x75: {  	_ =	shalt  }
0x76: {  	_ =	shalt  }
0x77: {  	_ =	shalt  }
0x78: {  	_ =	shalt  }
0x79: {  	_ =	shalt  }
0x7a: {  	_ =	shalt  }
0x7b: {  	_ =	shalt  }
0x7c: {  	_ =	shalt  }
0x7d: {  	_ =	shalt  }
0x7e: {  	_ =	shalt  }
0x7f: {  	_ =	shalt  }
0x80: {  	_ =	shalt  }
0x81: {  	_ =	shalt  }
0x82: {  	_ =	shalt  }
0x83: {  	_ =	shalt  }
0x84: {  	_ =	shalt  }
0x85: {  	_ =	shalt  }
0x86: {  	_ =	shalt  }
0x87: {  	_ =	shalt  }
.Lfunc_end0:
.L_simem_size_0:
called_computation.1_lowered:
.L_overlay_start_0:
0x88: {  	s2 =	sld [smem:$0x3FD9]  }
0x89: {  	s3 =	sld [smem:$0x3FFE];
	_ =	sdelay $0x1  }
0x8a: {  	s1 =	srdreg.scid  }
0x8b: {  	s0 =	sand.u32 $0x1, s1  }
0x8c: {  	s14 =	sshll.u32 s0, $0xA;
	s2 =	sadd.s32 s3, s2  }
0x8d: {  	s2 =	sadd.s32 s2, s14  }
0x8e: {  	[smem:$0x3FBD] =	sst s2  }
0x8f: {  	_ = 	snop  }
0x90: {  	s2 =	sld [smem:$0x3FD0];
	_ =	sdelay $0x2  }
0x91: {  	s15 =	simm.s32 $0xA;
	s4 =	simm.s32 $0x10  }
0x92: {  	[smem:s4], [sflag:s15] =	dma.local [hbm:s2], $0x1  }
0x93: {  	_ =	swait.eq [sflag:s15], $0x1  }
0x94: {  	[sflag:s15] =	ssyncset.done $0x0  }
0x95: {  	[sflag:s15] =	ssyncadd.s32 $0xFFFFFFFF  }
0x96: {  	s16 =	sld [smem:$0x10];
	(tm) =	ssettm $0x1  }
0x97: {  	s17 =	sld [smem:$0x3FFB];
	_ =	sdelay $0x3  }
0x98: {  	_ =	strace s17  }
0x99: {  	s3 =	sld [smem:$0x3FFC];
	_ =	sdelay $0x3  }
0x9a: {  	_ =	strace s3  }
0x9b: {  	s3 =	sld [smem:$0x3FFD];
	_ =	sdelay $0x3  }
0x9c: {  	_ =	strace s3  }
0x9d: {  	_ =	strace $0x8FFFFFFF  }
0x9e: {  	s18 =	sld [smem:$0x3FDB];
	_ =	sdelay $0x1  }
0x9f: {  	s19 =	simm.s32 $_scs_section_size  }
0xa0: {  	s5 =	simm.s32 $_size__tile_overlayer_lowered;
	s6 =	simm.s32 $_tile_overlayer_lowered  }
0xa1: {  	s22 =	simm.s32 $0x1BFF;
	s21 =	sshll.u32 s6, $0x1;
	s3 =	sadd.s32 s19, s18  }
0xa2: {  	s7 =	simm.s32 $0x0;
	s20 =	sshll.u32 s5, $0x1;
	s5 =	sadd.s32 s21, s3  }
0xa3: {  	[timem:s7], [sflag:s22] =	dma.local [hbm:s5], s20  }
0xa4: {  	_ =	swait.ge [sflag:s22], s20  }
0xa5: {  	s4 =	ssub.s32 $0x0, s20;
	[sflag:s22] =	ssyncset.done $0x0  }
0xa6: {  	[sflag:s22] =	ssyncadd.s32 s4;
	_ =	sdelay $0x1  }
0xa7: {  	s23 =	simm.s32 $0x1B8B  }
0xa8: {  	_ =	swait.ge [sflag:s23], $0x1  }
0xa9: {  	[sflag:s23] =	ssyncset.done $0x0  }
0xaa: {  	s25 =	simm.s32 $0x1B8E;
	s24 =	sld [smem:$0x3FFE];
	[sflag:s23] =	ssyncadd.s32 $0xFFFFFFFF  }
0xab: {  	s26 =	simm.s32 $execute0_lowered;
	[smem:$0x3FD2] =	sst s25  }
0xac: {  	s5 =	sshll.u32 s26, $0x1;
	_ =	strace $0x80000049;
	[dreg:$0x1] =	wrdreg $0xFFFFFFFF  }
0xad: {  	s28 =	simm.s32 $_size_execute0_lowered;
	s3 =	sadd.s32 s3, s5;
	[dreg:$0x0] =	wrdreg $0x0  }
0xae: {  	s5 =	sshll.u32 s28, $0x1;
	[dreg:$0x2] =	wrdreg s3  }
0xaf: {  	[dreg:$0x3] =	wrdreg s5  }
0xb0: {  	[dreg:$0x4] =	wrdreg $0xC0  }
0xb1: {  	_ =	task [dreg:s7], $0x5FFFF  }
0xb2: {  	[dreg:$0x1] =	wrdreg $0xFFFFFFFF  }
0xb3: {  	[dreg:$0x0] =	wrdreg $0x60  }
0xb4: {  	[dreg:$0x2] =	wrdreg s24  }
0xb5: {  	[dreg:$0x3] =	wrdreg s16  }
0xb6: {  	[dreg:$0x4] =	wrdreg $0xB8000  }
0xb7: {  	[dreg:$0x5] =	wrdreg $0x9  }
0xb8: {  	_ =	task.clear_ibuf [dreg:s7], $0x6FFFF;
	_ =	strace $0x90000049  }
0xb9: {  	s29 =	simm.s32 $0x9;
	_ =	strace $0x8000004B  }
0xba: {  	_ =	swait.ge [sflag:s29], $0x1  }
0xbb: {  	[sflag:s29] =	ssyncadd.s32 $0xFFFFFFFF  }
0xbc: {  	_ =	strace $0x9000004B  }
0xbd: {  	_ =	sfence  }
0xbe: {  	s30 =	sld [smem:$0x0];
	_ =	sdelay $0x2  }
0xbf: {  	s31 =	sshll.u32 s1, $0xD;
	s1 =	sshrl.u32 s1, $0x2  }
0xc0: {  	s3 =	sand.u32 $0x4000, s31;
	s1 =	sadd.s32 s1, s30  }
0xc1: {  	s0 =	sor.u32 s3, s0;
	s1 =	sshll.u32 s1, $0x11  }
0xc2: {  	s0 =	sor.u32 s1, s0  }
0xc3: {  	s0 =	sadd.s32 $0x8F2B, s0  }
0xc4: {  	[sflag:s0] =	ssyncadd.remote.s32 $0x1  }
0xc5: {  	_ =	sfence.sel $0xFFFF  }
0xc6: {  	[dreg:$0x0] =	wrdreg $0xFFFFFFFF;
	(pc) =	sbr.abs _section_cstart, $3  }
0xc7: {  	[dreg:$0x1] =	wrdreg $0xFFFFFFFF  }
0xc8: {  	_ =	task.clear_ibuf [dreg:s7], $0x2FFFF;
	_ =	strace $0x9FFFFFFF  }
0xc9: {  	(tm) =	ssettm $0x7FFFFFFF  }
tec
execute0_lowered:
.L_overlay_start_1:
0x0: {  	(tag) =	ssettag $0x1  }
0x1: {  	s28 =	stileid.u32  }
0x2: {  	s0 =	srdreg.scid;
	s4 =	sor.u32 $0x10, s28;
	s11 =	smul.u32 $0x2800, s28  }
0x3: {  	s3 =	rddreg [dreg:$0x0];
	s0 =	sand.u32 $0x1, s0;
	s7 =	smul.u32 $0xA000, s4  }
0x4: {  	s5 =	rddreg [dreg:$0x1];
	s9 =	smul.u32 $0x4E2000, s0  }
0x5: {  	s2 =	rddreg [dreg:$0x2];
	s13 =	sor.u32 $0x20, s28;
	s4 =	smul.u32 $0x2800, s4  }
0x6: {  	s1 =	sshll.u32 s28, $0x1;
	s15 =	sor.u32 $0x40, s28;
	s14 =	smul.u32 $0x2800, s13  }
0x7: {  	s10 =	sadd.s32 $0x1DCD600, s3;
	s17 =	sor.u32 $0x60, s28;
	s24 =	smul.u32 $0x2800, s15  }
0x8: {  	s18 =	sor.u32 $0x70, s28;
	s3 =	sadd.s32 $0x2400, s3;
	s25 =	smul.u32 $0x2800, s17  }
0x9: {  	s6 =	sor.u32 s0, s1;
	s23 =	ssub.s32 $0x2, s0;
	s26 =	smul.u32 $0x2800, s18  }
0xa: {  	s8 =	smul.u32 $0x138800, s6;
	s12 =	sshrl.u32 s23, $0x1;
	s6 =	sshll.u32 s6, $0xB  }
0xb: {  	s1 =	ssub.s32 s23, s12;
	s12 =	sor.u32 $0x30, s28;
	s5 =	sadd.s32 s5, s6  }
0xc: {  	s20 =	sadd.s32 s11, s9;
	s21 =	sadd.s32 s9, s4;
	s14 =	sadd.s32 s9, s14  }
0xd: {  	s22 =	sadd.s32 s9, s24;
	s23 =	sadd.s32 s9, s25;
	s11 =	smul.u32 $0xA000, s28  }
0xe: {  	s24 =	sadd.s32 s9, s26;
	s4 =	simm.s32 $0x0;
	s26 =	smul.u32 $0xA000, s13  }
0xf: {  	s16 =	smul.u32 $0x2800, s12;
	[dreg:$0x4] =	wrdreg s5;
	s5 =	sor.u32 $0x50, s28  }
0x10: {  	s8 =	sshrl.u32 s8, $0x3;
	[smem:$0x7FF] =	sst s4;
	s14 =	sshrl.u32 s14, $0x3  }
0x11: {  	s1 =	smax.u32 s1, $0x1;
	s19 =	smul.u32 $0x2800, s5;
	s29 =	sadd.s32 s10, s8  }
0x12: {  	_ =	strace $0x8000004A;
	s30 =	sadd.s32 s3, s14;
	[dreg:$0xb] =	wrdreg s1  }
0x13: {  	s16 =	sadd.s32 s9, s16;
	s1 =	sadd.s32 $0x4E2000, s29;
	[dreg:$0x5] =	wrdreg s29  }
0x14: {  	[dreg:$0x8] =	wrdreg s30;
	s19 =	sadd.s32 s9, s19;
	s9 =	smul.u32 $0x4E200, s28  }
0x15: {  	s23 =	sshrl.u32 s23, $0x3;
	s14 =	sadd.s32 $0x27100, s30;
	[dreg:$0xc] =	wrdreg s1  }
0x16: {  	s25 =	sadd.s32 s9, s10;
	s10 =	sshrl.u32 s11, $0x2;
	s11 =	smul.u32 $0xA000, s12  }
0x17: {  	s16 =	sshrl.u32 s16, $0x3;
	[dreg:$0xf] =	wrdreg s14;
	s12 =	smul.u32 $0xA000, s15  }
0x18: {  	s14 =	sadd.s32 $0x9C4000, s29;
	s15 =	sshrl.u32 s26, $0x2;
	s26 =	smul.u32 $0xA000, s17  }
0x19: {  	[dreg:$0x15] =	wrdreg s14;
	s17 =	smul.u32 $0xA000, s18;
	s6 =	sadd.s32 s10, s2  }
0x1a: {  	s8 =	sadd.s32 s15, s2;
	s13 =	sshrl.u32 s11, $0x2;
	s15 =	sshrl.u32 s12, $0x2  }
0x1b: {  	s18 =	sshrl.u32 s26, $0x2;
	s26 =	sshrl.u32 s20, $0x3;
	s20 =	sshrl.u32 s22, $0x3  }
0x1c: {  	s22 =	sadd.s32 s3, s16;
	s9 =	sadd.s32 s13, s2;
	s10 =	sadd.s32 s15, s2  }
0x1d: {  	s13 =	sshrl.u32 s17, $0x2;
	s12 =	sadd.s32 s18, s2;
	s17 =	sadd.s32 s3, s26  }
0x1e: {  	s15 =	sshrl.u32 s21, $0x3;
	s21 =	sshrl.u32 s19, $0x3;
	s31 =	sadd.s32 s3, s20  }
0x1f: {  	s26 =	sshrl.u32 s24, $0x3;
	s20 =	sadd.s32 s3, s23;
	[dreg:$0x9] =	wrdreg s22  }
0x20: {  	s18 =	sadd.s32 s3, s15;
	s19 =	sadd.s32 s3, s21;
	[dreg:$0x6] =	wrdreg s17  }
0x21: {  	s21 =	sadd.s32 s3, s26;
	s3 =	sadd.s32 $0x27100, s17;
	[dreg:$0xa] =	wrdreg s31  }
0x22: {  	s5 =	smul.u32 $0xA000, s5;
	s15 =	sadd.s32 $0x27100, s22;
	[dreg:$0xd] =	wrdreg s3  }
0x23: {  	s23 =	sadd.s32 $0x27100, s31;
	[dreg:$0x10] =	wrdreg s15  }
0x24: {  	s5 =	sshrl.u32 s5, $0x2;
	[dreg:$0x11] =	wrdreg s23  }
0x25: {  	s11 =	sadd.s32 s5, s2;
	s5 =	sadd.s32 $0x27100, s18;
	[dreg:$0x7] =	wrdreg s18  }
0x26: {  	s1 =	sadd.s32 $0x27100, s19;
	[dreg:$0xe] =	wrdreg s5  }
0x27: {  	s3 =	sadd.s32 $0x27100, s20;
	[dreg:$0x12] =	wrdreg s1  }
0x28: {  	p0 =	sgt.u32 s28, $0xC;
	s15 =	sadd.s32 $0x4E200, s17;
	[dreg:$0x13] =	wrdreg s3  }
0x29: {  	s0 =	smul.u32 $0x27100, s0;
	s23 =	sadd.s32 $0x4E200, s18;
	[dreg:$0x16] =	wrdreg s15  }
0x2a: {  	s7 =	sshrl.u32 s7, $0x2;
	s14 =	sadd.s32 $0x4E200, s19;
	[dreg:$0x17] =	wrdreg s23  }
0x2b: {  	s7 =	sadd.s32 s7, s2;
	s5 =	sadd.s32 $0x27100, s21;
	[dreg:$0x1b] =	wrdreg s14  }
0x2c: {  	s28 =	simm.s32 $0x50;
	s1 =	sadd.s32 $0x4E200, s30;
	[dreg:$0x14] =	wrdreg s5  }
0x2d: {  	s0 =	sadd.s32 s0, s25;
	s3 =	sadd.s32 $0x4E200, s22;
	[dreg:$0x18] =	wrdreg s1  }
0x2e: {  	s16 =	sadd.s32 $0x500, s0;
	s15 =	sadd.s32 $0x4E200, s20;
	[dreg:$0x19] =	wrdreg s3  }
0x2f: {  	s25 =	sadd.s32 $0x9C4500, s0;
	s23 =	sadd.s32 $0x4E200, s21;
	[dreg:$0x1c] =	wrdreg s15  }
0x30: {  	s24 =	sadd.s32 $0x4E2500, s0;
	s14 =	sadd.s32 $0x75300, s30;
	[dreg:$0x1d] =	wrdreg s23  }
0x31: {  	s13 =	sadd.s32 s13, s2;
	s5 =	sadd.s32 $0x4E200, s31;
	[smem:$0x7F8] =	sst s14  }
0x32: {  	s26 =	sadd.s32 $0xEA6500, s0;
	s1 =	sadd.s32 $0xEA6000, s29;
	[dreg:$0x1a] =	wrdreg s5  }
0x33: {  	s0 =	simm.s32 $0x4000;
	s3 =	sadd.s32 $0x75300, s17;
	[dreg:$0x1e] =	wrdreg s1  }
0x34: {  	s30 =	simm.s32 $0x2;
	s15 =	sadd.s32 $0x75300, s22;
	[dreg:$0x1f] =	wrdreg s3  }
0x35: {  	s17 =	sadd.s32 $0x75300, s31;
	s22 =	sadd.s32 $0x75300, s20;
	[smem:$0x7F9] =	sst s15  }
0x36: {  	s23 =	sadd.s32 $0x75300, s21;
	s31 =	simm.s32 $0x3;
	[smem:$0x7FA] =	sst s17  }
0x37: {  	s29 =	simm.s32 $0x4;
	s14 =	simm.s32 $0x0;
	[smem:$0x7FC] =	sst s22  }
0x38: {  	s5 =	sadd.s32 $0x75300, s18;
	s18 =	sadd.s32 $0x75300, s19;
	[smem:$0x7FD] =	sst s23  }
0x39: {  	s1 =	simm.s32 $0x9000;
	s3 =	simm.s32 $0x6800;
	[smem:$0x7F7] =	sst s5  }
0x3a: {  	v0 =	vimm.f32 $0.0e+00;
	s23 =	simm.s32 $0x1;
	[smem:$0x7FB] =	sst s18;
	s5 =	simm.s32 $0x3E00  }
.LBB2_1:
0x3b: {  	s15 =	rddreg [dreg:$0x4]  }
0x3c: {  	[tilespmem:s4], [sflag:$0x3] =	stream.linear.gather [hbm4b:s15+s4], $0x3E80, $0x38;
	[tilespmem:$0x1F080] =	vst v63  }
0x3d: {  	_ =	swait.ge [sflag:s31], $0x3E80  }
0x3e: {  	[sflag:s31] =	ssyncset.done $0x0  }
0x3f: {  	s22 =	simm.s32 $0x200;
	s15 =	simm.s32 $0x0;
	[sflag:s31] =	ssyncadd.s32 $0xFFFFC180  }
.LBB2_2:
0x40: {  	p1 =	sne.s32 s22, $0x9E00;
	[tilespmem:s15+$0x9070] =	vst v0  }
0x41: {  	[tilespmem:s15+$0x9000] =	vst v0  }
0x42: {  	[tilespmem:s15+$0x9010] =	vst v0  }
.Ltmp0:
0x43: {  	[tilespmem:s15+$0x9020] =	vst v0;
	(pc) =	sbr.rel @p1 .LBB2_2-.Ltmp0, $4  }
0x44: {  	[tilespmem:s15+$0x9030] =	vst v0  }
0x45: {  	[tilespmem:s15+$0x9040] =	vst v0  }
0x46: {  	[tilespmem:s15+$0x9050] =	vst v0  }
0x47: {  	[tilespmem:s15+$0x9060] =	vst v0;
	s15 =	sshra.s32 s22, $0x2;
	s22 =	sadd.s32 $0x200, s22  }
0x48: {  	[tilespmem:s15+$0x9070] =	vst v0  }
0x49: {  	[tilespmem:s15+$0x9000] =	vst v0  }
0x4a: {  	[tilespmem:s15+$0x9010] =	vst v0  }
0x4b: {  	[tilespmem:s15+$0x9020] =	vst v0  }
0x4c: {  	[tilespmem:s15+$0x9030] =	vst v0  }
0x4d: {  	[tilespmem:s15+$0x9040] =	vst v0  }
0x4e: {  	[tilespmem:s15+$0x9050] =	vst v0  }
0x4f: {  	[tilespmem:s15+$0x9060] =	vst v0  }
0x50: {  	[spmem:s6] =	stream.linear.scatter [tilespmem:s1], [sflag:$0x3], $0x2800, $0x38;
	[tilespmem:$0x1F080] =	vst v63  }
0x51: {  	_ =	swait.ge [sflag:s31], $0x2800  }
0x52: {  	[sflag:s31] =	ssyncset.done $0x0  }
0x53: {  	[sflag:s31] =	ssyncadd.s32 $0xFFFFD800  }
0x54: {  	[spmem:s7] =	stream.linear.scatter [tilespmem:s1], [sflag:$0x3], $0x2800, $0x38;
	[tilespmem:$0x1F080] =	vst v63  }
0x55: {  	_ =	swait.ge [sflag:s31], $0x2800  }
0x56: {  	[sflag:s31] =	ssyncset.done $0x0  }
0x57: {  	[sflag:s31] =	ssyncadd.s32 $0xFFFFD800  }
0x58: {  	[spmem:s8] =	stream.linear.scatter [tilespmem:s1], [sflag:$0x3], $0x2800, $0x38;
	[tilespmem:$0x1F080] =	vst v63  }
0x59: {  	_ =	swait.ge [sflag:s31], $0x2800  }
0x5a: {  	[sflag:s31] =	ssyncset.done $0x0  }
0x5b: {  	[sflag:s31] =	ssyncadd.s32 $0xFFFFD800  }
0x5c: {  	[spmem:s9] =	stream.linear.scatter [tilespmem:s1], [sflag:$0x3], $0x2800, $0x38;
	[tilespmem:$0x1F080] =	vst v63  }
0x5d: {  	_ =	swait.ge [sflag:s31], $0x2800  }
0x5e: {  	[sflag:s31] =	ssyncset.done $0x0  }
0x5f: {  	[sflag:s31] =	ssyncadd.s32 $0xFFFFD800  }
0x60: {  	[spmem:s10] =	stream.linear.scatter [tilespmem:s1], [sflag:$0x3], $0x2800, $0x38;
	[tilespmem:$0x1F080] =	vst v63  }
0x61: {  	_ =	swait.ge [sflag:s31], $0x2800  }
0x62: {  	[sflag:s31] =	ssyncset.done $0x0  }
0x63: {  	[sflag:s31] =	ssyncadd.s32 $0xFFFFD800  }
0x64: {  	[spmem:s11] =	stream.linear.scatter [tilespmem:s1], [sflag:$0x3], $0x2800, $0x38;
	[tilespmem:$0x1F080] =	vst v63  }
0x65: {  	_ =	swait.ge [sflag:s31], $0x2800  }
0x66: {  	[sflag:s31] =	ssyncset.done $0x0  }
0x67: {  	[sflag:s31] =	ssyncadd.s32 $0xFFFFD800  }
0x68: {  	[spmem:s12] =	stream.linear.scatter [tilespmem:s1], [sflag:$0x3], $0x2800, $0x38;
	[tilespmem:$0x1F080] =	vst v63  }
0x69: {  	_ =	swait.ge [sflag:s31], $0x2800  }
0x6a: {  	[sflag:s31] =	ssyncset.done $0x0  }
0x6b: {  	s15 =	simm.s32 @!p0 $0x9000;
	[sflag:s31] =	ssyncadd.s32 $0xFFFFD800  }
0x6c: {  	[spmem:s13] =	stream.linear.scatter @!p0 [tilespmem:s15], [sflag:$0x3], $0x2800, $0x38;
	[tilespmem:$0x1F080] =	vst v63  }
0x6d: {  	s15 =	simm.s32 @!p0 $0x3  }
0x6e: {  	_ =	swait.ge @!p0 [sflag:s15], $0x2800  }
0x6f: {  	[sflag:s15] =	ssyncset.done @!p0 $0x0  }
0x70: {  	[sflag:s15] =	ssyncadd.s32 @!p0 $0xFFFFD800  }
0x71: {  	[bflag:$0x0] =	sbarrier.arrive $0xFFFF  }
0x72: {  	s22 =	simm.s32 $0x0;
	s17 =	rddreg [dreg:$0x5]  }
0x73: {  	[tilespmem:s0], [sflag:$0x1] =	stream.linear.gather [hbm4b:s17+s22], $0x2800, $0x38;
	[tilespmem:$0x1F080] =	vst v63  }
0x74: {  	_ = 	snop  }
0x75: {  	[tilespmem:s3], [sflag:$0x2] =	stream.linear.gather [hbm4b:s16+s4], $0x2800, $0x38;
	[tilespmem:$0x1F080] =	vst v63  }
0x76: {  	_ =	swait.ge [sflag:s23], $0x2800  }
0x77: {  	[sflag:s23] =	ssyncset.done $0x0  }
0x78: {  	s17 =	simm.s32 $0x0;
	[sflag:s23] =	ssyncadd.s32 $0xFFFFD800  }
0x79: {  	[spmem:s2] =	stream.indirect.scatter.add.f32 [tilespmem:s0], [sflag:$0x4], $0x80, s17, s28, $0xb8;
	[tilespmem:$0x1F080] =	vst v63  }
0x7a: {  	_ =	swait.ge [sflag:s29], $0x2800  }
0x7b: {  	[sflag:s29] =	ssyncset.done $0x0  }
0x7c: {  	s18 =	sadd.s32 $0x500, s16;
	[sflag:s29] =	ssyncadd.s32 $0xFFFFD800  }
0x7d: {  	[tilespmem:s0], [sflag:$0x1] =	stream.linear.gather [hbm4b:s18+s4], $0x2800, $0x38;
	[tilespmem:$0x1F080] =	vst v63  }
0x7e: {  	_ =	swait.ge [sflag:s30], $0x2800  }
0x7f: {  	[sflag:s30] =	ssyncset.done $0x0  }
0x80: {  	s22 =	simm.s32 $0x80;
	[sflag:s30] =	ssyncadd.s32 $0xFFFFD800  }
0x81: {  	[spmem:s2] =	stream.indirect.scatter.add.f32 [tilespmem:s3], [sflag:$0x3], $0x80, s22, s28, $0xb8;
	[tilespmem:$0x1F080] =	vst v63  }
0x82: {  	_ =	swait.ge [sflag:s31], $0x2800  }
0x83: {  	s15 =	simm.s32 $0x400;
	s22 =	smov.u32 s16;
	[sflag:s31] =	ssyncset.done $0x0  }
.LBB2_4:
0x84: {  	p1 =	sne.s32 s15, $0xF400;
	[sflag:s31] =	ssyncadd.s32 $0xFFFFD800;
	s22 =	sadd.s32 $0xA00, s22  }
0x85: {  	[tilespmem:s3], [sflag:$0x2] =	stream.linear.gather [hbm4b:s22+s4], $0x2800, $0x38;
	[tilespmem:$0x1F080] =	vst v63  }
0x86: {  	s17 =	smov.u32 s15;
	s15 =	sadd.s32 $0x400, s15;
	_ =	swait.ge [sflag:s23], $0x2800  }
0x87: {  	[sflag:s23] =	ssyncset.done $0x0  }
0x88: {  	s17 =	sshra.s32 s17, $0x2;
	[sflag:s23] =	ssyncadd.s32 $0xFFFFD800  }
0x89: {  	[spmem:s2] =	stream.indirect.scatter.add.f32 [tilespmem:s0], [sflag:$0x4], $0x80, s17, s28, $0xb8;
	[tilespmem:$0x1F080] =	vst v63  }
0x8a: {  	_ =	swait.ge [sflag:s29], $0x2800  }
0x8b: {  	[sflag:s29] =	ssyncset.done $0x0  }
0x8c: {  	s18 =	sadd.s32 $0x500, s22;
	[sflag:s29] =	ssyncadd.s32 $0xFFFFD800  }
0x8d: {  	[tilespmem:s0], [sflag:$0x1] =	stream.linear.gather [hbm4b:s18+s4], $0x2800, $0x38;
	[tilespmem:$0x1F080] =	vst v63  }
0x8e: {  	_ =	swait.ge [sflag:s30], $0x2800  }
.Ltmp1:
0x8f: {  	[sflag:s30] =	ssyncset.done $0x0;
	(pc) =	sbr.rel @p1 .LBB2_4-.Ltmp1, $4  }
0x90: {  	s17 =	sadd.s32 $0x80, s17;
	[sflag:s30] =	ssyncadd.s32 $0xFFFFD800  }
0x91: {  	[spmem:s2] =	stream.indirect.scatter.add.f32 [tilespmem:s3], [sflag:$0x3], $0x80, s17, s28, $0xb8;
	[tilespmem:$0x1F080] =	vst v63  }
0x92: {  	_ =	swait.ge [sflag:s31], $0x2800  }
0x93: {  	[sflag:s31] =	ssyncset.done $0x0  }
0x94: {  	[sflag:s31] =	ssyncadd.s32 $0xFFFFD800  }
0x95: {  	_ =	swait.ge [sflag:s23], $0x2800  }
0x96: {  	[sflag:s23] =	ssyncset.done $0x0  }
0x97: {  	[sflag:s23] =	ssyncadd.s32 $0xFFFFD800  }
0x98: {  	[spmem:s2] =	stream.indirect.scatter.add.f32 [tilespmem:s0], [sflag:$0x4], $0x80, s5, s28, $0xb8;
	[tilespmem:$0x1F080] =	vst v63  }
0x99: {  	_ =	swait.ge [sflag:s29], $0x2800  }
0x9a: {  	[sflag:s29] =	ssyncset.done $0x0  }
0x9b: {  	[sflag:s29] =	ssyncadd.s32 $0xFFFFD800  }
0x9c: {  	[bflag:$0x0] =	sbarrier.arrive $0xFFFF  }
0x9d: {  	[tilespmem:s1], [sflag:$0x3] =	stream.linear.gather [spmem:s6], $0x2800, $0x38;
	[tilespmem:$0x1F080] =	vst v63  }
0x9e: {  	_ =	swait.ge [sflag:s31], $0x2800  }
0x9f: {  	[sflag:s31] =	ssyncset.done $0x0  }
0xa0: {  	s15 =	rddreg [dreg:$0x6];
	[sflag:s31] =	ssyncadd.s32 $0xFFFFD800  }
0xa1: {  	[hbm4b:s15+s4] =	stream.linear.scatter [tilespmem:s1], [sflag:$0x3], $0x2800, $0x38;
	[tilespmem:$0x1F080] =	vst v63  }
0xa2: {  	_ =	swait.ge [sflag:s31], $0x2800  }
0xa3: {  	[sflag:s31] =	ssyncset.done $0x0  }
0xa4: {  	[sflag:s31] =	ssyncadd.s32 $0xFFFFD800  }
0xa5: {  	[tilespmem:s1], [sflag:$0x3] =	stream.linear.gather [spmem:s7], $0x2800, $0x38;
	[tilespmem:$0x1F080] =	vst v63  }
0xa6: {  	_ =	swait.ge [sflag:s31], $0x2800  }
0xa7: {  	[sflag:s31] =	ssyncset.done $0x0  }
0xa8: {  	s22 =	rddreg [dreg:$0x7];
	[sflag:s31] =	ssyncadd.s32 $0xFFFFD800  }
0xa9: {  	[hbm4b:s22+s4] =	stream.linear.scatter [tilespmem:s1], [sflag:$0x3], $0x2800, $0x38;
	[tilespmem:$0x1F080] =	vst v63  }
0xaa: {  	_ =	swait.ge [sflag:s31], $0x2800  }
0xab: {  	[sflag:s31] =	ssyncset.done $0x0  }
0xac: {  	[sflag:s31] =	ssyncadd.s32 $0xFFFFD800  }
0xad: {  	[tilespmem:s1], [sflag:$0x3] =	stream.linear.gather [spmem:s8], $0x2800, $0x38;
	[tilespmem:$0x1F080] =	vst v63  }
0xae: {  	_ =	swait.ge [sflag:s31], $0x2800  }
0xaf: {  	[sflag:s31] =	ssyncset.done $0x0  }
0xb0: {  	s17 =	rddreg [dreg:$0x8];
	[sflag:s31] =	ssyncadd.s32 $0xFFFFD800  }
0xb1: {  	[hbm4b:s17+s4] =	stream.linear.scatter [tilespmem:s1], [sflag:$0x3], $0x2800, $0x38;
	[tilespmem:$0x1F080] =	vst v63  }
0xb2: {  	_ =	swait.ge [sflag:s31], $0x2800  }
0xb3: {  	[sflag:s31] =	ssyncset.done $0x0  }
0xb4: {  	[sflag:s31] =	ssyncadd.s32 $0xFFFFD800  }
0xb5: {  	[tilespmem:s1], [sflag:$0x3] =	stream.linear.gather [spmem:s9], $0x2800, $0x38;
	[tilespmem:$0x1F080] =	vst v63  }
0xb6: {  	_ =	swait.ge [sflag:s31], $0x2800  }
0xb7: {  	[sflag:s31] =	ssyncset.done $0x0  }
0xb8: {  	s18 =	rddreg [dreg:$0x9];
	[sflag:s31] =	ssyncadd.s32 $0xFFFFD800  }
0xb9: {  	[hbm4b:s18+s4] =	stream.linear.scatter [tilespmem:s1], [sflag:$0x3], $0x2800, $0x38;
	[tilespmem:$0x1F080] =	vst v63  }
0xba: {  	_ =	swait.ge [sflag:s31], $0x2800  }
0xbb: {  	[sflag:s31] =	ssyncset.done $0x0  }
0xbc: {  	[sflag:s31] =	ssyncadd.s32 $0xFFFFD800  }
0xbd: {  	[tilespmem:s1], [sflag:$0x3] =	stream.linear.gather [spmem:s10], $0x2800, $0x38;
	[tilespmem:$0x1F080] =	vst v63  }
0xbe: {  	_ =	swait.ge [sflag:s31], $0x2800  }
0xbf: {  	[sflag:s31] =	ssyncset.done $0x0  }
0xc0: {  	s22 =	rddreg [dreg:$0xa];
	[sflag:s31] =	ssyncadd.s32 $0xFFFFD800  }
0xc1: {  	[hbm4b:s22+s4] =	stream.linear.scatter [tilespmem:s1], [sflag:$0x3], $0x2800, $0x38;
	[tilespmem:$0x1F080] =	vst v63  }
0xc2: {  	_ =	swait.ge [sflag:s31], $0x2800  }
0xc3: {  	[sflag:s31] =	ssyncset.done $0x0  }
0xc4: {  	[sflag:s31] =	ssyncadd.s32 $0xFFFFD800  }
0xc5: {  	[tilespmem:s1], [sflag:$0x3] =	stream.linear.gather [spmem:s11], $0x2800, $0x38;
	[tilespmem:$0x1F080] =	vst v63  }
0xc6: {  	_ =	swait.ge [sflag:s31], $0x2800  }
0xc7: {  	[sflag:s31] =	ssyncset.done $0x0  }
0xc8: {  	[sflag:s31] =	ssyncadd.s32 $0xFFFFD800  }
0xc9: {  	[hbm4b:s19+s4] =	stream.linear.scatter [tilespmem:s1], [sflag:$0x3], $0x2800, $0x38;
	[tilespmem:$0x1F080] =	vst v63  }
0xca: {  	_ =	swait.ge [sflag:s31], $0x2800  }
0xcb: {  	[sflag:s31] =	ssyncset.done $0x0  }
0xcc: {  	[sflag:s31] =	ssyncadd.s32 $0xFFFFD800  }
0xcd: {  	[tilespmem:s1], [sflag:$0x3] =	stream.linear.gather [spmem:s12], $0x2800, $0x38;
	[tilespmem:$0x1F080] =	vst v63  }
0xce: {  	_ =	swait.ge [sflag:s31], $0x2800  }
0xcf: {  	[sflag:s31] =	ssyncset.done $0x0  }
0xd0: {  	[sflag:s31] =	ssyncadd.s32 $0xFFFFD800  }
0xd1: {  	[hbm4b:s20+s4] =	stream.linear.scatter [tilespmem:s1], [sflag:$0x3], $0x2800, $0x38;
	[tilespmem:$0x1F080] =	vst v63  }
0xd2: {  	_ =	swait.ge [sflag:s31], $0x2800  }
0xd3: {  	[sflag:s31] =	ssyncset.done $0x0  }
0xd4: {  	s15 =	simm.s32 @!p0 $0x9000;
	s17 =	simm.s32 @!p0 $0x3;
	[sflag:s31] =	ssyncadd.s32 $0xFFFFD800  }
0xd5: {  	[tilespmem:s15], [sflag:$0x3] =	stream.linear.gather @!p0 [spmem:s13], $0x2800, $0x38;
	[tilespmem:$0x1F080] =	vst v63  }
0xd6: {  	_ =	swait.ge @!p0 [sflag:s17], $0x2800  }
0xd7: {  	[sflag:s17] =	ssyncset.done @!p0 $0x0  }
0xd8: {  	s18 =	simm.s32 @!p0 $0x0;
	[sflag:s17] =	ssyncadd.s32 @!p0 $0xFFFFD800  }
0xd9: {  	[hbm4b:s21+s18] =	stream.linear.scatter @!p0 [tilespmem:s15], [sflag:$0x3], $0x2800, $0x38;
	[tilespmem:$0x1F080] =	vst v63  }
0xda: {  	_ =	swait.ge @!p0 [sflag:s17], $0x2800  }
0xdb: {  	[sflag:s17] =	ssyncset.done @!p0 $0x0  }
0xdc: {  	[sflag:s17] =	ssyncadd.s32 @!p0 $0xFFFFD800  }
0xdd: {  	s22 =	simm.s32 $0x200;
	s15 =	simm.s32 $0x0;
	[bflag:$0x0] =	sbarrier.arrive $0xFFFF  }
.LBB2_6:
0xde: {  	p1 =	sne.s32 s22, $0x9E00;
	[tilespmem:s15+$0x9070] =	vst v0  }
0xdf: {  	[tilespmem:s15+$0x9000] =	vst v0  }
0xe0: {  	[tilespmem:s15+$0x9010] =	vst v0  }
.Ltmp2:
0xe1: {  	[tilespmem:s15+$0x9020] =	vst v0;
	(pc) =	sbr.rel @p1 .LBB2_6-.Ltmp2, $4  }
0xe2: {  	[tilespmem:s15+$0x9030] =	vst v0  }
0xe3: {  	[tilespmem:s15+$0x9040] =	vst v0  }
0xe4: {  	[tilespmem:s15+$0x9050] =	vst v0  }
0xe5: {  	[tilespmem:s15+$0x9060] =	vst v0;
	s15 =	sshra.s32 s22, $0x2;
	s22 =	sadd.s32 $0x200, s22  }
0xe6: {  	[tilespmem:s15+$0x9070] =	vst v0  }
0xe7: {  	[tilespmem:s15+$0x9000] =	vst v0  }
0xe8: {  	[tilespmem:s15+$0x9010] =	vst v0  }
0xe9: {  	[tilespmem:s15+$0x9020] =	vst v0  }
0xea: {  	[tilespmem:s15+$0x9030] =	vst v0  }
0xeb: {  	[tilespmem:s15+$0x9040] =	vst v0  }
0xec: {  	[tilespmem:s15+$0x9050] =	vst v0  }
0xed: {  	[tilespmem:s15+$0x9060] =	vst v0  }
0xee: {  	[spmem:s6] =	stream.linear.scatter [tilespmem:s1], [sflag:$0x3], $0x2800, $0x38;
	[tilespmem:$0x1F080] =	vst v63  }
0xef: {  	_ =	swait.ge [sflag:s31], $0x2800  }
0xf0: {  	[sflag:s31] =	ssyncset.done $0x0  }
0xf1: {  	[sflag:s31] =	ssyncadd.s32 $0xFFFFD800  }
0xf2: {  	[spmem:s7] =	stream.linear.scatter [tilespmem:s1], [sflag:$0x3], $0x2800, $0x38;
	[tilespmem:$0x1F080] =	vst v63  }
0xf3: {  	_ =	swait.ge [sflag:s31], $0x2800  }
0xf4: {  	[sflag:s31] =	ssyncset.done $0x0  }
0xf5: {  	[sflag:s31] =	ssyncadd.s32 $0xFFFFD800  }
0xf6: {  	[spmem:s8] =	stream.linear.scatter [tilespmem:s1], [sflag:$0x3], $0x2800, $0x38;
	[tilespmem:$0x1F080] =	vst v63  }
0xf7: {  	_ =	swait.ge [sflag:s31], $0x2800  }
0xf8: {  	[sflag:s31] =	ssyncset.done $0x0  }
0xf9: {  	[sflag:s31] =	ssyncadd.s32 $0xFFFFD800  }
0xfa: {  	[spmem:s9] =	stream.linear.scatter [tilespmem:s1], [sflag:$0x3], $0x2800, $0x38;
	[tilespmem:$0x1F080] =	vst v63  }
0xfb: {  	_ =	swait.ge [sflag:s31], $0x2800  }
0xfc: {  	[sflag:s31] =	ssyncset.done $0x0  }
0xfd: {  	[sflag:s31] =	ssyncadd.s32 $0xFFFFD800  }
0xfe: {  	[spmem:s10] =	stream.linear.scatter [tilespmem:s1], [sflag:$0x3], $0x2800, $0x38;
	[tilespmem:$0x1F080] =	vst v63  }
0xff: {  	_ =	swait.ge [sflag:s31], $0x2800  }
0x100: {  	[sflag:s31] =	ssyncset.done $0x0  }
0x101: {  	[sflag:s31] =	ssyncadd.s32 $0xFFFFD800  }
0x102: {  	[spmem:s11] =	stream.linear.scatter [tilespmem:s1], [sflag:$0x3], $0x2800, $0x38;
	[tilespmem:$0x1F080] =	vst v63  }
0x103: {  	_ =	swait.ge [sflag:s31], $0x2800  }
0x104: {  	[sflag:s31] =	ssyncset.done $0x0  }
0x105: {  	[sflag:s31] =	ssyncadd.s32 $0xFFFFD800  }
0x106: {  	[spmem:s12] =	stream.linear.scatter [tilespmem:s1], [sflag:$0x3], $0x2800, $0x38;
	[tilespmem:$0x1F080] =	vst v63  }
0x107: {  	_ =	swait.ge [sflag:s31], $0x2800  }
0x108: {  	[sflag:s31] =	ssyncset.done $0x0  }
0x109: {  	s15 =	simm.s32 @!p0 $0x9000;
	[sflag:s31] =	ssyncadd.s32 $0xFFFFD800  }
0x10a: {  	[spmem:s13] =	stream.linear.scatter @!p0 [tilespmem:s15], [sflag:$0x3], $0x2800, $0x38;
	[tilespmem:$0x1F080] =	vst v63  }
0x10b: {  	s15 =	simm.s32 @!p0 $0x3  }
0x10c: {  	_ =	swait.ge @!p0 [sflag:s15], $0x2800  }
0x10d: {  	[sflag:s15] =	ssyncset.done @!p0 $0x0  }
0x10e: {  	[sflag:s15] =	ssyncadd.s32 @!p0 $0xFFFFD800  }
0x10f: {  	[bflag:$0x0] =	sbarrier.arrive $0xFFFF  }
0x110: {  	s22 =	simm.s32 $0x0;
	s17 =	rddreg [dreg:$0xc]  }
0x111: {  	[tilespmem:s0], [sflag:$0x1] =	stream.linear.gather [hbm4b:s17+s22], $0x2800, $0x38;
	[tilespmem:$0x1F080] =	vst v63  }
0x112: {  	_ = 	snop  }
0x113: {  	[tilespmem:s3], [sflag:$0x2] =	stream.linear.gather [hbm4b:s24+s4], $0x2800, $0x38;
	[tilespmem:$0x1F080] =	vst v63  }
0x114: {  	_ =	swait.ge [sflag:s23], $0x2800  }
0x115: {  	[sflag:s23] =	ssyncset.done $0x0  }
0x116: {  	s17 =	simm.s32 $0x0;
	[sflag:s23] =	ssyncadd.s32 $0xFFFFD800  }
0x117: {  	[spmem:s2] =	stream.indirect.scatter.add.f32 [tilespmem:s0], [sflag:$0x4], $0x80, s17, s28, $0xb8;
	[tilespmem:$0x1F080] =	vst v63  }
0x118: {  	_ =	swait.ge [sflag:s29], $0x2800  }
0x119: {  	[sflag:s29] =	ssyncset.done $0x0  }
0x11a: {  	s18 =	sadd.s32 $0x500, s24;
	[sflag:s29] =	ssyncadd.s32 $0xFFFFD800  }
0x11b: {  	[tilespmem:s0], [sflag:$0x1] =	stream.linear.gather [hbm4b:s18+s4], $0x2800, $0x38;
	[tilespmem:$0x1F080] =	vst v63  }
0x11c: {  	_ =	swait.ge [sflag:s30], $0x2800  }
0x11d: {  	[sflag:s30] =	ssyncset.done $0x0  }
0x11e: {  	s22 =	simm.s32 $0x80;
	[sflag:s30] =	ssyncadd.s32 $0xFFFFD800  }
0x11f: {  	[spmem:s2] =	stream.indirect.scatter.add.f32 [tilespmem:s3], [sflag:$0x3], $0x80, s22, s28, $0xb8;
	[tilespmem:$0x1F080] =	vst v63  }
0x120: {  	_ =	swait.ge [sflag:s31], $0x2800  }
0x121: {  	s15 =	simm.s32 $0x400;
	s22 =	smov.u32 s24;
	[sflag:s31] =	ssyncset.done $0x0  }
.LBB2_8:
0x122: {  	p1 =	sne.s32 s15, $0xF400;
	[sflag:s31] =	ssyncadd.s32 $0xFFFFD800;
	s22 =	sadd.s32 $0xA00, s22  }
0x123: {  	[tilespmem:s3], [sflag:$0x2] =	stream.linear.gather [hbm4b:s22+s4], $0x2800, $0x38;
	[tilespmem:$0x1F080] =	vst v63  }
0x124: {  	s17 =	smov.u32 s15;
	s15 =	sadd.s32 $0x400, s15;
	_ =	swait.ge [sflag:s23], $0x2800  }
0x125: {  	[sflag:s23] =	ssyncset.done $0x0  }
0x126: {  	s17 =	sshra.s32 s17, $0x2;
	[sflag:s23] =	ssyncadd.s32 $0xFFFFD800  }
0x127: {  	[spmem:s2] =	stream.indirect.scatter.add.f32 [tilespmem:s0], [sflag:$0x4], $0x80, s17, s28, $0xb8;
	[tilespmem:$0x1F080] =	vst v63  }
0x128: {  	_ =	swait.ge [sflag:s29], $0x2800  }
0x129: {  	[sflag:s29] =	ssyncset.done $0x0  }
0x12a: {  	s18 =	sadd.s32 $0x500, s22;
	[sflag:s29] =	ssyncadd.s32 $0xFFFFD800  }
0x12b: {  	[tilespmem:s0], [sflag:$0x1] =	stream.linear.gather [hbm4b:s18+s4], $0x2800, $0x38;
	[tilespmem:$0x1F080] =	vst v63  }
0x12c: {  	_ =	swait.ge [sflag:s30], $0x2800  }
.Ltmp3:
0x12d: {  	[sflag:s30] =	ssyncset.done $0x0;
	(pc) =	sbr.rel @p1 .LBB2_8-.Ltmp3, $4  }
0x12e: {  	s17 =	sadd.s32 $0x80, s17;
	[sflag:s30] =	ssyncadd.s32 $0xFFFFD800  }
0x12f: {  	[spmem:s2] =	stream.indirect.scatter.add.f32 [tilespmem:s3], [sflag:$0x3], $0x80, s17, s28, $0xb8;
	[tilespmem:$0x1F080] =	vst v63  }
0x130: {  	_ =	swait.ge [sflag:s31], $0x2800  }
0x131: {  	[sflag:s31] =	ssyncset.done $0x0  }
0x132: {  	[sflag:s31] =	ssyncadd.s32 $0xFFFFD800  }
0x133: {  	_ =	swait.ge [sflag:s23], $0x2800  }
0x134: {  	[sflag:s23] =	ssyncset.done $0x0  }
0x135: {  	[sflag:s23] =	ssyncadd.s32 $0xFFFFD800  }
0x136: {  	[spmem:s2] =	stream.indirect.scatter.add.f32 [tilespmem:s0], [sflag:$0x4], $0x80, s5, s28, $0xb8;
	[tilespmem:$0x1F080] =	vst v63  }
0x137: {  	_ =	swait.ge [sflag:s29], $0x2800  }
0x138: {  	[sflag:s29] =	ssyncset.done $0x0  }
0x139: {  	[sflag:s29] =	ssyncadd.s32 $0xFFFFD800  }
0x13a: {  	[bflag:$0x0] =	sbarrier.arrive $0xFFFF  }
0x13b: {  	[tilespmem:s1], [sflag:$0x3] =	stream.linear.gather [spmem:s6], $0x2800, $0x38;
	[tilespmem:$0x1F080] =	vst v63  }
0x13c: {  	_ =	swait.ge [sflag:s31], $0x2800  }
0x13d: {  	[sflag:s31] =	ssyncset.done $0x0  }
0x13e: {  	s15 =	rddreg [dreg:$0xd];
	[sflag:s31] =	ssyncadd.s32 $0xFFFFD800  }
0x13f: {  	[hbm4b:s15+s4] =	stream.linear.scatter [tilespmem:s1], [sflag:$0x3], $0x2800, $0x38;
	[tilespmem:$0x1F080] =	vst v63  }
0x140: {  	_ =	swait.ge [sflag:s31], $0x2800  }
0x141: {  	[sflag:s31] =	ssyncset.done $0x0  }
0x142: {  	[sflag:s31] =	ssyncadd.s32 $0xFFFFD800  }
0x143: {  	[tilespmem:s1], [sflag:$0x3] =	stream.linear.gather [spmem:s7], $0x2800, $0x38;
	[tilespmem:$0x1F080] =	vst v63  }
0x144: {  	_ =	swait.ge [sflag:s31], $0x2800  }
0x145: {  	[sflag:s31] =	ssyncset.done $0x0  }
0x146: {  	s17 =	rddreg [dreg:$0xe];
	[sflag:s31] =	ssyncadd.s32 $0xFFFFD800  }
0x147: {  	[hbm4b:s17+s4] =	stream.linear.scatter [tilespmem:s1], [sflag:$0x3], $0x2800, $0x38;
	[tilespmem:$0x1F080] =	vst v63  }
0x148: {  	_ =	swait.ge [sflag:s31], $0x2800  }
0x149: {  	[sflag:s31] =	ssyncset.done $0x0  }
0x14a: {  	[sflag:s31] =	ssyncadd.s32 $0xFFFFD800  }
0x14b: {  	[tilespmem:s1], [sflag:$0x3] =	stream.linear.gather [spmem:s8], $0x2800, $0x38;
	[tilespmem:$0x1F080] =	vst v63  }
0x14c: {  	_ =	swait.ge [sflag:s31], $0x2800  }
0x14d: {  	[sflag:s31] =	ssyncset.done $0x0  }
0x14e: {  	s18 =	rddreg [dreg:$0xf];
	[sflag:s31] =	ssyncadd.s32 $0xFFFFD800  }
0x14f: {  	[hbm4b:s18+s4] =	stream.linear.scatter [tilespmem:s1], [sflag:$0x3], $0x2800, $0x38;
	[tilespmem:$0x1F080] =	vst v63  }
0x150: {  	_ =	swait.ge [sflag:s31], $0x2800  }
0x151: {  	[sflag:s31] =	ssyncset.done $0x0  }
0x152: {  	[sflag:s31] =	ssyncadd.s32 $0xFFFFD800  }
0x153: {  	[tilespmem:s1], [sflag:$0x3] =	stream.linear.gather [spmem:s9], $0x2800, $0x38;
	[tilespmem:$0x1F080] =	vst v63  }
0x154: {  	_ =	swait.ge [sflag:s31], $0x2800  }
0x155: {  	[sflag:s31] =	ssyncset.done $0x0  }
0x156: {  	s22 =	rddreg [dreg:$0x10];
	[sflag:s31] =	ssyncadd.s32 $0xFFFFD800  }
0x157: {  	[hbm4b:s22+s4] =	stream.linear.scatter [tilespmem:s1], [sflag:$0x3], $0x2800, $0x38;
	[tilespmem:$0x1F080] =	vst v63  }
0x158: {  	_ =	swait.ge [sflag:s31], $0x2800  }
0x159: {  	[sflag:s31] =	ssyncset.done $0x0  }
0x15a: {  	[sflag:s31] =	ssyncadd.s32 $0xFFFFD800  }
0x15b: {  	[tilespmem:s1], [sflag:$0x3] =	stream.linear.gather [spmem:s10], $0x2800, $0x38;
	[tilespmem:$0x1F080] =	vst v63  }
0x15c: {  	_ =	swait.ge [sflag:s31], $0x2800  }
0x15d: {  	[sflag:s31] =	ssyncset.done $0x0  }
0x15e: {  	s17 =	rddreg [dreg:$0x11];
	[sflag:s31] =	ssyncadd.s32 $0xFFFFD800  }
0x15f: {  	[hbm4b:s17+s4] =	stream.linear.scatter [tilespmem:s1], [sflag:$0x3], $0x2800, $0x38;
	[tilespmem:$0x1F080] =	vst v63  }
0x160: {  	_ =	swait.ge [sflag:s31], $0x2800  }
0x161: {  	[sflag:s31] =	ssyncset.done $0x0  }
0x162: {  	[sflag:s31] =	ssyncadd.s32 $0xFFFFD800  }
0x163: {  	[tilespmem:s1], [sflag:$0x3] =	stream.linear.gather [spmem:s11], $0x2800, $0x38;
	[tilespmem:$0x1F080] =	vst v63  }
0x164: {  	_ =	swait.ge [sflag:s31], $0x2800  }
0x165: {  	[sflag:s31] =	ssyncset.done $0x0  }
0x166: {  	s18 =	rddreg [dreg:$0x12];
	[sflag:s31] =	ssyncadd.s32 $0xFFFFD800  }
0x167: {  	[hbm4b:s18+s4] =	stream.linear.scatter [tilespmem:s1], [sflag:$0x3], $0x2800, $0x38;
	[tilespmem:$0x1F080] =	vst v63  }
0x168: {  	_ =	swait.ge [sflag:s31], $0x2800  }
0x169: {  	[sflag:s31] =	ssyncset.done $0x0  }
0x16a: {  	[sflag:s31] =	ssyncadd.s32 $0xFFFFD800  }
0x16b: {  	[tilespmem:s1], [sflag:$0x3] =	stream.linear.gather [spmem:s12], $0x2800, $0x38;
	[tilespmem:$0x1F080] =	vst v63  }
0x16c: {  	_ =	swait.ge [sflag:s31], $0x2800  }
0x16d: {  	[sflag:s31] =	ssyncset.done $0x0  }
0x16e: {  	s22 =	rddreg [dreg:$0x13];
	[sflag:s31] =	ssyncadd.s32 $0xFFFFD800  }
0x16f: {  	[hbm4b:s22+s4] =	stream.linear.scatter [tilespmem:s1], [sflag:$0x3], $0x2800, $0x38;
	[tilespmem:$0x1F080] =	vst v63  }
0x170: {  	_ =	swait.ge [sflag:s31], $0x2800  }
0x171: {  	[sflag:s31] =	ssyncset.done $0x0  }
0x172: {  	s15 =	simm.s32 @!p0 $0x9000;
	s17 =	simm.s32 @!p0 $0x3;
	[sflag:s31] =	ssyncadd.s32 $0xFFFFD800  }
0x173: {  	[tilespmem:s15], [sflag:$0x3] =	stream.linear.gather @!p0 [spmem:s13], $0x2800, $0x38;
	[tilespmem:$0x1F080] =	vst v63  }
0x174: {  	_ =	swait.ge @!p0 [sflag:s17], $0x2800  }
0x175: {  	[sflag:s17] =	ssyncset.done @!p0 $0x0  }
0x176: {  	s18 =	simm.s32 @!p0 $0x0;
	s22 =	rddreg [dreg:$0x14];
	[sflag:s17] =	ssyncadd.s32 @!p0 $0xFFFFD800  }
0x177: {  	[hbm4b:s22+s18] =	stream.linear.scatter @!p0 [tilespmem:s15], [sflag:$0x3], $0x2800, $0x38;
	[tilespmem:$0x1F080] =	vst v63  }
0x178: {  	_ =	swait.ge @!p0 [sflag:s17], $0x2800  }
0x179: {  	[sflag:s17] =	ssyncset.done @!p0 $0x0  }
0x17a: {  	[sflag:s17] =	ssyncadd.s32 @!p0 $0xFFFFD800  }
0x17b: {  	s15 =	simm.s32 $0x0;
	s22 =	simm.s32 $0x200;
	[bflag:$0x0] =	sbarrier.arrive $0xFFFF  }
.LBB2_10:
0x17c: {  	p1 =	sne.s32 s22, $0x9E00;
	[tilespmem:s15+$0x9070] =	vst v0  }
0x17d: {  	[tilespmem:s15+$0x9000] =	vst v0  }
0x17e: {  	[tilespmem:s15+$0x9010] =	vst v0  }
.Ltmp4:
0x17f: {  	[tilespmem:s15+$0x9020] =	vst v0;
	(pc) =	sbr.rel @p1 .LBB2_10-.Ltmp4, $4  }
0x180: {  	[tilespmem:s15+$0x9030] =	vst v0  }
0x181: {  	[tilespmem:s15+$0x9040] =	vst v0  }
0x182: {  	[tilespmem:s15+$0x9050] =	vst v0  }
0x183: {  	[tilespmem:s15+$0x9060] =	vst v0;
	s15 =	sshra.s32 s22, $0x2;
	s22 =	sadd.s32 $0x200, s22  }
0x184: {  	[tilespmem:s15+$0x9070] =	vst v0  }
0x185: {  	[tilespmem:s15+$0x9000] =	vst v0  }
0x186: {  	[tilespmem:s15+$0x9010] =	vst v0  }
0x187: {  	[tilespmem:s15+$0x9020] =	vst v0  }
0x188: {  	[tilespmem:s15+$0x9030] =	vst v0  }
0x189: {  	[tilespmem:s15+$0x9040] =	vst v0  }
0x18a: {  	[tilespmem:s15+$0x9050] =	vst v0  }
0x18b: {  	[tilespmem:s15+$0x9060] =	vst v0  }
0x18c: {  	[spmem:s6] =	stream.linear.scatter [tilespmem:s1], [sflag:$0x3], $0x2800, $0x38;
	[tilespmem:$0x1F080] =	vst v63  }
0x18d: {  	_ =	swait.ge [sflag:s31], $0x2800  }
0x18e: {  	[sflag:s31] =	ssyncset.done $0x0  }
0x18f: {  	[sflag:s31] =	ssyncadd.s32 $0xFFFFD800  }
0x190: {  	[spmem:s7] =	stream.linear.scatter [tilespmem:s1], [sflag:$0x3], $0x2800, $0x38;
	[tilespmem:$0x1F080] =	vst v63  }
0x191: {  	_ =	swait.ge [sflag:s31], $0x2800  }
0x192: {  	[sflag:s31] =	ssyncset.done $0x0  }
0x193: {  	[sflag:s31] =	ssyncadd.s32 $0xFFFFD800  }
0x194: {  	[spmem:s8] =	stream.linear.scatter [tilespmem:s1], [sflag:$0x3], $0x2800, $0x38;
	[tilespmem:$0x1F080] =	vst v63  }
0x195: {  	_ =	swait.ge [sflag:s31], $0x2800  }
0x196: {  	[sflag:s31] =	ssyncset.done $0x0  }
0x197: {  	[sflag:s31] =	ssyncadd.s32 $0xFFFFD800  }
0x198: {  	[spmem:s9] =	stream.linear.scatter [tilespmem:s1], [sflag:$0x3], $0x2800, $0x38;
	[tilespmem:$0x1F080] =	vst v63  }
0x199: {  	_ =	swait.ge [sflag:s31], $0x2800  }
0x19a: {  	[sflag:s31] =	ssyncset.done $0x0  }
0x19b: {  	[sflag:s31] =	ssyncadd.s32 $0xFFFFD800  }
0x19c: {  	[spmem:s10] =	stream.linear.scatter [tilespmem:s1], [sflag:$0x3], $0x2800, $0x38;
	[tilespmem:$0x1F080] =	vst v63  }
0x19d: {  	_ =	swait.ge [sflag:s31], $0x2800  }
0x19e: {  	[sflag:s31] =	ssyncset.done $0x0  }
0x19f: {  	[sflag:s31] =	ssyncadd.s32 $0xFFFFD800  }
0x1a0: {  	[spmem:s11] =	stream.linear.scatter [tilespmem:s1], [sflag:$0x3], $0x2800, $0x38;
	[tilespmem:$0x1F080] =	vst v63  }
0x1a1: {  	_ =	swait.ge [sflag:s31], $0x2800  }
0x1a2: {  	[sflag:s31] =	ssyncset.done $0x0  }
0x1a3: {  	[sflag:s31] =	ssyncadd.s32 $0xFFFFD800  }
0x1a4: {  	[spmem:s12] =	stream.linear.scatter [tilespmem:s1], [sflag:$0x3], $0x2800, $0x38;
	[tilespmem:$0x1F080] =	vst v63  }
0x1a5: {  	_ =	swait.ge [sflag:s31], $0x2800  }
0x1a6: {  	[sflag:s31] =	ssyncset.done $0x0  }
0x1a7: {  	s15 =	simm.s32 @!p0 $0x9000;
	[sflag:s31] =	ssyncadd.s32 $0xFFFFD800  }
0x1a8: {  	[spmem:s13] =	stream.linear.scatter @!p0 [tilespmem:s15], [sflag:$0x3], $0x2800, $0x38;
	[tilespmem:$0x1F080] =	vst v63  }
0x1a9: {  	s15 =	simm.s32 @!p0 $0x3  }
0x1aa: {  	_ =	swait.ge @!p0 [sflag:s15], $0x2800  }
0x1ab: {  	[sflag:s15] =	ssyncset.done @!p0 $0x0  }
0x1ac: {  	[sflag:s15] =	ssyncadd.s32 @!p0 $0xFFFFD800  }
0x1ad: {  	[bflag:$0x0] =	sbarrier.arrive $0xFFFF  }
0x1ae: {  	s22 =	simm.s32 $0x0;
	s17 =	rddreg [dreg:$0x15]  }
0x1af: {  	[tilespmem:s0], [sflag:$0x1] =	stream.linear.gather [hbm4b:s17+s22], $0x2800, $0x38;
	[tilespmem:$0x1F080] =	vst v63  }
0x1b0: {  	_ = 	snop  }
0x1b1: {  	[tilespmem:s3], [sflag:$0x2] =	stream.linear.gather [hbm4b:s25+s4], $0x2800, $0x38;
	[tilespmem:$0x1F080] =	vst v63  }
0x1b2: {  	_ =	swait.ge [sflag:s23], $0x2800  }
0x1b3: {  	[sflag:s23] =	ssyncset.done $0x0  }
0x1b4: {  	s17 =	simm.s32 $0x0;
	[sflag:s23] =	ssyncadd.s32 $0xFFFFD800  }
0x1b5: {  	[spmem:s2] =	stream.indirect.scatter.add.f32 [tilespmem:s0], [sflag:$0x4], $0x80, s17, s28, $0xb8;
	[tilespmem:$0x1F080] =	vst v63  }
0x1b6: {  	_ =	swait.ge [sflag:s29], $0x2800  }
0x1b7: {  	[sflag:s29] =	ssyncset.done $0x0  }
0x1b8: {  	s18 =	sadd.s32 $0x500, s25;
	[sflag:s29] =	ssyncadd.s32 $0xFFFFD800  }
0x1b9: {  	[tilespmem:s0], [sflag:$0x1] =	stream.linear.gather [hbm4b:s18+s4], $0x2800, $0x38;
	[tilespmem:$0x1F080] =	vst v63  }
0x1ba: {  	_ =	swait.ge [sflag:s30], $0x2800  }
0x1bb: {  	[sflag:s30] =	ssyncset.done $0x0  }
0x1bc: {  	s22 =	simm.s32 $0x80;
	[sflag:s30] =	ssyncadd.s32 $0xFFFFD800  }
0x1bd: {  	[spmem:s2] =	stream.indirect.scatter.add.f32 [tilespmem:s3], [sflag:$0x3], $0x80, s22, s28, $0xb8;
	[tilespmem:$0x1F080] =	vst v63  }
0x1be: {  	_ =	swait.ge [sflag:s31], $0x2800  }
0x1bf: {  	s15 =	simm.s32 $0x400;
	s22 =	smov.u32 s25;
	[sflag:s31] =	ssyncset.done $0x0  }
.LBB2_12:
0x1c0: {  	p1 =	sne.s32 s15, $0xF400;
	[sflag:s31] =	ssyncadd.s32 $0xFFFFD800;
	s22 =	sadd.s32 $0xA00, s22  }
0x1c1: {  	[tilespmem:s3], [sflag:$0x2] =	stream.linear.gather [hbm4b:s22+s4], $0x2800, $0x38;
	[tilespmem:$0x1F080] =	vst v63  }
0x1c2: {  	s17 =	smov.u32 s15;
	s15 =	sadd.s32 $0x400, s15;
	_ =	swait.ge [sflag:s23], $0x2800  }
0x1c3: {  	[sflag:s23] =	ssyncset.done $0x0  }
0x1c4: {  	s17 =	sshra.s32 s17, $0x2;
	[sflag:s23] =	ssyncadd.s32 $0xFFFFD800  }
0x1c5: {  	[spmem:s2] =	stream.indirect.scatter.add.f32 [tilespmem:s0], [sflag:$0x4], $0x80, s17, s28, $0xb8;
	[tilespmem:$0x1F080] =	vst v63  }
0x1c6: {  	_ =	swait.ge [sflag:s29], $0x2800  }
0x1c7: {  	[sflag:s29] =	ssyncset.done $0x0  }
0x1c8: {  	s18 =	sadd.s32 $0x500, s22;
	[sflag:s29] =	ssyncadd.s32 $0xFFFFD800  }
0x1c9: {  	[tilespmem:s0], [sflag:$0x1] =	stream.linear.gather [hbm4b:s18+s4], $0x2800, $0x38;
	[tilespmem:$0x1F080] =	vst v63  }
0x1ca: {  	_ =	swait.ge [sflag:s30], $0x2800  }
.Ltmp5:
0x1cb: {  	[sflag:s30] =	ssyncset.done $0x0;
	(pc) =	sbr.rel @p1 .LBB2_12-.Ltmp5, $4  }
0x1cc: {  	s17 =	sadd.s32 $0x80, s17;
	[sflag:s30] =	ssyncadd.s32 $0xFFFFD800  }
0x1cd: {  	[spmem:s2] =	stream.indirect.scatter.add.f32 [tilespmem:s3], [sflag:$0x3], $0x80, s17, s28, $0xb8;
	[tilespmem:$0x1F080] =	vst v63  }
0x1ce: {  	_ =	swait.ge [sflag:s31], $0x2800  }
0x1cf: {  	[sflag:s31] =	ssyncset.done $0x0  }
0x1d0: {  	[sflag:s31] =	ssyncadd.s32 $0xFFFFD800  }
0x1d1: {  	_ =	swait.ge [sflag:s23], $0x2800  }
0x1d2: {  	[sflag:s23] =	ssyncset.done $0x0  }
0x1d3: {  	[sflag:s23] =	ssyncadd.s32 $0xFFFFD800  }
0x1d4: {  	[spmem:s2] =	stream.indirect.scatter.add.f32 [tilespmem:s0], [sflag:$0x4], $0x80, s5, s28, $0xb8;
	[tilespmem:$0x1F080] =	vst v63  }
0x1d5: {  	_ =	swait.ge [sflag:s29], $0x2800  }
0x1d6: {  	[sflag:s29] =	ssyncset.done $0x0  }
0x1d7: {  	[sflag:s29] =	ssyncadd.s32 $0xFFFFD800  }
0x1d8: {  	[bflag:$0x0] =	sbarrier.arrive $0xFFFF  }
0x1d9: {  	[tilespmem:s1], [sflag:$0x3] =	stream.linear.gather [spmem:s6], $0x2800, $0x38;
	[tilespmem:$0x1F080] =	vst v63  }
0x1da: {  	_ =	swait.ge [sflag:s31], $0x2800  }
0x1db: {  	[sflag:s31] =	ssyncset.done $0x0  }
0x1dc: {  	s15 =	rddreg [dreg:$0x16];
	[sflag:s31] =	ssyncadd.s32 $0xFFFFD800  }
0x1dd: {  	[hbm4b:s15+s4] =	stream.linear.scatter [tilespmem:s1], [sflag:$0x3], $0x2800, $0x38;
	[tilespmem:$0x1F080] =	vst v63  }
0x1de: {  	_ =	swait.ge [sflag:s31], $0x2800  }
0x1df: {  	[sflag:s31] =	ssyncset.done $0x0  }
0x1e0: {  	[sflag:s31] =	ssyncadd.s32 $0xFFFFD800  }
0x1e1: {  	[tilespmem:s1], [sflag:$0x3] =	stream.linear.gather [spmem:s7], $0x2800, $0x38;
	[tilespmem:$0x1F080] =	vst v63  }
0x1e2: {  	_ =	swait.ge [sflag:s31], $0x2800  }
0x1e3: {  	[sflag:s31] =	ssyncset.done $0x0  }
0x1e4: {  	s17 =	rddreg [dreg:$0x17];
	[sflag:s31] =	ssyncadd.s32 $0xFFFFD800  }
0x1e5: {  	[hbm4b:s17+s4] =	stream.linear.scatter [tilespmem:s1], [sflag:$0x3], $0x2800, $0x38;
	[tilespmem:$0x1F080] =	vst v63  }
0x1e6: {  	_ =	swait.ge [sflag:s31], $0x2800  }
0x1e7: {  	[sflag:s31] =	ssyncset.done $0x0  }
0x1e8: {  	[sflag:s31] =	ssyncadd.s32 $0xFFFFD800  }
0x1e9: {  	[tilespmem:s1], [sflag:$0x3] =	stream.linear.gather [spmem:s8], $0x2800, $0x38;
	[tilespmem:$0x1F080] =	vst v63  }
0x1ea: {  	_ =	swait.ge [sflag:s31], $0x2800  }
0x1eb: {  	[sflag:s31] =	ssyncset.done $0x0  }
0x1ec: {  	s18 =	rddreg [dreg:$0x18];
	[sflag:s31] =	ssyncadd.s32 $0xFFFFD800  }
0x1ed: {  	[hbm4b:s18+s4] =	stream.linear.scatter [tilespmem:s1], [sflag:$0x3], $0x2800, $0x38;
	[tilespmem:$0x1F080] =	vst v63  }
0x1ee: {  	_ =	swait.ge [sflag:s31], $0x2800  }
0x1ef: {  	[sflag:s31] =	ssyncset.done $0x0  }
0x1f0: {  	[sflag:s31] =	ssyncadd.s32 $0xFFFFD800  }
0x1f1: {  	[tilespmem:s1], [sflag:$0x3] =	stream.linear.gather [spmem:s9], $0x2800, $0x38;
	[tilespmem:$0x1F080] =	vst v63  }
0x1f2: {  	_ =	swait.ge [sflag:s31], $0x2800  }
0x1f3: {  	[sflag:s31] =	ssyncset.done $0x0  }
0x1f4: {  	s22 =	rddreg [dreg:$0x19];
	[sflag:s31] =	ssyncadd.s32 $0xFFFFD800  }
0x1f5: {  	[hbm4b:s22+s4] =	stream.linear.scatter [tilespmem:s1], [sflag:$0x3], $0x2800, $0x38;
	[tilespmem:$0x1F080] =	vst v63  }
0x1f6: {  	_ =	swait.ge [sflag:s31], $0x2800  }
0x1f7: {  	[sflag:s31] =	ssyncset.done $0x0  }
0x1f8: {  	[sflag:s31] =	ssyncadd.s32 $0xFFFFD800  }
0x1f9: {  	[tilespmem:s1], [sflag:$0x3] =	stream.linear.gather [spmem:s10], $0x2800, $0x38;
	[tilespmem:$0x1F080] =	vst v63  }
0x1fa: {  	_ =	swait.ge [sflag:s31], $0x2800  }
0x1fb: {  	[sflag:s31] =	ssyncset.done $0x0  }
0x1fc: {  	s17 =	rddreg [dreg:$0x1a];
	[sflag:s31] =	ssyncadd.s32 $0xFFFFD800  }
0x1fd: {  	[hbm4b:s17+s4] =	stream.linear.scatter [tilespmem:s1], [sflag:$0x3], $0x2800, $0x38;
	[tilespmem:$0x1F080] =	vst v63  }
0x1fe: {  	_ =	swait.ge [sflag:s31], $0x2800  }
0x1ff: {  	[sflag:s31] =	ssyncset.done $0x0  }
0x200: {  	[sflag:s31] =	ssyncadd.s32 $0xFFFFD800  }
0x201: {  	[tilespmem:s1], [sflag:$0x3] =	stream.linear.gather [spmem:s11], $0x2800, $0x38;
	[tilespmem:$0x1F080] =	vst v63  }
0x202: {  	_ =	swait.ge [sflag:s31], $0x2800  }
0x203: {  	[sflag:s31] =	ssyncset.done $0x0  }
0x204: {  	s18 =	rddreg [dreg:$0x1b];
	[sflag:s31] =	ssyncadd.s32 $0xFFFFD800  }
0x205: {  	[hbm4b:s18+s4] =	stream.linear.scatter [tilespmem:s1], [sflag:$0x3], $0x2800, $0x38;
	[tilespmem:$0x1F080] =	vst v63  }
0x206: {  	_ =	swait.ge [sflag:s31], $0x2800  }
0x207: {  	[sflag:s31] =	ssyncset.done $0x0  }
0x208: {  	[sflag:s31] =	ssyncadd.s32 $0xFFFFD800  }
0x209: {  	[tilespmem:s1], [sflag:$0x3] =	stream.linear.gather [spmem:s12], $0x2800, $0x38;
	[tilespmem:$0x1F080] =	vst v63  }
0x20a: {  	_ =	swait.ge [sflag:s31], $0x2800  }
0x20b: {  	[sflag:s31] =	ssyncset.done $0x0  }
0x20c: {  	s22 =	rddreg [dreg:$0x1c];
	[sflag:s31] =	ssyncadd.s32 $0xFFFFD800  }
0x20d: {  	[hbm4b:s22+s4] =	stream.linear.scatter [tilespmem:s1], [sflag:$0x3], $0x2800, $0x38;
	[tilespmem:$0x1F080] =	vst v63  }
0x20e: {  	_ =	swait.ge [sflag:s31], $0x2800  }
0x20f: {  	[sflag:s31] =	ssyncset.done $0x0  }
0x210: {  	s15 =	simm.s32 @!p0 $0x9000;
	s17 =	simm.s32 @!p0 $0x3;
	[sflag:s31] =	ssyncadd.s32 $0xFFFFD800  }
0x211: {  	[tilespmem:s15], [sflag:$0x3] =	stream.linear.gather @!p0 [spmem:s13], $0x2800, $0x38;
	[tilespmem:$0x1F080] =	vst v63  }
0x212: {  	_ =	swait.ge @!p0 [sflag:s17], $0x2800  }
0x213: {  	[sflag:s17] =	ssyncset.done @!p0 $0x0  }
0x214: {  	s18 =	simm.s32 @!p0 $0x0;
	s22 =	rddreg [dreg:$0x1d];
	[sflag:s17] =	ssyncadd.s32 @!p0 $0xFFFFD800  }
0x215: {  	[hbm4b:s22+s18] =	stream.linear.scatter @!p0 [tilespmem:s15], [sflag:$0x3], $0x2800, $0x38;
	[tilespmem:$0x1F080] =	vst v63  }
0x216: {  	_ =	swait.ge @!p0 [sflag:s17], $0x2800  }
0x217: {  	[sflag:s17] =	ssyncset.done @!p0 $0x0  }
0x218: {  	[sflag:s17] =	ssyncadd.s32 @!p0 $0xFFFFD800  }
0x219: {  	s15 =	simm.s32 $0x0;
	s22 =	simm.s32 $0x200;
	[bflag:$0x0] =	sbarrier.arrive $0xFFFF  }
.LBB2_14:
0x21a: {  	p1 =	sne.s32 s22, $0x9E00;
	[tilespmem:s15+$0x9070] =	vst v0  }
0x21b: {  	[tilespmem:s15+$0x9000] =	vst v0  }
0x21c: {  	[tilespmem:s15+$0x9010] =	vst v0  }
.Ltmp6:
0x21d: {  	[tilespmem:s15+$0x9020] =	vst v0;
	(pc) =	sbr.rel @p1 .LBB2_14-.Ltmp6, $4  }
0x21e: {  	[tilespmem:s15+$0x9030] =	vst v0  }
0x21f: {  	[tilespmem:s15+$0x9040] =	vst v0  }
0x220: {  	[tilespmem:s15+$0x9050] =	vst v0  }
0x221: {  	[tilespmem:s15+$0x9060] =	vst v0;
	s15 =	sshra.s32 s22, $0x2;
	s22 =	sadd.s32 $0x200, s22  }
0x222: {  	[tilespmem:s15+$0x9070] =	vst v0  }
0x223: {  	[tilespmem:s15+$0x9000] =	vst v0  }
0x224: {  	[tilespmem:s15+$0x9010] =	vst v0  }
0x225: {  	[tilespmem:s15+$0x9020] =	vst v0  }
0x226: {  	[tilespmem:s15+$0x9030] =	vst v0  }
0x227: {  	[tilespmem:s15+$0x9040] =	vst v0  }
0x228: {  	[tilespmem:s15+$0x9050] =	vst v0  }
0x229: {  	[tilespmem:s15+$0x9060] =	vst v0  }
0x22a: {  	[spmem:s6] =	stream.linear.scatter [tilespmem:s1], [sflag:$0x3], $0x2800, $0x38;
	[tilespmem:$0x1F080] =	vst v63  }
0x22b: {  	_ =	swait.ge [sflag:s31], $0x2800  }
0x22c: {  	[sflag:s31] =	ssyncset.done $0x0  }
0x22d: {  	[sflag:s31] =	ssyncadd.s32 $0xFFFFD800  }
0x22e: {  	[spmem:s7] =	stream.linear.scatter [tilespmem:s1], [sflag:$0x3], $0x2800, $0x38;
	[tilespmem:$0x1F080] =	vst v63  }
0x22f: {  	_ =	swait.ge [sflag:s31], $0x2800  }
0x230: {  	[sflag:s31] =	ssyncset.done $0x0  }
0x231: {  	[sflag:s31] =	ssyncadd.s32 $0xFFFFD800  }
0x232: {  	[spmem:s8] =	stream.linear.scatter [tilespmem:s1], [sflag:$0x3], $0x2800, $0x38;
	[tilespmem:$0x1F080] =	vst v63  }
0x233: {  	_ =	swait.ge [sflag:s31], $0x2800  }
0x234: {  	[sflag:s31] =	ssyncset.done $0x0  }
0x235: {  	[sflag:s31] =	ssyncadd.s32 $0xFFFFD800  }
0x236: {  	[spmem:s9] =	stream.linear.scatter [tilespmem:s1], [sflag:$0x3], $0x2800, $0x38;
	[tilespmem:$0x1F080] =	vst v63  }
0x237: {  	_ =	swait.ge [sflag:s31], $0x2800  }
0x238: {  	[sflag:s31] =	ssyncset.done $0x0  }
0x239: {  	[sflag:s31] =	ssyncadd.s32 $0xFFFFD800  }
0x23a: {  	[spmem:s10] =	stream.linear.scatter [tilespmem:s1], [sflag:$0x3], $0x2800, $0x38;
	[tilespmem:$0x1F080] =	vst v63  }
0x23b: {  	_ =	swait.ge [sflag:s31], $0x2800  }
0x23c: {  	[sflag:s31] =	ssyncset.done $0x0  }
0x23d: {  	[sflag:s31] =	ssyncadd.s32 $0xFFFFD800  }
0x23e: {  	[spmem:s11] =	stream.linear.scatter [tilespmem:s1], [sflag:$0x3], $0x2800, $0x38;
	[tilespmem:$0x1F080] =	vst v63  }
0x23f: {  	_ =	swait.ge [sflag:s31], $0x2800  }
0x240: {  	[sflag:s31] =	ssyncset.done $0x0  }
0x241: {  	[sflag:s31] =	ssyncadd.s32 $0xFFFFD800  }
0x242: {  	[spmem:s12] =	stream.linear.scatter [tilespmem:s1], [sflag:$0x3], $0x2800, $0x38;
	[tilespmem:$0x1F080] =	vst v63  }
0x243: {  	_ =	swait.ge [sflag:s31], $0x2800  }
0x244: {  	[sflag:s31] =	ssyncset.done $0x0  }
0x245: {  	s15 =	simm.s32 @!p0 $0x9000;
	[sflag:s31] =	ssyncadd.s32 $0xFFFFD800  }
0x246: {  	[spmem:s13] =	stream.linear.scatter @!p0 [tilespmem:s15], [sflag:$0x3], $0x2800, $0x38;
	[tilespmem:$0x1F080] =	vst v63  }
0x247: {  	s15 =	simm.s32 @!p0 $0x3  }
0x248: {  	_ =	swait.ge @!p0 [sflag:s15], $0x2800  }
0x249: {  	[sflag:s15] =	ssyncset.done @!p0 $0x0  }
0x24a: {  	[sflag:s15] =	ssyncadd.s32 @!p0 $0xFFFFD800  }
0x24b: {  	[bflag:$0x0] =	sbarrier.arrive $0xFFFF  }
0x24c: {  	s22 =	simm.s32 $0x0;
	s17 =	rddreg [dreg:$0x1e]  }
0x24d: {  	[tilespmem:s0], [sflag:$0x1] =	stream.linear.gather [hbm4b:s17+s22], $0x2800, $0x38;
	[tilespmem:$0x1F080] =	vst v63  }
0x24e: {  	_ = 	snop  }
0x24f: {  	[tilespmem:s3], [sflag:$0x2] =	stream.linear.gather [hbm4b:s26+s4], $0x2800, $0x38;
	[tilespmem:$0x1F080] =	vst v63  }
0x250: {  	_ =	swait.ge [sflag:s23], $0x2800  }
0x251: {  	[sflag:s23] =	ssyncset.done $0x0  }
0x252: {  	s17 =	simm.s32 $0x0;
	[sflag:s23] =	ssyncadd.s32 $0xFFFFD800  }
0x253: {  	[spmem:s2] =	stream.indirect.scatter.add.f32 [tilespmem:s0], [sflag:$0x4], $0x80, s17, s28, $0xb8;
	[tilespmem:$0x1F080] =	vst v63  }
0x254: {  	_ =	swait.ge [sflag:s29], $0x2800  }
0x255: {  	[sflag:s29] =	ssyncset.done $0x0  }
0x256: {  	s18 =	sadd.s32 $0x500, s26;
	[sflag:s29] =	ssyncadd.s32 $0xFFFFD800  }
0x257: {  	[tilespmem:s0], [sflag:$0x1] =	stream.linear.gather [hbm4b:s18+s4], $0x2800, $0x38;
	[tilespmem:$0x1F080] =	vst v63  }
0x258: {  	_ =	swait.ge [sflag:s30], $0x2800  }
0x259: {  	[sflag:s30] =	ssyncset.done $0x0  }
0x25a: {  	s22 =	simm.s32 $0x80;
	[sflag:s30] =	ssyncadd.s32 $0xFFFFD800  }
0x25b: {  	[spmem:s2] =	stream.indirect.scatter.add.f32 [tilespmem:s3], [sflag:$0x3], $0x80, s22, s28, $0xb8;
	[tilespmem:$0x1F080] =	vst v63  }
0x25c: {  	_ =	swait.ge [sflag:s31], $0x2800  }
0x25d: {  	s15 =	simm.s32 $0x400;
	s22 =	smov.u32 s26;
	[sflag:s31] =	ssyncset.done $0x0  }
.LBB2_16:
0x25e: {  	p1 =	sne.s32 s15, $0xF400;
	[sflag:s31] =	ssyncadd.s32 $0xFFFFD800;
	s22 =	sadd.s32 $0xA00, s22  }
0x25f: {  	[tilespmem:s3], [sflag:$0x2] =	stream.linear.gather [hbm4b:s22+s4], $0x2800, $0x38;
	[tilespmem:$0x1F080] =	vst v63  }
0x260: {  	s17 =	smov.u32 s15;
	s15 =	sadd.s32 $0x400, s15;
	_ =	swait.ge [sflag:s23], $0x2800  }
0x261: {  	[sflag:s23] =	ssyncset.done $0x0  }
0x262: {  	s17 =	sshra.s32 s17, $0x2;
	[sflag:s23] =	ssyncadd.s32 $0xFFFFD800  }
0x263: {  	[spmem:s2] =	stream.indirect.scatter.add.f32 [tilespmem:s0], [sflag:$0x4], $0x80, s17, s28, $0xb8;
	[tilespmem:$0x1F080] =	vst v63  }
0x264: {  	_ =	swait.ge [sflag:s29], $0x2800  }
0x265: {  	[sflag:s29] =	ssyncset.done $0x0  }
0x266: {  	s18 =	sadd.s32 $0x500, s22;
	[sflag:s29] =	ssyncadd.s32 $0xFFFFD800  }
0x267: {  	[tilespmem:s0], [sflag:$0x1] =	stream.linear.gather [hbm4b:s18+s4], $0x2800, $0x38;
	[tilespmem:$0x1F080] =	vst v63  }
0x268: {  	_ =	swait.ge [sflag:s30], $0x2800  }
.Ltmp7:
0x269: {  	[sflag:s30] =	ssyncset.done $0x0;
	(pc) =	sbr.rel @p1 .LBB2_16-.Ltmp7, $4  }
0x26a: {  	s17 =	sadd.s32 $0x80, s17;
	[sflag:s30] =	ssyncadd.s32 $0xFFFFD800  }
0x26b: {  	[spmem:s2] =	stream.indirect.scatter.add.f32 [tilespmem:s3], [sflag:$0x3], $0x80, s17, s28, $0xb8;
	[tilespmem:$0x1F080] =	vst v63  }
0x26c: {  	_ =	swait.ge [sflag:s31], $0x2800  }
0x26d: {  	[sflag:s31] =	ssyncset.done $0x0  }
0x26e: {  	[sflag:s31] =	ssyncadd.s32 $0xFFFFD800  }
0x26f: {  	_ =	swait.ge [sflag:s23], $0x2800  }
0x270: {  	[sflag:s23] =	ssyncset.done $0x0  }
0x271: {  	[sflag:s23] =	ssyncadd.s32 $0xFFFFD800  }
0x272: {  	[spmem:s2] =	stream.indirect.scatter.add.f32 [tilespmem:s0], [sflag:$0x4], $0x80, s5, s28, $0xb8;
	[tilespmem:$0x1F080] =	vst v63  }
0x273: {  	_ =	swait.ge [sflag:s29], $0x2800  }
0x274: {  	[sflag:s29] =	ssyncset.done $0x0  }
0x275: {  	[sflag:s29] =	ssyncadd.s32 $0xFFFFD800  }
0x276: {  	[bflag:$0x0] =	sbarrier.arrive $0xFFFF  }
0x277: {  	[tilespmem:s1], [sflag:$0x3] =	stream.linear.gather [spmem:s6], $0x2800, $0x38;
	[tilespmem:$0x1F080] =	vst v63  }
0x278: {  	_ =	swait.ge [sflag:s31], $0x2800  }
0x279: {  	[sflag:s31] =	ssyncset.done $0x0  }
0x27a: {  	s15 =	rddreg [dreg:$0x1f];
	[sflag:s31] =	ssyncadd.s32 $0xFFFFD800  }
0x27b: {  	[hbm4b:s15+s4] =	stream.linear.scatter [tilespmem:s1], [sflag:$0x3], $0x2800, $0x38;
	[tilespmem:$0x1F080] =	vst v63  }
0x27c: {  	_ =	swait.ge [sflag:s31], $0x2800  }
0x27d: {  	[sflag:s31] =	ssyncset.done $0x0  }
0x27e: {  	[sflag:s31] =	ssyncadd.s32 $0xFFFFD800  }
0x27f: {  	[tilespmem:s1], [sflag:$0x3] =	stream.linear.gather [spmem:s7], $0x2800, $0x38;
	[tilespmem:$0x1F080] =	vst v63  }
0x280: {  	_ =	swait.ge [sflag:s31], $0x2800  }
0x281: {  	s22 =	sld [smem:$0x7F7]  }
0x282: {  	[sflag:s31] =	ssyncset.done $0x0  }
0x283: {  	[sflag:s31] =	ssyncadd.s32 $0xFFFFD800  }
0x284: {  	[hbm4b:s22+s4] =	stream.linear.scatter [tilespmem:s1], [sflag:$0x3], $0x2800, $0x38;
	[tilespmem:$0x1F080] =	vst v63  }
0x285: {  	_ =	swait.ge [sflag:s31], $0x2800  }
0x286: {  	[sflag:s31] =	ssyncset.done $0x0  }
0x287: {  	[sflag:s31] =	ssyncadd.s32 $0xFFFFD800  }
0x288: {  	[tilespmem:s1], [sflag:$0x3] =	stream.linear.gather [spmem:s8], $0x2800, $0x38;
	[tilespmem:$0x1F080] =	vst v63  }
0x289: {  	_ =	swait.ge [sflag:s31], $0x2800  }
0x28a: {  	s17 =	sld [smem:$0x7F8]  }
0x28b: {  	[sflag:s31] =	ssyncset.done $0x0  }
0x28c: {  	[sflag:s31] =	ssyncadd.s32 $0xFFFFD800  }
0x28d: {  	[hbm4b:s17+s4] =	stream.linear.scatter [tilespmem:s1], [sflag:$0x3], $0x2800, $0x38;
	[tilespmem:$0x1F080] =	vst v63  }
0x28e: {  	_ =	swait.ge [sflag:s31], $0x2800  }
0x28f: {  	[sflag:s31] =	ssyncset.done $0x0  }
0x290: {  	[sflag:s31] =	ssyncadd.s32 $0xFFFFD800  }
0x291: {  	[tilespmem:s1], [sflag:$0x3] =	stream.linear.gather [spmem:s9], $0x2800, $0x38;
	[tilespmem:$0x1F080] =	vst v63  }
0x292: {  	_ =	swait.ge [sflag:s31], $0x2800  }
0x293: {  	s18 =	sld [smem:$0x7F9]  }
0x294: {  	[sflag:s31] =	ssyncset.done $0x0  }
0x295: {  	[sflag:s31] =	ssyncadd.s32 $0xFFFFD800  }
0x296: {  	[hbm4b:s18+s4] =	stream.linear.scatter [tilespmem:s1], [sflag:$0x3], $0x2800, $0x38;
	[tilespmem:$0x1F080] =	vst v63  }
0x297: {  	_ =	swait.ge [sflag:s31], $0x2800  }
0x298: {  	[sflag:s31] =	ssyncset.done $0x0  }
0x299: {  	[sflag:s31] =	ssyncadd.s32 $0xFFFFD800  }
0x29a: {  	[tilespmem:s1], [sflag:$0x3] =	stream.linear.gather [spmem:s10], $0x2800, $0x38;
	[tilespmem:$0x1F080] =	vst v63  }
0x29b: {  	_ =	swait.ge [sflag:s31], $0x2800  }
0x29c: {  	s22 =	sld [smem:$0x7FA]  }
0x29d: {  	[sflag:s31] =	ssyncset.done $0x0  }
0x29e: {  	[sflag:s31] =	ssyncadd.s32 $0xFFFFD800  }
0x29f: {  	[hbm4b:s22+s4] =	stream.linear.scatter [tilespmem:s1], [sflag:$0x3], $0x2800, $0x38;
	[tilespmem:$0x1F080] =	vst v63  }
0x2a0: {  	_ =	swait.ge [sflag:s31], $0x2800  }
0x2a1: {  	[sflag:s31] =	ssyncset.done $0x0  }
0x2a2: {  	[sflag:s31] =	ssyncadd.s32 $0xFFFFD800  }
0x2a3: {  	[tilespmem:s1], [sflag:$0x3] =	stream.linear.gather [spmem:s11], $0x2800, $0x38;
	[tilespmem:$0x1F080] =	vst v63  }
0x2a4: {  	_ =	swait.ge [sflag:s31], $0x2800  }
0x2a5: {  	s17 =	sld [smem:$0x7FB]  }
0x2a6: {  	[sflag:s31] =	ssyncset.done $0x0  }
0x2a7: {  	[sflag:s31] =	ssyncadd.s32 $0xFFFFD800  }
0x2a8: {  	[hbm4b:s17+s4] =	stream.linear.scatter [tilespmem:s1], [sflag:$0x3], $0x2800, $0x38;
	[tilespmem:$0x1F080] =	vst v63  }
0x2a9: {  	_ =	swait.ge [sflag:s31], $0x2800  }
0x2aa: {  	[sflag:s31] =	ssyncset.done $0x0  }
0x2ab: {  	[sflag:s31] =	ssyncadd.s32 $0xFFFFD800  }
0x2ac: {  	[tilespmem:s1], [sflag:$0x3] =	stream.linear.gather [spmem:s12], $0x2800, $0x38;
	[tilespmem:$0x1F080] =	vst v63  }
0x2ad: {  	_ =	swait.ge [sflag:s31], $0x2800  }
0x2ae: {  	s18 =	sld [smem:$0x7FC]  }
0x2af: {  	[sflag:s31] =	ssyncset.done $0x0  }
0x2b0: {  	[sflag:s31] =	ssyncadd.s32 $0xFFFFD800  }
0x2b1: {  	[hbm4b:s18+s4] =	stream.linear.scatter [tilespmem:s1], [sflag:$0x3], $0x2800, $0x38;
	[tilespmem:$0x1F080] =	vst v63  }
0x2b2: {  	_ =	swait.ge [sflag:s31], $0x2800  }
0x2b3: {  	[sflag:s31] =	ssyncset.done $0x0  }
0x2b4: {  	s15 =	simm.s32 @!p0 $0x9000;
	s17 =	simm.s32 @!p0 $0x3;
	[sflag:s31] =	ssyncadd.s32 $0xFFFFD800  }
0x2b5: {  	[tilespmem:s15], [sflag:$0x3] =	stream.linear.gather @!p0 [spmem:s13], $0x2800, $0x38;
	[tilespmem:$0x1F080] =	vst v63  }
0x2b6: {  	_ =	swait.ge @!p0 [sflag:s17], $0x2800  }
0x2b7: {  	s22 =	sld [smem:$0x7FD]  }
0x2b8: {  	[sflag:s17] =	ssyncset.done @!p0 $0x0  }
0x2b9: {  	s18 =	simm.s32 @!p0 $0x0;
	[sflag:s17] =	ssyncadd.s32 @!p0 $0xFFFFD800  }
0x2ba: {  	[hbm4b:s22+s18] =	stream.linear.scatter @!p0 [tilespmem:s15], [sflag:$0x3], $0x2800, $0x38;
	[tilespmem:$0x1F080] =	vst v63  }
0x2bb: {  	_ =	swait.ge @!p0 [sflag:s17], $0x2800  }
0x2bc: {  	s14 =	sadd.s32 $0x1, s14;
	s22 =	rddreg [dreg:$0xb]  }
0x2bd: {  	p1 =	sne.s32 s14, s22  }
.Ltmp8:
0x2be: {  	_ = 	snop;
	(pc) =	sbr.rel @p1 .LBB2_1-.Ltmp8, $3  }
0x2bf: {  	[sflag:s17] =	ssyncset.done @!p0 $0x0  }
0x2c0: {  	[sflag:s17] =	ssyncadd.s32 @!p0 $0xFFFFD800  }
0x2c1: {  	[bflag:$0x0] =	sbarrier.arrive $0xFFFF;
	_ =	sdelay $0x1  }
0x2c2: {  	_ =	sfence.sel $0x180000  }
0x2c3: {  	[bflag:$0x0] =	sbarrier.arrive $0xFFFF  }
0x2c4: {  	_ =	strace $0x9000004A  }
0x2c5: {  	s0 =	stileid.u32;
	[bflag:$0x2] =	sbarrier.arrive $0xFFFF  }
0x2c6: {  	p0 =	sne.s32 s0, $0x0;
	s0 =	rddreg [dreg:$0x3]  }
0x2c7: {  	s0 =	sadd.s32 @!p0 $0x100000, s0  }
0x2c8: {  	[sflag:s0] =	ssyncadd.tile.s32 @!p0 $0x1;
	_ =	shalt  }
.Lfunc_end2:
_tile_overlayer_lowered:
.L_overlay_start_2:
0x2c9: {  	(tag) =	ssettag $0x2  }
0x2ca: {  	s0 =	rddreg [dreg:$0x0];
	s2 =	stileid.u32  }
0x2cb: {  	s1 =	rddreg [dreg:$0x1];
	p0 =	sne.s32 s2, $0x0  }
0x2cc: {  	s3 =	rddreg [dreg:$0x2];
	[bflag:$0x3] =	sbarrier.arrive $0xFFFF;
	s2 =	simm.s32 @!p0 $0x1C03  }
0x2cd: {  	[timem:s3], [sflag:s2] =	dma.local @!p0 [hbm:s0], s1  }
0x2ce: {  	s0 =	simm.s32 @!p0 $0x3  }
0x2cf: {  	_ =	swait.ge @!p0 [sflag:s0], s1  }
0x2d0: {  	s1 =	ssub.s32 @!p0 $0x0, s1;
	[sflag:s0] =	ssyncset.done @!p0 $0x0  }
0x2d1: {  	[sflag:s0] =	ssyncadd.s32 @!p0 s1  }
0x2d2: {  	[bflag:$0x3] =	sbarrier.arrive $0xFFFF  }
0x2d3: {  	_ =	shalt  }

// kernel: kernel.7.cloned.1.call-start
scs
__scs_entry_jumppad:
0x0: {  	(pc) =	sbr.rel $0x88, $3  }
0x1: {  	(tag) =	ssettag $0x0;
	lr =	simm.s32 $0x1  }
0x2: {  	[smem:$0x3F96] =	sst lr;
	_ =	strace $0xD0000000  }
0x3: {  	_ = 	snop  }
0x4: {  	_ = 	snop  }
0x5: {  	_ = 	snop  }
0x6: {  	_ = 	snop  }
0x7: {  	_ = 	snop  }
__scs_overlays_trampoline_lowered:
0x8: {  	[smem:$0x3FA5] =	sst s0  }
0x9: {  	[smem:$0x3FA6] =	sst s1  }
0xa: {  	[smem:$0x3FA7] =	sst s2  }
0xb: {  	[smem:$0x3FA8] =	sst s3  }
0xc: {  	[smem:$0x3FA9] =	sst s4  }
0xd: {  	[smem:$0x3FAA] =	sst s5  }
0xe: {  	[smem:$0x3FAB] =	sst s6  }
0xf: {  	[smem:$0x3FAC] =	sst s7  }
0x10: {  	[smem:$0x3FAD] =	sst s8  }
0x11: {  	[smem:$0x3FAE] =	sst s9;
	s0 =	simm.s32 @!p0 $0x0  }
0x12: {  	s1 =	sld [smem:$0x3F94];
	s0 =	simm.s32 @p0 $0x1  }
0x13: {  	[smem:$0x3FAF] =	sst s0;
	s0 =	simm.s32 @!p1 $0x0  }
0x14: {  	s2 =	sld [smem:$0x3F93];
	s0 =	simm.s32 @p1 $0x1  }
0x15: {  	[smem:$0x3FB0] =	sst s0;
	s0 =	simm.s32 @!p2 $0x0  }
0x16: {  	s3 =	sld [smem:$0x3FDB];
	s0 =	simm.s32 @p2 $0x1  }
0x17: {  	s4 =	simm.s32 $0x1BF5;
	[smem:$0x3FB2] =	sst s0  }
0x18: {  	s0 =	sld [smem:$0x3F95];
	_ =	swait.ge [sflag:s4], $0x0  }
0x19: {  	s7 =	sld [smem:$0x3F96]  }
0x1a: {  	s8 =	sadd.s32 $0xFFFFE003, lr  }
0x1b: {  	s9 =	sadd.s32 $0xFFFFFEF7, lr;
	s5 =	simm.s32 $0xFFFFFFFF;
	p2 =	slt.u32 s8, $0xFFFFF086  }
0x1c: {  	p1 =	slt.u32 s9, $0xF7A;
	s5 =	simm.s32 @!p2 $0x0  }
0x1d: {  	s5 =	simm.s32 @p1 $0x1;
	p0 =	seq.s32 s7, s2  }
0x1e: {  	s7 =	smul.u32 @!p0 $0xF7A, s2;
	p2 =	seq.s32 @!p0 s5, $0x0  }
0x1f: {  	s9 =	smul.u32 $0xF7A, s1;
	s8 =	simm.s32 @!p0 $0x1BF5;
	p2 =	por !p2, p0  }
0x20: {  	[sflag:s8] =	ssyncset.s32 @!p0 $0xFFFFF086;
	s6 =	sadd.s32 @!p0 s3, s7;
	s7 =	simm.s32 @!p0 $0x108  }
0x21: {  	s3 =	sadd.s32 s3, s9;
	s6 =	sadd.s32 @!p0 $0x88, s6;
	s7 =	simm.s32 @p2 $0x1082  }
0x22: {  	[simem:s7], [sflag:s8] =	dma.local @!p0 [hbm:s6], $0xF7A  }
0x23: {  	s9 =	sor.u32 $0xD0000000, s2;
	s6 =	simm.s32 $0x108;
	_ =	swait.ge @!p0 [sflag:s8], $0x0  }
0x24: {  	s3 =	sadd.s32 $0x88, s3;
	s6 =	simm.s32 @!p1 $0x1082;
	[sflag:s4] =	ssyncset.s32 $0xFFFFF086  }
0x25: {  	[simem:s6], [sflag:s4] =	dma.local [hbm:s3], $0xF7A  }
0x26: {  	[smem:$0x3F96] =	sst s1;
	(tag) =	ssettag s2;
	_ =	strace s9  }
0x27: {  	s1 =	sld [smem:$0x3FA6]  }
0x28: {  	s2 =	sld [smem:$0x3FA7]  }
0x29: {  	s4 =	sld [smem:$0x3FA9]  }
0x2a: {  	p0 =	seq.s32 s5, $0x0;
	s5 =	sld [smem:$0x3FAA]  }
0x2b: {  	s6 =	sld [smem:$0x3FAB]  }
0x2c: {  	s7 =	sld [smem:$0x3FAC]  }
0x2d: {  	s3 =	simm.s32 $0x108;
	s8 =	sld [smem:$0x3FAD]  }
0x2e: {  	s3 =	simm.s32 @!p0 $0x1082;
	s9 =	sld [smem:$0x3FAE]  }
0x2f: {  	lr =	sadd.s32 s0, s3;
	s0 =	sld [smem:$0x3FA5]  }
0x30: {  	s3 =	sld [smem:$0x3FA8]  }
0x31: {  	[smem:$0x3FB1] =	sst s10  }
0x32: {  	s10 =	sld [smem:$0x3FAF];
	_ =	sdelay $0x3  }
0x33: {  	p0 =	seq.s32 s10, $0x1;
	s10 =	sld [smem:$0x3FB1];
	_ =	sdelay $0x3  }
0x34: {  	[smem:$0x3FB1] =	sst s10  }
0x35: {  	s10 =	sld [smem:$0x3FB0];
	_ =	sdelay $0x3  }
0x36: {  	p1 =	seq.s32 s10, $0x1;
	s10 =	sld [smem:$0x3FB1];
	_ =	sdelay $0x3  }
0x37: {  	[smem:$0x3FB1] =	sst s10  }
0x38: {  	s10 =	sld [smem:$0x3FB2]  }
0x39: {  	_ = 	snop;
	(pc) =	sbr.ind lr, $3  }
0x3a: {  	_ = 	snop  }
0x3b: {  	_ = 	snop  }
0x3c: {  	p2 =	seq.s32 s10, $0x1;
	s10 =	sld [smem:$0x3FB1]  }
0x3d: {  	_ =	shalt  }
0x3e: {  	_ =	shalt  }
0x3f: {  	_ =	shalt  }
0x40: {  	_ =	shalt  }
0x41: {  	_ =	shalt  }
0x42: {  	_ =	shalt  }
0x43: {  	_ =	shalt  }
0x44: {  	_ =	shalt  }
0x45: {  	_ =	shalt  }
0x46: {  	_ =	shalt  }
0x47: {  	_ =	shalt  }
0x48: {  	_ =	shalt  }
0x49: {  	_ =	shalt  }
0x4a: {  	_ =	shalt  }
0x4b: {  	_ =	shalt  }
0x4c: {  	_ =	shalt  }
0x4d: {  	_ =	shalt  }
0x4e: {  	_ =	shalt  }
0x4f: {  	_ =	shalt  }
0x50: {  	_ =	shalt  }
0x51: {  	_ =	shalt  }
0x52: {  	_ =	shalt  }
0x53: {  	_ =	shalt  }
0x54: {  	_ =	shalt  }
0x55: {  	_ =	shalt  }
0x56: {  	_ =	shalt  }
0x57: {  	_ =	shalt  }
0x58: {  	_ =	shalt  }
0x59: {  	_ =	shalt  }
0x5a: {  	_ =	shalt  }
0x5b: {  	_ =	shalt  }
0x5c: {  	_ =	shalt  }
0x5d: {  	_ =	shalt  }
0x5e: {  	_ =	shalt  }
0x5f: {  	_ =	shalt  }
0x60: {  	_ =	shalt  }
0x61: {  	_ =	shalt  }
0x62: {  	_ =	shalt  }
0x63: {  	_ =	shalt  }
0x64: {  	_ =	shalt  }
0x65: {  	_ =	shalt  }
0x66: {  	_ =	shalt  }
0x67: {  	_ =	shalt  }
0x68: {  	_ =	shalt  }
0x69: {  	_ =	shalt  }
0x6a: {  	_ =	shalt  }
0x6b: {  	_ =	shalt  }
0x6c: {  	_ =	shalt  }
0x6d: {  	_ =	shalt  }
0x6e: {  	_ =	shalt  }
0x6f: {  	_ =	shalt  }
0x70: {  	_ =	shalt  }
0x71: {  	_ =	shalt  }
0x72: {  	_ =	shalt  }
0x73: {  	_ =	shalt  }
0x74: {  	_ =	shalt  }
0x75: {  	_ =	shalt  }
0x76: {  	_ =	shalt  }
0x77: {  	_ =	shalt  }
0x78: {  	_ =	shalt  }
0x79: {  	_ =	shalt  }
0x7a: {  	_ =	shalt  }
0x7b: {  	_ =	shalt  }
0x7c: {  	_ =	shalt  }
0x7d: {  	_ =	shalt  }
0x7e: {  	_ =	shalt  }
0x7f: {  	_ =	shalt  }
0x80: {  	_ =	shalt  }
0x81: {  	_ =	shalt  }
0x82: {  	_ =	shalt  }
0x83: {  	_ =	shalt  }
0x84: {  	_ =	shalt  }
0x85: {  	_ =	shalt  }
0x86: {  	_ =	shalt  }
0x87: {  	_ =	shalt  }
.Lfunc_end0:
.L_simem_size_0:
called_computation_lowered:
.L_overlay_start_0:
0x88: {  	s2 =	sld [smem:$0x3FD9]  }
0x89: {  	s3 =	sld [smem:$0x3FFE];
	_ =	sdelay $0x1  }
0x8a: {  	s1 =	srdreg.scid  }
0x8b: {  	s0 =	sand.u32 $0x1, s1  }
0x8c: {  	s14 =	sshll.u32 s0, $0xA;
	s2 =	sadd.s32 s3, s2  }
0x8d: {  	s2 =	sadd.s32 s2, s14  }
0x8e: {  	[smem:$0x3FBD] =	sst s2  }
0x8f: {  	_ = 	snop  }
0x90: {  	s2 =	sld [smem:$0x3FD0];
	_ =	sdelay $0x2  }
0x91: {  	s15 =	simm.s32 $0xA;
	s4 =	simm.s32 $0x10  }
0x92: {  	[smem:s4], [sflag:s15] =	dma.local [hbm:s2], $0x1  }
0x93: {  	_ =	swait.eq [sflag:s15], $0x1  }
0x94: {  	[sflag:s15] =	ssyncset.done $0x0  }
0x95: {  	[sflag:s15] =	ssyncadd.s32 $0xFFFFFFFF  }
0x96: {  	s16 =	sld [smem:$0x11];
	(tm) =	ssettm $0x1  }
0x97: {  	s17 =	sld [smem:$0x3FFB];
	_ =	sdelay $0x3  }
0x98: {  	_ =	strace s17  }
0x99: {  	s3 =	sld [smem:$0x3FFC];
	_ =	sdelay $0x3  }
0x9a: {  	_ =	strace s3  }
0x9b: {  	s3 =	sld [smem:$0x3FFD];
	_ =	sdelay $0x3  }
0x9c: {  	_ =	strace s3  }
0x9d: {  	_ =	strace $0x8FFFFFFF  }
0x9e: {  	s18 =	sld [smem:$0x3FDB];
	_ =	sdelay $0x1  }
0x9f: {  	s19 =	simm.s32 $_scs_section_size  }
0xa0: {  	s5 =	simm.s32 $_size__tile_overlayer_lowered;
	s6 =	simm.s32 $_tile_overlayer_lowered  }
0xa1: {  	s22 =	simm.s32 $0x1BFF;
	s21 =	sshll.u32 s6, $0x1;
	s3 =	sadd.s32 s19, s18  }
0xa2: {  	s7 =	simm.s32 $0x0;
	s20 =	sshll.u32 s5, $0x1;
	s5 =	sadd.s32 s21, s3  }
0xa3: {  	[timem:s7], [sflag:s22] =	dma.local [hbm:s5], s20  }
0xa4: {  	_ =	swait.ge [sflag:s22], s20  }
0xa5: {  	s4 =	ssub.s32 $0x0, s20;
	[sflag:s22] =	ssyncset.done $0x0  }
0xa6: {  	[sflag:s22] =	ssyncadd.s32 s4;
	_ =	sdelay $0x1  }
0xa7: {  	s23 =	simm.s32 $0x1B8B  }
0xa8: {  	_ =	swait.ge [sflag:s23], $0x1  }
0xa9: {  	[sflag:s23] =	ssyncset.done $0x0  }
0xaa: {  	s25 =	simm.s32 $0x1B8E;
	s24 =	sld [smem:$0x3FFE];
	[sflag:s23] =	ssyncadd.s32 $0xFFFFFFFF  }
0xab: {  	s26 =	simm.s32 $execute0_lowered;
	[smem:$0x3FD2] =	sst s25  }
0xac: {  	s5 =	sshll.u32 s26, $0x1;
	_ =	strace $0x80000046;
	[dreg:$0x1] =	wrdreg $0xFFFFFFFF  }
0xad: {  	s28 =	simm.s32 $_size_execute0_lowered;
	s3 =	sadd.s32 s3, s5;
	[dreg:$0x0] =	wrdreg $0x0  }
0xae: {  	s5 =	sshll.u32 s28, $0x1;
	[dreg:$0x2] =	wrdreg s3  }
0xaf: {  	[dreg:$0x3] =	wrdreg s5  }
0xb0: {  	[dreg:$0x4] =	wrdreg $0xC0  }
0xb1: {  	_ =	task [dreg:s7], $0x5FFFF  }
0xb2: {  	[dreg:$0x1] =	wrdreg $0xFFFFFFFF  }
0xb3: {  	[dreg:$0x0] =	wrdreg $0x60  }
0xb4: {  	[dreg:$0x2] =	wrdreg s24  }
0xb5: {  	[dreg:$0x3] =	wrdreg s16  }
0xb6: {  	[dreg:$0x4] =	wrdreg $0x9  }
0xb7: {  	_ =	task.clear_ibuf [dreg:s7], $0x5FFFF;
	_ =	strace $0x90000046  }
0xb8: {  	s29 =	simm.s32 $0x9;
	_ =	strace $0x80000048  }
0xb9: {  	_ =	swait.ge [sflag:s29], $0x1  }
0xba: {  	[sflag:s29] =	ssyncadd.s32 $0xFFFFFFFF  }
0xbb: {  	_ =	strace $0x90000048  }
0xbc: {  	_ =	sfence  }
0xbd: {  	s30 =	sld [smem:$0x0];
	_ =	sdelay $0x2  }
0xbe: {  	s31 =	sshll.u32 s1, $0xD;
	s1 =	sshrl.u32 s1, $0x2  }
0xbf: {  	s3 =	sand.u32 $0x4000, s31;
	s1 =	sadd.s32 s1, s30  }
0xc0: {  	s0 =	sor.u32 s3, s0;
	s1 =	sshll.u32 s1, $0x11  }
0xc1: {  	s0 =	sor.u32 s1, s0  }
0xc2: {  	s0 =	sadd.s32 $0x8F2B, s0  }
0xc3: {  	[sflag:s0] =	ssyncadd.remote.s32 $0x1  }
0xc4: {  	_ =	sfence.sel $0xFFFF  }
0xc5: {  	[dreg:$0x0] =	wrdreg $0xFFFFFFFF;
	(pc) =	sbr.abs _section_cstart, $3  }
0xc6: {  	[dreg:$0x1] =	wrdreg $0xFFFFFFFF  }
0xc7: {  	_ =	task.clear_ibuf [dreg:s7], $0x2FFFF;
	_ =	strace $0x9FFFFFFF  }
0xc8: {  	(tm) =	ssettm $0x7FFFFFFF  }
0xc9: {  	_ =	shalt  }
tec
execute0_lowered:
.L_overlay_start_1:
0x0: {  	(tag) =	ssettag $0x1  }
0x1: {  	s0 =	rddreg [dreg:$0x0]  }
0x2: {  	s2 =	rddreg [dreg:$0x1]  }
0x3: {  	s3 =	simm.s32 $0x0;
	s1 =	srdreg.scid;
	s8 =	stileid.u32  }
0x4: {  	s28 =	simm.s32 $0x4;
	s29 =	simm.s32 $0x8;
	s30 =	simm.s32 $0x2  }
0x5: {  	s31 =	simm.s32 $0x5;
	[smem:$0x7FF] =	sst s3;
	s1 =	sand.u32 $0x1, s1  }
0x6: {  	s5 =	sshll.u32 s8, $0x1;
	s4 =	sadd.s32 $0xC200, s0;
	s10 =	sadd.s32 $0xF27600, s0  }
0x7: {  	s9 =	sadd.s32 $0x81600, s0;
	s8 =	smul.u32 $0x4E20, s8;
	_ =	strace $0x80000047  }
0x8: {  	s6 =	sor.u32 s1, s5;
	s7 =	ssub.s32 $0x2, s1;
	s1 =	smul.u32 $0x2710, s1  }
0x9: {  	s5 =	sadd.s32 $0x2400, s0;
	s6 =	smul.u32 $0x2710, s6;
	s11 =	sshrl.u32 s7, $0x1  }
0xa: {  	s11 =	ssub.s32 s7, s11;
	s7 =	sadd.s32 $0xC300, s0;
	s1 =	sadd.s32 s1, s8  }
0xb: {  	s8 =	sadd.s32 $0x100, s2;
	s12 =	sshrl.u32 s6, $0x3;
	s6 =	sadd.s32 $0x28, s6  }
0xc: {  	s19 =	sadd.s32 $0x28, s1;
	s20 =	smax.u32 s11, $0x1;
	s21 =	sadd.s32 $0xA0, s1  }
0xd: {  	s22 =	sshrl.u32 s1, $0x3;
	s23 =	sadd.s32 $0x50, s1;
	s25 =	sadd.s32 $0x78, s1  }
0xe: {  	s1 =	simm.s32 $0x3;
	s17 =	sadd.s32 s5, s12;
	s18 =	sshrl.u32 s6, $0x3  }
0xf: {  	[dreg:$0x5] =	wrdreg s20;
	s6 =	sshrl.u32 s21, $0x3;
	s11 =	smul.u32 $0x180, s22  }
0x10: {  	s14 =	sshrl.u32 s23, $0x3;
	[dreg:$0x7] =	wrdreg s25;
	s20 =	simm.s32 $0x7  }
0x11: {  	s21 =	simm.s32 $0x200;
	[dreg:$0x3] =	wrdreg s17;
	s0 =	sadd.s32 s5, s18  }
0x12: {  	s6 =	sadd.s32 s6, s5;
	s24 =	smul.u32 $0x180, s14;
	s26 =	sadd.s32 s14, s5  }
0x13: {  	s14 =	simm.s32 $0x0;
	[dreg:$0x4] =	wrdreg s0;
	s0 =	sshrl.u32 s19, $0x3  }
.Ltmp0:
0x14: {  	[dreg:$0x6] =	wrdreg s6;
	s15 =	sadd.s32 s11, s9;
	(pc) =	sbr.rel .LBB2_1-.Ltmp0, $4  }
0x15: {  	s16 =	sadd.s32 s11, s10;
	[dreg:$0x8] =	wrdreg s26;
	s0 =	smul.u32 $0x180, s0  }
0x16: {  	v2 =	vlaneseq.u32;
	s26 =	simm.s32 $0x1;
	s6 =	simm.s32 $0x6;
	s17 =	sadd.s32 s24, s9  }
0x17: {  	vm0 =	vmmov $0xffff;
	vm1 =	vmmov $0xff;
	v1 =	vshrl.u32 v2, $0x3;
	s18 =	sadd.s32 s24, s10;
	s12 =	sadd.s32 s0, s9;
	s13 =	sadd.s32 s0, s10  }
0x18: {  	v0 =	vand.u32 $0x7, v2;
	v2 =	vor.u32 $0x8, v2;
	v1 =	vmul.u32 $0x8, v1;
	s0 =	simm.s32 $0xB600;
	s9 =	simm.s32 $0x7A00;
	s10 =	simm.s32 $0x12E00  }
.LBB2_8:
0x19: {  	s14 =	rddreg [dreg:$0x9]  }
0x1a: {  	s11 =	rddreg [dreg:$0x5];
	s14 =	sadd.s32 $0x1, s14  }
0x1b: {  	p0 =	sne.s32 s14, s11  }
.Ltmp1:
0x1c: {  	_ = 	snop;
	(pc) =	sbr.rel @!p0 .LBB2_9-.Ltmp1, $1  }
0x1d: {  	_ =	sdelay $0x3  }
.LBB2_1:
0x1e: {  	[dreg:$0x9] =	wrdreg s14  }
0x1f: {  	s11 =	rddreg [dreg:$0x3]  }
0x20: {  	[tilespmem:s3], [sflag:$0x7] =	stream.linear.gather [hbm4b:s11+s3], $0x28, $0x38;
	[tilespmem:$0x16A00] =	vst v63  }
0x21: {  	_ =	swait.ge [sflag:s20], $0x28  }
0x22: {  	[sflag:s20] =	ssyncset.done $0x0  }
0x23: {  	[sflag:s20] =	ssyncadd.s32 $0xFFFFFFD8  }
0x24: {  	v3 =	vld [tilespmem:$0x0];
	_ =	sdelay $0x4  }
0x25: {  	v4 =	vshrl.u32 v3, $0x3  }
0x26: {  	v4 =	vmul.u32 $0x18, v4  }
0x27: {  	v3 =	vand.u32 $0x7, v3  }
0x28: {  	v3 =	vor.u32 v3, v4  }
0x29: {  	v4 =	vperm.xlane v3, v0;
	_ =	sdelay $0x1  }
0x2a: {  	v4 =	vadd.s32 v1, v4;
	_ =	sdelay $0x1  }
0x2b: {  	v3 =	vperm.xlane v3, v2;
	_ =	sdelay $0x1  }
0x2c: {  	v3 =	vadd.s32 v1, v3  }
0x2d: {  	[tilespmem:s21], [sflag:$0x1] =	stream.indirect_vreg.gather [hbm4b:s4+s3], $0x80, v4, vm0, $0xb8;
	[tilespmem:$0x16A00] =	vst v63  }
0x2e: {  	s22 =	simm.s32 $0xA00  }
0x2f: {  	[tilespmem:s22], [sflag:$0x1] =	stream.indirect_vreg.gather [hbm4b:s7+s3], $0x80, v4, vm1, $0xb8;
	[tilespmem:$0x16A00] =	vst v63  }
0x30: {  	s23 =	simm.s32 $0xE00  }
0x31: {  	[tilespmem:s23], [sflag:$0x1] =	stream.indirect_vreg.gather [hbm4b:s4+s3], $0x80, v3, vm0, $0xb8;
	[tilespmem:$0x16A00] =	vst v63  }
0x32: {  	s24 =	simm.s32 $0x1600  }
0x33: {  	[tilespmem:s24], [sflag:$0x1] =	stream.indirect_vreg.gather [hbm4b:s7+s3], $0x80, v3, vm1, $0xb8;
	[tilespmem:$0x16A00] =	vst v63  }
0x34: {  	v3 =	vld [tilespmem:$0x10];
	_ =	sdelay $0x4  }
0x35: {  	v53 =	vshrl.u32 v3, $0x3  }
0x36: {  	v4 =	vmul.u32 $0x18, v53  }
0x37: {  	v3 =	vand.u32 $0x7, v3  }
0x38: {  	v3 =	vor.u32 v3, v4  }
0x39: {  	v4 =	vperm.xlane v3, v0;
	_ =	sdelay $0x1  }
0x3a: {  	v4 =	vadd.s32 v1, v4;
	_ =	sdelay $0x1  }
0x3b: {  	v3 =	vperm.xlane v3, v2;
	_ =	sdelay $0x1  }
0x3c: {  	s25 =	simm.s32 $0x1A00;
	v3 =	vadd.s32 v1, v3  }
0x3d: {  	[tilespmem:s25], [sflag:$0x1] =	stream.indirect_vreg.gather [hbm4b:s4+s3], $0x80, v4, vm0, $0xb8;
	[tilespmem:$0x16A00] =	vst v63  }
0x3e: {  	s14 =	simm.s32 $0x2200  }
0x3f: {  	[tilespmem:s14], [sflag:$0x1] =	stream.indirect_vreg.gather [hbm4b:s7+s3], $0x80, v4, vm1, $0xb8;
	[tilespmem:$0x16A00] =	vst v63  }
0x40: {  	s19 =	simm.s32 $0x2600  }
0x41: {  	[tilespmem:s19], [sflag:$0x1] =	stream.indirect_vreg.gather [hbm4b:s4+s3], $0x80, v3, vm0, $0xb8;
	[tilespmem:$0x16A00] =	vst v63  }
0x42: {  	s22 =	simm.s32 $0x2E00  }
0x43: {  	[tilespmem:s22], [sflag:$0x1] =	stream.indirect_vreg.gather [hbm4b:s7+s3], $0x80, v3, vm1, $0xb8;
	[tilespmem:$0x16A00] =	vst v63  }
0x44: {  	v3 =	vld.msk [tilespmem:$0x20], $0xff;
	_ =	sdelay $0x4  }
0x45: {  	v54 =	vshrl.u32 v3, $0x3  }
0x46: {  	v4 =	vmul.u32 $0x18, v54  }
0x47: {  	v3 =	vand.u32 $0x7, v3  }
0x48: {  	v3 =	vor.u32 v3, v4  }
0x49: {  	v3 =	vperm.xlane v3, v0;
	_ =	sdelay $0x1  }
0x4a: {  	v3 =	vadd.s32 v1, v3;
	_ =	sdelay $0x3  }
0x4b: {  	s23 =	simm.s32 $0x3200  }
0x4c: {  	[tilespmem:s23], [sflag:$0x1] =	stream.indirect_vreg.gather [hbm4b:s4+s3], $0x80, v3, vm0, $0xb8;
	[tilespmem:$0x16A00] =	vst v63  }
0x4d: {  	s24 =	simm.s32 $0x3A00  }
0x4e: {  	[tilespmem:s24], [sflag:$0x1] =	stream.indirect_vreg.gather [hbm4b:s7+s3], $0x80, v3, vm1, $0xb8;
	[tilespmem:$0x16A00] =	vst v63  }
0x4f: {  	v3 =	vld [tilespmem:$0x0];
	_ =	sdelay $0x4  }
0x50: {  	v55 =	vshrl.u32 v3, $0x3  }
0x51: {  	v4 =	vmul.u32 $0x18, v55  }
0x52: {  	v3 =	vand.u32 $0x7, v3  }
0x53: {  	v3 =	vor.u32 v3, v4  }
0x54: {  	v4 =	vperm.xlane v3, v0;
	_ =	sdelay $0x1  }
0x55: {  	v4 =	vadd.s32 v1, v4;
	_ =	sdelay $0x1  }
0x56: {  	v3 =	vperm.xlane v3, v2;
	_ =	sdelay $0x1  }
0x57: {  	v3 =	vadd.s32 v1, v3  }
0x58: {  	[tilespmem:s0], [sflag:$0x4] =	stream.indirect_vreg.gather [hbm4b:s2+s3], $0x80, v4, vm0, $0xb8;
	[tilespmem:$0x16A00] =	vst v63  }
0x59: {  	s25 =	simm.s32 $0xBE00  }
0x5a: {  	[tilespmem:s25], [sflag:$0x4] =	stream.indirect_vreg.gather [hbm4b:s8+s3], $0x80, v4, vm1, $0xb8;
	[tilespmem:$0x16A00] =	vst v63  }
0x5b: {  	s14 =	simm.s32 $0xC200  }
0x5c: {  	[tilespmem:s14], [sflag:$0x4] =	stream.indirect_vreg.gather [hbm4b:s2+s3], $0x80, v3, vm0, $0xb8;
	[tilespmem:$0x16A00] =	vst v63  }
0x5d: {  	s19 =	simm.s32 $0xCA00  }
0x5e: {  	[tilespmem:s19], [sflag:$0x4] =	stream.indirect_vreg.gather [hbm4b:s8+s3], $0x80, v3, vm1, $0xb8;
	[tilespmem:$0x16A00] =	vst v63  }
0x5f: {  	v3 =	vld [tilespmem:$0x10];
	_ =	sdelay $0x4  }
0x60: {  	v56 =	vshrl.u32 v3, $0x3  }
0x61: {  	v4 =	vmul.u32 $0x18, v56  }
0x62: {  	v3 =	vand.u32 $0x7, v3  }
0x63: {  	v3 =	vor.u32 v3, v4  }
0x64: {  	v4 =	vperm.xlane v3, v0;
	_ =	sdelay $0x1  }
0x65: {  	v4 =	vadd.s32 v1, v4;
	_ =	sdelay $0x1  }
0x66: {  	v3 =	vperm.xlane v3, v2;
	_ =	sdelay $0x1  }
0x67: {  	s22 =	simm.s32 $0xCE00;
	v3 =	vadd.s32 v1, v3  }
0x68: {  	[tilespmem:s22], [sflag:$0x4] =	stream.indirect_vreg.gather [hbm4b:s2+s3], $0x80, v4, vm0, $0xb8;
	[tilespmem:$0x16A00] =	vst v63  }
0x69: {  	s23 =	simm.s32 $0xD600  }
0x6a: {  	[tilespmem:s23], [sflag:$0x4] =	stream.indirect_vreg.gather [hbm4b:s8+s3], $0x80, v4, vm1, $0xb8;
	[tilespmem:$0x16A00] =	vst v63  }
0x6b: {  	s24 =	simm.s32 $0xDA00  }
0x6c: {  	[tilespmem:s24], [sflag:$0x4] =	stream.indirect_vreg.gather [hbm4b:s2+s3], $0x80, v3, vm0, $0xb8;
	[tilespmem:$0x16A00] =	vst v63  }
0x6d: {  	s25 =	simm.s32 $0xE200  }
0x6e: {  	[tilespmem:s25], [sflag:$0x4] =	stream.indirect_vreg.gather [hbm4b:s8+s3], $0x80, v3, vm1, $0xb8;
	[tilespmem:$0x16A00] =	vst v63  }
0x6f: {  	v3 =	vld.msk [tilespmem:$0x20], $0xff;
	_ =	sdelay $0x4  }
0x70: {  	v57 =	vshrl.u32 v3, $0x3  }
0x71: {  	v4 =	vmul.u32 $0x18, v57  }
0x72: {  	v3 =	vand.u32 $0x7, v3  }
0x73: {  	v3 =	vor.u32 v3, v4  }
0x74: {  	v3 =	vperm.xlane v3, v0;
	_ =	sdelay $0x1  }
0x75: {  	v3 =	vadd.s32 v1, v3;
	_ =	sdelay $0x3  }
0x76: {  	s14 =	simm.s32 $0xE600  }
0x77: {  	[tilespmem:s14], [sflag:$0x4] =	stream.indirect_vreg.gather [hbm4b:s2+s3], $0x80, v3, vm0, $0xb8;
	[tilespmem:$0x16A00] =	vst v63  }
0x78: {  	s19 =	simm.s32 $0xEE00  }
0x79: {  	[tilespmem:s19], [sflag:$0x4] =	stream.indirect_vreg.gather [hbm4b:s8+s3], $0x80, v3, vm1, $0xb8;
	[tilespmem:$0x16A00] =	vst v63  }
0x7a: {  	s22 =	rddreg [dreg:$0x4];
	s23 =	simm.s32 $0x80  }
0x7b: {  	[tilespmem:s23], [sflag:$0x7] =	stream.linear.gather [hbm4b:s22+s3], $0x28, $0x38;
	[tilespmem:$0x16A00] =	vst v63  }
0x7c: {  	_ =	swait.ge [sflag:s20], $0x28  }
0x7d: {  	[sflag:s20] =	ssyncset.done $0x0  }
0x7e: {  	[sflag:s20] =	ssyncadd.s32 $0xFFFFFFD8  }
0x7f: {  	v3 =	vld [tilespmem:$0x80];
	_ =	sdelay $0x4  }
0x80: {  	v58 =	vshrl.u32 v3, $0x3  }
0x81: {  	v4 =	vmul.u32 $0x18, v58  }
0x82: {  	v3 =	vand.u32 $0x7, v3  }
0x83: {  	v3 =	vor.u32 v3, v4  }
0x84: {  	v4 =	vperm.xlane v3, v0;
	_ =	sdelay $0x1  }
0x85: {  	v4 =	vadd.s32 v1, v4;
	_ =	sdelay $0x1  }
0x86: {  	v3 =	vperm.xlane v3, v2;
	_ =	sdelay $0x1  }
0x87: {  	s24 =	simm.s32 $0x3E00;
	v3 =	vadd.s32 v1, v3  }
0x88: {  	[tilespmem:s24], [sflag:$0x2] =	stream.indirect_vreg.gather [hbm4b:s4+s3], $0x80, v4, vm0, $0xb8;
	[tilespmem:$0x16A00] =	vst v63  }
0x89: {  	s25 =	simm.s32 $0x4600  }
0x8a: {  	[tilespmem:s25], [sflag:$0x2] =	stream.indirect_vreg.gather [hbm4b:s7+s3], $0x80, v4, vm1, $0xb8;
	[tilespmem:$0x16A00] =	vst v63  }
0x8b: {  	s14 =	simm.s32 $0x4A00  }
0x8c: {  	[tilespmem:s14], [sflag:$0x2] =	stream.indirect_vreg.gather [hbm4b:s4+s3], $0x80, v3, vm0, $0xb8;
	[tilespmem:$0x16A00] =	vst v63  }
0x8d: {  	s19 =	simm.s32 $0x5200  }
0x8e: {  	[tilespmem:s19], [sflag:$0x2] =	stream.indirect_vreg.gather [hbm4b:s7+s3], $0x80, v3, vm1, $0xb8;
	[tilespmem:$0x16A00] =	vst v63  }
0x8f: {  	v3 =	vld [tilespmem:$0x90];
	_ =	sdelay $0x4  }
0x90: {  	v59 =	vshrl.u32 v3, $0x3  }
0x91: {  	v4 =	vmul.u32 $0x18, v59  }
0x92: {  	v3 =	vand.u32 $0x7, v3  }
0x93: {  	v3 =	vor.u32 v3, v4  }
0x94: {  	v4 =	vperm.xlane v3, v0;
	_ =	sdelay $0x1  }
0x95: {  	v4 =	vadd.s32 v1, v4;
	_ =	sdelay $0x1  }
0x96: {  	v3 =	vperm.xlane v3, v2;
	_ =	sdelay $0x1  }
0x97: {  	s22 =	simm.s32 $0x5600;
	v3 =	vadd.s32 v1, v3  }
0x98: {  	[tilespmem:s22], [sflag:$0x2] =	stream.indirect_vreg.gather [hbm4b:s4+s3], $0x80, v4, vm0, $0xb8;
	[tilespmem:$0x16A00] =	vst v63  }
0x99: {  	s23 =	simm.s32 $0x5E00  }
0x9a: {  	[tilespmem:s23], [sflag:$0x2] =	stream.indirect_vreg.gather [hbm4b:s7+s3], $0x80, v4, vm1, $0xb8;
	[tilespmem:$0x16A00] =	vst v63  }
0x9b: {  	s24 =	simm.s32 $0x6200  }
0x9c: {  	[tilespmem:s24], [sflag:$0x2] =	stream.indirect_vreg.gather [hbm4b:s4+s3], $0x80, v3, vm0, $0xb8;
	[tilespmem:$0x16A00] =	vst v63  }
0x9d: {  	s25 =	simm.s32 $0x6A00  }
0x9e: {  	[tilespmem:s25], [sflag:$0x2] =	stream.indirect_vreg.gather [hbm4b:s7+s3], $0x80, v3, vm1, $0xb8;
	[tilespmem:$0x16A00] =	vst v63  }
0x9f: {  	v3 =	vld.msk [tilespmem:$0xA0], $0xff;
	_ =	sdelay $0x4  }
0xa0: {  	v60 =	vshrl.u32 v3, $0x3  }
0xa1: {  	v4 =	vmul.u32 $0x18, v60  }
0xa2: {  	v3 =	vand.u32 $0x7, v3  }
0xa3: {  	v3 =	vor.u32 v3, v4  }
0xa4: {  	v3 =	vperm.xlane v3, v0;
	_ =	sdelay $0x1  }
0xa5: {  	v3 =	vadd.s32 v1, v3;
	_ =	sdelay $0x3  }
0xa6: {  	s14 =	simm.s32 $0x6E00  }
0xa7: {  	[tilespmem:s14], [sflag:$0x2] =	stream.indirect_vreg.gather [hbm4b:s4+s3], $0x80, v3, vm0, $0xb8;
	[tilespmem:$0x16A00] =	vst v63  }
0xa8: {  	s19 =	simm.s32 $0x7600  }
0xa9: {  	[tilespmem:s19], [sflag:$0x2] =	stream.indirect_vreg.gather [hbm4b:s7+s3], $0x80, v3, vm1, $0xb8;
	[tilespmem:$0x16A00] =	vst v63  }
0xaa: {  	v3 =	vld [tilespmem:$0x80];
	_ =	sdelay $0x4  }
0xab: {  	v61 =	vshrl.u32 v3, $0x3  }
0xac: {  	v4 =	vmul.u32 $0x18, v61  }
0xad: {  	v3 =	vand.u32 $0x7, v3  }
0xae: {  	v3 =	vor.u32 v3, v4  }
0xaf: {  	v4 =	vperm.xlane v3, v0;
	_ =	sdelay $0x1  }
0xb0: {  	v4 =	vadd.s32 v1, v4;
	_ =	sdelay $0x1  }
0xb1: {  	v3 =	vperm.xlane v3, v2;
	_ =	sdelay $0x1  }
0xb2: {  	s22 =	simm.s32 $0xF200;
	v3 =	vadd.s32 v1, v3  }
0xb3: {  	[tilespmem:s22], [sflag:$0x5] =	stream.indirect_vreg.gather [hbm4b:s2+s3], $0x80, v4, vm0, $0xb8;
	[tilespmem:$0x16A00] =	vst v63  }
0xb4: {  	s23 =	simm.s32 $0xFA00  }
0xb5: {  	[tilespmem:s23], [sflag:$0x5] =	stream.indirect_vreg.gather [hbm4b:s8+s3], $0x80, v4, vm1, $0xb8;
	[tilespmem:$0x16A00] =	vst v63  }
0xb6: {  	s24 =	simm.s32 $0xFE00  }
0xb7: {  	[tilespmem:s24], [sflag:$0x5] =	stream.indirect_vreg.gather [hbm4b:s2+s3], $0x80, v3, vm0, $0xb8;
	[tilespmem:$0x16A00] =	vst v63  }
0xb8: {  	s25 =	simm.s32 $0x10600  }
0xb9: {  	[tilespmem:s25], [sflag:$0x5] =	stream.indirect_vreg.gather [hbm4b:s8+s3], $0x80, v3, vm1, $0xb8;
	[tilespmem:$0x16A00] =	vst v63  }
0xba: {  	v3 =	vld [tilespmem:$0x90];
	_ =	sdelay $0x4  }
0xbb: {  	v62 =	vshrl.u32 v3, $0x3  }
0xbc: {  	v4 =	vmul.u32 $0x18, v62  }
0xbd: {  	v3 =	vand.u32 $0x7, v3  }
0xbe: {  	v3 =	vor.u32 v3, v4  }
0xbf: {  	v4 =	vperm.xlane v3, v0;
	_ =	sdelay $0x1  }
0xc0: {  	v4 =	vadd.s32 v1, v4;
	_ =	sdelay $0x1  }
0xc1: {  	v3 =	vperm.xlane v3, v2;
	_ =	sdelay $0x1  }
0xc2: {  	s14 =	simm.s32 $0x10A00;
	v3 =	vadd.s32 v1, v3  }
0xc3: {  	[tilespmem:s14], [sflag:$0x5] =	stream.indirect_vreg.gather [hbm4b:s2+s3], $0x80, v4, vm0, $0xb8;
	[tilespmem:$0x16A00] =	vst v63  }
0xc4: {  	s19 =	simm.s32 $0x11200  }
0xc5: {  	[tilespmem:s19], [sflag:$0x5] =	stream.indirect_vreg.gather [hbm4b:s8+s3], $0x80, v4, vm1, $0xb8;
	[tilespmem:$0x16A00] =	vst v63  }
0xc6: {  	s22 =	simm.s32 $0x11600  }
0xc7: {  	[tilespmem:s22], [sflag:$0x5] =	stream.indirect_vreg.gather [hbm4b:s2+s3], $0x80, v3, vm0, $0xb8;
	[tilespmem:$0x16A00] =	vst v63  }
0xc8: {  	s23 =	simm.s32 $0x11E00  }
0xc9: {  	[tilespmem:s23], [sflag:$0x5] =	stream.indirect_vreg.gather [hbm4b:s8+s3], $0x80, v3, vm1, $0xb8;
	[tilespmem:$0x16A00] =	vst v63  }
0xca: {  	v3 =	vld.msk [tilespmem:$0xA0], $0xff;
	_ =	sdelay $0x4  }
0xcb: {  	v63 =	vshrl.u32 v3, $0x3  }
0xcc: {  	v4 =	vmul.u32 $0x18, v63  }
0xcd: {  	v3 =	vand.u32 $0x7, v3  }
0xce: {  	v3 =	vor.u32 v3, v4  }
0xcf: {  	v3 =	vperm.xlane v3, v0;
	_ =	sdelay $0x1  }
0xd0: {  	v3 =	vadd.s32 v1, v3;
	_ =	sdelay $0x2  }
.Ltmp2:
0xd1: {  	s11 =	rddreg [dreg:$0x8];
	(pc) =	sbr.rel .LBB2_2-.Ltmp2, $4  }
0xd2: {  	s24 =	simm.s32 $0x12200;
	s25 =	simm.s32 $0x12A00;
	s14 =	rddreg [dreg:$0x7]  }
0xd3: {  	[tilespmem:s24], [sflag:$0x5] =	stream.indirect_vreg.gather [hbm4b:s2+s3], $0x80, v3, vm0, $0xb8;
	[tilespmem:$0x16A00] =	vst v63  }
0xd4: {  	s19 =	rddreg [dreg:$0x6];
	s22 =	simm.s32 $0x0;
	s23 =	simm.s32 $0x0  }
0xd5: {  	[tilespmem:s25], [sflag:$0x5] =	stream.indirect_vreg.gather [hbm4b:s8+s3], $0x80, v3, vm1, $0xb8;
	[tilespmem:$0x16A00] =	vst v63  }
.LBB2_7:
0xd6: {  	_ =	swait.ge [sflag:s1], $0x3C00  }
0xd7: {  	[sflag:s1] =	ssyncset.done $0x0  }
0xd8: {  	[sflag:s1] =	ssyncadd.s32 $0xFFFFC400  }
0xd9: {  	_ =	swait.ge [sflag:s6], $0x3C00  }
0xda: {  	[sflag:s6] =	ssyncset.done $0x0  }
0xdb: {  	s24 =	sadd.s32 s22, s17;
	[sflag:s6] =	ssyncadd.s32 $0xFFFFC400  }
0xdc: {  	[hbm4b:s24+s3] =	stream.linear.scatter [tilespmem:s9], [sflag:$0x8], $0x3C00, $0x38;
	[tilespmem:$0x16A00] =	vst v63  }
0xdd: {  	s25 =	sadd.s32 s22, s18;
	s22 =	sadd.s32 $0x1680, s22;
	_ =	swait.ge [sflag:s29], $0x3C00  }
0xde: {  	p0 =	sne.s32 s22, $0x76200;
	[sflag:s29] =	ssyncset.done $0x0  }
.Ltmp3:
0xdf: {  	[sflag:s29] =	ssyncadd.s32 $0xFFFFC400;
	(pc) =	sbr.rel @!p0 .LBB2_8-.Ltmp3, $4  }
0xe0: {  	[hbm4b:s25+s3] =	stream.linear.scatter [tilespmem:s10], [sflag:$0x7], $0x3C00, $0x38;
	[tilespmem:$0x16A00] =	vst v63  }
0xe1: {  	_ =	swait.ge [sflag:s20], $0x3C00  }
0xe2: {  	s23 =	sadd.s32 $0x1, s23;
	s19 =	sadd.s32 $0xF, s19;
	[sflag:s20] =	ssyncset.done $0x0  }
0xe3: {  	s14 =	sadd.s32 $0x78, s14;
	s11 =	sadd.s32 $0xF, s11;
	[sflag:s20] =	ssyncadd.s32 $0xFFFFC400  }
.LBB2_2:
0xe4: {  	p0 =	seq.s32 s22, $0x74B80  }
.Ltmp4:
0xe5: {  	_ = 	snop;
	(pc) =	sbr.rel @p0 .LBB2_4-.Ltmp4, $1  }
0xe6: {  	_ =	sdelay $0x3  }
0xe7: {  	s24 =	simm.s32 $0x100  }
0xe8: {  	[tilespmem:s24], [sflag:$0x8] =	stream.linear.gather [hbm4b:s11+s3], $0x28, $0x38;
	[tilespmem:$0x16A00] =	vst v63  }
0xe9: {  	_ =	swait.ge [sflag:s29], $0x28  }
0xea: {  	[sflag:s29] =	ssyncset.done $0x0  }
0xeb: {  	[sflag:s29] =	ssyncadd.s32 $0xFFFFFFD8  }
0xec: {  	v3 =	vld [tilespmem:$0x100];
	_ =	sdelay $0x4  }
0xed: {  	v4 =	vshrl.u32 v3, $0x3  }
0xee: {  	v4 =	vmul.u32 $0x18, v4  }
0xef: {  	v3 =	vand.u32 $0x7, v3  }
0xf0: {  	v3 =	vor.u32 v3, v4  }
0xf1: {  	v4 =	vperm.xlane v3, v0;
	_ =	sdelay $0x1  }
0xf2: {  	v4 =	vadd.s32 v1, v4;
	_ =	sdelay $0x1  }
0xf3: {  	v3 =	vperm.xlane v3, v2;
	_ =	sdelay $0x1  }
0xf4: {  	v3 =	vadd.s32 v1, v3  }
0xf5: {  	[tilespmem:s9], [sflag:$0x3] =	stream.indirect_vreg.gather [hbm4b:s4+s3], $0x80, v4, vm0, $0xb8;
	[tilespmem:$0x16A00] =	vst v63  }
0xf6: {  	s25 =	simm.s32 $0x8200  }
0xf7: {  	[tilespmem:s25], [sflag:$0x3] =	stream.indirect_vreg.gather [hbm4b:s7+s3], $0x80, v4, vm1, $0xb8;
	[tilespmem:$0x16A00] =	vst v63  }
0xf8: {  	s25 =	simm.s32 $0x8600  }
0xf9: {  	[tilespmem:s25], [sflag:$0x3] =	stream.indirect_vreg.gather [hbm4b:s4+s3], $0x80, v3, vm0, $0xb8;
	[tilespmem:$0x16A00] =	vst v63  }
0xfa: {  	s25 =	simm.s32 $0x8E00  }
0xfb: {  	[tilespmem:s25], [sflag:$0x3] =	stream.indirect_vreg.gather [hbm4b:s7+s3], $0x80, v3, vm1, $0xb8;
	[tilespmem:$0x16A00] =	vst v63  }
0xfc: {  	v3 =	vld [tilespmem:$0x110];
	_ =	sdelay $0x4  }
0xfd: {  	v59 =	vshrl.u32 v3, $0x3  }
0xfe: {  	v4 =	vmul.u32 $0x18, v59  }
0xff: {  	v3 =	vand.u32 $0x7, v3  }
0x100: {  	v3 =	vor.u32 v3, v4  }
0x101: {  	v4 =	vperm.xlane v3, v0;
	_ =	sdelay $0x1  }
0x102: {  	v4 =	vadd.s32 v1, v4;
	_ =	sdelay $0x1  }
0x103: {  	v3 =	vperm.xlane v3, v2;
	_ =	sdelay $0x1  }
0x104: {  	s25 =	simm.s32 $0x9200;
	v3 =	vadd.s32 v1, v3  }
0x105: {  	[tilespmem:s25], [sflag:$0x3] =	stream.indirect_vreg.gather [hbm4b:s4+s3], $0x80, v4, vm0, $0xb8;
	[tilespmem:$0x16A00] =	vst v63  }
0x106: {  	s25 =	simm.s32 $0x9A00  }
0x107: {  	[tilespmem:s25], [sflag:$0x3] =	stream.indirect_vreg.gather [hbm4b:s7+s3], $0x80, v4, vm1, $0xb8;
	[tilespmem:$0x16A00] =	vst v63  }
0x108: {  	s25 =	simm.s32 $0x9E00  }
0x109: {  	[tilespmem:s25], [sflag:$0x3] =	stream.indirect_vreg.gather [hbm4b:s4+s3], $0x80, v3, vm0, $0xb8;
	[tilespmem:$0x16A00] =	vst v63  }
0x10a: {  	s25 =	simm.s32 $0xA600  }
0x10b: {  	[tilespmem:s25], [sflag:$0x3] =	stream.indirect_vreg.gather [hbm4b:s7+s3], $0x80, v3, vm1, $0xb8;
	[tilespmem:$0x16A00] =	vst v63  }
0x10c: {  	v3 =	vld.msk [tilespmem:$0x120], $0xff;
	_ =	sdelay $0x4  }
0x10d: {  	v60 =	vshrl.u32 v3, $0x3  }
0x10e: {  	v4 =	vmul.u32 $0x18, v60  }
0x10f: {  	v3 =	vand.u32 $0x7, v3  }
0x110: {  	v3 =	vor.u32 v3, v4  }
0x111: {  	v3 =	vperm.xlane v3, v0;
	_ =	sdelay $0x1  }
0x112: {  	v3 =	vadd.s32 v1, v3;
	_ =	sdelay $0x3  }
0x113: {  	s25 =	simm.s32 $0xAA00  }
0x114: {  	[tilespmem:s25], [sflag:$0x3] =	stream.indirect_vreg.gather [hbm4b:s4+s3], $0x80, v3, vm0, $0xb8;
	[tilespmem:$0x16A00] =	vst v63  }
0x115: {  	s25 =	simm.s32 $0xB200  }
0x116: {  	[tilespmem:s25], [sflag:$0x3] =	stream.indirect_vreg.gather [hbm4b:s7+s3], $0x80, v3, vm1, $0xb8;
	[tilespmem:$0x16A00] =	vst v63  }
0x117: {  	v3 =	vld [tilespmem:$0x100];
	_ =	sdelay $0x4  }
0x118: {  	v61 =	vshrl.u32 v3, $0x3  }
0x119: {  	v4 =	vmul.u32 $0x18, v61  }
0x11a: {  	v3 =	vand.u32 $0x7, v3  }
0x11b: {  	v3 =	vor.u32 v3, v4  }
0x11c: {  	v4 =	vperm.xlane v3, v0;
	_ =	sdelay $0x1  }
0x11d: {  	v4 =	vadd.s32 v1, v4;
	_ =	sdelay $0x1  }
0x11e: {  	v3 =	vperm.xlane v3, v2;
	_ =	sdelay $0x1  }
0x11f: {  	v3 =	vadd.s32 v1, v3  }
0x120: {  	[tilespmem:s10], [sflag:$0x6] =	stream.indirect_vreg.gather [hbm4b:s2+s3], $0x80, v4, vm0, $0xb8;
	[tilespmem:$0x16A00] =	vst v63  }
0x121: {  	s25 =	simm.s32 $0x13600  }
0x122: {  	[tilespmem:s25], [sflag:$0x6] =	stream.indirect_vreg.gather [hbm4b:s8+s3], $0x80, v4, vm1, $0xb8;
	[tilespmem:$0x16A00] =	vst v63  }
0x123: {  	s25 =	simm.s32 $0x13A00  }
0x124: {  	[tilespmem:s25], [sflag:$0x6] =	stream.indirect_vreg.gather [hbm4b:s2+s3], $0x80, v3, vm0, $0xb8;
	[tilespmem:$0x16A00] =	vst v63  }
0x125: {  	s25 =	simm.s32 $0x14200  }
0x126: {  	[tilespmem:s25], [sflag:$0x6] =	stream.indirect_vreg.gather [hbm4b:s8+s3], $0x80, v3, vm1, $0xb8;
	[tilespmem:$0x16A00] =	vst v63  }
0x127: {  	v3 =	vld [tilespmem:$0x110];
	_ =	sdelay $0x4  }
0x128: {  	v62 =	vshrl.u32 v3, $0x3  }
0x129: {  	v4 =	vmul.u32 $0x18, v62  }
0x12a: {  	v3 =	vand.u32 $0x7, v3  }
0x12b: {  	v3 =	vor.u32 v3, v4  }
0x12c: {  	v4 =	vperm.xlane v3, v0;
	_ =	sdelay $0x1  }
0x12d: {  	v4 =	vadd.s32 v1, v4;
	_ =	sdelay $0x1  }
0x12e: {  	v3 =	vperm.xlane v3, v2;
	_ =	sdelay $0x1  }
0x12f: {  	s25 =	simm.s32 $0x14600;
	v3 =	vadd.s32 v1, v3  }
0x130: {  	[tilespmem:s25], [sflag:$0x6] =	stream.indirect_vreg.gather [hbm4b:s2+s3], $0x80, v4, vm0, $0xb8;
	[tilespmem:$0x16A00] =	vst v63  }
0x131: {  	s25 =	simm.s32 $0x14E00  }
0x132: {  	[tilespmem:s25], [sflag:$0x6] =	stream.indirect_vreg.gather [hbm4b:s8+s3], $0x80, v4, vm1, $0xb8;
	[tilespmem:$0x16A00] =	vst v63  }
0x133: {  	s25 =	simm.s32 $0x15200  }
0x134: {  	[tilespmem:s25], [sflag:$0x6] =	stream.indirect_vreg.gather [hbm4b:s2+s3], $0x80, v3, vm0, $0xb8;
	[tilespmem:$0x16A00] =	vst v63  }
0x135: {  	s25 =	simm.s32 $0x15A00  }
0x136: {  	[tilespmem:s25], [sflag:$0x6] =	stream.indirect_vreg.gather [hbm4b:s8+s3], $0x80, v3, vm1, $0xb8;
	[tilespmem:$0x16A00] =	vst v63  }
0x137: {  	v3 =	vld.msk [tilespmem:$0x120], $0xff;
	_ =	sdelay $0x4  }
0x138: {  	v63 =	vshrl.u32 v3, $0x3  }
0x139: {  	v4 =	vmul.u32 $0x18, v63  }
0x13a: {  	v3 =	vand.u32 $0x7, v3  }
0x13b: {  	v3 =	vor.u32 v3, v4  }
0x13c: {  	v3 =	vperm.xlane v3, v0;
	_ =	sdelay $0x1  }
0x13d: {  	v3 =	vadd.s32 v1, v3;
	_ =	sdelay $0x3  }
0x13e: {  	s25 =	simm.s32 $0x15E00  }
0x13f: {  	[tilespmem:s25], [sflag:$0x6] =	stream.indirect_vreg.gather [hbm4b:s2+s3], $0x80, v3, vm0, $0xb8;
	[tilespmem:$0x16A00] =	vst v63  }
0x140: {  	s25 =	simm.s32 $0x16600  }
0x141: {  	[tilespmem:s25], [sflag:$0x6] =	stream.indirect_vreg.gather [hbm4b:s8+s3], $0x80, v3, vm1, $0xb8;
	[tilespmem:$0x16A00] =	vst v63  }
.LBB2_4:
0x142: {  	_ =	swait.ge [sflag:s26], $0x3C00  }
0x143: {  	[sflag:s26] =	ssyncset.done $0x0  }
0x144: {  	[sflag:s26] =	ssyncadd.s32 $0xFFFFC400  }
0x145: {  	_ =	swait.ge [sflag:s28], $0x3C00  }
0x146: {  	[sflag:s28] =	ssyncset.done $0x0  }
0x147: {  	s24 =	sadd.s32 s22, s15;
	[sflag:s28] =	ssyncadd.s32 $0xFFFFC400  }
0x148: {  	[hbm4b:s24+s3] =	stream.linear.scatter [tilespmem:s21], [sflag:$0x8], $0x3C00, $0x38;
	[tilespmem:$0x16A00] =	vst v63  }
0x149: {  	_ =	swait.ge [sflag:s29], $0x3C00  }
0x14a: {  	[sflag:s29] =	ssyncset.done $0x0  }
.Ltmp5:
0x14b: {  	s25 =	sadd.s32 s22, s16;
	[sflag:s29] =	ssyncadd.s32 $0xFFFFC400;
	(pc) =	sbr.rel @p0 .LBB2_8-.Ltmp5, $4  }
0x14c: {  	[hbm4b:s25+s3] =	stream.linear.scatter [tilespmem:s0], [sflag:$0x8], $0x3C00, $0x38;
	[tilespmem:$0x16A00] =	vst v63  }
0x14d: {  	_ =	swait.ge [sflag:s29], $0x3C00  }
0x14e: {  	[sflag:s29] =	ssyncset.done $0x0  }
0x14f: {  	[sflag:s29] =	ssyncadd.s32 $0xFFFFC400  }
0x150: {  	s24 =	sshrl.u32 s14, $0x3  }
0x151: {  	s24 =	sadd.s32 s5, s24  }
0x152: {  	[tilespmem:s3], [sflag:$0x8] =	stream.linear.gather [hbm4b:s24+s3], $0x28, $0x38;
	[tilespmem:$0x16A00] =	vst v63  }
0x153: {  	_ =	swait.ge [sflag:s29], $0x28  }
0x154: {  	[sflag:s29] =	ssyncset.done $0x0  }
0x155: {  	[sflag:s29] =	ssyncadd.s32 $0xFFFFFFD8  }
0x156: {  	v3 =	vld [tilespmem:$0x0];
	_ =	sdelay $0x4  }
0x157: {  	v4 =	vshrl.u32 v3, $0x3  }
0x158: {  	v4 =	vmul.u32 $0x18, v4  }
0x159: {  	v3 =	vand.u32 $0x7, v3  }
0x15a: {  	v3 =	vor.u32 v3, v4  }
0x15b: {  	v4 =	vperm.xlane v3, v0;
	_ =	sdelay $0x1  }
0x15c: {  	v4 =	vadd.s32 v1, v4;
	_ =	sdelay $0x1  }
0x15d: {  	v3 =	vperm.xlane v3, v2;
	_ =	sdelay $0x1  }
0x15e: {  	v3 =	vadd.s32 v1, v3  }
0x15f: {  	[tilespmem:s21], [sflag:$0x1] =	stream.indirect_vreg.gather [hbm4b:s4+s3], $0x80, v4, vm0, $0xb8;
	[tilespmem:$0x16A00] =	vst v63  }
0x160: {  	s25 =	simm.s32 $0xA00  }
0x161: {  	[tilespmem:s25], [sflag:$0x1] =	stream.indirect_vreg.gather [hbm4b:s7+s3], $0x80, v4, vm1, $0xb8;
	[tilespmem:$0x16A00] =	vst v63  }
0x162: {  	s25 =	simm.s32 $0xE00  }
0x163: {  	[tilespmem:s25], [sflag:$0x1] =	stream.indirect_vreg.gather [hbm4b:s4+s3], $0x80, v3, vm0, $0xb8;
	[tilespmem:$0x16A00] =	vst v63  }
0x164: {  	s25 =	simm.s32 $0x1600  }
0x165: {  	[tilespmem:s25], [sflag:$0x1] =	stream.indirect_vreg.gather [hbm4b:s7+s3], $0x80, v3, vm1, $0xb8;
	[tilespmem:$0x16A00] =	vst v63  }
0x166: {  	v3 =	vld [tilespmem:$0x10];
	_ =	sdelay $0x4  }
0x167: {  	v59 =	vshrl.u32 v3, $0x3  }
0x168: {  	v4 =	vmul.u32 $0x18, v59  }
0x169: {  	v3 =	vand.u32 $0x7, v3  }
0x16a: {  	v3 =	vor.u32 v3, v4  }
0x16b: {  	v4 =	vperm.xlane v3, v0;
	_ =	sdelay $0x1  }
0x16c: {  	v4 =	vadd.s32 v1, v4;
	_ =	sdelay $0x1  }
0x16d: {  	v3 =	vperm.xlane v3, v2;
	_ =	sdelay $0x1  }
0x16e: {  	s25 =	simm.s32 $0x1A00;
	v3 =	vadd.s32 v1, v3  }
0x16f: {  	[tilespmem:s25], [sflag:$0x1] =	stream.indirect_vreg.gather [hbm4b:s4+s3], $0x80, v4, vm0, $0xb8;
	[tilespmem:$0x16A00] =	vst v63  }
0x170: {  	s25 =	simm.s32 $0x2200  }
0x171: {  	[tilespmem:s25], [sflag:$0x1] =	stream.indirect_vreg.gather [hbm4b:s7+s3], $0x80, v4, vm1, $0xb8;
	[tilespmem:$0x16A00] =	vst v63  }
0x172: {  	s25 =	simm.s32 $0x2600  }
0x173: {  	[tilespmem:s25], [sflag:$0x1] =	stream.indirect_vreg.gather [hbm4b:s4+s3], $0x80, v3, vm0, $0xb8;
	[tilespmem:$0x16A00] =	vst v63  }
0x174: {  	s25 =	simm.s32 $0x2E00  }
0x175: {  	[tilespmem:s25], [sflag:$0x1] =	stream.indirect_vreg.gather [hbm4b:s7+s3], $0x80, v3, vm1, $0xb8;
	[tilespmem:$0x16A00] =	vst v63  }
0x176: {  	v3 =	vld.msk [tilespmem:$0x20], $0xff;
	_ =	sdelay $0x4  }
0x177: {  	v60 =	vshrl.u32 v3, $0x3  }
0x178: {  	v4 =	vmul.u32 $0x18, v60  }
0x179: {  	v3 =	vand.u32 $0x7, v3  }
0x17a: {  	v3 =	vor.u32 v3, v4  }
0x17b: {  	v3 =	vperm.xlane v3, v0;
	_ =	sdelay $0x1  }
0x17c: {  	v3 =	vadd.s32 v1, v3;
	_ =	sdelay $0x3  }
0x17d: {  	s25 =	simm.s32 $0x3200  }
0x17e: {  	[tilespmem:s25], [sflag:$0x1] =	stream.indirect_vreg.gather [hbm4b:s4+s3], $0x80, v3, vm0, $0xb8;
	[tilespmem:$0x16A00] =	vst v63  }
0x17f: {  	s25 =	simm.s32 $0x3A00  }
0x180: {  	[tilespmem:s25], [sflag:$0x1] =	stream.indirect_vreg.gather [hbm4b:s7+s3], $0x80, v3, vm1, $0xb8;
	[tilespmem:$0x16A00] =	vst v63  }
0x181: {  	v3 =	vld [tilespmem:$0x0];
	_ =	sdelay $0x4  }
0x182: {  	v61 =	vshrl.u32 v3, $0x3  }
0x183: {  	v4 =	vmul.u32 $0x18, v61  }
0x184: {  	v3 =	vand.u32 $0x7, v3  }
0x185: {  	v3 =	vor.u32 v3, v4  }
0x186: {  	v4 =	vperm.xlane v3, v0;
	_ =	sdelay $0x1  }
0x187: {  	v4 =	vadd.s32 v1, v4;
	_ =	sdelay $0x1  }
0x188: {  	v3 =	vperm.xlane v3, v2;
	_ =	sdelay $0x1  }
0x189: {  	v3 =	vadd.s32 v1, v3  }
0x18a: {  	[tilespmem:s0], [sflag:$0x4] =	stream.indirect_vreg.gather [hbm4b:s2+s3], $0x80, v4, vm0, $0xb8;
	[tilespmem:$0x16A00] =	vst v63  }
0x18b: {  	s25 =	simm.s32 $0xBE00  }
0x18c: {  	[tilespmem:s25], [sflag:$0x4] =	stream.indirect_vreg.gather [hbm4b:s8+s3], $0x80, v4, vm1, $0xb8;
	[tilespmem:$0x16A00] =	vst v63  }
0x18d: {  	s25 =	simm.s32 $0xC200  }
0x18e: {  	[tilespmem:s25], [sflag:$0x4] =	stream.indirect_vreg.gather [hbm4b:s2+s3], $0x80, v3, vm0, $0xb8;
	[tilespmem:$0x16A00] =	vst v63  }
0x18f: {  	s25 =	simm.s32 $0xCA00  }
0x190: {  	[tilespmem:s25], [sflag:$0x4] =	stream.indirect_vreg.gather [hbm4b:s8+s3], $0x80, v3, vm1, $0xb8;
	[tilespmem:$0x16A00] =	vst v63  }
0x191: {  	v3 =	vld [tilespmem:$0x10];
	_ =	sdelay $0x4  }
0x192: {  	v62 =	vshrl.u32 v3, $0x3  }
0x193: {  	v4 =	vmul.u32 $0x18, v62  }
0x194: {  	v3 =	vand.u32 $0x7, v3  }
0x195: {  	v3 =	vor.u32 v3, v4  }
0x196: {  	v4 =	vperm.xlane v3, v0;
	_ =	sdelay $0x1  }
0x197: {  	v4 =	vadd.s32 v1, v4;
	_ =	sdelay $0x1  }
0x198: {  	v3 =	vperm.xlane v3, v2;
	_ =	sdelay $0x1  }
0x199: {  	s25 =	simm.s32 $0xCE00;
	v3 =	vadd.s32 v1, v3  }
0x19a: {  	[tilespmem:s25], [sflag:$0x4] =	stream.indirect_vreg.gather [hbm4b:s2+s3], $0x80, v4, vm0, $0xb8;
	[tilespmem:$0x16A00] =	vst v63  }
0x19b: {  	s25 =	simm.s32 $0xD600  }
0x19c: {  	[tilespmem:s25], [sflag:$0x4] =	stream.indirect_vreg.gather [hbm4b:s8+s3], $0x80, v4, vm1, $0xb8;
	[tilespmem:$0x16A00] =	vst v63  }
0x19d: {  	s25 =	simm.s32 $0xDA00  }
0x19e: {  	[tilespmem:s25], [sflag:$0x4] =	stream.indirect_vreg.gather [hbm4b:s2+s3], $0x80, v3, vm0, $0xb8;
	[tilespmem:$0x16A00] =	vst v63  }
0x19f: {  	s25 =	simm.s32 $0xE200  }
0x1a0: {  	[tilespmem:s25], [sflag:$0x4] =	stream.indirect_vreg.gather [hbm4b:s8+s3], $0x80, v3, vm1, $0xb8;
	[tilespmem:$0x16A00] =	vst v63  }
0x1a1: {  	v3 =	vld.msk [tilespmem:$0x20], $0xff;
	_ =	sdelay $0x4  }
0x1a2: {  	v63 =	vshrl.u32 v3, $0x3  }
0x1a3: {  	v4 =	vmul.u32 $0x18, v63  }
0x1a4: {  	v3 =	vand.u32 $0x7, v3  }
0x1a5: {  	v3 =	vor.u32 v3, v4  }
0x1a6: {  	v3 =	vperm.xlane v3, v0;
	_ =	sdelay $0x1  }
0x1a7: {  	v3 =	vadd.s32 v1, v3;
	_ =	sdelay $0x3  }
0x1a8: {  	s25 =	simm.s32 $0xE600  }
0x1a9: {  	[tilespmem:s25], [sflag:$0x4] =	stream.indirect_vreg.gather [hbm4b:s2+s3], $0x80, v3, vm0, $0xb8;
	[tilespmem:$0x16A00] =	vst v63  }
0x1aa: {  	s25 =	simm.s32 $0xEE00  }
0x1ab: {  	[tilespmem:s25], [sflag:$0x4] =	stream.indirect_vreg.gather [hbm4b:s8+s3], $0x80, v3, vm1, $0xb8;
	[tilespmem:$0x16A00] =	vst v63  }
0x1ac: {  	_ =	swait.ge [sflag:s30], $0x3C00  }
0x1ad: {  	[sflag:s30] =	ssyncset.done $0x0  }
0x1ae: {  	[sflag:s30] =	ssyncadd.s32 $0xFFFFC400  }
0x1af: {  	_ =	swait.ge [sflag:s31], $0x3C00  }
0x1b0: {  	[sflag:s31] =	ssyncset.done $0x0  }
0x1b1: {  	s24 =	sadd.s32 s22, s12;
	s25 =	simm.s32 $0x3E00;
	[sflag:s31] =	ssyncadd.s32 $0xFFFFC400  }
0x1b2: {  	[hbm4b:s24+s3] =	stream.linear.scatter [tilespmem:s25], [sflag:$0x8], $0x3C00, $0x38;
	[tilespmem:$0x16A00] =	vst v63  }
0x1b3: {  	_ =	swait.ge [sflag:s29], $0x3C00  }
0x1b4: {  	p0 =	sgt.u32 s23, $0x51;
	s24 =	sadd.s32 s22, s13;
	[sflag:s29] =	ssyncset.done $0x0  }
.Ltmp6:
0x1b5: {  	s25 =	simm.s32 $0xF200;
	[sflag:s29] =	ssyncadd.s32 $0xFFFFC400;
	(pc) =	sbr.rel @p0 .LBB2_7-.Ltmp6, $4  }
0x1b6: {  	[hbm4b:s24+s3] =	stream.linear.scatter [tilespmem:s25], [sflag:$0x8], $0x3C00, $0x38;
	[tilespmem:$0x16A00] =	vst v63  }
0x1b7: {  	_ =	swait.ge [sflag:s29], $0x3C00  }
0x1b8: {  	[sflag:s29] =	ssyncset.done $0x0  }
0x1b9: {  	[sflag:s29] =	ssyncadd.s32 $0xFFFFC400  }
0x1ba: {  	s24 =	simm.s32 $0x80  }
0x1bb: {  	[tilespmem:s24], [sflag:$0x8] =	stream.linear.gather [hbm4b:s19+s3], $0x28, $0x38;
	[tilespmem:$0x16A00] =	vst v63  }
0x1bc: {  	_ =	swait.ge [sflag:s29], $0x28  }
0x1bd: {  	[sflag:s29] =	ssyncset.done $0x0  }
0x1be: {  	[sflag:s29] =	ssyncadd.s32 $0xFFFFFFD8  }
0x1bf: {  	v3 =	vld [tilespmem:$0x80];
	_ =	sdelay $0x4  }
0x1c0: {  	v4 =	vshrl.u32 v3, $0x3  }
0x1c1: {  	v4 =	vmul.u32 $0x18, v4  }
0x1c2: {  	v3 =	vand.u32 $0x7, v3  }
0x1c3: {  	v3 =	vor.u32 v3, v4  }
0x1c4: {  	v4 =	vperm.xlane v3, v0;
	_ =	sdelay $0x1  }
0x1c5: {  	v4 =	vadd.s32 v1, v4;
	_ =	sdelay $0x1  }
0x1c6: {  	v3 =	vperm.xlane v3, v2;
	_ =	sdelay $0x1  }
0x1c7: {  	s25 =	simm.s32 $0x3E00;
	v3 =	vadd.s32 v1, v3  }
0x1c8: {  	[tilespmem:s25], [sflag:$0x2] =	stream.indirect_vreg.gather [hbm4b:s4+s3], $0x80, v4, vm0, $0xb8;
	[tilespmem:$0x16A00] =	vst v63  }
0x1c9: {  	s25 =	simm.s32 $0x4600  }
0x1ca: {  	[tilespmem:s25], [sflag:$0x2] =	stream.indirect_vreg.gather [hbm4b:s7+s3], $0x80, v4, vm1, $0xb8;
	[tilespmem:$0x16A00] =	vst v63  }
0x1cb: {  	s25 =	simm.s32 $0x4A00  }
0x1cc: {  	[tilespmem:s25], [sflag:$0x2] =	stream.indirect_vreg.gather [hbm4b:s4+s3], $0x80, v3, vm0, $0xb8;
	[tilespmem:$0x16A00] =	vst v63  }
0x1cd: {  	s25 =	simm.s32 $0x5200  }
0x1ce: {  	[tilespmem:s25], [sflag:$0x2] =	stream.indirect_vreg.gather [hbm4b:s7+s3], $0x80, v3, vm1, $0xb8;
	[tilespmem:$0x16A00] =	vst v63  }
0x1cf: {  	v3 =	vld [tilespmem:$0x90];
	_ =	sdelay $0x4  }
0x1d0: {  	v59 =	vshrl.u32 v3, $0x3  }
0x1d1: {  	v4 =	vmul.u32 $0x18, v59  }
0x1d2: {  	v3 =	vand.u32 $0x7, v3  }
0x1d3: {  	v3 =	vor.u32 v3, v4  }
0x1d4: {  	v4 =	vperm.xlane v3, v0;
	_ =	sdelay $0x1  }
0x1d5: {  	v4 =	vadd.s32 v1, v4;
	_ =	sdelay $0x1  }
0x1d6: {  	v3 =	vperm.xlane v3, v2;
	_ =	sdelay $0x1  }
0x1d7: {  	s25 =	simm.s32 $0x5600;
	v3 =	vadd.s32 v1, v3  }
0x1d8: {  	[tilespmem:s25], [sflag:$0x2] =	stream.indirect_vreg.gather [hbm4b:s4+s3], $0x80, v4, vm0, $0xb8;
	[tilespmem:$0x16A00] =	vst v63  }
0x1d9: {  	s25 =	simm.s32 $0x5E00  }
0x1da: {  	[tilespmem:s25], [sflag:$0x2] =	stream.indirect_vreg.gather [hbm4b:s7+s3], $0x80, v4, vm1, $0xb8;
	[tilespmem:$0x16A00] =	vst v63  }
0x1db: {  	s25 =	simm.s32 $0x6200  }
0x1dc: {  	[tilespmem:s25], [sflag:$0x2] =	stream.indirect_vreg.gather [hbm4b:s4+s3], $0x80, v3, vm0, $0xb8;
	[tilespmem:$0x16A00] =	vst v63  }
0x1dd: {  	s25 =	simm.s32 $0x6A00  }
0x1de: {  	[tilespmem:s25], [sflag:$0x2] =	stream.indirect_vreg.gather [hbm4b:s7+s3], $0x80, v3, vm1, $0xb8;
	[tilespmem:$0x16A00] =	vst v63  }
0x1df: {  	v3 =	vld.msk [tilespmem:$0xA0], $0xff;
	_ =	sdelay $0x4  }
0x1e0: {  	v60 =	vshrl.u32 v3, $0x3  }
0x1e1: {  	v4 =	vmul.u32 $0x18, v60  }
0x1e2: {  	v3 =	vand.u32 $0x7, v3  }
0x1e3: {  	v3 =	vor.u32 v3, v4  }
0x1e4: {  	v3 =	vperm.xlane v3, v0;
	_ =	sdelay $0x1  }
0x1e5: {  	v3 =	vadd.s32 v1, v3;
	_ =	sdelay $0x3  }
0x1e6: {  	s25 =	simm.s32 $0x6E00  }
0x1e7: {  	[tilespmem:s25], [sflag:$0x2] =	stream.indirect_vreg.gather [hbm4b:s4+s3], $0x80, v3, vm0, $0xb8;
	[tilespmem:$0x16A00] =	vst v63  }
0x1e8: {  	s25 =	simm.s32 $0x7600  }
0x1e9: {  	[tilespmem:s25], [sflag:$0x2] =	stream.indirect_vreg.gather [hbm4b:s7+s3], $0x80, v3, vm1, $0xb8;
	[tilespmem:$0x16A00] =	vst v63  }
0x1ea: {  	v3 =	vld [tilespmem:$0x80];
	_ =	sdelay $0x4  }
0x1eb: {  	v61 =	vshrl.u32 v3, $0x3  }
0x1ec: {  	v4 =	vmul.u32 $0x18, v61  }
0x1ed: {  	v3 =	vand.u32 $0x7, v3  }
0x1ee: {  	v3 =	vor.u32 v3, v4  }
0x1ef: {  	v4 =	vperm.xlane v3, v0;
	_ =	sdelay $0x1  }
0x1f0: {  	v4 =	vadd.s32 v1, v4;
	_ =	sdelay $0x1  }
0x1f1: {  	v3 =	vperm.xlane v3, v2;
	_ =	sdelay $0x1  }
0x1f2: {  	s25 =	simm.s32 $0xF200;
	v3 =	vadd.s32 v1, v3  }
0x1f3: {  	[tilespmem:s25], [sflag:$0x5] =	stream.indirect_vreg.gather [hbm4b:s2+s3], $0x80, v4, vm0, $0xb8;
	[tilespmem:$0x16A00] =	vst v63  }
0x1f4: {  	s25 =	simm.s32 $0xFA00  }
0x1f5: {  	[tilespmem:s25], [sflag:$0x5] =	stream.indirect_vreg.gather [hbm4b:s8+s3], $0x80, v4, vm1, $0xb8;
	[tilespmem:$0x16A00] =	vst v63  }
0x1f6: {  	s25 =	simm.s32 $0xFE00  }
0x1f7: {  	[tilespmem:s25], [sflag:$0x5] =	stream.indirect_vreg.gather [hbm4b:s2+s3], $0x80, v3, vm0, $0xb8;
	[tilespmem:$0x16A00] =	vst v63  }
0x1f8: {  	s25 =	simm.s32 $0x10600  }
0x1f9: {  	[tilespmem:s25], [sflag:$0x5] =	stream.indirect_vreg.gather [hbm4b:s8+s3], $0x80, v3, vm1, $0xb8;
	[tilespmem:$0x16A00] =	vst v63  }
0x1fa: {  	v3 =	vld [tilespmem:$0x90];
	_ =	sdelay $0x4  }
0x1fb: {  	v62 =	vshrl.u32 v3, $0x3  }
0x1fc: {  	v4 =	vmul.u32 $0x18, v62  }
0x1fd: {  	v3 =	vand.u32 $0x7, v3  }
0x1fe: {  	v3 =	vor.u32 v3, v4  }
0x1ff: {  	v4 =	vperm.xlane v3, v0;
	_ =	sdelay $0x1  }
0x200: {  	v4 =	vadd.s32 v1, v4;
	_ =	sdelay $0x1  }
0x201: {  	v3 =	vperm.xlane v3, v2;
	_ =	sdelay $0x1  }
0x202: {  	s25 =	simm.s32 $0x10A00;
	v3 =	vadd.s32 v1, v3  }
0x203: {  	[tilespmem:s25], [sflag:$0x5] =	stream.indirect_vreg.gather [hbm4b:s2+s3], $0x80, v4, vm0, $0xb8;
	[tilespmem:$0x16A00] =	vst v63  }
0x204: {  	s25 =	simm.s32 $0x11200  }
0x205: {  	[tilespmem:s25], [sflag:$0x5] =	stream.indirect_vreg.gather [hbm4b:s8+s3], $0x80, v4, vm1, $0xb8;
	[tilespmem:$0x16A00] =	vst v63  }
0x206: {  	s25 =	simm.s32 $0x11600  }
0x207: {  	[tilespmem:s25], [sflag:$0x5] =	stream.indirect_vreg.gather [hbm4b:s2+s3], $0x80, v3, vm0, $0xb8;
	[tilespmem:$0x16A00] =	vst v63  }
0x208: {  	s25 =	simm.s32 $0x11E00  }
0x209: {  	[tilespmem:s25], [sflag:$0x5] =	stream.indirect_vreg.gather [hbm4b:s8+s3], $0x80, v3, vm1, $0xb8;
	[tilespmem:$0x16A00] =	vst v63  }
0x20a: {  	v3 =	vld.msk [tilespmem:$0xA0], $0xff;
	_ =	sdelay $0x4  }
0x20b: {  	v63 =	vshrl.u32 v3, $0x3  }
0x20c: {  	v4 =	vmul.u32 $0x18, v63  }
0x20d: {  	v3 =	vand.u32 $0x7, v3  }
0x20e: {  	v3 =	vor.u32 v3, v4  }
0x20f: {  	v3 =	vperm.xlane v3, v0;
	_ =	sdelay $0x1  }
0x210: {  	v3 =	vadd.s32 v1, v3;
	_ =	sdelay $0x2  }
.Ltmp7:
0x211: {  	_ = 	snop;
	(pc) =	sbr.rel .LBB2_7-.Ltmp7, $4  }
0x212: {  	s25 =	simm.s32 $0x12200  }
0x213: {  	[tilespmem:s25], [sflag:$0x5] =	stream.indirect_vreg.gather [hbm4b:s2+s3], $0x80, v3, vm0, $0xb8;
	[tilespmem:$0x16A00] =	vst v63  }
0x214: {  	s25 =	simm.s32 $0x12A00  }
0x215: {  	[tilespmem:s25], [sflag:$0x5] =	stream.indirect_vreg.gather [hbm4b:s8+s3], $0x80, v3, vm1, $0xb8;
	[tilespmem:$0x16A00] =	vst v63  }
.LBB2_9:
0x216: {  	_ =	sfence.sel $0x180000  }
0x217: {  	[bflag:$0x0] =	sbarrier.arrive $0xFFFF  }
0x218: {  	_ =	strace $0x90000047  }
0x219: {  	s0 =	stileid.u32;
	[bflag:$0x2] =	sbarrier.arrive $0xFFFF  }
0x21a: {  	p0 =	sne.s32 s0, $0x0;
	s0 =	rddreg [dreg:$0x2]  }
0x21b: {  	s0 =	sadd.s32 @!p0 $0x100000, s0  }
0x21c: {  	[sflag:s0] =	ssyncadd.tile.s32 @!p0 $0x1;
	_ =	shalt  }
.Lfunc_end2:
_tile_overlayer_lowered:
.L_overlay_start_2:
0x21d: {  	(tag) =	ssettag $0x2  }
0x21e: {  	s0 =	rddreg [dreg:$0x0];
	s2 =	stileid.u32  }
0x21f: {  	s1 =	rddreg [dreg:$0x1];
	p0 =	sne.s32 s2, $0x0  }
0x220: {  	s3 =	rddreg [dreg:$0x2];
	[bflag:$0x3] =	sbarrier.arrive $0xFFFF;
	s2 =	simm.s32 @!p0 $0x1C07  }
0x221: {  	[timem:s3], [sflag:s2] =	dma.local @!p0 [hbm:s0], s1  }
0x222: {  	s0 =	simm.s32 @!p0 $0x7  }
0x223: {  	_ =	swait.ge @!p0 [sflag:s0], s1  }
0x224: {  	s1 =	ssub.s32 @!p0 $0x0, s1;
	[sflag:s0] =	ssyncset.done @!p0 $0x0  }
0x225: {  	[sflag:s0] =	ssyncadd.s32 @!p0 s1  }
0x226: {  	[bflag:$0x3] =	sbarrier.arrive $0xFFFF  }
0x227: {  	_ =	shalt  }

</sc_bundles>
